<compile_context>
chip_gen: v7x
topology: tpu7x:2x2x1
jax: 0.10.2.dev20260603
libtpu: 0.0.44.dev20260713+nightly
codegen_flags: <defaults>
</compile_context>

<pallas_src>
import functools

import jax
import jax.numpy as jnp
from jax import lax
from jax.experimental import pallas as pl
from jax.experimental.pallas import tpu as pltpu
from jax.experimental.pallas import tpu_sc as plsc

G = 128
NPAD = 10240
CHUNK = 128
WIDE = 128
NC = 2
NS = 16
NW = NC * NS
RPT = NPAD // NS


RING = 2
GRP = 8


def _edgesum_kernel(cpt: int, gather: bool, width: int = WIDE, ring: int = RING):
    mesh = plsc.VectorSubcoreMesh(core_axis_name="c", subcore_axis_name="s")
    ngrp = cpt // GRP
    RINGK = ring

    scratch = [
        pltpu.VMEM_SHARED((NPAD, width), jnp.float32),
        pltpu.VMEM((cpt, CHUNK), jnp.int32),
        pltpu.VMEM((2, GRP, CHUNK), jnp.int32),
        pltpu.VMEM((RINGK if gather else 1, CHUNK, width), jnp.float32),
        pltpu.SemaphoreType.DMA((RINGK,)),
        pltpu.SemaphoreType.DMA((RINGK,)),
        pltpu.SemaphoreType.DMA((2,)),
    ]

    @functools.partial(
        pl.kernel,
        mesh=mesh,
        out_type=jax.ShapeDtypeStruct((NC, NPAD, width), jnp.float32),
        compiler_params=pltpu.CompilerParams(use_tc_tiling_on_sc=False),
        scratch_types=scratch,
    )
    def k(table_h, ei_h, zeros_h, out_h, acc, idxl, dstg, rows,
          gsem, ssem, dsem):
        c = lax.axis_index("c")
        s = lax.axis_index("s")
        wid = c * NS + s
        row0 = s * RPT
        base = wid * cpt

        @pl.when(c == 0)
        def _():
            t0 = row0 if gather else 0
            pltpu.sync_copy(table_h.at[pl.ds(t0, RPT)], acc.at[pl.ds(row0, RPT)])

        @pl.when(c != 0)
        def _():
            pltpu.sync_copy(zeros_h, acc.at[pl.ds(row0, RPT)])

        if gather:
            pltpu.sync_copy(ei_h.at[0, pl.ds(base, cpt)], idxl)
        else:
            pltpu.sync_copy(table_h.at[pl.ds(0, CHUNK)], rows.at[0])
            pltpu.sync_copy(ei_h.at[1, pl.ds(base, cpt)], idxl)
        plsc.subcore_barrier()

        if gather:
            def dst_load(g, q):
                return pltpu.async_copy(
                    ei_h.at[1, pl.ds(base + g * GRP, GRP)], dstg.at[q], dsem.at[q])

            dst_load(0, 0)
            dst_load(1, 1)
            for r in range(RINGK):
                pltpu.async_copy(table_h.at[idxl.at[r]], rows.at[r], gsem.at[r])

            def step(g, carry):
                q = g % 2
                pltpu.make_async_copy(
                    ei_h.at[1, pl.ds(base, GRP)], dstg.at[q], dsem.at[q]).wait()
                for t in range(GRP):
                    j = g * GRP + t
                    r = t % RINGK
                    pltpu.make_async_copy(
                        table_h.at[idxl.at[j]], rows.at[r], gsem.at[r]).wait()
                    pltpu.async_copy(rows.at[r], acc.at[dstg.at[q, t]],
                                     ssem.at[r], add=True)

                    @pl.when(j + RINGK < cpt)
                    def _():
                        pltpu.make_async_copy(
                            rows.at[r], acc.at[dstg.at[q, t]], ssem.at[r]).wait()
                        pltpu.async_copy(table_h.at[idxl.at[j + RINGK]],
                                         rows.at[r], gsem.at[r])

                @pl.when(g + 2 < ngrp)
                def _():
                    dst_load(g + 2, q)
                return carry

            lax.fori_loop(0, ngrp, step, 0)
            for r in range(RINGK):
                pltpu.make_async_copy(
                    rows.at[r], acc.at[dstg.at[0, 0]], ssem.at[r]).wait()
        else:

            def step(jj, carry):
                for r in range(RINGK):
                    j = jj * RINGK + r
                    pltpu.async_copy(rows.at[0], acc.at[idxl.at[j]],
                                     ssem.at[r], add=True)
                for r in range(RINGK):
                    j = jj * RINGK + r
                    pltpu.make_async_copy(
                        rows.at[0], acc.at[idxl.at[j]], ssem.at[r]).wait()
                return carry

            lax.fori_loop(0, cpt // RINGK, step, 0)

        plsc.subcore_barrier()
        pltpu.sync_copy(acc.at[pl.ds(row0, RPT)], out_h.at[c, pl.ds(row0, RPT)])

    return k


def _tc1_body(x_ref, w_ref, degp_ref, o_ref, dinv_ref):
    deg = degp_ref[0, :, 0:1] + degp_ref[1, :, 0:1]

    dinv = lax.rsqrt(deg)
    h = jnp.dot(x_ref[...], w_ref[...], preferred_element_type=jnp.float32)
    o_ref[...] = h * dinv
    dinv_ref[...] = jnp.broadcast_to(dinv, dinv_ref.shape)


def _tc2_body(agg_ref, dinv16_ref, b_ref, w_ref, o_ref):
    dinv = dinv16_ref[:, 0:1]
    agg = agg_ref[0] + agg_ref[1]
    out1 = jnp.maximum(agg * dinv + b_ref[...], 0.0)
    h2 = jnp.dot(out1, w_ref[...], preferred_element_type=jnp.float32)
    o_ref[...] = h2 * dinv


def _tc3_body(agg_ref, dinv16_ref, b_ref, batch_ref, o_ref):
    dinv = dinv16_ref[:, 0:1]
    agg = agg_ref[0] + agg_ref[1]
    out2 = agg * dinv + b_ref[...]
    gids = lax.broadcasted_iota(jnp.int32, (G, NPAD), 0)
    onehot = (batch_ref[...] == gids).astype(jnp.float32)
    sums = jnp.dot(onehot, out2, preferred_element_type=jnp.float32)
    counts = jnp.sum(onehot, axis=1, keepdims=True)
    o_ref[...] = sums / jnp.maximum(counts, 1.0)


def kernel(x, edge_index, batch, W1, b1, W2, b2):
    n, d = x.shape
    h = W1.shape[1]
    c_out = W2.shape[1]
    e = edge_index.shape[1]

    epad = -(-e // (CHUNK * NW * 8)) * (CHUNK * NW * 8)
    cpt = epad // (CHUNK * NW)
    nchunks = epad // CHUNK

    pad_e = epad - e
    pad_idx = n + jnp.arange(pad_e, dtype=jnp.int32) % (NPAD - n)
    ei_c = jnp.concatenate(
        [edge_index, jnp.broadcast_to(pad_idx, (2, pad_e))], axis=1,
    ).reshape(2, nchunks, CHUNK)

    x_pad = jnp.pad(x, ((0, NPAD - n), (0, 0)))
    batch_pad = jnp.pad(batch, (0, NPAD - n), constant_values=G).reshape(1, NPAD)
    ones_c = jnp.ones((RPT, c_out), dtype=jnp.float32)
    zeros_c = jnp.zeros((RPT, c_out), dtype=jnp.float32)
    zeros_t = jnp.zeros((RPT, WIDE), dtype=jnp.float32)
    b1r = b1.reshape(1, h)
    b2r = b2.reshape(1, c_out)

    es_wide = _edgesum_kernel(cpt, gather=True, width=h, ring=RING)
    es_narrow = _edgesum_kernel(cpt, gather=True, width=c_out, ring=4)
    es_ones = _edgesum_kernel(cpt, gather=False, width=c_out, ring=4)

    degp = es_ones(ones_c, ei_c, zeros_c)

    blk = 1024
    grid = NPAD // blk
    h1p, dinv16 = pl.pallas_call(
        _tc1_body,
        grid=(grid,),
        in_specs=[
            pl.BlockSpec((blk, d), lambda i: (i, 0)),
            pl.BlockSpec((d, h), lambda i: (0, 0)),
            pl.BlockSpec((NC, blk, 16), lambda i: (0, i, 0)),
        ],
        out_specs=[
            pl.BlockSpec((blk, h), lambda i: (i, 0)),
            pl.BlockSpec((blk, 16), lambda i: (i, 0)),
        ],
        out_shape=[
            jax.ShapeDtypeStruct((NPAD, h), jnp.float32),
            jax.ShapeDtypeStruct((NPAD, 16), jnp.float32),
        ],
    )(x_pad, W1, degp)

    agg1 = es_wide(h1p, ei_c, zeros_t)

    h2p = pl.pallas_call(
        _tc2_body,
        grid=(grid,),
        in_specs=[
            pl.BlockSpec((NC, blk, h), lambda i: (0, i, 0)),
            pl.BlockSpec((blk, 16), lambda i: (i, 0)),
            pl.BlockSpec((1, h), lambda i: (0, 0)),
            pl.BlockSpec((h, c_out), lambda i: (0, 0)),
        ],
        out_specs=pl.BlockSpec((blk, c_out), lambda i: (i, 0)),
        out_shape=jax.ShapeDtypeStruct((NPAD, c_out), jnp.float32),
    )(agg1, dinv16, b1r, W2)

    agg2 = es_narrow(h2p, ei_c, zeros_c)

    out = pl.pallas_call(
        _tc3_body,
        in_specs=[
            pl.BlockSpec((NC, NPAD, c_out), lambda: (0, 0, 0)),
            pl.BlockSpec((NPAD, 16), lambda: (0, 0)),
            pl.BlockSpec((1, c_out), lambda: (0, 0)),
            pl.BlockSpec((1, NPAD), lambda: (0, 0)),
        ],
        out_specs=pl.BlockSpec((G, c_out), lambda: (0, 0)),
        out_shape=jax.ShapeDtypeStruct((G, c_out), jnp.float32),
    )(agg2, dinv16, b2r, batch_pad)

    return out

# --- scband reference (transcript-rebuilt; emitter-appended) ---
"""Pipeline reference for scband-gcn-graph-53472342835549 (READ-ONLY COPY).

The authoritative reference and input builder live on the scoring server;
editing this copy changes nothing except your own understanding.
"""

import jax, jax.numpy as jnp
import numpy as np

N = 10000
E = 320000
D = 128
H = 128
C = 16
G = 128


def setup_inputs(seed: int = 0) -> dict:
    key = jax.random.key(seed)
    k1, k2, k3, k4, k5 = jax.random.split(key, 5)
    x = jax.random.normal(k1, (N, D), dtype=jnp.float32)
    edge_index = jax.random.randint(k2, (2, E), 0, N, dtype=jnp.int32)
    batch = jnp.sort(jax.random.randint(k3, (N,), 0, G, dtype=jnp.int32))
    W1 = jax.random.normal(k4, (D, H), dtype=jnp.float32) * 0.05
    b1 = jnp.zeros((H,), dtype=jnp.float32)
    W2 = jax.random.normal(k5, (H, C), dtype=jnp.float32) * 0.05
    b2 = jnp.zeros((C,), dtype=jnp.float32)
    return {"x": x, "edge_index": edge_index, "batch": batch, "W1": W1, "b1": b1, "W2": W2, "b2": b2}


def _gcn_conv(x, edge_index, W, b):
    n = x.shape[0]
    src = edge_index[0]
    dst = edge_index[1]
    loop = jnp.arange(n, dtype=src.dtype)
    src = jnp.concatenate([src, loop])
    dst = jnp.concatenate([dst, loop])
    ones = jnp.ones(src.shape[0], dtype=x.dtype)
    deg = jax.ops.segment_sum(ones, dst, num_segments=n)
    dinv = jnp.where(deg > 0, 1.0 / jnp.sqrt(deg), 0.0)
    norm = dinv[src] * dinv[dst]
    h = x @ W
    msg = h[src] * norm[:, None]
    out = jax.ops.segment_sum(msg, dst, num_segments=n)
    return out + b


def reference(x, edge_index, batch, W1, b1, W2, b2):
    # layer 1 + ReLU (dropout is identity in eval)
    h = _gcn_conv(x, edge_index, W1, b1)
    h = jax.nn.relu(h)
    # layer 2 (final, no activation)
    h = _gcn_conv(h, edge_index, W2, b2)
    # global mean pool over graph ids
    counts = jax.ops.segment_sum(jnp.ones((x.shape[0],), dtype=x.dtype), batch, num_segments=G)
    sums = jax.ops.segment_sum(h, batch, num_segments=G)
    return sums / jnp.clip(counts, 1.0)[:, None]

if __name__ == "__main__":
    import jax
    _d = setup_inputs()
    print(jax.jit(kernel)(*tuple(_d.values())))

</pallas_src>

<mosaic_0001>
#map = affine_map<(d0, d1) -> (0, 0)>
#map1 = affine_map<(d0, d1) -> (0, 0, 0)>
module attributes {stable_mosaic.version = 14 : i64} {
  func.func @k(%arg0: i32, %arg1: i32, %arg2: memref<10240x16xf32, #tpu.memory_space<hbm>>, %arg3: memref<2x2560x128xi32, #tpu.memory_space<hbm>>, %arg4: memref<640x16xf32, #tpu.memory_space<hbm>>, %arg5: memref<2x10240x16xf32, #tpu.memory_space<hbm>>, %arg6: memref<10240x16xf32, #tpu.memory_space<vmem_shared>>, %arg7: memref<80x128xi32, #tpu.memory_space<vmem>>, %arg8: memref<2x8x128xi32, #tpu.memory_space<vmem>>, %arg9: memref<4x128x16xf32, #tpu.memory_space<vmem>>, %arg10: memref<4x!tpu.dma_semaphore, #tpu.memory_space<semaphore_mem>>, %arg11: memref<4x!tpu.dma_semaphore, #tpu.memory_space<semaphore_mem>>, %arg12: memref<2x!tpu.dma_semaphore, #tpu.memory_space<semaphore_mem>>) attributes {dimension_semantics = [#tpu.dimension_semantics<core_parallel>, #tpu.dimension_semantics<subcore_parallel>], iteration_bounds = array<i64: 2, 16>, scalar_prefetch = 0 : i64, scratch_operands = 7 : i64, tpu.core_type = #tpu.core_type<sc_vector_subcore>, window_params = [{transform_indices = #map}, {transform_indices = #map1}, {transform_indices = #map}, {transform_indices = #map1}]} {
    %mul3A = arith.constant 16 : i32
    %mul3A_0 = arith.muli %arg0, %mul3A : i32
    %add3A = arith.addi %mul3A_0, %arg1 : i32
    %mul3A_1 = arith.constant 640 : i32
    %mul3A_2 = arith.muli %arg1, %mul3A_1 : i32
    %mul3A_3 = arith.constant 80 : i32
    %mul3A_4 = arith.muli %add3A, %mul3A_3 : i32
    %eq3A = arith.constant 0 : i32
    %eq3A_5 = arith.cmpi eq, %arg0, %eq3A : i32
    %convert_element_type3A = arith.extui %eq3A_5 : i1 to i32
    %cond3A = arith.constant 0 : i32
    %cond3A_6 = arith.cmpi ne, %convert_element_type3A, %cond3A : i32
    scf.if %cond3A_6 {
      "tpu.region"() ({
        %run_scoped3A_181 = tpu.sem_alloc : memref<!tpu.dma_semaphore, #tpu.memory_space<semaphore_mem>>
        %dma_start3A_182 = arith.constant 0 : i32
        %dma_start3A_183 = tpu.memref_slice %arg6[%mul3A_2, %dma_start3A_182] : memref<10240x16xf32, #tpu.memory_space<vmem_shared>> -> memref<640x16xf32, #tpu.memory_space<vmem_shared>>
        %dma_start3A_184 = arith.constant 0 : i32
        %dma_start3A_185 = tpu.memref_slice %arg2[%mul3A_2, %dma_start3A_184] : memref<10240x16xf32, #tpu.memory_space<hbm>> -> memref<640x16xf32, #tpu.memory_space<hbm>>
        tpu.enqueue_dma source(%dma_start3A_185 : memref<640x16xf32, #tpu.memory_space<hbm>>) target(%dma_start3A_183 : memref<640x16xf32, #tpu.memory_space<vmem_shared>>) target_semaphore(%run_scoped3A_181 : memref<!tpu.dma_semaphore, #tpu.memory_space<semaphore_mem>>)
        %dma_wait3A_186 = arith.constant 0 : i32
        %dma_wait3A_187 = tpu.memref_slice %arg6[%mul3A_2, %dma_wait3A_186] : memref<10240x16xf32, #tpu.memory_space<vmem_shared>> -> memref<640x16xf32, #tpu.memory_space<vmem_shared>>
        %dma_wait3A_188 = arith.constant 0 : i32
        %dma_wait3A_189 = tpu.memref_slice %arg2[%mul3A_2, %dma_wait3A_188] : memref<10240x16xf32, #tpu.memory_space<hbm>> -> memref<640x16xf32, #tpu.memory_space<hbm>>
        tpu.wait_dma2 semaphore(%run_scoped3A_181 : memref<!tpu.dma_semaphore, #tpu.memory_space<semaphore_mem>>) src(%dma_wait3A_189 : memref<640x16xf32, #tpu.memory_space<hbm>>) dst(%dma_wait3A_187 : memref<640x16xf32, #tpu.memory_space<vmem_shared>>)
        tpu.yield
      }) : () -> ()
    } else {
    }
    %ne3A = arith.constant 0 : i32
    %ne3A_7 = arith.cmpi ne, %arg0, %ne3A : i32
    %convert_element_type3A_8 = arith.extui %ne3A_7 : i1 to i32
    %cond3A_9 = arith.constant 0 : i32
    %cond3A_10 = arith.cmpi ne, %convert_element_type3A_8, %cond3A_9 : i32
    scf.if %cond3A_10 {
      "tpu.region"() ({
        %run_scoped3A_181 = tpu.sem_alloc : memref<!tpu.dma_semaphore, #tpu.memory_space<semaphore_mem>>
        %dma_start3A_182 = arith.constant 0 : i32
        %dma_start3A_183 = tpu.memref_slice %arg6[%mul3A_2, %dma_start3A_182] : memref<10240x16xf32, #tpu.memory_space<vmem_shared>> -> memref<640x16xf32, #tpu.memory_space<vmem_shared>>
        tpu.enqueue_dma source(%arg4 : memref<640x16xf32, #tpu.memory_space<hbm>>) target(%dma_start3A_183 : memref<640x16xf32, #tpu.memory_space<vmem_shared>>) target_semaphore(%run_scoped3A_181 : memref<!tpu.dma_semaphore, #tpu.memory_space<semaphore_mem>>)
        %dma_wait3A_184 = arith.constant 0 : i32
        %dma_wait3A_185 = tpu.memref_slice %arg6[%mul3A_2, %dma_wait3A_184] : memref<10240x16xf32, #tpu.memory_space<vmem_shared>> -> memref<640x16xf32, #tpu.memory_space<vmem_shared>>
        tpu.wait_dma2 semaphore(%run_scoped3A_181 : memref<!tpu.dma_semaphore, #tpu.memory_space<semaphore_mem>>) src(%arg4 : memref<640x16xf32, #tpu.memory_space<hbm>>) dst(%dma_wait3A_185 : memref<640x16xf32, #tpu.memory_space<vmem_shared>>)
        tpu.yield
      }) : () -> ()
    } else {
    }
    %run_scoped3A = arith.constant 0 : i32
    "tpu.region"() ({
      %run_scoped3A_181 = tpu.sem_alloc : memref<!tpu.dma_semaphore, #tpu.memory_space<semaphore_mem>>
      %dma_start3A_182 = arith.constant 0 : i32
      %dma_start3A_183 = tpu.memref_slice %arg3[%run_scoped3A, %mul3A_4, %dma_start3A_182] : memref<2x2560x128xi32, #tpu.memory_space<hbm>> -> memref<1x80x128xi32, #tpu.memory_space<hbm>>
      %dma_start3A_184 = tpu.memref_squeeze %dma_start3A_183 : memref<1x80x128xi32, #tpu.memory_space<hbm>> -> memref<80x128xi32, #tpu.memory_space<hbm>>
      %dma_start3A_185 = arith.constant 0 : i32
      %dma_start3A_186 = tpu.memref_slice %arg3[%run_scoped3A, %mul3A_4, %dma_start3A_185] : memref<2x2560x128xi32, #tpu.memory_space<hbm>> -> memref<1x80x128xi32, #tpu.memory_space<hbm>>
      %dma_start3A_187 = tpu.memref_squeeze %dma_start3A_186 : memref<1x80x128xi32, #tpu.memory_space<hbm>> -> memref<80x128xi32, #tpu.memory_space<hbm>>
      tpu.enqueue_dma source(%dma_start3A_187 : memref<80x128xi32, #tpu.memory_space<hbm>>) target(%arg7 : memref<80x128xi32, #tpu.memory_space<vmem>>) target_semaphore(%run_scoped3A_181 : memref<!tpu.dma_semaphore, #tpu.memory_space<semaphore_mem>>)
      %dma_wait3A_188 = arith.constant 0 : i32
      %dma_wait3A_189 = tpu.memref_slice %arg3[%run_scoped3A, %mul3A_4, %dma_wait3A_188] : memref<2x2560x128xi32, #tpu.memory_space<hbm>> -> memref<1x80x128xi32, #tpu.memory_space<hbm>>
      %dma_wait3A_190 = tpu.memref_squeeze %dma_wait3A_189 : memref<1x80x128xi32, #tpu.memory_space<hbm>> -> memref<80x128xi32, #tpu.memory_space<hbm>>
      %dma_wait3A_191 = arith.constant 0 : i32
      %dma_wait3A_192 = tpu.memref_slice %arg3[%run_scoped3A, %mul3A_4, %dma_wait3A_191] : memref<2x2560x128xi32, #tpu.memory_space<hbm>> -> memref<1x80x128xi32, #tpu.memory_space<hbm>>
      %dma_wait3A_193 = tpu.memref_squeeze %dma_wait3A_192 : memref<1x80x128xi32, #tpu.memory_space<hbm>> -> memref<80x128xi32, #tpu.memory_space<hbm>>
      tpu.wait_dma2 semaphore(%run_scoped3A_181 : memref<!tpu.dma_semaphore, #tpu.memory_space<semaphore_mem>>) src(%dma_wait3A_193 : memref<80x128xi32, #tpu.memory_space<hbm>>) dst(%arg7 : memref<80x128xi32, #tpu.memory_space<vmem>>)
      tpu.yield
    }) : () -> ()
    %barrier3A = arith.constant 0 : index
    tpu.barrier barrier_id(%barrier3A)
    %add3A_11 = arith.constant 0 : i32
    %add3A_12 = arith.addi %mul3A_4, %add3A_11 : i32
    %dma_start3A = arith.constant 1 : i32
    %dma_start3A_13 = arith.constant 0 : i32
    %dma_start3A_14 = arith.constant 0 : i32
    %dma_start3A_15 = arith.constant 0 : i32
    %dma_start3A_16 = arith.constant 0 : i32
    %dma_start3A_17 = tpu.memref_slice %arg8[%dma_start3A_13, %dma_start3A_15, %dma_start3A_16] : memref<2x8x128xi32, #tpu.memory_space<vmem>> -> memref<1x8x128xi32, #tpu.memory_space<vmem>>
    %dma_start3A_18 = tpu.memref_squeeze %dma_start3A_17 : memref<1x8x128xi32, #tpu.memory_space<vmem>> -> memref<8x128xi32, #tpu.memory_space<vmem>>
    %dma_start3A_19 = arith.constant 0 : i32
    %dma_start3A_20 = tpu.memref_slice %arg3[%dma_start3A, %add3A_12, %dma_start3A_19] : memref<2x2560x128xi32, #tpu.memory_space<hbm>> -> memref<1x8x128xi32, #tpu.memory_space<hbm>>
    %dma_start3A_21 = tpu.memref_squeeze %dma_start3A_20 : memref<1x8x128xi32, #tpu.memory_space<hbm>> -> memref<8x128xi32, #tpu.memory_space<hbm>>
    %dma_start3A_22 = tpu.memref_slice %arg12[%dma_start3A_14] : memref<2x!tpu.dma_semaphore, #tpu.memory_space<semaphore_mem>> -> memref<1x!tpu.dma_semaphore, #tpu.memory_space<semaphore_mem>>
    %dma_start3A_23 = tpu.memref_squeeze %dma_start3A_22 : memref<1x!tpu.dma_semaphore, #tpu.memory_space<semaphore_mem>> -> memref<!tpu.dma_semaphore, #tpu.memory_space<semaphore_mem>>
    %dma_start3A_24 = arith.constant 0 : i32
    %dma_start3A_25 = arith.constant 0 : i32
    %dma_start3A_26 = tpu.memref_slice %arg8[%dma_start3A_13, %dma_start3A_24, %dma_start3A_25] : memref<2x8x128xi32, #tpu.memory_space<vmem>> -> memref<1x8x128xi32, #tpu.memory_space<vmem>>
    %dma_start3A_27 = tpu.memref_squeeze %dma_start3A_26 : memref<1x8x128xi32, #tpu.memory_space<vmem>> -> memref<8x128xi32, #tpu.memory_space<vmem>>
    %dma_start3A_28 = arith.constant 0 : i32
    %dma_start3A_29 = tpu.memref_slice %arg3[%dma_start3A, %add3A_12, %dma_start3A_28] : memref<2x2560x128xi32, #tpu.memory_space<hbm>> -> memref<1x8x128xi32, #tpu.memory_space<hbm>>
    %dma_start3A_30 = tpu.memref_squeeze %dma_start3A_29 : memref<1x8x128xi32, #tpu.memory_space<hbm>> -> memref<8x128xi32, #tpu.memory_space<hbm>>
    tpu.enqueue_dma source(%dma_start3A_30 : memref<8x128xi32, #tpu.memory_space<hbm>>) target(%dma_start3A_27 : memref<8x128xi32, #tpu.memory_space<vmem>>) target_semaphore(%dma_start3A_23 : memref<!tpu.dma_semaphore, #tpu.memory_space<semaphore_mem>>)
    %add3A_31 = arith.constant 8 : i32
    %add3A_32 = arith.addi %mul3A_4, %add3A_31 : i32
    %dma_start3A_33 = arith.constant 1 : i32
    %dma_start3A_34 = arith.constant 1 : i32
    %dma_start3A_35 = arith.constant 1 : i32
    %dma_start3A_36 = arith.constant 0 : i32
    %dma_start3A_37 = arith.constant 0 : i32
    %dma_start3A_38 = tpu.memref_slice %arg8[%dma_start3A_34, %dma_start3A_36, %dma_start3A_37] : memref<2x8x128xi32, #tpu.memory_space<vmem>> -> memref<1x8x128xi32, #tpu.memory_space<vmem>>
    %dma_start3A_39 = tpu.memref_squeeze %dma_start3A_38 : memref<1x8x128xi32, #tpu.memory_space<vmem>> -> memref<8x128xi32, #tpu.memory_space<vmem>>
    %dma_start3A_40 = arith.constant 0 : i32
    %dma_start3A_41 = tpu.memref_slice %arg3[%dma_start3A_33, %add3A_32, %dma_start3A_40] : memref<2x2560x128xi32, #tpu.memory_space<hbm>> -> memref<1x8x128xi32, #tpu.memory_space<hbm>>
    %dma_start3A_42 = tpu.memref_squeeze %dma_start3A_41 : memref<1x8x128xi32, #tpu.memory_space<hbm>> -> memref<8x128xi32, #tpu.memory_space<hbm>>
    %dma_start3A_43 = tpu.memref_slice %arg12[%dma_start3A_35] : memref<2x!tpu.dma_semaphore, #tpu.memory_space<semaphore_mem>> -> memref<1x!tpu.dma_semaphore, #tpu.memory_space<semaphore_mem>>
    %dma_start3A_44 = tpu.memref_squeeze %dma_start3A_43 : memref<1x!tpu.dma_semaphore, #tpu.memory_space<semaphore_mem>> -> memref<!tpu.dma_semaphore, #tpu.memory_space<semaphore_mem>>
    %dma_start3A_45 = arith.constant 0 : i32
    %dma_start3A_46 = arith.constant 0 : i32
    %dma_start3A_47 = tpu.memref_slice %arg8[%dma_start3A_34, %dma_start3A_45, %dma_start3A_46] : memref<2x8x128xi32, #tpu.memory_space<vmem>> -> memref<1x8x128xi32, #tpu.memory_space<vmem>>
    %dma_start3A_48 = tpu.memref_squeeze %dma_start3A_47 : memref<1x8x128xi32, #tpu.memory_space<vmem>> -> memref<8x128xi32, #tpu.memory_space<vmem>>
    %dma_start3A_49 = arith.constant 0 : i32
    %dma_start3A_50 = tpu.memref_slice %arg3[%dma_start3A_33, %add3A_32, %dma_start3A_49] : memref<2x2560x128xi32, #tpu.memory_space<hbm>> -> memref<1x8x128xi32, #tpu.memory_space<hbm>>
    %dma_start3A_51 = tpu.memref_squeeze %dma_start3A_50 : memref<1x8x128xi32, #tpu.memory_space<hbm>> -> memref<8x128xi32, #tpu.memory_space<hbm>>
    tpu.enqueue_dma source(%dma_start3A_51 : memref<8x128xi32, #tpu.memory_space<hbm>>) target(%dma_start3A_48 : memref<8x128xi32, #tpu.memory_space<vmem>>) target_semaphore(%dma_start3A_44 : memref<!tpu.dma_semaphore, #tpu.memory_space<semaphore_mem>>)
    %dma_start3A_52 = arith.constant 0 : i32
    %dma_start3A_53 = arith.constant 0 : i32
    %dma_start3A_54 = arith.constant 0 : i32
    %dma_start3A_55 = arith.constant 0 : i32
    %dma_start3A_56 = arith.constant 0 : i32
    %dma_start3A_57 = tpu.memref_slice %arg9[%dma_start3A_53, %dma_start3A_55, %dma_start3A_56] : memref<4x128x16xf32, #tpu.memory_space<vmem>> -> memref<1x128x16xf32, #tpu.memory_space<vmem>>
    %dma_start3A_58 = tpu.memref_squeeze %dma_start3A_57 : memref<1x128x16xf32, #tpu.memory_space<vmem>> -> memref<128x16xf32, #tpu.memory_space<vmem>>
    %dma_start3A_59 = arith.constant 0 : i32
    %dma_start3A_60 = tpu.memref_slice %arg7[%dma_start3A_52, %dma_start3A_59] : memref<80x128xi32, #tpu.memory_space<vmem>> -> memref<1x128xi32, #tpu.memory_space<vmem>>
    %dma_start3A_61 = tpu.memref_squeeze %dma_start3A_60 : memref<1x128xi32, #tpu.memory_space<vmem>> -> memref<128xi32, #tpu.memory_space<vmem>>
    %dma_start3A_62 = arith.constant 0 : i32
    %dma_start3A_63 = arith.constant 0 : i32
    %dma_start3A_64 = tpu.memref_slice %arg2[%dma_start3A_62, %dma_start3A_63] : memref<10240x16xf32, #tpu.memory_space<hbm>> -> memref<10240x16xf32, #tpu.memory_space<hbm>>
    %dma_start3A_65 = tpu.memref_slice %arg10[%dma_start3A_54] : memref<4x!tpu.dma_semaphore, #tpu.memory_space<semaphore_mem>> -> memref<1x!tpu.dma_semaphore, #tpu.memory_space<semaphore_mem>>
    %dma_start3A_66 = tpu.memref_squeeze %dma_start3A_65 : memref<1x!tpu.dma_semaphore, #tpu.memory_space<semaphore_mem>> -> memref<!tpu.dma_semaphore, #tpu.memory_space<semaphore_mem>>
    tpu.enqueue_indirect_dma source(%dma_start3A_64 : memref<10240x16xf32, #tpu.memory_space<hbm>>) target(%dma_start3A_58 : memref<128x16xf32, #tpu.memory_space<vmem>>) offsets(%dma_start3A_61 : memref<128xi32, #tpu.memory_space<vmem>>) semaphore(%dma_start3A_66 : memref<!tpu.dma_semaphore, #tpu.memory_space<semaphore_mem>>)
    %dma_start3A_67 = arith.constant 1 : i32
    %dma_start3A_68 = arith.constant 1 : i32
    %dma_start3A_69 = arith.constant 1 : i32
    %dma_start3A_70 = arith.constant 0 : i32
    %dma_start3A_71 = arith.constant 0 : i32
    %dma_start3A_72 = tpu.memref_slice %arg9[%dma_start3A_68, %dma_start3A_70, %dma_start3A_71] : memref<4x128x16xf32, #tpu.memory_space<vmem>> -> memref<1x128x16xf32, #tpu.memory_space<vmem>>
    %dma_start3A_73 = tpu.memref_squeeze %dma_start3A_72 : memref<1x128x16xf32, #tpu.memory_space<vmem>> -> memref<128x16xf32, #tpu.memory_space<vmem>>
    %dma_start3A_74 = arith.constant 0 : i32
    %dma_start3A_75 = tpu.memref_slice %arg7[%dma_start3A_67, %dma_start3A_74] : memref<80x128xi32, #tpu.memory_space<vmem>> -> memref<1x128xi32, #tpu.memory_space<vmem>>
    %dma_start3A_76 = tpu.memref_squeeze %dma_start3A_75 : memref<1x128xi32, #tpu.memory_space<vmem>> -> memref<128xi32, #tpu.memory_space<vmem>>
    %dma_start3A_77 = arith.constant 0 : i32
    %dma_start3A_78 = arith.constant 0 : i32
    %dma_start3A_79 = tpu.memref_slice %arg2[%dma_start3A_77, %dma_start3A_78] : memref<10240x16xf32, #tpu.memory_space<hbm>> -> memref<10240x16xf32, #tpu.memory_space<hbm>>
    %dma_start3A_80 = tpu.memref_slice %arg10[%dma_start3A_69] : memref<4x!tpu.dma_semaphore, #tpu.memory_space<semaphore_mem>> -> memref<1x!tpu.dma_semaphore, #tpu.memory_space<semaphore_mem>>
    %dma_start3A_81 = tpu.memref_squeeze %dma_start3A_80 : memref<1x!tpu.dma_semaphore, #tpu.memory_space<semaphore_mem>> -> memref<!tpu.dma_semaphore, #tpu.memory_space<semaphore_mem>>
    tpu.enqueue_indirect_dma source(%dma_start3A_79 : memref<10240x16xf32, #tpu.memory_space<hbm>>) target(%dma_start3A_73 : memref<128x16xf32, #tpu.memory_space<vmem>>) offsets(%dma_start3A_76 : memref<128xi32, #tpu.memory_space<vmem>>) semaphore(%dma_start3A_81 : memref<!tpu.dma_semaphore, #tpu.memory_space<semaphore_mem>>)
    %dma_start3A_82 = arith.constant 2 : i32
    %dma_start3A_83 = arith.constant 2 : i32
    %dma_start3A_84 = arith.constant 2 : i32
    %dma_start3A_85 = arith.constant 0 : i32
    %dma_start3A_86 = arith.constant 0 : i32
    %dma_start3A_87 = tpu.memref_slice %arg9[%dma_start3A_83, %dma_start3A_85, %dma_start3A_86] : memref<4x128x16xf32, #tpu.memory_space<vmem>> -> memref<1x128x16xf32, #tpu.memory_space<vmem>>
    %dma_start3A_88 = tpu.memref_squeeze %dma_start3A_87 : memref<1x128x16xf32, #tpu.memory_space<vmem>> -> memref<128x16xf32, #tpu.memory_space<vmem>>
    %dma_start3A_89 = arith.constant 0 : i32
    %dma_start3A_90 = tpu.memref_slice %arg7[%dma_start3A_82, %dma_start3A_89] : memref<80x128xi32, #tpu.memory_space<vmem>> -> memref<1x128xi32, #tpu.memory_space<vmem>>
    %dma_start3A_91 = tpu.memref_squeeze %dma_start3A_90 : memref<1x128xi32, #tpu.memory_space<vmem>> -> memref<128xi32, #tpu.memory_space<vmem>>
    %dma_start3A_92 = arith.constant 0 : i32
    %dma_start3A_93 = arith.constant 0 : i32
    %dma_start3A_94 = tpu.memref_slice %arg2[%dma_start3A_92, %dma_start3A_93] : memref<10240x16xf32, #tpu.memory_space<hbm>> -> memref<10240x16xf32, #tpu.memory_space<hbm>>
    %dma_start3A_95 = tpu.memref_slice %arg10[%dma_start3A_84] : memref<4x!tpu.dma_semaphore, #tpu.memory_space<semaphore_mem>> -> memref<1x!tpu.dma_semaphore, #tpu.memory_space<semaphore_mem>>
    %dma_start3A_96 = tpu.memref_squeeze %dma_start3A_95 : memref<1x!tpu.dma_semaphore, #tpu.memory_space<semaphore_mem>> -> memref<!tpu.dma_semaphore, #tpu.memory_space<semaphore_mem>>
    tpu.enqueue_indirect_dma source(%dma_start3A_94 : memref<10240x16xf32, #tpu.memory_space<hbm>>) target(%dma_start3A_88 : memref<128x16xf32, #tpu.memory_space<vmem>>) offsets(%dma_start3A_91 : memref<128xi32, #tpu.memory_space<vmem>>) semaphore(%dma_start3A_96 : memref<!tpu.dma_semaphore, #tpu.memory_space<semaphore_mem>>)
    %dma_start3A_97 = arith.constant 3 : i32
    %dma_start3A_98 = arith.constant 3 : i32
    %dma_start3A_99 = arith.constant 3 : i32
    %dma_start3A_100 = arith.constant 0 : i32
    %dma_start3A_101 = arith.constant 0 : i32
    %dma_start3A_102 = tpu.memref_slice %arg9[%dma_start3A_98, %dma_start3A_100, %dma_start3A_101] : memref<4x128x16xf32, #tpu.memory_space<vmem>> -> memref<1x128x16xf32, #tpu.memory_space<vmem>>
    %dma_start3A_103 = tpu.memref_squeeze %dma_start3A_102 : memref<1x128x16xf32, #tpu.memory_space<vmem>> -> memref<128x16xf32, #tpu.memory_space<vmem>>
    %dma_start3A_104 = arith.constant 0 : i32
    %dma_start3A_105 = tpu.memref_slice %arg7[%dma_start3A_97, %dma_start3A_104] : memref<80x128xi32, #tpu.memory_space<vmem>> -> memref<1x128xi32, #tpu.memory_space<vmem>>
    %dma_start3A_106 = tpu.memref_squeeze %dma_start3A_105 : memref<1x128xi32, #tpu.memory_space<vmem>> -> memref<128xi32, #tpu.memory_space<vmem>>
    %dma_start3A_107 = arith.constant 0 : i32
    %dma_start3A_108 = arith.constant 0 : i32
    %dma_start3A_109 = tpu.memref_slice %arg2[%dma_start3A_107, %dma_start3A_108] : memref<10240x16xf32, #tpu.memory_space<hbm>> -> memref<10240x16xf32, #tpu.memory_space<hbm>>
    %dma_start3A_110 = tpu.memref_slice %arg10[%dma_start3A_99] : memref<4x!tpu.dma_semaphore, #tpu.memory_space<semaphore_mem>> -> memref<1x!tpu.dma_semaphore, #tpu.memory_space<semaphore_mem>>
    %dma_start3A_111 = tpu.memref_squeeze %dma_start3A_110 : memref<1x!tpu.dma_semaphore, #tpu.memory_space<semaphore_mem>> -> memref<!tpu.dma_semaphore, #tpu.memory_space<semaphore_mem>>
    tpu.enqueue_indirect_dma source(%dma_start3A_109 : memref<10240x16xf32, #tpu.memory_space<hbm>>) target(%dma_start3A_103 : memref<128x16xf32, #tpu.memory_space<vmem>>) offsets(%dma_start3A_106 : memref<128xi32, #tpu.memory_space<vmem>>) semaphore(%dma_start3A_111 : memref<!tpu.dma_semaphore, #tpu.memory_space<semaphore_mem>>)
    %scan3A = arith.constant 0 : i32
    %scan3A_112 = arith.constant 0 : i32
    %scan3A_113 = arith.constant 10 : i32
    %scan3A_114 = arith.addi %scan3A_112, %scan3A_113 : i32
    %scan3A_115 = arith.constant 1 : i32
    scf.for %scan3A_181 = %scan3A_112 to %scan3A_114 step %scan3A_115  : i32 {
      %jit3A = arith.constant 2 : i32
      %eq3A_182 = arith.constant 0 : i32
      %eq3A_183 = arith.cmpi eq, %jit3A, %eq3A_182 : i32
      %jit3A_184 = arith.constant 1 : i32
      %select_n3A = arith.select %eq3A_183, %jit3A_184, %jit3A : i32
      %rem3A = arith.remsi %scan3A_181, %select_n3A : i32
      %ne3A_185 = arith.constant 0 : i32
      %ne3A_186 = arith.cmpi ne, %rem3A, %ne3A_185 : i32
      %lt3A = arith.constant 0 : i32
      %lt3A_187 = arith.cmpi slt, %rem3A, %lt3A : i32
      %lt3A_188 = arith.constant 0 : i32
      %lt3A_189 = arith.cmpi slt, %select_n3A, %lt3A_188 : i32
      %ne3A_190 = arith.xori %lt3A_187, %lt3A_189 : i1
      %and3A = arith.andi %ne3A_190, %ne3A_186 : i1
      %add3A_191 = arith.addi %rem3A, %select_n3A : i32
      %select_n3A_192 = arith.select %and3A, %add3A_191, %rem3A : i32
      %dma_wait3A_193 = arith.constant 1 : i32
      %dma_wait3A_194 = arith.constant 0 : i32
      %dma_wait3A_195 = arith.constant 0 : i32
      %dma_wait3A_196 = tpu.memref_slice %arg8[%select_n3A_192, %dma_wait3A_194, %dma_wait3A_195] : memref<2x8x128xi32, #tpu.memory_space<vmem>> -> memref<1x8x128xi32, #tpu.memory_space<vmem>>
      %dma_wait3A_197 = tpu.memref_squeeze %dma_wait3A_196 : memref<1x8x128xi32, #tpu.memory_space<vmem>> -> memref<8x128xi32, #tpu.memory_space<vmem>>
      %dma_wait3A_198 = arith.constant 0 : i32
      %dma_wait3A_199 = tpu.memref_slice %arg3[%dma_wait3A_193, %mul3A_4, %dma_wait3A_198] : memref<2x2560x128xi32, #tpu.memory_space<hbm>> -> memref<1x8x128xi32, #tpu.memory_space<hbm>>
      %dma_wait3A_200 = tpu.memref_squeeze %dma_wait3A_199 : memref<1x8x128xi32, #tpu.memory_space<hbm>> -> memref<8x128xi32, #tpu.memory_space<hbm>>
      %dma_wait3A_201 = tpu.memref_slice %arg12[%select_n3A_192] : memref<2x!tpu.dma_semaphore, #tpu.memory_space<semaphore_mem>> -> memref<1x!tpu.dma_semaphore, #tpu.memory_space<semaphore_mem>>
      %dma_wait3A_202 = tpu.memref_squeeze %dma_wait3A_201 : memref<1x!tpu.dma_semaphore, #tpu.memory_space<semaphore_mem>> -> memref<!tpu.dma_semaphore, #tpu.memory_space<semaphore_mem>>
      %dma_wait3A_203 = arith.constant 0 : i32
      %dma_wait3A_204 = arith.constant 0 : i32
      %dma_wait3A_205 = tpu.memref_slice %arg8[%select_n3A_192, %dma_wait3A_203, %dma_wait3A_204] : memref<2x8x128xi32, #tpu.memory_space<vmem>> -> memref<1x8x128xi32, #tpu.memory_space<vmem>>
      %dma_wait3A_206 = tpu.memref_squeeze %dma_wait3A_205 : memref<1x8x128xi32, #tpu.memory_space<vmem>> -> memref<8x128xi32, #tpu.memory_space<vmem>>
      %dma_wait3A_207 = arith.constant 0 : i32
      %dma_wait3A_208 = tpu.memref_slice %arg3[%dma_wait3A_193, %mul3A_4, %dma_wait3A_207] : memref<2x2560x128xi32, #tpu.memory_space<hbm>> -> memref<1x8x128xi32, #tpu.memory_space<hbm>>
      %dma_wait3A_209 = tpu.memref_squeeze %dma_wait3A_208 : memref<1x8x128xi32, #tpu.memory_space<hbm>> -> memref<8x128xi32, #tpu.memory_space<hbm>>
      tpu.wait_dma2 semaphore(%dma_wait3A_202 : memref<!tpu.dma_semaphore, #tpu.memory_space<semaphore_mem>>) src(%dma_wait3A_209 : memref<8x128xi32, #tpu.memory_space<hbm>>) dst(%dma_wait3A_206 : memref<8x128xi32, #tpu.memory_space<vmem>>)
      %mul3A_210 = arith.constant 8 : i32
      %mul3A_211 = arith.muli %scan3A_181, %mul3A_210 : i32
      %add3A_212 = arith.constant 0 : i32
      %add3A_213 = arith.addi %mul3A_211, %add3A_212 : i32
      %dma_wait3A_214 = arith.constant 0 : i32
      %dma_wait3A_215 = arith.constant 0 : i32
      %dma_wait3A_216 = arith.constant 0 : i32
      %dma_wait3A_217 = arith.constant 0 : i32
      %dma_wait3A_218 = tpu.memref_slice %arg9[%dma_wait3A_214, %dma_wait3A_216, %dma_wait3A_217] : memref<4x128x16xf32, #tpu.memory_space<vmem>> -> memref<1x128x16xf32, #tpu.memory_space<vmem>>
      %dma_wait3A_219 = tpu.memref_squeeze %dma_wait3A_218 : memref<1x128x16xf32, #tpu.memory_space<vmem>> -> memref<128x16xf32, #tpu.memory_space<vmem>>
      %dma_wait3A_220 = arith.constant 0 : i32
      %dma_wait3A_221 = tpu.memref_slice %arg7[%add3A_213, %dma_wait3A_220] : memref<80x128xi32, #tpu.memory_space<vmem>> -> memref<1x128xi32, #tpu.memory_space<vmem>>
      %dma_wait3A_222 = tpu.memref_squeeze %dma_wait3A_221 : memref<1x128xi32, #tpu.memory_space<vmem>> -> memref<128xi32, #tpu.memory_space<vmem>>
      %dma_wait3A_223 = arith.constant 0 : i32
      %dma_wait3A_224 = arith.constant 0 : i32
      %dma_wait3A_225 = tpu.memref_slice %arg2[%dma_wait3A_223, %dma_wait3A_224] : memref<10240x16xf32, #tpu.memory_space<hbm>> -> memref<10240x16xf32, #tpu.memory_space<hbm>>
      %dma_wait3A_226 = tpu.memref_slice %arg10[%dma_wait3A_215] : memref<4x!tpu.dma_semaphore, #tpu.memory_space<semaphore_mem>> -> memref<1x!tpu.dma_semaphore, #tpu.memory_space<semaphore_mem>>
      %dma_wait3A_227 = tpu.memref_squeeze %dma_wait3A_226 : memref<1x!tpu.dma_semaphore, #tpu.memory_space<semaphore_mem>> -> memref<!tpu.dma_semaphore, #tpu.memory_space<semaphore_mem>>
      tpu.wait_indirect_dma semaphore(%dma_wait3A_227 : memref<!tpu.dma_semaphore, #tpu.memory_space<semaphore_mem>>) src(%dma_wait3A_225 : memref<10240x16xf32, #tpu.memory_space<hbm>>) dst(%dma_wait3A_219 : memref<128x16xf32, #tpu.memory_space<vmem>>)
      %dma_start3A_228 = arith.constant 0 : i32
      %dma_start3A_229 = arith.constant 0 : i32
      %dma_start3A_230 = arith.constant 0 : i32
      %dma_start3A_231 = arith.constant 0 : i32
      %dma_start3A_232 = arith.constant 0 : i32
      %dma_start3A_233 = tpu.memref_slice %arg9[%dma_start3A_228, %dma_start3A_231, %dma_start3A_232] : memref<4x128x16xf32, #tpu.memory_space<vmem>> -> memref<1x128x16xf32, #tpu.memory_space<vmem>>
      %dma_start3A_234 = tpu.memref_squeeze %dma_start3A_233 : memref<1x128x16xf32, #tpu.memory_space<vmem>> -> memref<128x16xf32, #tpu.memory_space<vmem>>
      %dma_start3A_235 = arith.constant 0 : i32
      %dma_start3A_236 = tpu.memref_slice %arg8[%select_n3A_192, %dma_start3A_229, %dma_start3A_235] : memref<2x8x128xi32, #tpu.memory_space<vmem>> -> memref<1x1x128xi32, #tpu.memory_space<vmem>>
      %dma_start3A_237 = tpu.memref_squeeze %dma_start3A_236 : memref<1x1x128xi32, #tpu.memory_space<vmem>> -> memref<128xi32, #tpu.memory_space<vmem>>
      %dma_start3A_238 = arith.constant 0 : i32
      %dma_start3A_239 = arith.constant 0 : i32
      %dma_start3A_240 = tpu.memref_slice %arg6[%dma_start3A_238, %dma_start3A_239] : memref<10240x16xf32, #tpu.memory_space<vmem_shared>> -> memref<10240x16xf32, #tpu.memory_space<vmem_shared>>
      %dma_start3A_241 = tpu.memref_slice %arg11[%dma_start3A_230] : memref<4x!tpu.dma_semaphore, #tpu.memory_space<semaphore_mem>> -> memref<1x!tpu.dma_semaphore, #tpu.memory_space<semaphore_mem>>
      %dma_start3A_242 = tpu.memref_squeeze %dma_start3A_241 : memref<1x!tpu.dma_semaphore, #tpu.memory_space<semaphore_mem>> -> memref<!tpu.dma_semaphore, #tpu.memory_space<semaphore_mem>>
      tpu.enqueue_indirect_dma source(%dma_start3A_234 : memref<128x16xf32, #tpu.memory_space<vmem>>) target(%dma_start3A_240 : memref<10240x16xf32, #tpu.memory_space<vmem_shared>>) offsets(%dma_start3A_237 : memref<128xi32, #tpu.memory_space<vmem>>) semaphore(%dma_start3A_242 : memref<!tpu.dma_semaphore, #tpu.memory_space<semaphore_mem>>) {add = true}
      %add3A_243 = arith.constant 4 : i32
      %add3A_244 = arith.addi %add3A_213, %add3A_243 : i32
      %lt3A_245 = arith.constant 80 : i32
      %lt3A_246 = arith.cmpi slt, %add3A_244, %lt3A_245 : i32
      %convert_element_type3A_247 = arith.extui %lt3A_246 : i1 to i32
      %cond3A_248 = arith.constant 0 : i32
      %cond3A_249 = arith.cmpi ne, %convert_element_type3A_247, %cond3A_248 : i32
      scf.if %cond3A_249 {
        %dma_wait3A_537 = arith.constant 0 : i32
        %dma_wait3A_538 = arith.constant 0 : i32
        %dma_wait3A_539 = arith.constant 0 : i32
        %dma_wait3A_540 = arith.constant 0 : i32
        %dma_wait3A_541 = arith.constant 0 : i32
        %dma_wait3A_542 = tpu.memref_slice %arg9[%dma_wait3A_537, %dma_wait3A_540, %dma_wait3A_541] : memref<4x128x16xf32, #tpu.memory_space<vmem>> -> memref<1x128x16xf32, #tpu.memory_space<vmem>>
        %dma_wait3A_543 = tpu.memref_squeeze %dma_wait3A_542 : memref<1x128x16xf32, #tpu.memory_space<vmem>> -> memref<128x16xf32, #tpu.memory_space<vmem>>
        %dma_wait3A_544 = arith.constant 0 : i32
        %dma_wait3A_545 = tpu.memref_slice %arg8[%select_n3A_192, %dma_wait3A_538, %dma_wait3A_544] : memref<2x8x128xi32, #tpu.memory_space<vmem>> -> memref<1x1x128xi32, #tpu.memory_space<vmem>>
        %dma_wait3A_546 = tpu.memref_squeeze %dma_wait3A_545 : memref<1x1x128xi32, #tpu.memory_space<vmem>> -> memref<128xi32, #tpu.memory_space<vmem>>
        %dma_wait3A_547 = arith.constant 0 : i32
        %dma_wait3A_548 = arith.constant 0 : i32
        %dma_wait3A_549 = tpu.memref_slice %arg6[%dma_wait3A_547, %dma_wait3A_548] : memref<10240x16xf32, #tpu.memory_space<vmem_shared>> -> memref<10240x16xf32, #tpu.memory_space<vmem_shared>>
        %dma_wait3A_550 = tpu.memref_slice %arg11[%dma_wait3A_539] : memref<4x!tpu.dma_semaphore, #tpu.memory_space<semaphore_mem>> -> memref<1x!tpu.dma_semaphore, #tpu.memory_space<semaphore_mem>>
        %dma_wait3A_551 = tpu.memref_squeeze %dma_wait3A_550 : memref<1x!tpu.dma_semaphore, #tpu.memory_space<semaphore_mem>> -> memref<!tpu.dma_semaphore, #tpu.memory_space<semaphore_mem>>
        tpu.wait_indirect_dma semaphore(%dma_wait3A_551 : memref<!tpu.dma_semaphore, #tpu.memory_space<semaphore_mem>>) src(%dma_wait3A_543 : memref<128x16xf32, #tpu.memory_space<vmem>>) dst(%dma_wait3A_549 : memref<10240x16xf32, #tpu.memory_space<vmem_shared>>)
        %add3A_552 = arith.constant 4 : i32
        %add3A_553 = arith.addi %add3A_213, %add3A_552 : i32
        %dma_start3A_554 = arith.constant 0 : i32
        %dma_start3A_555 = arith.constant 0 : i32
        %dma_start3A_556 = arith.constant 0 : i32
        %dma_start3A_557 = arith.constant 0 : i32
        %dma_start3A_558 = tpu.memref_slice %arg9[%dma_start3A_554, %dma_start3A_556, %dma_start3A_557] : memref<4x128x16xf32, #tpu.memory_space<vmem>> -> memref<1x128x16xf32, #tpu.memory_space<vmem>>
        %dma_start3A_559 = tpu.memref_squeeze %dma_start3A_558 : memref<1x128x16xf32, #tpu.memory_space<vmem>> -> memref<128x16xf32, #tpu.memory_space<vmem>>
        %dma_start3A_560 = arith.constant 0 : i32
        %dma_start3A_561 = tpu.memref_slice %arg7[%add3A_553, %dma_start3A_560] : memref<80x128xi32, #tpu.memory_space<vmem>> -> memref<1x128xi32, #tpu.memory_space<vmem>>
        %dma_start3A_562 = tpu.memref_squeeze %dma_start3A_561 : memref<1x128xi32, #tpu.memory_space<vmem>> -> memref<128xi32, #tpu.memory_space<vmem>>
        %dma_start3A_563 = arith.constant 0 : i32
        %dma_start3A_564 = arith.constant 0 : i32
        %dma_start3A_565 = tpu.memref_slice %arg2[%dma_start3A_563, %dma_start3A_564] : memref<10240x16xf32, #tpu.memory_space<hbm>> -> memref<10240x16xf32, #tpu.memory_space<hbm>>
        %dma_start3A_566 = tpu.memref_slice %arg10[%dma_start3A_555] : memref<4x!tpu.dma_semaphore, #tpu.memory_space<semaphore_mem>> -> memref<1x!tpu.dma_semaphore, #tpu.memory_space<semaphore_mem>>
        %dma_start3A_567 = tpu.memref_squeeze %dma_start3A_566 : memref<1x!tpu.dma_semaphore, #tpu.memory_space<semaphore_mem>> -> memref<!tpu.dma_semaphore, #tpu.memory_space<semaphore_mem>>
        tpu.enqueue_indirect_dma source(%dma_start3A_565 : memref<10240x16xf32, #tpu.memory_space<hbm>>) target(%dma_start3A_559 : memref<128x16xf32, #tpu.memory_space<vmem>>) offsets(%dma_start3A_562 : memref<128xi32, #tpu.memory_space<vmem>>) semaphore(%dma_start3A_567 : memref<!tpu.dma_semaphore, #tpu.memory_space<semaphore_mem>>)
      } else {
      }
      %mul3A_250 = arith.constant 8 : i32
      %mul3A_251 = arith.muli %scan3A_181, %mul3A_250 : i32
      %add3A_252 = arith.constant 1 : i32
      %add3A_253 = arith.addi %mul3A_251, %add3A_252 : i32
      %dma_wait3A_254 = arith.constant 1 : i32
      %dma_wait3A_255 = arith.constant 1 : i32
      %dma_wait3A_256 = arith.constant 0 : i32
      %dma_wait3A_257 = arith.constant 0 : i32
      %dma_wait3A_258 = tpu.memref_slice %arg9[%dma_wait3A_254, %dma_wait3A_256, %dma_wait3A_257] : memref<4x128x16xf32, #tpu.memory_space<vmem>> -> memref<1x128x16xf32, #tpu.memory_space<vmem>>
      %dma_wait3A_259 = tpu.memref_squeeze %dma_wait3A_258 : memref<1x128x16xf32, #tpu.memory_space<vmem>> -> memref<128x16xf32, #tpu.memory_space<vmem>>
      %dma_wait3A_260 = arith.constant 0 : i32
      %dma_wait3A_261 = tpu.memref_slice %arg7[%add3A_253, %dma_wait3A_260] : memref<80x128xi32, #tpu.memory_space<vmem>> -> memref<1x128xi32, #tpu.memory_space<vmem>>
      %dma_wait3A_262 = tpu.memref_squeeze %dma_wait3A_261 : memref<1x128xi32, #tpu.memory_space<vmem>> -> memref<128xi32, #tpu.memory_space<vmem>>
      %dma_wait3A_263 = arith.constant 0 : i32
      %dma_wait3A_264 = arith.constant 0 : i32
      %dma_wait3A_265 = tpu.memref_slice %arg2[%dma_wait3A_263, %dma_wait3A_264] : memref<10240x16xf32, #tpu.memory_space<hbm>> -> memref<10240x16xf32, #tpu.memory_space<hbm>>
      %dma_wait3A_266 = tpu.memref_slice %arg10[%dma_wait3A_255] : memref<4x!tpu.dma_semaphore, #tpu.memory_space<semaphore_mem>> -> memref<1x!tpu.dma_semaphore, #tpu.memory_space<semaphore_mem>>
      %dma_wait3A_267 = tpu.memref_squeeze %dma_wait3A_266 : memref<1x!tpu.dma_semaphore, #tpu.memory_space<semaphore_mem>> -> memref<!tpu.dma_semaphore, #tpu.memory_space<semaphore_mem>>
      tpu.wait_indirect_dma semaphore(%dma_wait3A_267 : memref<!tpu.dma_semaphore, #tpu.memory_space<semaphore_mem>>) src(%dma_wait3A_265 : memref<10240x16xf32, #tpu.memory_space<hbm>>) dst(%dma_wait3A_259 : memref<128x16xf32, #tpu.memory_space<vmem>>)
      %dma_start3A_268 = arith.constant 1 : i32
      %dma_start3A_269 = arith.constant 1 : i32
      %dma_start3A_270 = arith.constant 1 : i32
      %dma_start3A_271 = arith.constant 0 : i32
      %dma_start3A_272 = arith.constant 0 : i32
      %dma_start3A_273 = tpu.memref_slice %arg9[%dma_start3A_268, %dma_start3A_271, %dma_start3A_272] : memref<4x128x16xf32, #tpu.memory_space<vmem>> -> memref<1x128x16xf32, #tpu.memory_space<vmem>>
      %dma_start3A_274 = tpu.memref_squeeze %dma_start3A_273 : memref<1x128x16xf32, #tpu.memory_space<vmem>> -> memref<128x16xf32, #tpu.memory_space<vmem>>
      %dma_start3A_275 = arith.constant 0 : i32
      %dma_start3A_276 = tpu.memref_slice %arg8[%select_n3A_192, %dma_start3A_269, %dma_start3A_275] : memref<2x8x128xi32, #tpu.memory_space<vmem>> -> memref<1x1x128xi32, #tpu.memory_space<vmem>>
      %dma_start3A_277 = tpu.memref_squeeze %dma_start3A_276 : memref<1x1x128xi32, #tpu.memory_space<vmem>> -> memref<128xi32, #tpu.memory_space<vmem>>
      %dma_start3A_278 = arith.constant 0 : i32
      %dma_start3A_279 = arith.constant 0 : i32
      %dma_start3A_280 = tpu.memref_slice %arg6[%dma_start3A_278, %dma_start3A_279] : memref<10240x16xf32, #tpu.memory_space<vmem_shared>> -> memref<10240x16xf32, #tpu.memory_space<vmem_shared>>
      %dma_start3A_281 = tpu.memref_slice %arg11[%dma_start3A_270] : memref<4x!tpu.dma_semaphore, #tpu.memory_space<semaphore_mem>> -> memref<1x!tpu.dma_semaphore, #tpu.memory_space<semaphore_mem>>
      %dma_start3A_282 = tpu.memref_squeeze %dma_start3A_281 : memref<1x!tpu.dma_semaphore, #tpu.memory_space<semaphore_mem>> -> memref<!tpu.dma_semaphore, #tpu.memory_space<semaphore_mem>>
      tpu.enqueue_indirect_dma source(%dma_start3A_274 : memref<128x16xf32, #tpu.memory_space<vmem>>) target(%dma_start3A_280 : memref<10240x16xf32, #tpu.memory_space<vmem_shared>>) offsets(%dma_start3A_277 : memref<128xi32, #tpu.memory_space<vmem>>) semaphore(%dma_start3A_282 : memref<!tpu.dma_semaphore, #tpu.memory_space<semaphore_mem>>) {add = true}
      %add3A_283 = arith.constant 4 : i32
      %add3A_284 = arith.addi %add3A_253, %add3A_283 : i32
      %lt3A_285 = arith.constant 80 : i32
      %lt3A_286 = arith.cmpi slt, %add3A_284, %lt3A_285 : i32
      %convert_element_type3A_287 = arith.extui %lt3A_286 : i1 to i32
      %cond3A_288 = arith.constant 0 : i32
      %cond3A_289 = arith.cmpi ne, %convert_element_type3A_287, %cond3A_288 : i32
      scf.if %cond3A_289 {
        %dma_wait3A_537 = arith.constant 1 : i32
        %dma_wait3A_538 = arith.constant 1 : i32
        %dma_wait3A_539 = arith.constant 1 : i32
        %dma_wait3A_540 = arith.constant 0 : i32
        %dma_wait3A_541 = arith.constant 0 : i32
        %dma_wait3A_542 = tpu.memref_slice %arg9[%dma_wait3A_537, %dma_wait3A_540, %dma_wait3A_541] : memref<4x128x16xf32, #tpu.memory_space<vmem>> -> memref<1x128x16xf32, #tpu.memory_space<vmem>>
        %dma_wait3A_543 = tpu.memref_squeeze %dma_wait3A_542 : memref<1x128x16xf32, #tpu.memory_space<vmem>> -> memref<128x16xf32, #tpu.memory_space<vmem>>
        %dma_wait3A_544 = arith.constant 0 : i32
        %dma_wait3A_545 = tpu.memref_slice %arg8[%select_n3A_192, %dma_wait3A_538, %dma_wait3A_544] : memref<2x8x128xi32, #tpu.memory_space<vmem>> -> memref<1x1x128xi32, #tpu.memory_space<vmem>>
        %dma_wait3A_546 = tpu.memref_squeeze %dma_wait3A_545 : memref<1x1x128xi32, #tpu.memory_space<vmem>> -> memref<128xi32, #tpu.memory_space<vmem>>
        %dma_wait3A_547 = arith.constant 0 : i32
        %dma_wait3A_548 = arith.constant 0 : i32
        %dma_wait3A_549 = tpu.memref_slice %arg6[%dma_wait3A_547, %dma_wait3A_548] : memref<10240x16xf32, #tpu.memory_space<vmem_shared>> -> memref<10240x16xf32, #tpu.memory_space<vmem_shared>>
        %dma_wait3A_550 = tpu.memref_slice %arg11[%dma_wait3A_539] : memref<4x!tpu.dma_semaphore, #tpu.memory_space<semaphore_mem>> -> memref<1x!tpu.dma_semaphore, #tpu.memory_space<semaphore_mem>>
        %dma_wait3A_551 = tpu.memref_squeeze %dma_wait3A_550 : memref<1x!tpu.dma_semaphore, #tpu.memory_space<semaphore_mem>> -> memref<!tpu.dma_semaphore, #tpu.memory_space<semaphore_mem>>
        tpu.wait_indirect_dma semaphore(%dma_wait3A_551 : memref<!tpu.dma_semaphore, #tpu.memory_space<semaphore_mem>>) src(%dma_wait3A_543 : memref<128x16xf32, #tpu.memory_space<vmem>>) dst(%dma_wait3A_549 : memref<10240x16xf32, #tpu.memory_space<vmem_shared>>)
        %add3A_552 = arith.constant 4 : i32
        %add3A_553 = arith.addi %add3A_253, %add3A_552 : i32
        %dma_start3A_554 = arith.constant 1 : i32
        %dma_start3A_555 = arith.constant 1 : i32
        %dma_start3A_556 = arith.constant 0 : i32
        %dma_start3A_557 = arith.constant 0 : i32
        %dma_start3A_558 = tpu.memref_slice %arg9[%dma_start3A_554, %dma_start3A_556, %dma_start3A_557] : memref<4x128x16xf32, #tpu.memory_space<vmem>> -> memref<1x128x16xf32, #tpu.memory_space<vmem>>
        %dma_start3A_559 = tpu.memref_squeeze %dma_start3A_558 : memref<1x128x16xf32, #tpu.memory_space<vmem>> -> memref<128x16xf32, #tpu.memory_space<vmem>>
        %dma_start3A_560 = arith.constant 0 : i32
        %dma_start3A_561 = tpu.memref_slice %arg7[%add3A_553, %dma_start3A_560] : memref<80x128xi32, #tpu.memory_space<vmem>> -> memref<1x128xi32, #tpu.memory_space<vmem>>
        %dma_start3A_562 = tpu.memref_squeeze %dma_start3A_561 : memref<1x128xi32, #tpu.memory_space<vmem>> -> memref<128xi32, #tpu.memory_space<vmem>>
        %dma_start3A_563 = arith.constant 0 : i32
        %dma_start3A_564 = arith.constant 0 : i32
        %dma_start3A_565 = tpu.memref_slice %arg2[%dma_start3A_563, %dma_start3A_564] : memref<10240x16xf32, #tpu.memory_space<hbm>> -> memref<10240x16xf32, #tpu.memory_space<hbm>>
        %dma_start3A_566 = tpu.memref_slice %arg10[%dma_start3A_555] : memref<4x!tpu.dma_semaphore, #tpu.memory_space<semaphore_mem>> -> memref<1x!tpu.dma_semaphore, #tpu.memory_space<semaphore_mem>>
        %dma_start3A_567 = tpu.memref_squeeze %dma_start3A_566 : memref<1x!tpu.dma_semaphore, #tpu.memory_space<semaphore_mem>> -> memref<!tpu.dma_semaphore, #tpu.memory_space<semaphore_mem>>
        tpu.enqueue_indirect_dma source(%dma_start3A_565 : memref<10240x16xf32, #tpu.memory_space<hbm>>) target(%dma_start3A_559 : memref<128x16xf32, #tpu.memory_space<vmem>>) offsets(%dma_start3A_562 : memref<128xi32, #tpu.memory_space<vmem>>) semaphore(%dma_start3A_567 : memref<!tpu.dma_semaphore, #tpu.memory_space<semaphore_mem>>)
      } else {
      }
      %mul3A_290 = arith.constant 8 : i32
      %mul3A_291 = arith.muli %scan3A_181, %mul3A_290 : i32
      %add3A_292 = arith.constant 2 : i32
      %add3A_293 = arith.addi %mul3A_291, %add3A_292 : i32
      %dma_wait3A_294 = arith.constant 2 : i32
      %dma_wait3A_295 = arith.constant 2 : i32
      %dma_wait3A_296 = arith.constant 0 : i32
      %dma_wait3A_297 = arith.constant 0 : i32
      %dma_wait3A_298 = tpu.memref_slice %arg9[%dma_wait3A_294, %dma_wait3A_296, %dma_wait3A_297] : memref<4x128x16xf32, #tpu.memory_space<vmem>> -> memref<1x128x16xf32, #tpu.memory_space<vmem>>
      %dma_wait3A_299 = tpu.memref_squeeze %dma_wait3A_298 : memref<1x128x16xf32, #tpu.memory_space<vmem>> -> memref<128x16xf32, #tpu.memory_space<vmem>>
      %dma_wait3A_300 = arith.constant 0 : i32
      %dma_wait3A_301 = tpu.memref_slice %arg7[%add3A_293, %dma_wait3A_300] : memref<80x128xi32, #tpu.memory_space<vmem>> -> memref<1x128xi32, #tpu.memory_space<vmem>>
      %dma_wait3A_302 = tpu.memref_squeeze %dma_wait3A_301 : memref<1x128xi32, #tpu.memory_space<vmem>> -> memref<128xi32, #tpu.memory_space<vmem>>
      %dma_wait3A_303 = arith.constant 0 : i32
      %dma_wait3A_304 = arith.constant 0 : i32
      %dma_wait3A_305 = tpu.memref_slice %arg2[%dma_wait3A_303, %dma_wait3A_304] : memref<10240x16xf32, #tpu.memory_space<hbm>> -> memref<10240x16xf32, #tpu.memory_space<hbm>>
      %dma_wait3A_306 = tpu.memref_slice %arg10[%dma_wait3A_295] : memref<4x!tpu.dma_semaphore, #tpu.memory_space<semaphore_mem>> -> memref<1x!tpu.dma_semaphore, #tpu.memory_space<semaphore_mem>>
      %dma_wait3A_307 = tpu.memref_squeeze %dma_wait3A_306 : memref<1x!tpu.dma_semaphore, #tpu.memory_space<semaphore_mem>> -> memref<!tpu.dma_semaphore, #tpu.memory_space<semaphore_mem>>
      tpu.wait_indirect_dma semaphore(%dma_wait3A_307 : memref<!tpu.dma_semaphore, #tpu.memory_space<semaphore_mem>>) src(%dma_wait3A_305 : memref<10240x16xf32, #tpu.memory_space<hbm>>) dst(%dma_wait3A_299 : memref<128x16xf32, #tpu.memory_space<vmem>>)
      %dma_start3A_308 = arith.constant 2 : i32
      %dma_start3A_309 = arith.constant 2 : i32
      %dma_start3A_310 = arith.constant 2 : i32
      %dma_start3A_311 = arith.constant 0 : i32
      %dma_start3A_312 = arith.constant 0 : i32
      %dma_start3A_313 = tpu.memref_slice %arg9[%dma_start3A_308, %dma_start3A_311, %dma_start3A_312] : memref<4x128x16xf32, #tpu.memory_space<vmem>> -> memref<1x128x16xf32, #tpu.memory_space<vmem>>
      %dma_start3A_314 = tpu.memref_squeeze %dma_start3A_313 : memref<1x128x16xf32, #tpu.memory_space<vmem>> -> memref<128x16xf32, #tpu.memory_space<vmem>>
      %dma_start3A_315 = arith.constant 0 : i32
      %dma_start3A_316 = tpu.memref_slice %arg8[%select_n3A_192, %dma_start3A_309, %dma_start3A_315] : memref<2x8x128xi32, #tpu.memory_space<vmem>> -> memref<1x1x128xi32, #tpu.memory_space<vmem>>
      %dma_start3A_317 = tpu.memref_squeeze %dma_start3A_316 : memref<1x1x128xi32, #tpu.memory_space<vmem>> -> memref<128xi32, #tpu.memory_space<vmem>>
      %dma_start3A_318 = arith.constant 0 : i32
      %dma_start3A_319 = arith.constant 0 : i32
      %dma_start3A_320 = tpu.memref_slice %arg6[%dma_start3A_318, %dma_start3A_319] : memref<10240x16xf32, #tpu.memory_space<vmem_shared>> -> memref<10240x16xf32, #tpu.memory_space<vmem_shared>>
      %dma_start3A_321 = tpu.memref_slice %arg11[%dma_start3A_310] : memref<4x!tpu.dma_semaphore, #tpu.memory_space<semaphore_mem>> -> memref<1x!tpu.dma_semaphore, #tpu.memory_space<semaphore_mem>>
      %dma_start3A_322 = tpu.memref_squeeze %dma_start3A_321 : memref<1x!tpu.dma_semaphore, #tpu.memory_space<semaphore_mem>> -> memref<!tpu.dma_semaphore, #tpu.memory_space<semaphore_mem>>
      tpu.enqueue_indirect_dma source(%dma_start3A_314 : memref<128x16xf32, #tpu.memory_space<vmem>>) target(%dma_start3A_320 : memref<10240x16xf32, #tpu.memory_space<vmem_shared>>) offsets(%dma_start3A_317 : memref<128xi32, #tpu.memory_space<vmem>>) semaphore(%dma_start3A_322 : memref<!tpu.dma_semaphore, #tpu.memory_space<semaphore_mem>>) {add = true}
      %add3A_323 = arith.constant 4 : i32
      %add3A_324 = arith.addi %add3A_293, %add3A_323 : i32
      %lt3A_325 = arith.constant 80 : i32
      %lt3A_326 = arith.cmpi slt, %add3A_324, %lt3A_325 : i32
      %convert_element_type3A_327 = arith.extui %lt3A_326 : i1 to i32
      %cond3A_328 = arith.constant 0 : i32
      %cond3A_329 = arith.cmpi ne, %convert_element_type3A_327, %cond3A_328 : i32
      scf.if %cond3A_329 {
        %dma_wait3A_537 = arith.constant 2 : i32
        %dma_wait3A_538 = arith.constant 2 : i32
        %dma_wait3A_539 = arith.constant 2 : i32
        %dma_wait3A_540 = arith.constant 0 : i32
        %dma_wait3A_541 = arith.constant 0 : i32
        %dma_wait3A_542 = tpu.memref_slice %arg9[%dma_wait3A_537, %dma_wait3A_540, %dma_wait3A_541] : memref<4x128x16xf32, #tpu.memory_space<vmem>> -> memref<1x128x16xf32, #tpu.memory_space<vmem>>
        %dma_wait3A_543 = tpu.memref_squeeze %dma_wait3A_542 : memref<1x128x16xf32, #tpu.memory_space<vmem>> -> memref<128x16xf32, #tpu.memory_space<vmem>>
        %dma_wait3A_544 = arith.constant 0 : i32
        %dma_wait3A_545 = tpu.memref_slice %arg8[%select_n3A_192, %dma_wait3A_538, %dma_wait3A_544] : memref<2x8x128xi32, #tpu.memory_space<vmem>> -> memref<1x1x128xi32, #tpu.memory_space<vmem>>
        %dma_wait3A_546 = tpu.memref_squeeze %dma_wait3A_545 : memref<1x1x128xi32, #tpu.memory_space<vmem>> -> memref<128xi32, #tpu.memory_space<vmem>>
        %dma_wait3A_547 = arith.constant 0 : i32
        %dma_wait3A_548 = arith.constant 0 : i32
        %dma_wait3A_549 = tpu.memref_slice %arg6[%dma_wait3A_547, %dma_wait3A_548] : memref<10240x16xf32, #tpu.memory_space<vmem_shared>> -> memref<10240x16xf32, #tpu.memory_space<vmem_shared>>
        %dma_wait3A_550 = tpu.memref_slice %arg11[%dma_wait3A_539] : memref<4x!tpu.dma_semaphore, #tpu.memory_space<semaphore_mem>> -> memref<1x!tpu.dma_semaphore, #tpu.memory_space<semaphore_mem>>
        %dma_wait3A_551 = tpu.memref_squeeze %dma_wait3A_550 : memref<1x!tpu.dma_semaphore, #tpu.memory_space<semaphore_mem>> -> memref<!tpu.dma_semaphore, #tpu.memory_space<semaphore_mem>>
        tpu.wait_indirect_dma semaphore(%dma_wait3A_551 : memref<!tpu.dma_semaphore, #tpu.memory_space<semaphore_mem>>) src(%dma_wait3A_543 : memref<128x16xf32, #tpu.memory_space<vmem>>) dst(%dma_wait3A_549 : memref<10240x16xf32, #tpu.memory_space<vmem_shared>>)
        %add3A_552 = arith.constant 4 : i32
        %add3A_553 = arith.addi %add3A_293, %add3A_552 : i32
        %dma_start3A_554 = arith.constant 2 : i32
        %dma_start3A_555 = arith.constant 2 : i32
        %dma_start3A_556 = arith.constant 0 : i32
        %dma_start3A_557 = arith.constant 0 : i32
        %dma_start3A_558 = tpu.memref_slice %arg9[%dma_start3A_554, %dma_start3A_556, %dma_start3A_557] : memref<4x128x16xf32, #tpu.memory_space<vmem>> -> memref<1x128x16xf32, #tpu.memory_space<vmem>>
        %dma_start3A_559 = tpu.memref_squeeze %dma_start3A_558 : memref<1x128x16xf32, #tpu.memory_space<vmem>> -> memref<128x16xf32, #tpu.memory_space<vmem>>
        %dma_start3A_560 = arith.constant 0 : i32
        %dma_start3A_561 = tpu.memref_slice %arg7[%add3A_553, %dma_start3A_560] : memref<80x128xi32, #tpu.memory_space<vmem>> -> memref<1x128xi32, #tpu.memory_space<vmem>>
        %dma_start3A_562 = tpu.memref_squeeze %dma_start3A_561 : memref<1x128xi32, #tpu.memory_space<vmem>> -> memref<128xi32, #tpu.memory_space<vmem>>
        %dma_start3A_563 = arith.constant 0 : i32
        %dma_start3A_564 = arith.constant 0 : i32
        %dma_start3A_565 = tpu.memref_slice %arg2[%dma_start3A_563, %dma_start3A_564] : memref<10240x16xf32, #tpu.memory_space<hbm>> -> memref<10240x16xf32, #tpu.memory_space<hbm>>
        %dma_start3A_566 = tpu.memref_slice %arg10[%dma_start3A_555] : memref<4x!tpu.dma_semaphore, #tpu.memory_space<semaphore_mem>> -> memref<1x!tpu.dma_semaphore, #tpu.memory_space<semaphore_mem>>
        %dma_start3A_567 = tpu.memref_squeeze %dma_start3A_566 : memref<1x!tpu.dma_semaphore, #tpu.memory_space<semaphore_mem>> -> memref<!tpu.dma_semaphore, #tpu.memory_space<semaphore_mem>>
        tpu.enqueue_indirect_dma source(%dma_start3A_565 : memref<10240x16xf32, #tpu.memory_space<hbm>>) target(%dma_start3A_559 : memref<128x16xf32, #tpu.memory_space<vmem>>) offsets(%dma_start3A_562 : memref<128xi32, #tpu.memory_space<vmem>>) semaphore(%dma_start3A_567 : memref<!tpu.dma_semaphore, #tpu.memory_space<semaphore_mem>>)
      } else {
      }
      %mul3A_330 = arith.constant 8 : i32
      %mul3A_331 = arith.muli %scan3A_181, %mul3A_330 : i32
      %add3A_332 = arith.constant 3 : i32
      %add3A_333 = arith.addi %mul3A_331, %add3A_332 : i32
      %dma_wait3A_334 = arith.constant 3 : i32
      %dma_wait3A_335 = arith.constant 3 : i32
      %dma_wait3A_336 = arith.constant 0 : i32
      %dma_wait3A_337 = arith.constant 0 : i32
      %dma_wait3A_338 = tpu.memref_slice %arg9[%dma_wait3A_334, %dma_wait3A_336, %dma_wait3A_337] : memref<4x128x16xf32, #tpu.memory_space<vmem>> -> memref<1x128x16xf32, #tpu.memory_space<vmem>>
      %dma_wait3A_339 = tpu.memref_squeeze %dma_wait3A_338 : memref<1x128x16xf32, #tpu.memory_space<vmem>> -> memref<128x16xf32, #tpu.memory_space<vmem>>
      %dma_wait3A_340 = arith.constant 0 : i32
      %dma_wait3A_341 = tpu.memref_slice %arg7[%add3A_333, %dma_wait3A_340] : memref<80x128xi32, #tpu.memory_space<vmem>> -> memref<1x128xi32, #tpu.memory_space<vmem>>
      %dma_wait3A_342 = tpu.memref_squeeze %dma_wait3A_341 : memref<1x128xi32, #tpu.memory_space<vmem>> -> memref<128xi32, #tpu.memory_space<vmem>>
      %dma_wait3A_343 = arith.constant 0 : i32
      %dma_wait3A_344 = arith.constant 0 : i32
      %dma_wait3A_345 = tpu.memref_slice %arg2[%dma_wait3A_343, %dma_wait3A_344] : memref<10240x16xf32, #tpu.memory_space<hbm>> -> memref<10240x16xf32, #tpu.memory_space<hbm>>
      %dma_wait3A_346 = tpu.memref_slice %arg10[%dma_wait3A_335] : memref<4x!tpu.dma_semaphore, #tpu.memory_space<semaphore_mem>> -> memref<1x!tpu.dma_semaphore, #tpu.memory_space<semaphore_mem>>
      %dma_wait3A_347 = tpu.memref_squeeze %dma_wait3A_346 : memref<1x!tpu.dma_semaphore, #tpu.memory_space<semaphore_mem>> -> memref<!tpu.dma_semaphore, #tpu.memory_space<semaphore_mem>>
      tpu.wait_indirect_dma semaphore(%dma_wait3A_347 : memref<!tpu.dma_semaphore, #tpu.memory_space<semaphore_mem>>) src(%dma_wait3A_345 : memref<10240x16xf32, #tpu.memory_space<hbm>>) dst(%dma_wait3A_339 : memref<128x16xf32, #tpu.memory_space<vmem>>)
      %dma_start3A_348 = arith.constant 3 : i32
      %dma_start3A_349 = arith.constant 3 : i32
      %dma_start3A_350 = arith.constant 3 : i32
      %dma_start3A_351 = arith.constant 0 : i32
      %dma_start3A_352 = arith.constant 0 : i32
      %dma_start3A_353 = tpu.memref_slice %arg9[%dma_start3A_348, %dma_start3A_351, %dma_start3A_352] : memref<4x128x16xf32, #tpu.memory_space<vmem>> -> memref<1x128x16xf32, #tpu.memory_space<vmem>>
      %dma_start3A_354 = tpu.memref_squeeze %dma_start3A_353 : memref<1x128x16xf32, #tpu.memory_space<vmem>> -> memref<128x16xf32, #tpu.memory_space<vmem>>
      %dma_start3A_355 = arith.constant 0 : i32
      %dma_start3A_356 = tpu.memref_slice %arg8[%select_n3A_192, %dma_start3A_349, %dma_start3A_355] : memref<2x8x128xi32, #tpu.memory_space<vmem>> -> memref<1x1x128xi32, #tpu.memory_space<vmem>>
      %dma_start3A_357 = tpu.memref_squeeze %dma_start3A_356 : memref<1x1x128xi32, #tpu.memory_space<vmem>> -> memref<128xi32, #tpu.memory_space<vmem>>
      %dma_start3A_358 = arith.constant 0 : i32
      %dma_start3A_359 = arith.constant 0 : i32
      %dma_start3A_360 = tpu.memref_slice %arg6[%dma_start3A_358, %dma_start3A_359] : memref<10240x16xf32, #tpu.memory_space<vmem_shared>> -> memref<10240x16xf32, #tpu.memory_space<vmem_shared>>
      %dma_start3A_361 = tpu.memref_slice %arg11[%dma_start3A_350] : memref<4x!tpu.dma_semaphore, #tpu.memory_space<semaphore_mem>> -> memref<1x!tpu.dma_semaphore, #tpu.memory_space<semaphore_mem>>
      %dma_start3A_362 = tpu.memref_squeeze %dma_start3A_361 : memref<1x!tpu.dma_semaphore, #tpu.memory_space<semaphore_mem>> -> memref<!tpu.dma_semaphore, #tpu.memory_space<semaphore_mem>>
      tpu.enqueue_indirect_dma source(%dma_start3A_354 : memref<128x16xf32, #tpu.memory_space<vmem>>) target(%dma_start3A_360 : memref<10240x16xf32, #tpu.memory_space<vmem_shared>>) offsets(%dma_start3A_357 : memref<128xi32, #tpu.memory_space<vmem>>) semaphore(%dma_start3A_362 : memref<!tpu.dma_semaphore, #tpu.memory_space<semaphore_mem>>) {add = true}
      %add3A_363 = arith.constant 4 : i32
      %add3A_364 = arith.addi %add3A_333, %add3A_363 : i32
      %lt3A_365 = arith.constant 80 : i32
      %lt3A_366 = arith.cmpi slt, %add3A_364, %lt3A_365 : i32
      %convert_element_type3A_367 = arith.extui %lt3A_366 : i1 to i32
      %cond3A_368 = arith.constant 0 : i32
      %cond3A_369 = arith.cmpi ne, %convert_element_type3A_367, %cond3A_368 : i32
      scf.if %cond3A_369 {
        %dma_wait3A_537 = arith.constant 3 : i32
        %dma_wait3A_538 = arith.constant 3 : i32
        %dma_wait3A_539 = arith.constant 3 : i32
        %dma_wait3A_540 = arith.constant 0 : i32
        %dma_wait3A_541 = arith.constant 0 : i32
        %dma_wait3A_542 = tpu.memref_slice %arg9[%dma_wait3A_537, %dma_wait3A_540, %dma_wait3A_541] : memref<4x128x16xf32, #tpu.memory_space<vmem>> -> memref<1x128x16xf32, #tpu.memory_space<vmem>>
        %dma_wait3A_543 = tpu.memref_squeeze %dma_wait3A_542 : memref<1x128x16xf32, #tpu.memory_space<vmem>> -> memref<128x16xf32, #tpu.memory_space<vmem>>
        %dma_wait3A_544 = arith.constant 0 : i32
        %dma_wait3A_545 = tpu.memref_slice %arg8[%select_n3A_192, %dma_wait3A_538, %dma_wait3A_544] : memref<2x8x128xi32, #tpu.memory_space<vmem>> -> memref<1x1x128xi32, #tpu.memory_space<vmem>>
        %dma_wait3A_546 = tpu.memref_squeeze %dma_wait3A_545 : memref<1x1x128xi32, #tpu.memory_space<vmem>> -> memref<128xi32, #tpu.memory_space<vmem>>
        %dma_wait3A_547 = arith.constant 0 : i32
        %dma_wait3A_548 = arith.constant 0 : i32
        %dma_wait3A_549 = tpu.memref_slice %arg6[%dma_wait3A_547, %dma_wait3A_548] : memref<10240x16xf32, #tpu.memory_space<vmem_shared>> -> memref<10240x16xf32, #tpu.memory_space<vmem_shared>>
        %dma_wait3A_550 = tpu.memref_slice %arg11[%dma_wait3A_539] : memref<4x!tpu.dma_semaphore, #tpu.memory_space<semaphore_mem>> -> memref<1x!tpu.dma_semaphore, #tpu.memory_space<semaphore_mem>>
        %dma_wait3A_551 = tpu.memref_squeeze %dma_wait3A_550 : memref<1x!tpu.dma_semaphore, #tpu.memory_space<semaphore_mem>> -> memref<!tpu.dma_semaphore, #tpu.memory_space<semaphore_mem>>
        tpu.wait_indirect_dma semaphore(%dma_wait3A_551 : memref<!tpu.dma_semaphore, #tpu.memory_space<semaphore_mem>>) src(%dma_wait3A_543 : memref<128x16xf32, #tpu.memory_space<vmem>>) dst(%dma_wait3A_549 : memref<10240x16xf32, #tpu.memory_space<vmem_shared>>)
        %add3A_552 = arith.constant 4 : i32
        %add3A_553 = arith.addi %add3A_333, %add3A_552 : i32
        %dma_start3A_554 = arith.constant 3 : i32
        %dma_start3A_555 = arith.constant 3 : i32
        %dma_start3A_556 = arith.constant 0 : i32
        %dma_start3A_557 = arith.constant 0 : i32
        %dma_start3A_558 = tpu.memref_slice %arg9[%dma_start3A_554, %dma_start3A_556, %dma_start3A_557] : memref<4x128x16xf32, #tpu.memory_space<vmem>> -> memref<1x128x16xf32, #tpu.memory_space<vmem>>
        %dma_start3A_559 = tpu.memref_squeeze %dma_start3A_558 : memref<1x128x16xf32, #tpu.memory_space<vmem>> -> memref<128x16xf32, #tpu.memory_space<vmem>>
        %dma_start3A_560 = arith.constant 0 : i32
        %dma_start3A_561 = tpu.memref_slice %arg7[%add3A_553, %dma_start3A_560] : memref<80x128xi32, #tpu.memory_space<vmem>> -> memref<1x128xi32, #tpu.memory_space<vmem>>
        %dma_start3A_562 = tpu.memref_squeeze %dma_start3A_561 : memref<1x128xi32, #tpu.memory_space<vmem>> -> memref<128xi32, #tpu.memory_space<vmem>>
        %dma_start3A_563 = arith.constant 0 : i32
        %dma_start3A_564 = arith.constant 0 : i32
        %dma_start3A_565 = tpu.memref_slice %arg2[%dma_start3A_563, %dma_start3A_564] : memref<10240x16xf32, #tpu.memory_space<hbm>> -> memref<10240x16xf32, #tpu.memory_space<hbm>>
        %dma_start3A_566 = tpu.memref_slice %arg10[%dma_start3A_555] : memref<4x!tpu.dma_semaphore, #tpu.memory_space<semaphore_mem>> -> memref<1x!tpu.dma_semaphore, #tpu.memory_space<semaphore_mem>>
        %dma_start3A_567 = tpu.memref_squeeze %dma_start3A_566 : memref<1x!tpu.dma_semaphore, #tpu.memory_space<semaphore_mem>> -> memref<!tpu.dma_semaphore, #tpu.memory_space<semaphore_mem>>
        tpu.enqueue_indirect_dma source(%dma_start3A_565 : memref<10240x16xf32, #tpu.memory_space<hbm>>) target(%dma_start3A_559 : memref<128x16xf32, #tpu.memory_space<vmem>>) offsets(%dma_start3A_562 : memref<128xi32, #tpu.memory_space<vmem>>) semaphore(%dma_start3A_567 : memref<!tpu.dma_semaphore, #tpu.memory_space<semaphore_mem>>)
      } else {
      }
      %mul3A_370 = arith.constant 8 : i32
      %mul3A_371 = arith.muli %scan3A_181, %mul3A_370 : i32
      %add3A_372 = arith.constant 4 : i32
      %add3A_373 = arith.addi %mul3A_371, %add3A_372 : i32
      %dma_wait3A_374 = arith.constant 0 : i32
      %dma_wait3A_375 = arith.constant 0 : i32
      %dma_wait3A_376 = arith.constant 0 : i32
      %dma_wait3A_377 = arith.constant 0 : i32
      %dma_wait3A_378 = tpu.memref_slice %arg9[%dma_wait3A_374, %dma_wait3A_376, %dma_wait3A_377] : memref<4x128x16xf32, #tpu.memory_space<vmem>> -> memref<1x128x16xf32, #tpu.memory_space<vmem>>
      %dma_wait3A_379 = tpu.memref_squeeze %dma_wait3A_378 : memref<1x128x16xf32, #tpu.memory_space<vmem>> -> memref<128x16xf32, #tpu.memory_space<vmem>>
      %dma_wait3A_380 = arith.constant 0 : i32
      %dma_wait3A_381 = tpu.memref_slice %arg7[%add3A_373, %dma_wait3A_380] : memref<80x128xi32, #tpu.memory_space<vmem>> -> memref<1x128xi32, #tpu.memory_space<vmem>>
      %dma_wait3A_382 = tpu.memref_squeeze %dma_wait3A_381 : memref<1x128xi32, #tpu.memory_space<vmem>> -> memref<128xi32, #tpu.memory_space<vmem>>
      %dma_wait3A_383 = arith.constant 0 : i32
      %dma_wait3A_384 = arith.constant 0 : i32
      %dma_wait3A_385 = tpu.memref_slice %arg2[%dma_wait3A_383, %dma_wait3A_384] : memref<10240x16xf32, #tpu.memory_space<hbm>> -> memref<10240x16xf32, #tpu.memory_space<hbm>>
      %dma_wait3A_386 = tpu.memref_slice %arg10[%dma_wait3A_375] : memref<4x!tpu.dma_semaphore, #tpu.memory_space<semaphore_mem>> -> memref<1x!tpu.dma_semaphore, #tpu.memory_space<semaphore_mem>>
      %dma_wait3A_387 = tpu.memref_squeeze %dma_wait3A_386 : memref<1x!tpu.dma_semaphore, #tpu.memory_space<semaphore_mem>> -> memref<!tpu.dma_semaphore, #tpu.memory_space<semaphore_mem>>
      tpu.wait_indirect_dma semaphore(%dma_wait3A_387 : memref<!tpu.dma_semaphore, #tpu.memory_space<semaphore_mem>>) src(%dma_wait3A_385 : memref<10240x16xf32, #tpu.memory_space<hbm>>) dst(%dma_wait3A_379 : memref<128x16xf32, #tpu.memory_space<vmem>>)
      %dma_start3A_388 = arith.constant 0 : i32
      %dma_start3A_389 = arith.constant 4 : i32
      %dma_start3A_390 = arith.constant 0 : i32
      %dma_start3A_391 = arith.constant 0 : i32
      %dma_start3A_392 = arith.constant 0 : i32
      %dma_start3A_393 = tpu.memref_slice %arg9[%dma_start3A_388, %dma_start3A_391, %dma_start3A_392] : memref<4x128x16xf32, #tpu.memory_space<vmem>> -> memref<1x128x16xf32, #tpu.memory_space<vmem>>
      %dma_start3A_394 = tpu.memref_squeeze %dma_start3A_393 : memref<1x128x16xf32, #tpu.memory_space<vmem>> -> memref<128x16xf32, #tpu.memory_space<vmem>>
      %dma_start3A_395 = arith.constant 0 : i32
      %dma_start3A_396 = tpu.memref_slice %arg8[%select_n3A_192, %dma_start3A_389, %dma_start3A_395] : memref<2x8x128xi32, #tpu.memory_space<vmem>> -> memref<1x1x128xi32, #tpu.memory_space<vmem>>
      %dma_start3A_397 = tpu.memref_squeeze %dma_start3A_396 : memref<1x1x128xi32, #tpu.memory_space<vmem>> -> memref<128xi32, #tpu.memory_space<vmem>>
      %dma_start3A_398 = arith.constant 0 : i32
      %dma_start3A_399 = arith.constant 0 : i32
      %dma_start3A_400 = tpu.memref_slice %arg6[%dma_start3A_398, %dma_start3A_399] : memref<10240x16xf32, #tpu.memory_space<vmem_shared>> -> memref<10240x16xf32, #tpu.memory_space<vmem_shared>>
      %dma_start3A_401 = tpu.memref_slice %arg11[%dma_start3A_390] : memref<4x!tpu.dma_semaphore, #tpu.memory_space<semaphore_mem>> -> memref<1x!tpu.dma_semaphore, #tpu.memory_space<semaphore_mem>>
      %dma_start3A_402 = tpu.memref_squeeze %dma_start3A_401 : memref<1x!tpu.dma_semaphore, #tpu.memory_space<semaphore_mem>> -> memref<!tpu.dma_semaphore, #tpu.memory_space<semaphore_mem>>
      tpu.enqueue_indirect_dma source(%dma_start3A_394 : memref<128x16xf32, #tpu.memory_space<vmem>>) target(%dma_start3A_400 : memref<10240x16xf32, #tpu.memory_space<vmem_shared>>) offsets(%dma_start3A_397 : memref<128xi32, #tpu.memory_space<vmem>>) semaphore(%dma_start3A_402 : memref<!tpu.dma_semaphore, #tpu.memory_space<semaphore_mem>>) {add = true}
      %add3A_403 = arith.constant 4 : i32
      %add3A_404 = arith.addi %add3A_373, %add3A_403 : i32
      %lt3A_405 = arith.constant 80 : i32
      %lt3A_406 = arith.cmpi slt, %add3A_404, %lt3A_405 : i32
      %convert_element_type3A_407 = arith.extui %lt3A_406 : i1 to i32
      %cond3A_408 = arith.constant 0 : i32
      %cond3A_409 = arith.cmpi ne, %convert_element_type3A_407, %cond3A_408 : i32
      scf.if %cond3A_409 {
        %dma_wait3A_537 = arith.constant 0 : i32
        %dma_wait3A_538 = arith.constant 4 : i32
        %dma_wait3A_539 = arith.constant 0 : i32
        %dma_wait3A_540 = arith.constant 0 : i32
        %dma_wait3A_541 = arith.constant 0 : i32
        %dma_wait3A_542 = tpu.memref_slice %arg9[%dma_wait3A_537, %dma_wait3A_540, %dma_wait3A_541] : memref<4x128x16xf32, #tpu.memory_space<vmem>> -> memref<1x128x16xf32, #tpu.memory_space<vmem>>
        %dma_wait3A_543 = tpu.memref_squeeze %dma_wait3A_542 : memref<1x128x16xf32, #tpu.memory_space<vmem>> -> memref<128x16xf32, #tpu.memory_space<vmem>>
        %dma_wait3A_544 = arith.constant 0 : i32
        %dma_wait3A_545 = tpu.memref_slice %arg8[%select_n3A_192, %dma_wait3A_538, %dma_wait3A_544] : memref<2x8x128xi32, #tpu.memory_space<vmem>> -> memref<1x1x128xi32, #tpu.memory_space<vmem>>
        %dma_wait3A_546 = tpu.memref_squeeze %dma_wait3A_545 : memref<1x1x128xi32, #tpu.memory_space<vmem>> -> memref<128xi32, #tpu.memory_space<vmem>>
        %dma_wait3A_547 = arith.constant 0 : i32
        %dma_wait3A_548 = arith.constant 0 : i32
        %dma_wait3A_549 = tpu.memref_slice %arg6[%dma_wait3A_547, %dma_wait3A_548] : memref<10240x16xf32, #tpu.memory_space<vmem_shared>> -> memref<10240x16xf32, #tpu.memory_space<vmem_shared>>
        %dma_wait3A_550 = tpu.memref_slice %arg11[%dma_wait3A_539] : memref<4x!tpu.dma_semaphore, #tpu.memory_space<semaphore_mem>> -> memref<1x!tpu.dma_semaphore, #tpu.memory_space<semaphore_mem>>
        %dma_wait3A_551 = tpu.memref_squeeze %dma_wait3A_550 : memref<1x!tpu.dma_semaphore, #tpu.memory_space<semaphore_mem>> -> memref<!tpu.dma_semaphore, #tpu.memory_space<semaphore_mem>>
        tpu.wait_indirect_dma semaphore(%dma_wait3A_551 : memref<!tpu.dma_semaphore, #tpu.memory_space<semaphore_mem>>) src(%dma_wait3A_543 : memref<128x16xf32, #tpu.memory_space<vmem>>) dst(%dma_wait3A_549 : memref<10240x16xf32, #tpu.memory_space<vmem_shared>>)
        %add3A_552 = arith.constant 4 : i32
        %add3A_553 = arith.addi %add3A_373, %add3A_552 : i32
        %dma_start3A_554 = arith.constant 0 : i32
        %dma_start3A_555 = arith.constant 0 : i32
        %dma_start3A_556 = arith.constant 0 : i32
        %dma_start3A_557 = arith.constant 0 : i32
        %dma_start3A_558 = tpu.memref_slice %arg9[%dma_start3A_554, %dma_start3A_556, %dma_start3A_557] : memref<4x128x16xf32, #tpu.memory_space<vmem>> -> memref<1x128x16xf32, #tpu.memory_space<vmem>>
        %dma_start3A_559 = tpu.memref_squeeze %dma_start3A_558 : memref<1x128x16xf32, #tpu.memory_space<vmem>> -> memref<128x16xf32, #tpu.memory_space<vmem>>
        %dma_start3A_560 = arith.constant 0 : i32
        %dma_start3A_561 = tpu.memref_slice %arg7[%add3A_553, %dma_start3A_560] : memref<80x128xi32, #tpu.memory_space<vmem>> -> memref<1x128xi32, #tpu.memory_space<vmem>>
        %dma_start3A_562 = tpu.memref_squeeze %dma_start3A_561 : memref<1x128xi32, #tpu.memory_space<vmem>> -> memref<128xi32, #tpu.memory_space<vmem>>
        %dma_start3A_563 = arith.constant 0 : i32
        %dma_start3A_564 = arith.constant 0 : i32
        %dma_start3A_565 = tpu.memref_slice %arg2[%dma_start3A_563, %dma_start3A_564] : memref<10240x16xf32, #tpu.memory_space<hbm>> -> memref<10240x16xf32, #tpu.memory_space<hbm>>
        %dma_start3A_566 = tpu.memref_slice %arg10[%dma_start3A_555] : memref<4x!tpu.dma_semaphore, #tpu.memory_space<semaphore_mem>> -> memref<1x!tpu.dma_semaphore, #tpu.memory_space<semaphore_mem>>
        %dma_start3A_567 = tpu.memref_squeeze %dma_start3A_566 : memref<1x!tpu.dma_semaphore, #tpu.memory_space<semaphore_mem>> -> memref<!tpu.dma_semaphore, #tpu.memory_space<semaphore_mem>>
        tpu.enqueue_indirect_dma source(%dma_start3A_565 : memref<10240x16xf32, #tpu.memory_space<hbm>>) target(%dma_start3A_559 : memref<128x16xf32, #tpu.memory_space<vmem>>) offsets(%dma_start3A_562 : memref<128xi32, #tpu.memory_space<vmem>>) semaphore(%dma_start3A_567 : memref<!tpu.dma_semaphore, #tpu.memory_space<semaphore_mem>>)
      } else {
      }
      %mul3A_410 = arith.constant 8 : i32
      %mul3A_411 = arith.muli %scan3A_181, %mul3A_410 : i32
      %add3A_412 = arith.constant 5 : i32
      %add3A_413 = arith.addi %mul3A_411, %add3A_412 : i32
      %dma_wait3A_414 = arith.constant 1 : i32
      %dma_wait3A_415 = arith.constant 1 : i32
      %dma_wait3A_416 = arith.constant 0 : i32
      %dma_wait3A_417 = arith.constant 0 : i32
      %dma_wait3A_418 = tpu.memref_slice %arg9[%dma_wait3A_414, %dma_wait3A_416, %dma_wait3A_417] : memref<4x128x16xf32, #tpu.memory_space<vmem>> -> memref<1x128x16xf32, #tpu.memory_space<vmem>>
      %dma_wait3A_419 = tpu.memref_squeeze %dma_wait3A_418 : memref<1x128x16xf32, #tpu.memory_space<vmem>> -> memref<128x16xf32, #tpu.memory_space<vmem>>
      %dma_wait3A_420 = arith.constant 0 : i32
      %dma_wait3A_421 = tpu.memref_slice %arg7[%add3A_413, %dma_wait3A_420] : memref<80x128xi32, #tpu.memory_space<vmem>> -> memref<1x128xi32, #tpu.memory_space<vmem>>
      %dma_wait3A_422 = tpu.memref_squeeze %dma_wait3A_421 : memref<1x128xi32, #tpu.memory_space<vmem>> -> memref<128xi32, #tpu.memory_space<vmem>>
      %dma_wait3A_423 = arith.constant 0 : i32
      %dma_wait3A_424 = arith.constant 0 : i32
      %dma_wait3A_425 = tpu.memref_slice %arg2[%dma_wait3A_423, %dma_wait3A_424] : memref<10240x16xf32, #tpu.memory_space<hbm>> -> memref<10240x16xf32, #tpu.memory_space<hbm>>
      %dma_wait3A_426 = tpu.memref_slice %arg10[%dma_wait3A_415] : memref<4x!tpu.dma_semaphore, #tpu.memory_space<semaphore_mem>> -> memref<1x!tpu.dma_semaphore, #tpu.memory_space<semaphore_mem>>
      %dma_wait3A_427 = tpu.memref_squeeze %dma_wait3A_426 : memref<1x!tpu.dma_semaphore, #tpu.memory_space<semaphore_mem>> -> memref<!tpu.dma_semaphore, #tpu.memory_space<semaphore_mem>>
      tpu.wait_indirect_dma semaphore(%dma_wait3A_427 : memref<!tpu.dma_semaphore, #tpu.memory_space<semaphore_mem>>) src(%dma_wait3A_425 : memref<10240x16xf32, #tpu.memory_space<hbm>>) dst(%dma_wait3A_419 : memref<128x16xf32, #tpu.memory_space<vmem>>)
      %dma_start3A_428 = arith.constant 1 : i32
      %dma_start3A_429 = arith.constant 5 : i32
      %dma_start3A_430 = arith.constant 1 : i32
      %dma_start3A_431 = arith.constant 0 : i32
      %dma_start3A_432 = arith.constant 0 : i32
      %dma_start3A_433 = tpu.memref_slice %arg9[%dma_start3A_428, %dma_start3A_431, %dma_start3A_432] : memref<4x128x16xf32, #tpu.memory_space<vmem>> -> memref<1x128x16xf32, #tpu.memory_space<vmem>>
      %dma_start3A_434 = tpu.memref_squeeze %dma_start3A_433 : memref<1x128x16xf32, #tpu.memory_space<vmem>> -> memref<128x16xf32, #tpu.memory_space<vmem>>
      %dma_start3A_435 = arith.constant 0 : i32
      %dma_start3A_436 = tpu.memref_slice %arg8[%select_n3A_192, %dma_start3A_429, %dma_start3A_435] : memref<2x8x128xi32, #tpu.memory_space<vmem>> -> memref<1x1x128xi32, #tpu.memory_space<vmem>>
      %dma_start3A_437 = tpu.memref_squeeze %dma_start3A_436 : memref<1x1x128xi32, #tpu.memory_space<vmem>> -> memref<128xi32, #tpu.memory_space<vmem>>
      %dma_start3A_438 = arith.constant 0 : i32
      %dma_start3A_439 = arith.constant 0 : i32
      %dma_start3A_440 = tpu.memref_slice %arg6[%dma_start3A_438, %dma_start3A_439] : memref<10240x16xf32, #tpu.memory_space<vmem_shared>> -> memref<10240x16xf32, #tpu.memory_space<vmem_shared>>
      %dma_start3A_441 = tpu.memref_slice %arg11[%dma_start3A_430] : memref<4x!tpu.dma_semaphore, #tpu.memory_space<semaphore_mem>> -> memref<1x!tpu.dma_semaphore, #tpu.memory_space<semaphore_mem>>
      %dma_start3A_442 = tpu.memref_squeeze %dma_start3A_441 : memref<1x!tpu.dma_semaphore, #tpu.memory_space<semaphore_mem>> -> memref<!tpu.dma_semaphore, #tpu.memory_space<semaphore_mem>>
      tpu.enqueue_indirect_dma source(%dma_start3A_434 : memref<128x16xf32, #tpu.memory_space<vmem>>) target(%dma_start3A_440 : memref<10240x16xf32, #tpu.memory_space<vmem_shared>>) offsets(%dma_start3A_437 : memref<128xi32, #tpu.memory_space<vmem>>) semaphore(%dma_start3A_442 : memref<!tpu.dma_semaphore, #tpu.memory_space<semaphore_mem>>) {add = true}
      %add3A_443 = arith.constant 4 : i32
      %add3A_444 = arith.addi %add3A_413, %add3A_443 : i32
      %lt3A_445 = arith.constant 80 : i32
      %lt3A_446 = arith.cmpi slt, %add3A_444, %lt3A_445 : i32
      %convert_element_type3A_447 = arith.extui %lt3A_446 : i1 to i32
      %cond3A_448 = arith.constant 0 : i32
      %cond3A_449 = arith.cmpi ne, %convert_element_type3A_447, %cond3A_448 : i32
      scf.if %cond3A_449 {
        %dma_wait3A_537 = arith.constant 1 : i32
        %dma_wait3A_538 = arith.constant 5 : i32
        %dma_wait3A_539 = arith.constant 1 : i32
        %dma_wait3A_540 = arith.constant 0 : i32
        %dma_wait3A_541 = arith.constant 0 : i32
        %dma_wait3A_542 = tpu.memref_slice %arg9[%dma_wait3A_537, %dma_wait3A_540, %dma_wait3A_541] : memref<4x128x16xf32, #tpu.memory_space<vmem>> -> memref<1x128x16xf32, #tpu.memory_space<vmem>>
        %dma_wait3A_543 = tpu.memref_squeeze %dma_wait3A_542 : memref<1x128x16xf32, #tpu.memory_space<vmem>> -> memref<128x16xf32, #tpu.memory_space<vmem>>
        %dma_wait3A_544 = arith.constant 0 : i32
        %dma_wait3A_545 = tpu.memref_slice %arg8[%select_n3A_192, %dma_wait3A_538, %dma_wait3A_544] : memref<2x8x128xi32, #tpu.memory_space<vmem>> -> memref<1x1x128xi32, #tpu.memory_space<vmem>>
        %dma_wait3A_546 = tpu.memref_squeeze %dma_wait3A_545 : memref<1x1x128xi32, #tpu.memory_space<vmem>> -> memref<128xi32, #tpu.memory_space<vmem>>
        %dma_wait3A_547 = arith.constant 0 : i32
        %dma_wait3A_548 = arith.constant 0 : i32
        %dma_wait3A_549 = tpu.memref_slice %arg6[%dma_wait3A_547, %dma_wait3A_548] : memref<10240x16xf32, #tpu.memory_space<vmem_shared>> -> memref<10240x16xf32, #tpu.memory_space<vmem_shared>>
        %dma_wait3A_550 = tpu.memref_slice %arg11[%dma_wait3A_539] : memref<4x!tpu.dma_semaphore, #tpu.memory_space<semaphore_mem>> -> memref<1x!tpu.dma_semaphore, #tpu.memory_space<semaphore_mem>>
        %dma_wait3A_551 = tpu.memref_squeeze %dma_wait3A_550 : memref<1x!tpu.dma_semaphore, #tpu.memory_space<semaphore_mem>> -> memref<!tpu.dma_semaphore, #tpu.memory_space<semaphore_mem>>
        tpu.wait_indirect_dma semaphore(%dma_wait3A_551 : memref<!tpu.dma_semaphore, #tpu.memory_space<semaphore_mem>>) src(%dma_wait3A_543 : memref<128x16xf32, #tpu.memory_space<vmem>>) dst(%dma_wait3A_549 : memref<10240x16xf32, #tpu.memory_space<vmem_shared>>)
        %add3A_552 = arith.constant 4 : i32
        %add3A_553 = arith.addi %add3A_413, %add3A_552 : i32
        %dma_start3A_554 = arith.constant 1 : i32
        %dma_start3A_555 = arith.constant 1 : i32
        %dma_start3A_556 = arith.constant 0 : i32
        %dma_start3A_557 = arith.constant 0 : i32
        %dma_start3A_558 = tpu.memref_slice %arg9[%dma_start3A_554, %dma_start3A_556, %dma_start3A_557] : memref<4x128x16xf32, #tpu.memory_space<vmem>> -> memref<1x128x16xf32, #tpu.memory_space<vmem>>
        %dma_start3A_559 = tpu.memref_squeeze %dma_start3A_558 : memref<1x128x16xf32, #tpu.memory_space<vmem>> -> memref<128x16xf32, #tpu.memory_space<vmem>>
        %dma_start3A_560 = arith.constant 0 : i32
        %dma_start3A_561 = tpu.memref_slice %arg7[%add3A_553, %dma_start3A_560] : memref<80x128xi32, #tpu.memory_space<vmem>> -> memref<1x128xi32, #tpu.memory_space<vmem>>
        %dma_start3A_562 = tpu.memref_squeeze %dma_start3A_561 : memref<1x128xi32, #tpu.memory_space<vmem>> -> memref<128xi32, #tpu.memory_space<vmem>>
        %dma_start3A_563 = arith.constant 0 : i32
        %dma_start3A_564 = arith.constant 0 : i32
        %dma_start3A_565 = tpu.memref_slice %arg2[%dma_start3A_563, %dma_start3A_564] : memref<10240x16xf32, #tpu.memory_space<hbm>> -> memref<10240x16xf32, #tpu.memory_space<hbm>>
        %dma_start3A_566 = tpu.memref_slice %arg10[%dma_start3A_555] : memref<4x!tpu.dma_semaphore, #tpu.memory_space<semaphore_mem>> -> memref<1x!tpu.dma_semaphore, #tpu.memory_space<semaphore_mem>>
        %dma_start3A_567 = tpu.memref_squeeze %dma_start3A_566 : memref<1x!tpu.dma_semaphore, #tpu.memory_space<semaphore_mem>> -> memref<!tpu.dma_semaphore, #tpu.memory_space<semaphore_mem>>
        tpu.enqueue_indirect_dma source(%dma_start3A_565 : memref<10240x16xf32, #tpu.memory_space<hbm>>) target(%dma_start3A_559 : memref<128x16xf32, #tpu.memory_space<vmem>>) offsets(%dma_start3A_562 : memref<128xi32, #tpu.memory_space<vmem>>) semaphore(%dma_start3A_567 : memref<!tpu.dma_semaphore, #tpu.memory_space<semaphore_mem>>)
      } else {
      }
      %mul3A_450 = arith.constant 8 : i32
      %mul3A_451 = arith.muli %scan3A_181, %mul3A_450 : i32
      %add3A_452 = arith.constant 6 : i32
      %add3A_453 = arith.addi %mul3A_451, %add3A_452 : i32
      %dma_wait3A_454 = arith.constant 2 : i32
      %dma_wait3A_455 = arith.constant 2 : i32
      %dma_wait3A_456 = arith.constant 0 : i32
      %dma_wait3A_457 = arith.constant 0 : i32
      %dma_wait3A_458 = tpu.memref_slice %arg9[%dma_wait3A_454, %dma_wait3A_456, %dma_wait3A_457] : memref<4x128x16xf32, #tpu.memory_space<vmem>> -> memref<1x128x16xf32, #tpu.memory_space<vmem>>
      %dma_wait3A_459 = tpu.memref_squeeze %dma_wait3A_458 : memref<1x128x16xf32, #tpu.memory_space<vmem>> -> memref<128x16xf32, #tpu.memory_space<vmem>>
      %dma_wait3A_460 = arith.constant 0 : i32
      %dma_wait3A_461 = tpu.memref_slice %arg7[%add3A_453, %dma_wait3A_460] : memref<80x128xi32, #tpu.memory_space<vmem>> -> memref<1x128xi32, #tpu.memory_space<vmem>>
      %dma_wait3A_462 = tpu.memref_squeeze %dma_wait3A_461 : memref<1x128xi32, #tpu.memory_space<vmem>> -> memref<128xi32, #tpu.memory_space<vmem>>
      %dma_wait3A_463 = arith.constant 0 : i32
      %dma_wait3A_464 = arith.constant 0 : i32
      %dma_wait3A_465 = tpu.memref_slice %arg2[%dma_wait3A_463, %dma_wait3A_464] : memref<10240x16xf32, #tpu.memory_space<hbm>> -> memref<10240x16xf32, #tpu.memory_space<hbm>>
      %dma_wait3A_466 = tpu.memref_slice %arg10[%dma_wait3A_455] : memref<4x!tpu.dma_semaphore, #tpu.memory_space<semaphore_mem>> -> memref<1x!tpu.dma_semaphore, #tpu.memory_space<semaphore_mem>>
      %dma_wait3A_467 = tpu.memref_squeeze %dma_wait3A_466 : memref<1x!tpu.dma_semaphore, #tpu.memory_space<semaphore_mem>> -> memref<!tpu.dma_semaphore, #tpu.memory_space<semaphore_mem>>
      tpu.wait_indirect_dma semaphore(%dma_wait3A_467 : memref<!tpu.dma_semaphore, #tpu.memory_space<semaphore_mem>>) src(%dma_wait3A_465 : memref<10240x16xf32, #tpu.memory_space<hbm>>) dst(%dma_wait3A_459 : memref<128x16xf32, #tpu.memory_space<vmem>>)
      %dma_start3A_468 = arith.constant 2 : i32
      %dma_start3A_469 = arith.constant 6 : i32
      %dma_start3A_470 = arith.constant 2 : i32
      %dma_start3A_471 = arith.constant 0 : i32
      %dma_start3A_472 = arith.constant 0 : i32
      %dma_start3A_473 = tpu.memref_slice %arg9[%dma_start3A_468, %dma_start3A_471, %dma_start3A_472] : memref<4x128x16xf32, #tpu.memory_space<vmem>> -> memref<1x128x16xf32, #tpu.memory_space<vmem>>
      %dma_start3A_474 = tpu.memref_squeeze %dma_start3A_473 : memref<1x128x16xf32, #tpu.memory_space<vmem>> -> memref<128x16xf32, #tpu.memory_space<vmem>>
      %dma_start3A_475 = arith.constant 0 : i32
      %dma_start3A_476 = tpu.memref_slice %arg8[%select_n3A_192, %dma_start3A_469, %dma_start3A_475] : memref<2x8x128xi32, #tpu.memory_space<vmem>> -> memref<1x1x128xi32, #tpu.memory_space<vmem>>
      %dma_start3A_477 = tpu.memref_squeeze %dma_start3A_476 : memref<1x1x128xi32, #tpu.memory_space<vmem>> -> memref<128xi32, #tpu.memory_space<vmem>>
      %dma_start3A_478 = arith.constant 0 : i32
      %dma_start3A_479 = arith.constant 0 : i32
      %dma_start3A_480 = tpu.memref_slice %arg6[%dma_start3A_478, %dma_start3A_479] : memref<10240x16xf32, #tpu.memory_space<vmem_shared>> -> memref<10240x16xf32, #tpu.memory_space<vmem_shared>>
      %dma_start3A_481 = tpu.memref_slice %arg11[%dma_start3A_470] : memref<4x!tpu.dma_semaphore, #tpu.memory_space<semaphore_mem>> -> memref<1x!tpu.dma_semaphore, #tpu.memory_space<semaphore_mem>>
      %dma_start3A_482 = tpu.memref_squeeze %dma_start3A_481 : memref<1x!tpu.dma_semaphore, #tpu.memory_space<semaphore_mem>> -> memref<!tpu.dma_semaphore, #tpu.memory_space<semaphore_mem>>
      tpu.enqueue_indirect_dma source(%dma_start3A_474 : memref<128x16xf32, #tpu.memory_space<vmem>>) target(%dma_start3A_480 : memref<10240x16xf32, #tpu.memory_space<vmem_shared>>) offsets(%dma_start3A_477 : memref<128xi32, #tpu.memory_space<vmem>>) semaphore(%dma_start3A_482 : memref<!tpu.dma_semaphore, #tpu.memory_space<semaphore_mem>>) {add = true}
      %add3A_483 = arith.constant 4 : i32
      %add3A_484 = arith.addi %add3A_453, %add3A_483 : i32
      %lt3A_485 = arith.constant 80 : i32
      %lt3A_486 = arith.cmpi slt, %add3A_484, %lt3A_485 : i32
      %convert_element_type3A_487 = arith.extui %lt3A_486 : i1 to i32
      %cond3A_488 = arith.constant 0 : i32
      %cond3A_489 = arith.cmpi ne, %convert_element_type3A_487, %cond3A_488 : i32
      scf.if %cond3A_489 {
        %dma_wait3A_537 = arith.constant 2 : i32
        %dma_wait3A_538 = arith.constant 6 : i32
        %dma_wait3A_539 = arith.constant 2 : i32
        %dma_wait3A_540 = arith.constant 0 : i32
        %dma_wait3A_541 = arith.constant 0 : i32
        %dma_wait3A_542 = tpu.memref_slice %arg9[%dma_wait3A_537, %dma_wait3A_540, %dma_wait3A_541] : memref<4x128x16xf32, #tpu.memory_space<vmem>> -> memref<1x128x16xf32, #tpu.memory_space<vmem>>
        %dma_wait3A_543 = tpu.memref_squeeze %dma_wait3A_542 : memref<1x128x16xf32, #tpu.memory_space<vmem>> -> memref<128x16xf32, #tpu.memory_space<vmem>>
        %dma_wait3A_544 = arith.constant 0 : i32
        %dma_wait3A_545 = tpu.memref_slice %arg8[%select_n3A_192, %dma_wait3A_538, %dma_wait3A_544] : memref<2x8x128xi32, #tpu.memory_space<vmem>> -> memref<1x1x128xi32, #tpu.memory_space<vmem>>
        %dma_wait3A_546 = tpu.memref_squeeze %dma_wait3A_545 : memref<1x1x128xi32, #tpu.memory_space<vmem>> -> memref<128xi32, #tpu.memory_space<vmem>>
        %dma_wait3A_547 = arith.constant 0 : i32
        %dma_wait3A_548 = arith.constant 0 : i32
        %dma_wait3A_549 = tpu.memref_slice %arg6[%dma_wait3A_547, %dma_wait3A_548] : memref<10240x16xf32, #tpu.memory_space<vmem_shared>> -> memref<10240x16xf32, #tpu.memory_space<vmem_shared>>
        %dma_wait3A_550 = tpu.memref_slice %arg11[%dma_wait3A_539] : memref<4x!tpu.dma_semaphore, #tpu.memory_space<semaphore_mem>> -> memref<1x!tpu.dma_semaphore, #tpu.memory_space<semaphore_mem>>
        %dma_wait3A_551 = tpu.memref_squeeze %dma_wait3A_550 : memref<1x!tpu.dma_semaphore, #tpu.memory_space<semaphore_mem>> -> memref<!tpu.dma_semaphore, #tpu.memory_space<semaphore_mem>>
        tpu.wait_indirect_dma semaphore(%dma_wait3A_551 : memref<!tpu.dma_semaphore, #tpu.memory_space<semaphore_mem>>) src(%dma_wait3A_543 : memref<128x16xf32, #tpu.memory_space<vmem>>) dst(%dma_wait3A_549 : memref<10240x16xf32, #tpu.memory_space<vmem_shared>>)
        %add3A_552 = arith.constant 4 : i32
        %add3A_553 = arith.addi %add3A_453, %add3A_552 : i32
        %dma_start3A_554 = arith.constant 2 : i32
        %dma_start3A_555 = arith.constant 2 : i32
        %dma_start3A_556 = arith.constant 0 : i32
        %dma_start3A_557 = arith.constant 0 : i32
        %dma_start3A_558 = tpu.memref_slice %arg9[%dma_start3A_554, %dma_start3A_556, %dma_start3A_557] : memref<4x128x16xf32, #tpu.memory_space<vmem>> -> memref<1x128x16xf32, #tpu.memory_space<vmem>>
        %dma_start3A_559 = tpu.memref_squeeze %dma_start3A_558 : memref<1x128x16xf32, #tpu.memory_space<vmem>> -> memref<128x16xf32, #tpu.memory_space<vmem>>
        %dma_start3A_560 = arith.constant 0 : i32
        %dma_start3A_561 = tpu.memref_slice %arg7[%add3A_553, %dma_start3A_560] : memref<80x128xi32, #tpu.memory_space<vmem>> -> memref<1x128xi32, #tpu.memory_space<vmem>>
        %dma_start3A_562 = tpu.memref_squeeze %dma_start3A_561 : memref<1x128xi32, #tpu.memory_space<vmem>> -> memref<128xi32, #tpu.memory_space<vmem>>
        %dma_start3A_563 = arith.constant 0 : i32
        %dma_start3A_564 = arith.constant 0 : i32
        %dma_start3A_565 = tpu.memref_slice %arg2[%dma_start3A_563, %dma_start3A_564] : memref<10240x16xf32, #tpu.memory_space<hbm>> -> memref<10240x16xf32, #tpu.memory_space<hbm>>
        %dma_start3A_566 = tpu.memref_slice %arg10[%dma_start3A_555] : memref<4x!tpu.dma_semaphore, #tpu.memory_space<semaphore_mem>> -> memref<1x!tpu.dma_semaphore, #tpu.memory_space<semaphore_mem>>
        %dma_start3A_567 = tpu.memref_squeeze %dma_start3A_566 : memref<1x!tpu.dma_semaphore, #tpu.memory_space<semaphore_mem>> -> memref<!tpu.dma_semaphore, #tpu.memory_space<semaphore_mem>>
        tpu.enqueue_indirect_dma source(%dma_start3A_565 : memref<10240x16xf32, #tpu.memory_space<hbm>>) target(%dma_start3A_559 : memref<128x16xf32, #tpu.memory_space<vmem>>) offsets(%dma_start3A_562 : memref<128xi32, #tpu.memory_space<vmem>>) semaphore(%dma_start3A_567 : memref<!tpu.dma_semaphore, #tpu.memory_space<semaphore_mem>>)
      } else {
      }
      %mul3A_490 = arith.constant 8 : i32
      %mul3A_491 = arith.muli %scan3A_181, %mul3A_490 : i32
      %add3A_492 = arith.constant 7 : i32
      %add3A_493 = arith.addi %mul3A_491, %add3A_492 : i32
      %dma_wait3A_494 = arith.constant 3 : i32
      %dma_wait3A_495 = arith.constant 3 : i32
      %dma_wait3A_496 = arith.constant 0 : i32
      %dma_wait3A_497 = arith.constant 0 : i32
      %dma_wait3A_498 = tpu.memref_slice %arg9[%dma_wait3A_494, %dma_wait3A_496, %dma_wait3A_497] : memref<4x128x16xf32, #tpu.memory_space<vmem>> -> memref<1x128x16xf32, #tpu.memory_space<vmem>>
      %dma_wait3A_499 = tpu.memref_squeeze %dma_wait3A_498 : memref<1x128x16xf32, #tpu.memory_space<vmem>> -> memref<128x16xf32, #tpu.memory_space<vmem>>
      %dma_wait3A_500 = arith.constant 0 : i32
      %dma_wait3A_501 = tpu.memref_slice %arg7[%add3A_493, %dma_wait3A_500] : memref<80x128xi32, #tpu.memory_space<vmem>> -> memref<1x128xi32, #tpu.memory_space<vmem>>
      %dma_wait3A_502 = tpu.memref_squeeze %dma_wait3A_501 : memref<1x128xi32, #tpu.memory_space<vmem>> -> memref<128xi32, #tpu.memory_space<vmem>>
      %dma_wait3A_503 = arith.constant 0 : i32
      %dma_wait3A_504 = arith.constant 0 : i32
      %dma_wait3A_505 = tpu.memref_slice %arg2[%dma_wait3A_503, %dma_wait3A_504] : memref<10240x16xf32, #tpu.memory_space<hbm>> -> memref<10240x16xf32, #tpu.memory_space<hbm>>
      %dma_wait3A_506 = tpu.memref_slice %arg10[%dma_wait3A_495] : memref<4x!tpu.dma_semaphore, #tpu.memory_space<semaphore_mem>> -> memref<1x!tpu.dma_semaphore, #tpu.memory_space<semaphore_mem>>
      %dma_wait3A_507 = tpu.memref_squeeze %dma_wait3A_506 : memref<1x!tpu.dma_semaphore, #tpu.memory_space<semaphore_mem>> -> memref<!tpu.dma_semaphore, #tpu.memory_space<semaphore_mem>>
      tpu.wait_indirect_dma semaphore(%dma_wait3A_507 : memref<!tpu.dma_semaphore, #tpu.memory_space<semaphore_mem>>) src(%dma_wait3A_505 : memref<10240x16xf32, #tpu.memory_space<hbm>>) dst(%dma_wait3A_499 : memref<128x16xf32, #tpu.memory_space<vmem>>)
      %dma_start3A_508 = arith.constant 3 : i32
      %dma_start3A_509 = arith.constant 7 : i32
      %dma_start3A_510 = arith.constant 3 : i32
      %dma_start3A_511 = arith.constant 0 : i32
      %dma_start3A_512 = arith.constant 0 : i32
      %dma_start3A_513 = tpu.memref_slice %arg9[%dma_start3A_508, %dma_start3A_511, %dma_start3A_512] : memref<4x128x16xf32, #tpu.memory_space<vmem>> -> memref<1x128x16xf32, #tpu.memory_space<vmem>>
      %dma_start3A_514 = tpu.memref_squeeze %dma_start3A_513 : memref<1x128x16xf32, #tpu.memory_space<vmem>> -> memref<128x16xf32, #tpu.memory_space<vmem>>
      %dma_start3A_515 = arith.constant 0 : i32
      %dma_start3A_516 = tpu.memref_slice %arg8[%select_n3A_192, %dma_start3A_509, %dma_start3A_515] : memref<2x8x128xi32, #tpu.memory_space<vmem>> -> memref<1x1x128xi32, #tpu.memory_space<vmem>>
      %dma_start3A_517 = tpu.memref_squeeze %dma_start3A_516 : memref<1x1x128xi32, #tpu.memory_space<vmem>> -> memref<128xi32, #tpu.memory_space<vmem>>
      %dma_start3A_518 = arith.constant 0 : i32
      %dma_start3A_519 = arith.constant 0 : i32
      %dma_start3A_520 = tpu.memref_slice %arg6[%dma_start3A_518, %dma_start3A_519] : memref<10240x16xf32, #tpu.memory_space<vmem_shared>> -> memref<10240x16xf32, #tpu.memory_space<vmem_shared>>
      %dma_start3A_521 = tpu.memref_slice %arg11[%dma_start3A_510] : memref<4x!tpu.dma_semaphore, #tpu.memory_space<semaphore_mem>> -> memref<1x!tpu.dma_semaphore, #tpu.memory_space<semaphore_mem>>
      %dma_start3A_522 = tpu.memref_squeeze %dma_start3A_521 : memref<1x!tpu.dma_semaphore, #tpu.memory_space<semaphore_mem>> -> memref<!tpu.dma_semaphore, #tpu.memory_space<semaphore_mem>>
      tpu.enqueue_indirect_dma source(%dma_start3A_514 : memref<128x16xf32, #tpu.memory_space<vmem>>) target(%dma_start3A_520 : memref<10240x16xf32, #tpu.memory_space<vmem_shared>>) offsets(%dma_start3A_517 : memref<128xi32, #tpu.memory_space<vmem>>) semaphore(%dma_start3A_522 : memref<!tpu.dma_semaphore, #tpu.memory_space<semaphore_mem>>) {add = true}
      %add3A_523 = arith.constant 4 : i32
      %add3A_524 = arith.addi %add3A_493, %add3A_523 : i32
      %lt3A_525 = arith.constant 80 : i32
      %lt3A_526 = arith.cmpi slt, %add3A_524, %lt3A_525 : i32
      %convert_element_type3A_527 = arith.extui %lt3A_526 : i1 to i32
      %cond3A_528 = arith.constant 0 : i32
      %cond3A_529 = arith.cmpi ne, %convert_element_type3A_527, %cond3A_528 : i32
      scf.if %cond3A_529 {
        %dma_wait3A_537 = arith.constant 3 : i32
        %dma_wait3A_538 = arith.constant 7 : i32
        %dma_wait3A_539 = arith.constant 3 : i32
        %dma_wait3A_540 = arith.constant 0 : i32
        %dma_wait3A_541 = arith.constant 0 : i32
        %dma_wait3A_542 = tpu.memref_slice %arg9[%dma_wait3A_537, %dma_wait3A_540, %dma_wait3A_541] : memref<4x128x16xf32, #tpu.memory_space<vmem>> -> memref<1x128x16xf32, #tpu.memory_space<vmem>>
        %dma_wait3A_543 = tpu.memref_squeeze %dma_wait3A_542 : memref<1x128x16xf32, #tpu.memory_space<vmem>> -> memref<128x16xf32, #tpu.memory_space<vmem>>
        %dma_wait3A_544 = arith.constant 0 : i32
        %dma_wait3A_545 = tpu.memref_slice %arg8[%select_n3A_192, %dma_wait3A_538, %dma_wait3A_544] : memref<2x8x128xi32, #tpu.memory_space<vmem>> -> memref<1x1x128xi32, #tpu.memory_space<vmem>>
        %dma_wait3A_546 = tpu.memref_squeeze %dma_wait3A_545 : memref<1x1x128xi32, #tpu.memory_space<vmem>> -> memref<128xi32, #tpu.memory_space<vmem>>
        %dma_wait3A_547 = arith.constant 0 : i32
        %dma_wait3A_548 = arith.constant 0 : i32
        %dma_wait3A_549 = tpu.memref_slice %arg6[%dma_wait3A_547, %dma_wait3A_548] : memref<10240x16xf32, #tpu.memory_space<vmem_shared>> -> memref<10240x16xf32, #tpu.memory_space<vmem_shared>>
        %dma_wait3A_550 = tpu.memref_slice %arg11[%dma_wait3A_539] : memref<4x!tpu.dma_semaphore, #tpu.memory_space<semaphore_mem>> -> memref<1x!tpu.dma_semaphore, #tpu.memory_space<semaphore_mem>>
        %dma_wait3A_551 = tpu.memref_squeeze %dma_wait3A_550 : memref<1x!tpu.dma_semaphore, #tpu.memory_space<semaphore_mem>> -> memref<!tpu.dma_semaphore, #tpu.memory_space<semaphore_mem>>
        tpu.wait_indirect_dma semaphore(%dma_wait3A_551 : memref<!tpu.dma_semaphore, #tpu.memory_space<semaphore_mem>>) src(%dma_wait3A_543 : memref<128x16xf32, #tpu.memory_space<vmem>>) dst(%dma_wait3A_549 : memref<10240x16xf32, #tpu.memory_space<vmem_shared>>)
        %add3A_552 = arith.constant 4 : i32
        %add3A_553 = arith.addi %add3A_493, %add3A_552 : i32
        %dma_start3A_554 = arith.constant 3 : i32
        %dma_start3A_555 = arith.constant 3 : i32
        %dma_start3A_556 = arith.constant 0 : i32
        %dma_start3A_557 = arith.constant 0 : i32
        %dma_start3A_558 = tpu.memref_slice %arg9[%dma_start3A_554, %dma_start3A_556, %dma_start3A_557] : memref<4x128x16xf32, #tpu.memory_space<vmem>> -> memref<1x128x16xf32, #tpu.memory_space<vmem>>
        %dma_start3A_559 = tpu.memref_squeeze %dma_start3A_558 : memref<1x128x16xf32, #tpu.memory_space<vmem>> -> memref<128x16xf32, #tpu.memory_space<vmem>>
        %dma_start3A_560 = arith.constant 0 : i32
        %dma_start3A_561 = tpu.memref_slice %arg7[%add3A_553, %dma_start3A_560] : memref<80x128xi32, #tpu.memory_space<vmem>> -> memref<1x128xi32, #tpu.memory_space<vmem>>
        %dma_start3A_562 = tpu.memref_squeeze %dma_start3A_561 : memref<1x128xi32, #tpu.memory_space<vmem>> -> memref<128xi32, #tpu.memory_space<vmem>>
        %dma_start3A_563 = arith.constant 0 : i32
        %dma_start3A_564 = arith.constant 0 : i32
        %dma_start3A_565 = tpu.memref_slice %arg2[%dma_start3A_563, %dma_start3A_564] : memref<10240x16xf32, #tpu.memory_space<hbm>> -> memref<10240x16xf32, #tpu.memory_space<hbm>>
        %dma_start3A_566 = tpu.memref_slice %arg10[%dma_start3A_555] : memref<4x!tpu.dma_semaphore, #tpu.memory_space<semaphore_mem>> -> memref<1x!tpu.dma_semaphore, #tpu.memory_space<semaphore_mem>>
        %dma_start3A_567 = tpu.memref_squeeze %dma_start3A_566 : memref<1x!tpu.dma_semaphore, #tpu.memory_space<semaphore_mem>> -> memref<!tpu.dma_semaphore, #tpu.memory_space<semaphore_mem>>
        tpu.enqueue_indirect_dma source(%dma_start3A_565 : memref<10240x16xf32, #tpu.memory_space<hbm>>) target(%dma_start3A_559 : memref<128x16xf32, #tpu.memory_space<vmem>>) offsets(%dma_start3A_562 : memref<128xi32, #tpu.memory_space<vmem>>) semaphore(%dma_start3A_567 : memref<!tpu.dma_semaphore, #tpu.memory_space<semaphore_mem>>)
      } else {
      }
      %add3A_530 = arith.constant 2 : i32
      %add3A_531 = arith.addi %scan3A_181, %add3A_530 : i32
      %lt3A_532 = arith.constant 10 : i32
      %lt3A_533 = arith.cmpi slt, %add3A_531, %lt3A_532 : i32
      %convert_element_type3A_534 = arith.extui %lt3A_533 : i1 to i32
      %cond3A_535 = arith.constant 0 : i32
      %cond3A_536 = arith.cmpi ne, %convert_element_type3A_534, %cond3A_535 : i32
      scf.if %cond3A_536 {
        %add3A_537 = arith.constant 2 : i32
        %add3A_538 = arith.addi %scan3A_181, %add3A_537 : i32
        %mul3A_539 = arith.constant 8 : i32
        %mul3A_540 = arith.muli %add3A_538, %mul3A_539 : i32
        %add3A_541 = arith.addi %mul3A_4, %mul3A_540 : i32
        %dma_start3A_542 = arith.constant 1 : i32
        %dma_start3A_543 = arith.constant 0 : i32
        %dma_start3A_544 = arith.constant 0 : i32
        %dma_start3A_545 = tpu.memref_slice %arg8[%select_n3A_192, %dma_start3A_543, %dma_start3A_544] : memref<2x8x128xi32, #tpu.memory_space<vmem>> -> memref<1x8x128xi32, #tpu.memory_space<vmem>>
        %dma_start3A_546 = tpu.memref_squeeze %dma_start3A_545 : memref<1x8x128xi32, #tpu.memory_space<vmem>> -> memref<8x128xi32, #tpu.memory_space<vmem>>
        %dma_start3A_547 = arith.constant 0 : i32
        %dma_start3A_548 = tpu.memref_slice %arg3[%dma_start3A_542, %add3A_541, %dma_start3A_547] : memref<2x2560x128xi32, #tpu.memory_space<hbm>> -> memref<1x8x128xi32, #tpu.memory_space<hbm>>
        %dma_start3A_549 = tpu.memref_squeeze %dma_start3A_548 : memref<1x8x128xi32, #tpu.memory_space<hbm>> -> memref<8x128xi32, #tpu.memory_space<hbm>>
        %dma_start3A_550 = tpu.memref_slice %arg12[%select_n3A_192] : memref<2x!tpu.dma_semaphore, #tpu.memory_space<semaphore_mem>> -> memref<1x!tpu.dma_semaphore, #tpu.memory_space<semaphore_mem>>
        %dma_start3A_551 = tpu.memref_squeeze %dma_start3A_550 : memref<1x!tpu.dma_semaphore, #tpu.memory_space<semaphore_mem>> -> memref<!tpu.dma_semaphore, #tpu.memory_space<semaphore_mem>>
        %dma_start3A_552 = arith.constant 0 : i32
        %dma_start3A_553 = arith.constant 0 : i32
        %dma_start3A_554 = tpu.memref_slice %arg8[%select_n3A_192, %dma_start3A_552, %dma_start3A_553] : memref<2x8x128xi32, #tpu.memory_space<vmem>> -> memref<1x8x128xi32, #tpu.memory_space<vmem>>
        %dma_start3A_555 = tpu.memref_squeeze %dma_start3A_554 : memref<1x8x128xi32, #tpu.memory_space<vmem>> -> memref<8x128xi32, #tpu.memory_space<vmem>>
        %dma_start3A_556 = arith.constant 0 : i32
        %dma_start3A_557 = tpu.memref_slice %arg3[%dma_start3A_542, %add3A_541, %dma_start3A_556] : memref<2x2560x128xi32, #tpu.memory_space<hbm>> -> memref<1x8x128xi32, #tpu.memory_space<hbm>>
        %dma_start3A_558 = tpu.memref_squeeze %dma_start3A_557 : memref<1x8x128xi32, #tpu.memory_space<hbm>> -> memref<8x128xi32, #tpu.memory_space<hbm>>
        tpu.enqueue_dma source(%dma_start3A_558 : memref<8x128xi32, #tpu.memory_space<hbm>>) target(%dma_start3A_555 : memref<8x128xi32, #tpu.memory_space<vmem>>) target_semaphore(%dma_start3A_551 : memref<!tpu.dma_semaphore, #tpu.memory_space<semaphore_mem>>)
      } else {
      }
    }
    %scan3A_116 = arith.constant 10 : i32
    %dma_wait3A = arith.constant 0 : i32
    %dma_wait3A_117 = arith.constant 0 : i32
    %dma_wait3A_118 = arith.constant 0 : i32
    %dma_wait3A_119 = arith.constant 0 : i32
    %dma_wait3A_120 = arith.constant 0 : i32
    %dma_wait3A_121 = arith.constant 0 : i32
    %dma_wait3A_122 = tpu.memref_slice %arg9[%dma_wait3A, %dma_wait3A_120, %dma_wait3A_121] : memref<4x128x16xf32, #tpu.memory_space<vmem>> -> memref<1x128x16xf32, #tpu.memory_space<vmem>>
    %dma_wait3A_123 = tpu.memref_squeeze %dma_wait3A_122 : memref<1x128x16xf32, #tpu.memory_space<vmem>> -> memref<128x16xf32, #tpu.memory_space<vmem>>
    %dma_wait3A_124 = arith.constant 0 : i32
    %dma_wait3A_125 = tpu.memref_slice %arg8[%dma_wait3A_117, %dma_wait3A_118, %dma_wait3A_124] : memref<2x8x128xi32, #tpu.memory_space<vmem>> -> memref<1x1x128xi32, #tpu.memory_space<vmem>>
    %dma_wait3A_126 = tpu.memref_squeeze %dma_wait3A_125 : memref<1x1x128xi32, #tpu.memory_space<vmem>> -> memref<128xi32, #tpu.memory_space<vmem>>
    %dma_wait3A_127 = arith.constant 0 : i32
    %dma_wait3A_128 = arith.constant 0 : i32
    %dma_wait3A_129 = tpu.memref_slice %arg6[%dma_wait3A_127, %dma_wait3A_128] : memref<10240x16xf32, #tpu.memory_space<vmem_shared>> -> memref<10240x16xf32, #tpu.memory_space<vmem_shared>>
    %dma_wait3A_130 = tpu.memref_slice %arg11[%dma_wait3A_119] : memref<4x!tpu.dma_semaphore, #tpu.memory_space<semaphore_mem>> -> memref<1x!tpu.dma_semaphore, #tpu.memory_space<semaphore_mem>>
    %dma_wait3A_131 = tpu.memref_squeeze %dma_wait3A_130 : memref<1x!tpu.dma_semaphore, #tpu.memory_space<semaphore_mem>> -> memref<!tpu.dma_semaphore, #tpu.memory_space<semaphore_mem>>
    tpu.wait_indirect_dma semaphore(%dma_wait3A_131 : memref<!tpu.dma_semaphore, #tpu.memory_space<semaphore_mem>>) src(%dma_wait3A_123 : memref<128x16xf32, #tpu.memory_space<vmem>>) dst(%dma_wait3A_129 : memref<10240x16xf32, #tpu.memory_space<vmem_shared>>)
    %dma_wait3A_132 = arith.constant 1 : i32
    %dma_wait3A_133 = arith.constant 0 : i32
    %dma_wait3A_134 = arith.constant 0 : i32
    %dma_wait3A_135 = arith.constant 1 : i32
    %dma_wait3A_136 = arith.constant 0 : i32
    %dma_wait3A_137 = arith.constant 0 : i32
    %dma_wait3A_138 = tpu.memref_slice %arg9[%dma_wait3A_132, %dma_wait3A_136, %dma_wait3A_137] : memref<4x128x16xf32, #tpu.memory_space<vmem>> -> memref<1x128x16xf32, #tpu.memory_space<vmem>>
    %dma_wait3A_139 = tpu.memref_squeeze %dma_wait3A_138 : memref<1x128x16xf32, #tpu.memory_space<vmem>> -> memref<128x16xf32, #tpu.memory_space<vmem>>
    %dma_wait3A_140 = arith.constant 0 : i32
    %dma_wait3A_141 = tpu.memref_slice %arg8[%dma_wait3A_133, %dma_wait3A_134, %dma_wait3A_140] : memref<2x8x128xi32, #tpu.memory_space<vmem>> -> memref<1x1x128xi32, #tpu.memory_space<vmem>>
    %dma_wait3A_142 = tpu.memref_squeeze %dma_wait3A_141 : memref<1x1x128xi32, #tpu.memory_space<vmem>> -> memref<128xi32, #tpu.memory_space<vmem>>
    %dma_wait3A_143 = arith.constant 0 : i32
    %dma_wait3A_144 = arith.constant 0 : i32
    %dma_wait3A_145 = tpu.memref_slice %arg6[%dma_wait3A_143, %dma_wait3A_144] : memref<10240x16xf32, #tpu.memory_space<vmem_shared>> -> memref<10240x16xf32, #tpu.memory_space<vmem_shared>>
    %dma_wait3A_146 = tpu.memref_slice %arg11[%dma_wait3A_135] : memref<4x!tpu.dma_semaphore, #tpu.memory_space<semaphore_mem>> -> memref<1x!tpu.dma_semaphore, #tpu.memory_space<semaphore_mem>>
    %dma_wait3A_147 = tpu.memref_squeeze %dma_wait3A_146 : memref<1x!tpu.dma_semaphore, #tpu.memory_space<semaphore_mem>> -> memref<!tpu.dma_semaphore, #tpu.memory_space<semaphore_mem>>
    tpu.wait_indirect_dma semaphore(%dma_wait3A_147 : memref<!tpu.dma_semaphore, #tpu.memory_space<semaphore_mem>>) src(%dma_wait3A_139 : memref<128x16xf32, #tpu.memory_space<vmem>>) dst(%dma_wait3A_145 : memref<10240x16xf32, #tpu.memory_space<vmem_shared>>)
    %dma_wait3A_148 = arith.constant 2 : i32
    %dma_wait3A_149 = arith.constant 0 : i32
    %dma_wait3A_150 = arith.constant 0 : i32
    %dma_wait3A_151 = arith.constant 2 : i32
    %dma_wait3A_152 = arith.constant 0 : i32
    %dma_wait3A_153 = arith.constant 0 : i32
    %dma_wait3A_154 = tpu.memref_slice %arg9[%dma_wait3A_148, %dma_wait3A_152, %dma_wait3A_153] : memref<4x128x16xf32, #tpu.memory_space<vmem>> -> memref<1x128x16xf32, #tpu.memory_space<vmem>>
    %dma_wait3A_155 = tpu.memref_squeeze %dma_wait3A_154 : memref<1x128x16xf32, #tpu.memory_space<vmem>> -> memref<128x16xf32, #tpu.memory_space<vmem>>
    %dma_wait3A_156 = arith.constant 0 : i32
    %dma_wait3A_157 = tpu.memref_slice %arg8[%dma_wait3A_149, %dma_wait3A_150, %dma_wait3A_156] : memref<2x8x128xi32, #tpu.memory_space<vmem>> -> memref<1x1x128xi32, #tpu.memory_space<vmem>>
    %dma_wait3A_158 = tpu.memref_squeeze %dma_wait3A_157 : memref<1x1x128xi32, #tpu.memory_space<vmem>> -> memref<128xi32, #tpu.memory_space<vmem>>
    %dma_wait3A_159 = arith.constant 0 : i32
    %dma_wait3A_160 = arith.constant 0 : i32
    %dma_wait3A_161 = tpu.memref_slice %arg6[%dma_wait3A_159, %dma_wait3A_160] : memref<10240x16xf32, #tpu.memory_space<vmem_shared>> -> memref<10240x16xf32, #tpu.memory_space<vmem_shared>>
    %dma_wait3A_162 = tpu.memref_slice %arg11[%dma_wait3A_151] : memref<4x!tpu.dma_semaphore, #tpu.memory_space<semaphore_mem>> -> memref<1x!tpu.dma_semaphore, #tpu.memory_space<semaphore_mem>>
    %dma_wait3A_163 = tpu.memref_squeeze %dma_wait3A_162 : memref<1x!tpu.dma_semaphore, #tpu.memory_space<semaphore_mem>> -> memref<!tpu.dma_semaphore, #tpu.memory_space<semaphore_mem>>
    tpu.wait_indirect_dma semaphore(%dma_wait3A_163 : memref<!tpu.dma_semaphore, #tpu.memory_space<semaphore_mem>>) src(%dma_wait3A_155 : memref<128x16xf32, #tpu.memory_space<vmem>>) dst(%dma_wait3A_161 : memref<10240x16xf32, #tpu.memory_space<vmem_shared>>)
    %dma_wait3A_164 = arith.constant 3 : i32
    %dma_wait3A_165 = arith.constant 0 : i32
    %dma_wait3A_166 = arith.constant 0 : i32
    %dma_wait3A_167 = arith.constant 3 : i32
    %dma_wait3A_168 = arith.constant 0 : i32
    %dma_wait3A_169 = arith.constant 0 : i32
    %dma_wait3A_170 = tpu.memref_slice %arg9[%dma_wait3A_164, %dma_wait3A_168, %dma_wait3A_169] : memref<4x128x16xf32, #tpu.memory_space<vmem>> -> memref<1x128x16xf32, #tpu.memory_space<vmem>>
    %dma_wait3A_171 = tpu.memref_squeeze %dma_wait3A_170 : memref<1x128x16xf32, #tpu.memory_space<vmem>> -> memref<128x16xf32, #tpu.memory_space<vmem>>
    %dma_wait3A_172 = arith.constant 0 : i32
    %dma_wait3A_173 = tpu.memref_slice %arg8[%dma_wait3A_165, %dma_wait3A_166, %dma_wait3A_172] : memref<2x8x128xi32, #tpu.memory_space<vmem>> -> memref<1x1x128xi32, #tpu.memory_space<vmem>>
    %dma_wait3A_174 = tpu.memref_squeeze %dma_wait3A_173 : memref<1x1x128xi32, #tpu.memory_space<vmem>> -> memref<128xi32, #tpu.memory_space<vmem>>
    %dma_wait3A_175 = arith.constant 0 : i32
    %dma_wait3A_176 = arith.constant 0 : i32
    %dma_wait3A_177 = tpu.memref_slice %arg6[%dma_wait3A_175, %dma_wait3A_176] : memref<10240x16xf32, #tpu.memory_space<vmem_shared>> -> memref<10240x16xf32, #tpu.memory_space<vmem_shared>>
    %dma_wait3A_178 = tpu.memref_slice %arg11[%dma_wait3A_167] : memref<4x!tpu.dma_semaphore, #tpu.memory_space<semaphore_mem>> -> memref<1x!tpu.dma_semaphore, #tpu.memory_space<semaphore_mem>>
    %dma_wait3A_179 = tpu.memref_squeeze %dma_wait3A_178 : memref<1x!tpu.dma_semaphore, #tpu.memory_space<semaphore_mem>> -> memref<!tpu.dma_semaphore, #tpu.memory_space<semaphore_mem>>
    tpu.wait_indirect_dma semaphore(%dma_wait3A_179 : memref<!tpu.dma_semaphore, #tpu.memory_space<semaphore_mem>>) src(%dma_wait3A_171 : memref<128x16xf32, #tpu.memory_space<vmem>>) dst(%dma_wait3A_177 : memref<10240x16xf32, #tpu.memory_space<vmem_shared>>)
    %barrier3A_180 = arith.constant 0 : index
    tpu.barrier barrier_id(%barrier3A_180)
    "tpu.region"() ({
      %run_scoped3A_181 = tpu.sem_alloc : memref<!tpu.dma_semaphore, #tpu.memory_space<semaphore_mem>>
      %dma_start3A_182 = arith.constant 0 : i32
      %dma_start3A_183 = tpu.memref_slice %arg5[%arg0, %mul3A_2, %dma_start3A_182] : memref<2x10240x16xf32, #tpu.memory_space<hbm>> -> memref<1x640x16xf32, #tpu.memory_space<hbm>>
      %dma_start3A_184 = tpu.memref_squeeze %dma_start3A_183 : memref<1x640x16xf32, #tpu.memory_space<hbm>> -> memref<640x16xf32, #tpu.memory_space<hbm>>
      %dma_start3A_185 = arith.constant 0 : i32
      %dma_start3A_186 = tpu.memref_slice %arg6[%mul3A_2, %dma_start3A_185] : memref<10240x16xf32, #tpu.memory_space<vmem_shared>> -> memref<640x16xf32, #tpu.memory_space<vmem_shared>>
      tpu.enqueue_dma source(%dma_start3A_186 : memref<640x16xf32, #tpu.memory_space<vmem_shared>>) target(%dma_start3A_184 : memref<640x16xf32, #tpu.memory_space<hbm>>) target_semaphore(%run_scoped3A_181 : memref<!tpu.dma_semaphore, #tpu.memory_space<semaphore_mem>>)
      %dma_wait3A_187 = arith.constant 0 : i32
      %dma_wait3A_188 = tpu.memref_slice %arg5[%arg0, %mul3A_2, %dma_wait3A_187] : memref<2x10240x16xf32, #tpu.memory_space<hbm>> -> memref<1x640x16xf32, #tpu.memory_space<hbm>>
      %dma_wait3A_189 = tpu.memref_squeeze %dma_wait3A_188 : memref<1x640x16xf32, #tpu.memory_space<hbm>> -> memref<640x16xf32, #tpu.memory_space<hbm>>
      %dma_wait3A_190 = arith.constant 0 : i32
      %dma_wait3A_191 = tpu.memref_slice %arg6[%mul3A_2, %dma_wait3A_190] : memref<10240x16xf32, #tpu.memory_space<vmem_shared>> -> memref<640x16xf32, #tpu.memory_space<vmem_shared>>
      tpu.wait_dma2 semaphore(%run_scoped3A_181 : memref<!tpu.dma_semaphore, #tpu.memory_space<semaphore_mem>>) src(%dma_wait3A_191 : memref<640x16xf32, #tpu.memory_space<vmem_shared>>) dst(%dma_wait3A_189 : memref<640x16xf32, #tpu.memory_space<hbm>>)
      tpu.yield
    }) : () -> ()
    return
  }
}

#map = affine_map<(d0, d1) -> (0, 0)>
#map1 = affine_map<(d0, d1) -> (0, 0, 0)>
module attributes {stable_mosaic.version = 14 : i64} {
  func.func @k(%arg0: i32, %arg1: i32, %arg2: memref<640x16xf32, #tpu.memory_space<hbm>>, %arg3: memref<2x2560x128xi32, #tpu.memory_space<hbm>>, %arg4: memref<640x16xf32, #tpu.memory_space<hbm>>, %arg5: memref<2x10240x16xf32, #tpu.memory_space<hbm>>, %arg6: memref<10240x16xf32, #tpu.memory_space<vmem_shared>>, %arg7: memref<80x128xi32, #tpu.memory_space<vmem>>, %arg8: memref<2x8x128xi32, #tpu.memory_space<vmem>>, %arg9: memref<1x128x16xf32, #tpu.memory_space<vmem>>, %arg10: memref<4x!tpu.dma_semaphore, #tpu.memory_space<semaphore_mem>>, %arg11: memref<4x!tpu.dma_semaphore, #tpu.memory_space<semaphore_mem>>, %arg12: memref<2x!tpu.dma_semaphore, #tpu.memory_space<semaphore_mem>>) attributes {dimension_semantics = [#tpu.dimension_semantics<core_parallel>, #tpu.dimension_semantics<subcore_parallel>], iteration_bounds = array<i64: 2, 16>, scalar_prefetch = 0 : i64, scratch_operands = 7 : i64, tpu.core_type = #tpu.core_type<sc_vector_subcore>, window_params = [{transform_indices = #map}, {transform_indices = #map1}, {transform_indices = #map}, {transform_indices = #map1}]} {
    %mul3A = arith.constant 16 : i32
    %mul3A_0 = arith.muli %arg0, %mul3A : i32
    %add3A = arith.addi %mul3A_0, %arg1 : i32
    %mul3A_1 = arith.constant 640 : i32
    %mul3A_2 = arith.muli %arg1, %mul3A_1 : i32
    %mul3A_3 = arith.constant 80 : i32
    %mul3A_4 = arith.muli %add3A, %mul3A_3 : i32
    %eq3A = arith.constant 0 : i32
    %eq3A_5 = arith.cmpi eq, %arg0, %eq3A : i32
    %convert_element_type3A = arith.extui %eq3A_5 : i1 to i32
    %cond3A = arith.constant 0 : i32
    %cond3A_6 = arith.cmpi ne, %convert_element_type3A, %cond3A : i32
    scf.if %cond3A_6 {
      "tpu.region"() ({
        %run_scoped3A_18 = tpu.sem_alloc : memref<!tpu.dma_semaphore, #tpu.memory_space<semaphore_mem>>
        %dma_start3A = arith.constant 0 : i32
        %dma_start3A_19 = tpu.memref_slice %arg6[%mul3A_2, %dma_start3A] : memref<10240x16xf32, #tpu.memory_space<vmem_shared>> -> memref<640x16xf32, #tpu.memory_space<vmem_shared>>
        %dma_start3A_20 = arith.constant 0 : i32
        %dma_start3A_21 = arith.constant 0 : i32
        %dma_start3A_22 = tpu.memref_slice %arg2[%dma_start3A_20, %dma_start3A_21] : memref<640x16xf32, #tpu.memory_space<hbm>> -> memref<640x16xf32, #tpu.memory_space<hbm>>
        tpu.enqueue_dma source(%dma_start3A_22 : memref<640x16xf32, #tpu.memory_space<hbm>>) target(%dma_start3A_19 : memref<640x16xf32, #tpu.memory_space<vmem_shared>>) target_semaphore(%run_scoped3A_18 : memref<!tpu.dma_semaphore, #tpu.memory_space<semaphore_mem>>)
        %dma_wait3A = arith.constant 0 : i32
        %dma_wait3A_23 = tpu.memref_slice %arg6[%mul3A_2, %dma_wait3A] : memref<10240x16xf32, #tpu.memory_space<vmem_shared>> -> memref<640x16xf32, #tpu.memory_space<vmem_shared>>
        %dma_wait3A_24 = arith.constant 0 : i32
        %dma_wait3A_25 = arith.constant 0 : i32
        %dma_wait3A_26 = tpu.memref_slice %arg2[%dma_wait3A_24, %dma_wait3A_25] : memref<640x16xf32, #tpu.memory_space<hbm>> -> memref<640x16xf32, #tpu.memory_space<hbm>>
        tpu.wait_dma2 semaphore(%run_scoped3A_18 : memref<!tpu.dma_semaphore, #tpu.memory_space<semaphore_mem>>) src(%dma_wait3A_26 : memref<640x16xf32, #tpu.memory_space<hbm>>) dst(%dma_wait3A_23 : memref<640x16xf32, #tpu.memory_space<vmem_shared>>)
        tpu.yield
      }) : () -> ()
    } else {
    }
    %ne3A = arith.constant 0 : i32
    %ne3A_7 = arith.cmpi ne, %arg0, %ne3A : i32
    %convert_element_type3A_8 = arith.extui %ne3A_7 : i1 to i32
    %cond3A_9 = arith.constant 0 : i32
    %cond3A_10 = arith.cmpi ne, %convert_element_type3A_8, %cond3A_9 : i32
    scf.if %cond3A_10 {
      "tpu.region"() ({
        %run_scoped3A_18 = tpu.sem_alloc : memref<!tpu.dma_semaphore, #tpu.memory_space<semaphore_mem>>
        %dma_start3A = arith.constant 0 : i32
        %dma_start3A_19 = tpu.memref_slice %arg6[%mul3A_2, %dma_start3A] : memref<10240x16xf32, #tpu.memory_space<vmem_shared>> -> memref<640x16xf32, #tpu.memory_space<vmem_shared>>
        tpu.enqueue_dma source(%arg4 : memref<640x16xf32, #tpu.memory_space<hbm>>) target(%dma_start3A_19 : memref<640x16xf32, #tpu.memory_space<vmem_shared>>) target_semaphore(%run_scoped3A_18 : memref<!tpu.dma_semaphore, #tpu.memory_space<semaphore_mem>>)
        %dma_wait3A = arith.constant 0 : i32
        %dma_wait3A_20 = tpu.memref_slice %arg6[%mul3A_2, %dma_wait3A] : memref<10240x16xf32, #tpu.memory_space<vmem_shared>> -> memref<640x16xf32, #tpu.memory_space<vmem_shared>>
        tpu.wait_dma2 semaphore(%run_scoped3A_18 : memref<!tpu.dma_semaphore, #tpu.memory_space<semaphore_mem>>) src(%arg4 : memref<640x16xf32, #tpu.memory_space<hbm>>) dst(%dma_wait3A_20 : memref<640x16xf32, #tpu.memory_space<vmem_shared>>)
        tpu.yield
      }) : () -> ()
    } else {
    }
    %run_scoped3A = arith.constant 0 : i32
    "tpu.region"() ({
      %run_scoped3A_18 = tpu.sem_alloc : memref<!tpu.dma_semaphore, #tpu.memory_space<semaphore_mem>>
      %dma_start3A = arith.constant 0 : i32
      %dma_start3A_19 = arith.constant 0 : i32
      %dma_start3A_20 = tpu.memref_slice %arg9[%run_scoped3A, %dma_start3A, %dma_start3A_19] : memref<1x128x16xf32, #tpu.memory_space<vmem>> -> memref<1x128x16xf32, #tpu.memory_space<vmem>>
      %dma_start3A_21 = tpu.memref_squeeze %dma_start3A_20 : memref<1x128x16xf32, #tpu.memory_space<vmem>> -> memref<128x16xf32, #tpu.memory_space<vmem>>
      %dma_start3A_22 = arith.constant 0 : i32
      %dma_start3A_23 = arith.constant 0 : i32
      %dma_start3A_24 = tpu.memref_slice %arg2[%dma_start3A_22, %dma_start3A_23] : memref<640x16xf32, #tpu.memory_space<hbm>> -> memref<128x16xf32, #tpu.memory_space<hbm>>
      %dma_start3A_25 = arith.constant 0 : i32
      %dma_start3A_26 = arith.constant 0 : i32
      %dma_start3A_27 = tpu.memref_slice %arg9[%run_scoped3A, %dma_start3A_25, %dma_start3A_26] : memref<1x128x16xf32, #tpu.memory_space<vmem>> -> memref<1x128x16xf32, #tpu.memory_space<vmem>>
      %dma_start3A_28 = tpu.memref_squeeze %dma_start3A_27 : memref<1x128x16xf32, #tpu.memory_space<vmem>> -> memref<128x16xf32, #tpu.memory_space<vmem>>
      %dma_start3A_29 = arith.constant 0 : i32
      %dma_start3A_30 = arith.constant 0 : i32
      %dma_start3A_31 = tpu.memref_slice %arg2[%dma_start3A_29, %dma_start3A_30] : memref<640x16xf32, #tpu.memory_space<hbm>> -> memref<128x16xf32, #tpu.memory_space<hbm>>
      tpu.enqueue_dma source(%dma_start3A_31 : memref<128x16xf32, #tpu.memory_space<hbm>>) target(%dma_start3A_28 : memref<128x16xf32, #tpu.memory_space<vmem>>) target_semaphore(%run_scoped3A_18 : memref<!tpu.dma_semaphore, #tpu.memory_space<semaphore_mem>>)
      %dma_wait3A = arith.constant 0 : i32
      %dma_wait3A_32 = arith.constant 0 : i32
      %dma_wait3A_33 = tpu.memref_slice %arg9[%run_scoped3A, %dma_wait3A, %dma_wait3A_32] : memref<1x128x16xf32, #tpu.memory_space<vmem>> -> memref<1x128x16xf32, #tpu.memory_space<vmem>>
      %dma_wait3A_34 = tpu.memref_squeeze %dma_wait3A_33 : memref<1x128x16xf32, #tpu.memory_space<vmem>> -> memref<128x16xf32, #tpu.memory_space<vmem>>
      %dma_wait3A_35 = arith.constant 0 : i32
      %dma_wait3A_36 = arith.constant 0 : i32
      %dma_wait3A_37 = tpu.memref_slice %arg2[%dma_wait3A_35, %dma_wait3A_36] : memref<640x16xf32, #tpu.memory_space<hbm>> -> memref<128x16xf32, #tpu.memory_space<hbm>>
      %dma_wait3A_38 = arith.constant 0 : i32
      %dma_wait3A_39 = arith.constant 0 : i32
      %dma_wait3A_40 = tpu.memref_slice %arg9[%run_scoped3A, %dma_wait3A_38, %dma_wait3A_39] : memref<1x128x16xf32, #tpu.memory_space<vmem>> -> memref<1x128x16xf32, #tpu.memory_space<vmem>>
      %dma_wait3A_41 = tpu.memref_squeeze %dma_wait3A_40 : memref<1x128x16xf32, #tpu.memory_space<vmem>> -> memref<128x16xf32, #tpu.memory_space<vmem>>
      %dma_wait3A_42 = arith.constant 0 : i32
      %dma_wait3A_43 = arith.constant 0 : i32
      %dma_wait3A_44 = tpu.memref_slice %arg2[%dma_wait3A_42, %dma_wait3A_43] : memref<640x16xf32, #tpu.memory_space<hbm>> -> memref<128x16xf32, #tpu.memory_space<hbm>>
      tpu.wait_dma2 semaphore(%run_scoped3A_18 : memref<!tpu.dma_semaphore, #tpu.memory_space<semaphore_mem>>) src(%dma_wait3A_44 : memref<128x16xf32, #tpu.memory_space<hbm>>) dst(%dma_wait3A_41 : memref<128x16xf32, #tpu.memory_space<vmem>>)
      tpu.yield
    }) : () -> ()
    %run_scoped3A_11 = arith.constant 1 : i32
    "tpu.region"() ({
      %run_scoped3A_18 = tpu.sem_alloc : memref<!tpu.dma_semaphore, #tpu.memory_space<semaphore_mem>>
      %dma_start3A = arith.constant 0 : i32
      %dma_start3A_19 = tpu.memref_slice %arg3[%run_scoped3A_11, %mul3A_4, %dma_start3A] : memref<2x2560x128xi32, #tpu.memory_space<hbm>> -> memref<1x80x128xi32, #tpu.memory_space<hbm>>
      %dma_start3A_20 = tpu.memref_squeeze %dma_start3A_19 : memref<1x80x128xi32, #tpu.memory_space<hbm>> -> memref<80x128xi32, #tpu.memory_space<hbm>>
      %dma_start3A_21 = arith.constant 0 : i32
      %dma_start3A_22 = tpu.memref_slice %arg3[%run_scoped3A_11, %mul3A_4, %dma_start3A_21] : memref<2x2560x128xi32, #tpu.memory_space<hbm>> -> memref<1x80x128xi32, #tpu.memory_space<hbm>>
      %dma_start3A_23 = tpu.memref_squeeze %dma_start3A_22 : memref<1x80x128xi32, #tpu.memory_space<hbm>> -> memref<80x128xi32, #tpu.memory_space<hbm>>
      tpu.enqueue_dma source(%dma_start3A_23 : memref<80x128xi32, #tpu.memory_space<hbm>>) target(%arg7 : memref<80x128xi32, #tpu.memory_space<vmem>>) target_semaphore(%run_scoped3A_18 : memref<!tpu.dma_semaphore, #tpu.memory_space<semaphore_mem>>)
      %dma_wait3A = arith.constant 0 : i32
      %dma_wait3A_24 = tpu.memref_slice %arg3[%run_scoped3A_11, %mul3A_4, %dma_wait3A] : memref<2x2560x128xi32, #tpu.memory_space<hbm>> -> memref<1x80x128xi32, #tpu.memory_space<hbm>>
      %dma_wait3A_25 = tpu.memref_squeeze %dma_wait3A_24 : memref<1x80x128xi32, #tpu.memory_space<hbm>> -> memref<80x128xi32, #tpu.memory_space<hbm>>
      %dma_wait3A_26 = arith.constant 0 : i32
      %dma_wait3A_27 = tpu.memref_slice %arg3[%run_scoped3A_11, %mul3A_4, %dma_wait3A_26] : memref<2x2560x128xi32, #tpu.memory_space<hbm>> -> memref<1x80x128xi32, #tpu.memory_space<hbm>>
      %dma_wait3A_28 = tpu.memref_squeeze %dma_wait3A_27 : memref<1x80x128xi32, #tpu.memory_space<hbm>> -> memref<80x128xi32, #tpu.memory_space<hbm>>
      tpu.wait_dma2 semaphore(%run_scoped3A_18 : memref<!tpu.dma_semaphore, #tpu.memory_space<semaphore_mem>>) src(%dma_wait3A_28 : memref<80x128xi32, #tpu.memory_space<hbm>>) dst(%arg7 : memref<80x128xi32, #tpu.memory_space<vmem>>)
      tpu.yield
    }) : () -> ()
    %barrier3A = arith.constant 0 : index
    tpu.barrier barrier_id(%barrier3A)
    %scan3A = arith.constant 0 : i32
    %scan3A_12 = arith.constant 0 : i32
    %scan3A_13 = arith.constant 20 : i32
    %scan3A_14 = arith.addi %scan3A_12, %scan3A_13 : i32
    %scan3A_15 = arith.constant 1 : i32
    scf.for %scan3A_18 = %scan3A_12 to %scan3A_14 step %scan3A_15  : i32 {
      %mul3A_19 = arith.constant 4 : i32
      %mul3A_20 = arith.muli %scan3A_18, %mul3A_19 : i32
      %add3A_21 = arith.constant 0 : i32
      %add3A_22 = arith.addi %mul3A_20, %add3A_21 : i32
      %dma_start3A = arith.constant 0 : i32
      %dma_start3A_23 = arith.constant 0 : i32
      %dma_start3A_24 = arith.constant 0 : i32
      %dma_start3A_25 = arith.constant 0 : i32
      %dma_start3A_26 = tpu.memref_slice %arg9[%dma_start3A, %dma_start3A_24, %dma_start3A_25] : memref<1x128x16xf32, #tpu.memory_space<vmem>> -> memref<1x128x16xf32, #tpu.memory_space<vmem>>
      %dma_start3A_27 = tpu.memref_squeeze %dma_start3A_26 : memref<1x128x16xf32, #tpu.memory_space<vmem>> -> memref<128x16xf32, #tpu.memory_space<vmem>>
      %dma_start3A_28 = arith.constant 0 : i32
      %dma_start3A_29 = tpu.memref_slice %arg7[%add3A_22, %dma_start3A_28] : memref<80x128xi32, #tpu.memory_space<vmem>> -> memref<1x128xi32, #tpu.memory_space<vmem>>
      %dma_start3A_30 = tpu.memref_squeeze %dma_start3A_29 : memref<1x128xi32, #tpu.memory_space<vmem>> -> memref<128xi32, #tpu.memory_space<vmem>>
      %dma_start3A_31 = arith.constant 0 : i32
      %dma_start3A_32 = arith.constant 0 : i32
      %dma_start3A_33 = tpu.memref_slice %arg6[%dma_start3A_31, %dma_start3A_32] : memref<10240x16xf32, #tpu.memory_space<vmem_shared>> -> memref<10240x16xf32, #tpu.memory_space<vmem_shared>>
      %dma_start3A_34 = tpu.memref_slice %arg11[%dma_start3A_23] : memref<4x!tpu.dma_semaphore, #tpu.memory_space<semaphore_mem>> -> memref<1x!tpu.dma_semaphore, #tpu.memory_space<semaphore_mem>>
      %dma_start3A_35 = tpu.memref_squeeze %dma_start3A_34 : memref<1x!tpu.dma_semaphore, #tpu.memory_space<semaphore_mem>> -> memref<!tpu.dma_semaphore, #tpu.memory_space<semaphore_mem>>
      tpu.enqueue_indirect_dma source(%dma_start3A_27 : memref<128x16xf32, #tpu.memory_space<vmem>>) target(%dma_start3A_33 : memref<10240x16xf32, #tpu.memory_space<vmem_shared>>) offsets(%dma_start3A_30 : memref<128xi32, #tpu.memory_space<vmem>>) semaphore(%dma_start3A_35 : memref<!tpu.dma_semaphore, #tpu.memory_space<semaphore_mem>>) {add = true}
      %mul3A_36 = arith.constant 4 : i32
      %mul3A_37 = arith.muli %scan3A_18, %mul3A_36 : i32
      %add3A_38 = arith.constant 1 : i32
      %add3A_39 = arith.addi %mul3A_37, %add3A_38 : i32
      %dma_start3A_40 = arith.constant 0 : i32
      %dma_start3A_41 = arith.constant 1 : i32
      %dma_start3A_42 = arith.constant 0 : i32
      %dma_start3A_43 = arith.constant 0 : i32
      %dma_start3A_44 = tpu.memref_slice %arg9[%dma_start3A_40, %dma_start3A_42, %dma_start3A_43] : memref<1x128x16xf32, #tpu.memory_space<vmem>> -> memref<1x128x16xf32, #tpu.memory_space<vmem>>
      %dma_start3A_45 = tpu.memref_squeeze %dma_start3A_44 : memref<1x128x16xf32, #tpu.memory_space<vmem>> -> memref<128x16xf32, #tpu.memory_space<vmem>>
      %dma_start3A_46 = arith.constant 0 : i32
      %dma_start3A_47 = tpu.memref_slice %arg7[%add3A_39, %dma_start3A_46] : memref<80x128xi32, #tpu.memory_space<vmem>> -> memref<1x128xi32, #tpu.memory_space<vmem>>
      %dma_start3A_48 = tpu.memref_squeeze %dma_start3A_47 : memref<1x128xi32, #tpu.memory_space<vmem>> -> memref<128xi32, #tpu.memory_space<vmem>>
      %dma_start3A_49 = arith.constant 0 : i32
      %dma_start3A_50 = arith.constant 0 : i32
      %dma_start3A_51 = tpu.memref_slice %arg6[%dma_start3A_49, %dma_start3A_50] : memref<10240x16xf32, #tpu.memory_space<vmem_shared>> -> memref<10240x16xf32, #tpu.memory_space<vmem_shared>>
      %dma_start3A_52 = tpu.memref_slice %arg11[%dma_start3A_41] : memref<4x!tpu.dma_semaphore, #tpu.memory_space<semaphore_mem>> -> memref<1x!tpu.dma_semaphore, #tpu.memory_space<semaphore_mem>>
      %dma_start3A_53 = tpu.memref_squeeze %dma_start3A_52 : memref<1x!tpu.dma_semaphore, #tpu.memory_space<semaphore_mem>> -> memref<!tpu.dma_semaphore, #tpu.memory_space<semaphore_mem>>
      tpu.enqueue_indirect_dma source(%dma_start3A_45 : memref<128x16xf32, #tpu.memory_space<vmem>>) target(%dma_start3A_51 : memref<10240x16xf32, #tpu.memory_space<vmem_shared>>) offsets(%dma_start3A_48 : memref<128xi32, #tpu.memory_space<vmem>>) semaphore(%dma_start3A_53 : memref<!tpu.dma_semaphore, #tpu.memory_space<semaphore_mem>>) {add = true}
      %mul3A_54 = arith.constant 4 : i32
      %mul3A_55 = arith.muli %scan3A_18, %mul3A_54 : i32
      %add3A_56 = arith.constant 2 : i32
      %add3A_57 = arith.addi %mul3A_55, %add3A_56 : i32
      %dma_start3A_58 = arith.constant 0 : i32
      %dma_start3A_59 = arith.constant 2 : i32
      %dma_start3A_60 = arith.constant 0 : i32
      %dma_start3A_61 = arith.constant 0 : i32
      %dma_start3A_62 = tpu.memref_slice %arg9[%dma_start3A_58, %dma_start3A_60, %dma_start3A_61] : memref<1x128x16xf32, #tpu.memory_space<vmem>> -> memref<1x128x16xf32, #tpu.memory_space<vmem>>
      %dma_start3A_63 = tpu.memref_squeeze %dma_start3A_62 : memref<1x128x16xf32, #tpu.memory_space<vmem>> -> memref<128x16xf32, #tpu.memory_space<vmem>>
      %dma_start3A_64 = arith.constant 0 : i32
      %dma_start3A_65 = tpu.memref_slice %arg7[%add3A_57, %dma_start3A_64] : memref<80x128xi32, #tpu.memory_space<vmem>> -> memref<1x128xi32, #tpu.memory_space<vmem>>
      %dma_start3A_66 = tpu.memref_squeeze %dma_start3A_65 : memref<1x128xi32, #tpu.memory_space<vmem>> -> memref<128xi32, #tpu.memory_space<vmem>>
      %dma_start3A_67 = arith.constant 0 : i32
      %dma_start3A_68 = arith.constant 0 : i32
      %dma_start3A_69 = tpu.memref_slice %arg6[%dma_start3A_67, %dma_start3A_68] : memref<10240x16xf32, #tpu.memory_space<vmem_shared>> -> memref<10240x16xf32, #tpu.memory_space<vmem_shared>>
      %dma_start3A_70 = tpu.memref_slice %arg11[%dma_start3A_59] : memref<4x!tpu.dma_semaphore, #tpu.memory_space<semaphore_mem>> -> memref<1x!tpu.dma_semaphore, #tpu.memory_space<semaphore_mem>>
      %dma_start3A_71 = tpu.memref_squeeze %dma_start3A_70 : memref<1x!tpu.dma_semaphore, #tpu.memory_space<semaphore_mem>> -> memref<!tpu.dma_semaphore, #tpu.memory_space<semaphore_mem>>
      tpu.enqueue_indirect_dma source(%dma_start3A_63 : memref<128x16xf32, #tpu.memory_space<vmem>>) target(%dma_start3A_69 : memref<10240x16xf32, #tpu.memory_space<vmem_shared>>) offsets(%dma_start3A_66 : memref<128xi32, #tpu.memory_space<vmem>>) semaphore(%dma_start3A_71 : memref<!tpu.dma_semaphore, #tpu.memory_space<semaphore_mem>>) {add = true}
      %mul3A_72 = arith.constant 4 : i32
      %mul3A_73 = arith.muli %scan3A_18, %mul3A_72 : i32
      %add3A_74 = arith.constant 3 : i32
      %add3A_75 = arith.addi %mul3A_73, %add3A_74 : i32
      %dma_start3A_76 = arith.constant 0 : i32
      %dma_start3A_77 = arith.constant 3 : i32
      %dma_start3A_78 = arith.constant 0 : i32
      %dma_start3A_79 = arith.constant 0 : i32
      %dma_start3A_80 = tpu.memref_slice %arg9[%dma_start3A_76, %dma_start3A_78, %dma_start3A_79] : memref<1x128x16xf32, #tpu.memory_space<vmem>> -> memref<1x128x16xf32, #tpu.memory_space<vmem>>
      %dma_start3A_81 = tpu.memref_squeeze %dma_start3A_80 : memref<1x128x16xf32, #tpu.memory_space<vmem>> -> memref<128x16xf32, #tpu.memory_space<vmem>>
      %dma_start3A_82 = arith.constant 0 : i32
      %dma_start3A_83 = tpu.memref_slice %arg7[%add3A_75, %dma_start3A_82] : memref<80x128xi32, #tpu.memory_space<vmem>> -> memref<1x128xi32, #tpu.memory_space<vmem>>
      %dma_start3A_84 = tpu.memref_squeeze %dma_start3A_83 : memref<1x128xi32, #tpu.memory_space<vmem>> -> memref<128xi32, #tpu.memory_space<vmem>>
      %dma_start3A_85 = arith.constant 0 : i32
      %dma_start3A_86 = arith.constant 0 : i32
      %dma_start3A_87 = tpu.memref_slice %arg6[%dma_start3A_85, %dma_start3A_86] : memref<10240x16xf32, #tpu.memory_space<vmem_shared>> -> memref<10240x16xf32, #tpu.memory_space<vmem_shared>>
      %dma_start3A_88 = tpu.memref_slice %arg11[%dma_start3A_77] : memref<4x!tpu.dma_semaphore, #tpu.memory_space<semaphore_mem>> -> memref<1x!tpu.dma_semaphore, #tpu.memory_space<semaphore_mem>>
      %dma_start3A_89 = tpu.memref_squeeze %dma_start3A_88 : memref<1x!tpu.dma_semaphore, #tpu.memory_space<semaphore_mem>> -> memref<!tpu.dma_semaphore, #tpu.memory_space<semaphore_mem>>
      tpu.enqueue_indirect_dma source(%dma_start3A_81 : memref<128x16xf32, #tpu.memory_space<vmem>>) target(%dma_start3A_87 : memref<10240x16xf32, #tpu.memory_space<vmem_shared>>) offsets(%dma_start3A_84 : memref<128xi32, #tpu.memory_space<vmem>>) semaphore(%dma_start3A_89 : memref<!tpu.dma_semaphore, #tpu.memory_space<semaphore_mem>>) {add = true}
      %mul3A_90 = arith.constant 4 : i32
      %mul3A_91 = arith.muli %scan3A_18, %mul3A_90 : i32
      %add3A_92 = arith.constant 0 : i32
      %add3A_93 = arith.addi %mul3A_91, %add3A_92 : i32
      %dma_wait3A = arith.constant 0 : i32
      %dma_wait3A_94 = arith.constant 0 : i32
      %dma_wait3A_95 = arith.constant 0 : i32
      %dma_wait3A_96 = arith.constant 0 : i32
      %dma_wait3A_97 = tpu.memref_slice %arg9[%dma_wait3A, %dma_wait3A_95, %dma_wait3A_96] : memref<1x128x16xf32, #tpu.memory_space<vmem>> -> memref<1x128x16xf32, #tpu.memory_space<vmem>>
      %dma_wait3A_98 = tpu.memref_squeeze %dma_wait3A_97 : memref<1x128x16xf32, #tpu.memory_space<vmem>> -> memref<128x16xf32, #tpu.memory_space<vmem>>
      %dma_wait3A_99 = arith.constant 0 : i32
      %dma_wait3A_100 = tpu.memref_slice %arg7[%add3A_93, %dma_wait3A_99] : memref<80x128xi32, #tpu.memory_space<vmem>> -> memref<1x128xi32, #tpu.memory_space<vmem>>
      %dma_wait3A_101 = tpu.memref_squeeze %dma_wait3A_100 : memref<1x128xi32, #tpu.memory_space<vmem>> -> memref<128xi32, #tpu.memory_space<vmem>>
      %dma_wait3A_102 = arith.constant 0 : i32
      %dma_wait3A_103 = arith.constant 0 : i32
      %dma_wait3A_104 = tpu.memref_slice %arg6[%dma_wait3A_102, %dma_wait3A_103] : memref<10240x16xf32, #tpu.memory_space<vmem_shared>> -> memref<10240x16xf32, #tpu.memory_space<vmem_shared>>
      %dma_wait3A_105 = tpu.memref_slice %arg11[%dma_wait3A_94] : memref<4x!tpu.dma_semaphore, #tpu.memory_space<semaphore_mem>> -> memref<1x!tpu.dma_semaphore, #tpu.memory_space<semaphore_mem>>
      %dma_wait3A_106 = tpu.memref_squeeze %dma_wait3A_105 : memref<1x!tpu.dma_semaphore, #tpu.memory_space<semaphore_mem>> -> memref<!tpu.dma_semaphore, #tpu.memory_space<semaphore_mem>>
      tpu.wait_indirect_dma semaphore(%dma_wait3A_106 : memref<!tpu.dma_semaphore, #tpu.memory_space<semaphore_mem>>) src(%dma_wait3A_98 : memref<128x16xf32, #tpu.memory_space<vmem>>) dst(%dma_wait3A_104 : memref<10240x16xf32, #tpu.memory_space<vmem_shared>>)
      %mul3A_107 = arith.constant 4 : i32
      %mul3A_108 = arith.muli %scan3A_18, %mul3A_107 : i32
      %add3A_109 = arith.constant 1 : i32
      %add3A_110 = arith.addi %mul3A_108, %add3A_109 : i32
      %dma_wait3A_111 = arith.constant 0 : i32
      %dma_wait3A_112 = arith.constant 1 : i32
      %dma_wait3A_113 = arith.constant 0 : i32
      %dma_wait3A_114 = arith.constant 0 : i32
      %dma_wait3A_115 = tpu.memref_slice %arg9[%dma_wait3A_111, %dma_wait3A_113, %dma_wait3A_114] : memref<1x128x16xf32, #tpu.memory_space<vmem>> -> memref<1x128x16xf32, #tpu.memory_space<vmem>>
      %dma_wait3A_116 = tpu.memref_squeeze %dma_wait3A_115 : memref<1x128x16xf32, #tpu.memory_space<vmem>> -> memref<128x16xf32, #tpu.memory_space<vmem>>
      %dma_wait3A_117 = arith.constant 0 : i32
      %dma_wait3A_118 = tpu.memref_slice %arg7[%add3A_110, %dma_wait3A_117] : memref<80x128xi32, #tpu.memory_space<vmem>> -> memref<1x128xi32, #tpu.memory_space<vmem>>
      %dma_wait3A_119 = tpu.memref_squeeze %dma_wait3A_118 : memref<1x128xi32, #tpu.memory_space<vmem>> -> memref<128xi32, #tpu.memory_space<vmem>>
      %dma_wait3A_120 = arith.constant 0 : i32
      %dma_wait3A_121 = arith.constant 0 : i32
      %dma_wait3A_122 = tpu.memref_slice %arg6[%dma_wait3A_120, %dma_wait3A_121] : memref<10240x16xf32, #tpu.memory_space<vmem_shared>> -> memref<10240x16xf32, #tpu.memory_space<vmem_shared>>
      %dma_wait3A_123 = tpu.memref_slice %arg11[%dma_wait3A_112] : memref<4x!tpu.dma_semaphore, #tpu.memory_space<semaphore_mem>> -> memref<1x!tpu.dma_semaphore, #tpu.memory_space<semaphore_mem>>
      %dma_wait3A_124 = tpu.memref_squeeze %dma_wait3A_123 : memref<1x!tpu.dma_semaphore, #tpu.memory_space<semaphore_mem>> -> memref<!tpu.dma_semaphore, #tpu.memory_space<semaphore_mem>>
      tpu.wait_indirect_dma semaphore(%dma_wait3A_124 : memref<!tpu.dma_semaphore, #tpu.memory_space<semaphore_mem>>) src(%dma_wait3A_116 : memref<128x16xf32, #tpu.memory_space<vmem>>) dst(%dma_wait3A_122 : memref<10240x16xf32, #tpu.memory_space<vmem_shared>>)
      %mul3A_125 = arith.constant 4 : i32
      %mul3A_126 = arith.muli %scan3A_18, %mul3A_125 : i32
      %add3A_127 = arith.constant 2 : i32
      %add3A_128 = arith.addi %mul3A_126, %add3A_127 : i32
      %dma_wait3A_129 = arith.constant 0 : i32
      %dma_wait3A_130 = arith.constant 2 : i32
      %dma_wait3A_131 = arith.constant 0 : i32
      %dma_wait3A_132 = arith.constant 0 : i32
      %dma_wait3A_133 = tpu.memref_slice %arg9[%dma_wait3A_129, %dma_wait3A_131, %dma_wait3A_132] : memref<1x128x16xf32, #tpu.memory_space<vmem>> -> memref<1x128x16xf32, #tpu.memory_space<vmem>>
      %dma_wait3A_134 = tpu.memref_squeeze %dma_wait3A_133 : memref<1x128x16xf32, #tpu.memory_space<vmem>> -> memref<128x16xf32, #tpu.memory_space<vmem>>
      %dma_wait3A_135 = arith.constant 0 : i32
      %dma_wait3A_136 = tpu.memref_slice %arg7[%add3A_128, %dma_wait3A_135] : memref<80x128xi32, #tpu.memory_space<vmem>> -> memref<1x128xi32, #tpu.memory_space<vmem>>
      %dma_wait3A_137 = tpu.memref_squeeze %dma_wait3A_136 : memref<1x128xi32, #tpu.memory_space<vmem>> -> memref<128xi32, #tpu.memory_space<vmem>>
      %dma_wait3A_138 = arith.constant 0 : i32
      %dma_wait3A_139 = arith.constant 0 : i32
      %dma_wait3A_140 = tpu.memref_slice %arg6[%dma_wait3A_138, %dma_wait3A_139] : memref<10240x16xf32, #tpu.memory_space<vmem_shared>> -> memref<10240x16xf32, #tpu.memory_space<vmem_shared>>
      %dma_wait3A_141 = tpu.memref_slice %arg11[%dma_wait3A_130] : memref<4x!tpu.dma_semaphore, #tpu.memory_space<semaphore_mem>> -> memref<1x!tpu.dma_semaphore, #tpu.memory_space<semaphore_mem>>
      %dma_wait3A_142 = tpu.memref_squeeze %dma_wait3A_141 : memref<1x!tpu.dma_semaphore, #tpu.memory_space<semaphore_mem>> -> memref<!tpu.dma_semaphore, #tpu.memory_space<semaphore_mem>>
      tpu.wait_indirect_dma semaphore(%dma_wait3A_142 : memref<!tpu.dma_semaphore, #tpu.memory_space<semaphore_mem>>) src(%dma_wait3A_134 : memref<128x16xf32, #tpu.memory_space<vmem>>) dst(%dma_wait3A_140 : memref<10240x16xf32, #tpu.memory_space<vmem_shared>>)
      %mul3A_143 = arith.constant 4 : i32
      %mul3A_144 = arith.muli %scan3A_18, %mul3A_143 : i32
      %add3A_145 = arith.constant 3 : i32
      %add3A_146 = arith.addi %mul3A_144, %add3A_145 : i32
      %dma_wait3A_147 = arith.constant 0 : i32
      %dma_wait3A_148 = arith.constant 3 : i32
      %dma_wait3A_149 = arith.constant 0 : i32
      %dma_wait3A_150 = arith.constant 0 : i32
      %dma_wait3A_151 = tpu.memref_slice %arg9[%dma_wait3A_147, %dma_wait3A_149, %dma_wait3A_150] : memref<1x128x16xf32, #tpu.memory_space<vmem>> -> memref<1x128x16xf32, #tpu.memory_space<vmem>>
      %dma_wait3A_152 = tpu.memref_squeeze %dma_wait3A_151 : memref<1x128x16xf32, #tpu.memory_space<vmem>> -> memref<128x16xf32, #tpu.memory_space<vmem>>
      %dma_wait3A_153 = arith.constant 0 : i32
      %dma_wait3A_154 = tpu.memref_slice %arg7[%add3A_146, %dma_wait3A_153] : memref<80x128xi32, #tpu.memory_space<vmem>> -> memref<1x128xi32, #tpu.memory_space<vmem>>
      %dma_wait3A_155 = tpu.memref_squeeze %dma_wait3A_154 : memref<1x128xi32, #tpu.memory_space<vmem>> -> memref<128xi32, #tpu.memory_space<vmem>>
      %dma_wait3A_156 = arith.constant 0 : i32
      %dma_wait3A_157 = arith.constant 0 : i32
      %dma_wait3A_158 = tpu.memref_slice %arg6[%dma_wait3A_156, %dma_wait3A_157] : memref<10240x16xf32, #tpu.memory_space<vmem_shared>> -> memref<10240x16xf32, #tpu.memory_space<vmem_shared>>
      %dma_wait3A_159 = tpu.memref_slice %arg11[%dma_wait3A_148] : memref<4x!tpu.dma_semaphore, #tpu.memory_space<semaphore_mem>> -> memref<1x!tpu.dma_semaphore, #tpu.memory_space<semaphore_mem>>
      %dma_wait3A_160 = tpu.memref_squeeze %dma_wait3A_159 : memref<1x!tpu.dma_semaphore, #tpu.memory_space<semaphore_mem>> -> memref<!tpu.dma_semaphore, #tpu.memory_space<semaphore_mem>>
      tpu.wait_indirect_dma semaphore(%dma_wait3A_160 : memref<!tpu.dma_semaphore, #tpu.memory_space<semaphore_mem>>) src(%dma_wait3A_152 : memref<128x16xf32, #tpu.memory_space<vmem>>) dst(%dma_wait3A_158 : memref<10240x16xf32, #tpu.memory_space<vmem_shared>>)
    }
    %scan3A_16 = arith.constant 20 : i32
    %barrier3A_17 = arith.constant 0 : index
    tpu.barrier barrier_id(%barrier3A_17)
    "tpu.region"() ({
      %run_scoped3A_18 = tpu.sem_alloc : memref<!tpu.dma_semaphore, #tpu.memory_space<semaphore_mem>>
      %dma_start3A = arith.constant 0 : i32
      %dma_start3A_19 = tpu.memref_slice %arg5[%arg0, %mul3A_2, %dma_start3A] : memref<2x10240x16xf32, #tpu.memory_space<hbm>> -> memref<1x640x16xf32, #tpu.memory_space<hbm>>
      %dma_start3A_20 = tpu.memref_squeeze %dma_start3A_19 : memref<1x640x16xf32, #tpu.memory_space<hbm>> -> memref<640x16xf32, #tpu.memory_space<hbm>>
      %dma_start3A_21 = arith.constant 0 : i32
      %dma_start3A_22 = tpu.memref_slice %arg6[%mul3A_2, %dma_start3A_21] : memref<10240x16xf32, #tpu.memory_space<vmem_shared>> -> memref<640x16xf32, #tpu.memory_space<vmem_shared>>
      tpu.enqueue_dma source(%dma_start3A_22 : memref<640x16xf32, #tpu.memory_space<vmem_shared>>) target(%dma_start3A_20 : memref<640x16xf32, #tpu.memory_space<hbm>>) target_semaphore(%run_scoped3A_18 : memref<!tpu.dma_semaphore, #tpu.memory_space<semaphore_mem>>)
      %dma_wait3A = arith.constant 0 : i32
      %dma_wait3A_23 = tpu.memref_slice %arg5[%arg0, %mul3A_2, %dma_wait3A] : memref<2x10240x16xf32, #tpu.memory_space<hbm>> -> memref<1x640x16xf32, #tpu.memory_space<hbm>>
      %dma_wait3A_24 = tpu.memref_squeeze %dma_wait3A_23 : memref<1x640x16xf32, #tpu.memory_space<hbm>> -> memref<640x16xf32, #tpu.memory_space<hbm>>
      %dma_wait3A_25 = arith.constant 0 : i32
      %dma_wait3A_26 = tpu.memref_slice %arg6[%mul3A_2, %dma_wait3A_25] : memref<10240x16xf32, #tpu.memory_space<vmem_shared>> -> memref<640x16xf32, #tpu.memory_space<vmem_shared>>
      tpu.wait_dma2 semaphore(%run_scoped3A_18 : memref<!tpu.dma_semaphore, #tpu.memory_space<semaphore_mem>>) src(%dma_wait3A_26 : memref<640x16xf32, #tpu.memory_space<vmem_shared>>) dst(%dma_wait3A_24 : memref<640x16xf32, #tpu.memory_space<hbm>>)
      tpu.yield
    }) : () -> ()
    return
  }
}

#map = affine_map<(d0, d1) -> (0, 0)>
#map1 = affine_map<(d0, d1) -> (0, 0, 0)>
module attributes {stable_mosaic.version = 14 : i64} {
  func.func @k(%arg0: i32, %arg1: i32, %arg2: memref<10240x128xf32, #tpu.memory_space<hbm>>, %arg3: memref<2x2560x128xi32, #tpu.memory_space<hbm>>, %arg4: memref<640x128xf32, #tpu.memory_space<hbm>>, %arg5: memref<2x10240x128xf32, #tpu.memory_space<hbm>>, %arg6: memref<10240x128xf32, #tpu.memory_space<vmem_shared>>, %arg7: memref<80x128xi32, #tpu.memory_space<vmem>>, %arg8: memref<2x8x128xi32, #tpu.memory_space<vmem>>, %arg9: memref<2x128x128xf32, #tpu.memory_space<vmem>>, %arg10: memref<2x!tpu.dma_semaphore, #tpu.memory_space<semaphore_mem>>, %arg11: memref<2x!tpu.dma_semaphore, #tpu.memory_space<semaphore_mem>>, %arg12: memref<2x!tpu.dma_semaphore, #tpu.memory_space<semaphore_mem>>) attributes {dimension_semantics = [#tpu.dimension_semantics<core_parallel>, #tpu.dimension_semantics<subcore_parallel>], iteration_bounds = array<i64: 2, 16>, scalar_prefetch = 0 : i64, scratch_operands = 7 : i64, tpu.core_type = #tpu.core_type<sc_vector_subcore>, window_params = [{transform_indices = #map}, {transform_indices = #map1}, {transform_indices = #map}, {transform_indices = #map1}]} {
    %mul3A = arith.constant 16 : i32
    %mul3A_0 = arith.muli %arg0, %mul3A : i32
    %add3A = arith.addi %mul3A_0, %arg1 : i32
    %mul3A_1 = arith.constant 640 : i32
    %mul3A_2 = arith.muli %arg1, %mul3A_1 : i32
    %mul3A_3 = arith.constant 80 : i32
    %mul3A_4 = arith.muli %add3A, %mul3A_3 : i32
    %eq3A = arith.constant 0 : i32
    %eq3A_5 = arith.cmpi eq, %arg0, %eq3A : i32
    %convert_element_type3A = arith.extui %eq3A_5 : i1 to i32
    %cond3A = arith.constant 0 : i32
    %cond3A_6 = arith.cmpi ne, %convert_element_type3A, %cond3A : i32
    scf.if %cond3A_6 {
      "tpu.region"() ({
        %run_scoped3A_119 = tpu.sem_alloc : memref<!tpu.dma_semaphore, #tpu.memory_space<semaphore_mem>>
        %dma_start3A_120 = arith.constant 0 : i32
        %dma_start3A_121 = tpu.memref_slice %arg6[%mul3A_2, %dma_start3A_120] : memref<10240x128xf32, #tpu.memory_space<vmem_shared>> -> memref<640x128xf32, #tpu.memory_space<vmem_shared>>
        %dma_start3A_122 = arith.constant 0 : i32
        %dma_start3A_123 = tpu.memref_slice %arg2[%mul3A_2, %dma_start3A_122] : memref<10240x128xf32, #tpu.memory_space<hbm>> -> memref<640x128xf32, #tpu.memory_space<hbm>>
        tpu.enqueue_dma source(%dma_start3A_123 : memref<640x128xf32, #tpu.memory_space<hbm>>) target(%dma_start3A_121 : memref<640x128xf32, #tpu.memory_space<vmem_shared>>) target_semaphore(%run_scoped3A_119 : memref<!tpu.dma_semaphore, #tpu.memory_space<semaphore_mem>>)
        %dma_wait3A_124 = arith.constant 0 : i32
        %dma_wait3A_125 = tpu.memref_slice %arg6[%mul3A_2, %dma_wait3A_124] : memref<10240x128xf32, #tpu.memory_space<vmem_shared>> -> memref<640x128xf32, #tpu.memory_space<vmem_shared>>
        %dma_wait3A_126 = arith.constant 0 : i32
        %dma_wait3A_127 = tpu.memref_slice %arg2[%mul3A_2, %dma_wait3A_126] : memref<10240x128xf32, #tpu.memory_space<hbm>> -> memref<640x128xf32, #tpu.memory_space<hbm>>
        tpu.wait_dma2 semaphore(%run_scoped3A_119 : memref<!tpu.dma_semaphore, #tpu.memory_space<semaphore_mem>>) src(%dma_wait3A_127 : memref<640x128xf32, #tpu.memory_space<hbm>>) dst(%dma_wait3A_125 : memref<640x128xf32, #tpu.memory_space<vmem_shared>>)
        tpu.yield
      }) : () -> ()
    } else {
    }
    %ne3A = arith.constant 0 : i32
    %ne3A_7 = arith.cmpi ne, %arg0, %ne3A : i32
    %convert_element_type3A_8 = arith.extui %ne3A_7 : i1 to i32
    %cond3A_9 = arith.constant 0 : i32
    %cond3A_10 = arith.cmpi ne, %convert_element_type3A_8, %cond3A_9 : i32
    scf.if %cond3A_10 {
      "tpu.region"() ({
        %run_scoped3A_119 = tpu.sem_alloc : memref<!tpu.dma_semaphore, #tpu.memory_space<semaphore_mem>>
        %dma_start3A_120 = arith.constant 0 : i32
        %dma_start3A_121 = tpu.memref_slice %arg6[%mul3A_2, %dma_start3A_120] : memref<10240x128xf32, #tpu.memory_space<vmem_shared>> -> memref<640x128xf32, #tpu.memory_space<vmem_shared>>
        tpu.enqueue_dma source(%arg4 : memref<640x128xf32, #tpu.memory_space<hbm>>) target(%dma_start3A_121 : memref<640x128xf32, #tpu.memory_space<vmem_shared>>) target_semaphore(%run_scoped3A_119 : memref<!tpu.dma_semaphore, #tpu.memory_space<semaphore_mem>>)
        %dma_wait3A_122 = arith.constant 0 : i32
        %dma_wait3A_123 = tpu.memref_slice %arg6[%mul3A_2, %dma_wait3A_122] : memref<10240x128xf32, #tpu.memory_space<vmem_shared>> -> memref<640x128xf32, #tpu.memory_space<vmem_shared>>
        tpu.wait_dma2 semaphore(%run_scoped3A_119 : memref<!tpu.dma_semaphore, #tpu.memory_space<semaphore_mem>>) src(%arg4 : memref<640x128xf32, #tpu.memory_space<hbm>>) dst(%dma_wait3A_123 : memref<640x128xf32, #tpu.memory_space<vmem_shared>>)
        tpu.yield
      }) : () -> ()
    } else {
    }
    %run_scoped3A = arith.constant 0 : i32
    "tpu.region"() ({
      %run_scoped3A_119 = tpu.sem_alloc : memref<!tpu.dma_semaphore, #tpu.memory_space<semaphore_mem>>
      %dma_start3A_120 = arith.constant 0 : i32
      %dma_start3A_121 = tpu.memref_slice %arg3[%run_scoped3A, %mul3A_4, %dma_start3A_120] : memref<2x2560x128xi32, #tpu.memory_space<hbm>> -> memref<1x80x128xi32, #tpu.memory_space<hbm>>
      %dma_start3A_122 = tpu.memref_squeeze %dma_start3A_121 : memref<1x80x128xi32, #tpu.memory_space<hbm>> -> memref<80x128xi32, #tpu.memory_space<hbm>>
      %dma_start3A_123 = arith.constant 0 : i32
      %dma_start3A_124 = tpu.memref_slice %arg3[%run_scoped3A, %mul3A_4, %dma_start3A_123] : memref<2x2560x128xi32, #tpu.memory_space<hbm>> -> memref<1x80x128xi32, #tpu.memory_space<hbm>>
      %dma_start3A_125 = tpu.memref_squeeze %dma_start3A_124 : memref<1x80x128xi32, #tpu.memory_space<hbm>> -> memref<80x128xi32, #tpu.memory_space<hbm>>
      tpu.enqueue_dma source(%dma_start3A_125 : memref<80x128xi32, #tpu.memory_space<hbm>>) target(%arg7 : memref<80x128xi32, #tpu.memory_space<vmem>>) target_semaphore(%run_scoped3A_119 : memref<!tpu.dma_semaphore, #tpu.memory_space<semaphore_mem>>)
      %dma_wait3A_126 = arith.constant 0 : i32
      %dma_wait3A_127 = tpu.memref_slice %arg3[%run_scoped3A, %mul3A_4, %dma_wait3A_126] : memref<2x2560x128xi32, #tpu.memory_space<hbm>> -> memref<1x80x128xi32, #tpu.memory_space<hbm>>
      %dma_wait3A_128 = tpu.memref_squeeze %dma_wait3A_127 : memref<1x80x128xi32, #tpu.memory_space<hbm>> -> memref<80x128xi32, #tpu.memory_space<hbm>>
      %dma_wait3A_129 = arith.constant 0 : i32
      %dma_wait3A_130 = tpu.memref_slice %arg3[%run_scoped3A, %mul3A_4, %dma_wait3A_129] : memref<2x2560x128xi32, #tpu.memory_space<hbm>> -> memref<1x80x128xi32, #tpu.memory_space<hbm>>
      %dma_wait3A_131 = tpu.memref_squeeze %dma_wait3A_130 : memref<1x80x128xi32, #tpu.memory_space<hbm>> -> memref<80x128xi32, #tpu.memory_space<hbm>>
      tpu.wait_dma2 semaphore(%run_scoped3A_119 : memref<!tpu.dma_semaphore, #tpu.memory_space<semaphore_mem>>) src(%dma_wait3A_131 : memref<80x128xi32, #tpu.memory_space<hbm>>) dst(%arg7 : memref<80x128xi32, #tpu.memory_space<vmem>>)
      tpu.yield
    }) : () -> ()
    %barrier3A = arith.constant 0 : index
    tpu.barrier barrier_id(%barrier3A)
    %add3A_11 = arith.constant 0 : i32
    %add3A_12 = arith.addi %mul3A_4, %add3A_11 : i32
    %dma_start3A = arith.constant 1 : i32
    %dma_start3A_13 = arith.constant 0 : i32
    %dma_start3A_14 = arith.constant 0 : i32
    %dma_start3A_15 = arith.constant 0 : i32
    %dma_start3A_16 = arith.constant 0 : i32
    %dma_start3A_17 = tpu.memref_slice %arg8[%dma_start3A_13, %dma_start3A_15, %dma_start3A_16] : memref<2x8x128xi32, #tpu.memory_space<vmem>> -> memref<1x8x128xi32, #tpu.memory_space<vmem>>
    %dma_start3A_18 = tpu.memref_squeeze %dma_start3A_17 : memref<1x8x128xi32, #tpu.memory_space<vmem>> -> memref<8x128xi32, #tpu.memory_space<vmem>>
    %dma_start3A_19 = arith.constant 0 : i32
    %dma_start3A_20 = tpu.memref_slice %arg3[%dma_start3A, %add3A_12, %dma_start3A_19] : memref<2x2560x128xi32, #tpu.memory_space<hbm>> -> memref<1x8x128xi32, #tpu.memory_space<hbm>>
    %dma_start3A_21 = tpu.memref_squeeze %dma_start3A_20 : memref<1x8x128xi32, #tpu.memory_space<hbm>> -> memref<8x128xi32, #tpu.memory_space<hbm>>
    %dma_start3A_22 = tpu.memref_slice %arg12[%dma_start3A_14] : memref<2x!tpu.dma_semaphore, #tpu.memory_space<semaphore_mem>> -> memref<1x!tpu.dma_semaphore, #tpu.memory_space<semaphore_mem>>
    %dma_start3A_23 = tpu.memref_squeeze %dma_start3A_22 : memref<1x!tpu.dma_semaphore, #tpu.memory_space<semaphore_mem>> -> memref<!tpu.dma_semaphore, #tpu.memory_space<semaphore_mem>>
    %dma_start3A_24 = arith.constant 0 : i32
    %dma_start3A_25 = arith.constant 0 : i32
    %dma_start3A_26 = tpu.memref_slice %arg8[%dma_start3A_13, %dma_start3A_24, %dma_start3A_25] : memref<2x8x128xi32, #tpu.memory_space<vmem>> -> memref<1x8x128xi32, #tpu.memory_space<vmem>>
    %dma_start3A_27 = tpu.memref_squeeze %dma_start3A_26 : memref<1x8x128xi32, #tpu.memory_space<vmem>> -> memref<8x128xi32, #tpu.memory_space<vmem>>
    %dma_start3A_28 = arith.constant 0 : i32
    %dma_start3A_29 = tpu.memref_slice %arg3[%dma_start3A, %add3A_12, %dma_start3A_28] : memref<2x2560x128xi32, #tpu.memory_space<hbm>> -> memref<1x8x128xi32, #tpu.memory_space<hbm>>
    %dma_start3A_30 = tpu.memref_squeeze %dma_start3A_29 : memref<1x8x128xi32, #tpu.memory_space<hbm>> -> memref<8x128xi32, #tpu.memory_space<hbm>>
    tpu.enqueue_dma source(%dma_start3A_30 : memref<8x128xi32, #tpu.memory_space<hbm>>) target(%dma_start3A_27 : memref<8x128xi32, #tpu.memory_space<vmem>>) target_semaphore(%dma_start3A_23 : memref<!tpu.dma_semaphore, #tpu.memory_space<semaphore_mem>>)
    %add3A_31 = arith.constant 8 : i32
    %add3A_32 = arith.addi %mul3A_4, %add3A_31 : i32
    %dma_start3A_33 = arith.constant 1 : i32
    %dma_start3A_34 = arith.constant 1 : i32
    %dma_start3A_35 = arith.constant 1 : i32
    %dma_start3A_36 = arith.constant 0 : i32
    %dma_start3A_37 = arith.constant 0 : i32
    %dma_start3A_38 = tpu.memref_slice %arg8[%dma_start3A_34, %dma_start3A_36, %dma_start3A_37] : memref<2x8x128xi32, #tpu.memory_space<vmem>> -> memref<1x8x128xi32, #tpu.memory_space<vmem>>
    %dma_start3A_39 = tpu.memref_squeeze %dma_start3A_38 : memref<1x8x128xi32, #tpu.memory_space<vmem>> -> memref<8x128xi32, #tpu.memory_space<vmem>>
    %dma_start3A_40 = arith.constant 0 : i32
    %dma_start3A_41 = tpu.memref_slice %arg3[%dma_start3A_33, %add3A_32, %dma_start3A_40] : memref<2x2560x128xi32, #tpu.memory_space<hbm>> -> memref<1x8x128xi32, #tpu.memory_space<hbm>>
    %dma_start3A_42 = tpu.memref_squeeze %dma_start3A_41 : memref<1x8x128xi32, #tpu.memory_space<hbm>> -> memref<8x128xi32, #tpu.memory_space<hbm>>
    %dma_start3A_43 = tpu.memref_slice %arg12[%dma_start3A_35] : memref<2x!tpu.dma_semaphore, #tpu.memory_space<semaphore_mem>> -> memref<1x!tpu.dma_semaphore, #tpu.memory_space<semaphore_mem>>
    %dma_start3A_44 = tpu.memref_squeeze %dma_start3A_43 : memref<1x!tpu.dma_semaphore, #tpu.memory_space<semaphore_mem>> -> memref<!tpu.dma_semaphore, #tpu.memory_space<semaphore_mem>>
    %dma_start3A_45 = arith.constant 0 : i32
    %dma_start3A_46 = arith.constant 0 : i32
    %dma_start3A_47 = tpu.memref_slice %arg8[%dma_start3A_34, %dma_start3A_45, %dma_start3A_46] : memref<2x8x128xi32, #tpu.memory_space<vmem>> -> memref<1x8x128xi32, #tpu.memory_space<vmem>>
    %dma_start3A_48 = tpu.memref_squeeze %dma_start3A_47 : memref<1x8x128xi32, #tpu.memory_space<vmem>> -> memref<8x128xi32, #tpu.memory_space<vmem>>
    %dma_start3A_49 = arith.constant 0 : i32
    %dma_start3A_50 = tpu.memref_slice %arg3[%dma_start3A_33, %add3A_32, %dma_start3A_49] : memref<2x2560x128xi32, #tpu.memory_space<hbm>> -> memref<1x8x128xi32, #tpu.memory_space<hbm>>
    %dma_start3A_51 = tpu.memref_squeeze %dma_start3A_50 : memref<1x8x128xi32, #tpu.memory_space<hbm>> -> memref<8x128xi32, #tpu.memory_space<hbm>>
    tpu.enqueue_dma source(%dma_start3A_51 : memref<8x128xi32, #tpu.memory_space<hbm>>) target(%dma_start3A_48 : memref<8x128xi32, #tpu.memory_space<vmem>>) target_semaphore(%dma_start3A_44 : memref<!tpu.dma_semaphore, #tpu.memory_space<semaphore_mem>>)
    %dma_start3A_52 = arith.constant 0 : i32
    %dma_start3A_53 = arith.constant 0 : i32
    %dma_start3A_54 = arith.constant 0 : i32
    %dma_start3A_55 = arith.constant 0 : i32
    %dma_start3A_56 = arith.constant 0 : i32
    %dma_start3A_57 = tpu.memref_slice %arg9[%dma_start3A_53, %dma_start3A_55, %dma_start3A_56] : memref<2x128x128xf32, #tpu.memory_space<vmem>> -> memref<1x128x128xf32, #tpu.memory_space<vmem>>
    %dma_start3A_58 = tpu.memref_squeeze %dma_start3A_57 : memref<1x128x128xf32, #tpu.memory_space<vmem>> -> memref<128x128xf32, #tpu.memory_space<vmem>>
    %dma_start3A_59 = arith.constant 0 : i32
    %dma_start3A_60 = tpu.memref_slice %arg7[%dma_start3A_52, %dma_start3A_59] : memref<80x128xi32, #tpu.memory_space<vmem>> -> memref<1x128xi32, #tpu.memory_space<vmem>>
    %dma_start3A_61 = tpu.memref_squeeze %dma_start3A_60 : memref<1x128xi32, #tpu.memory_space<vmem>> -> memref<128xi32, #tpu.memory_space<vmem>>
    %dma_start3A_62 = arith.constant 0 : i32
    %dma_start3A_63 = arith.constant 0 : i32
    %dma_start3A_64 = tpu.memref_slice %arg2[%dma_start3A_62, %dma_start3A_63] : memref<10240x128xf32, #tpu.memory_space<hbm>> -> memref<10240x128xf32, #tpu.memory_space<hbm>>
    %dma_start3A_65 = tpu.memref_slice %arg10[%dma_start3A_54] : memref<2x!tpu.dma_semaphore, #tpu.memory_space<semaphore_mem>> -> memref<1x!tpu.dma_semaphore, #tpu.memory_space<semaphore_mem>>
    %dma_start3A_66 = tpu.memref_squeeze %dma_start3A_65 : memref<1x!tpu.dma_semaphore, #tpu.memory_space<semaphore_mem>> -> memref<!tpu.dma_semaphore, #tpu.memory_space<semaphore_mem>>
    tpu.enqueue_indirect_dma source(%dma_start3A_64 : memref<10240x128xf32, #tpu.memory_space<hbm>>) target(%dma_start3A_58 : memref<128x128xf32, #tpu.memory_space<vmem>>) offsets(%dma_start3A_61 : memref<128xi32, #tpu.memory_space<vmem>>) semaphore(%dma_start3A_66 : memref<!tpu.dma_semaphore, #tpu.memory_space<semaphore_mem>>)
    %dma_start3A_67 = arith.constant 1 : i32
    %dma_start3A_68 = arith.constant 1 : i32
    %dma_start3A_69 = arith.constant 1 : i32
    %dma_start3A_70 = arith.constant 0 : i32
    %dma_start3A_71 = arith.constant 0 : i32
    %dma_start3A_72 = tpu.memref_slice %arg9[%dma_start3A_68, %dma_start3A_70, %dma_start3A_71] : memref<2x128x128xf32, #tpu.memory_space<vmem>> -> memref<1x128x128xf32, #tpu.memory_space<vmem>>
    %dma_start3A_73 = tpu.memref_squeeze %dma_start3A_72 : memref<1x128x128xf32, #tpu.memory_space<vmem>> -> memref<128x128xf32, #tpu.memory_space<vmem>>
    %dma_start3A_74 = arith.constant 0 : i32
    %dma_start3A_75 = tpu.memref_slice %arg7[%dma_start3A_67, %dma_start3A_74] : memref<80x128xi32, #tpu.memory_space<vmem>> -> memref<1x128xi32, #tpu.memory_space<vmem>>
    %dma_start3A_76 = tpu.memref_squeeze %dma_start3A_75 : memref<1x128xi32, #tpu.memory_space<vmem>> -> memref<128xi32, #tpu.memory_space<vmem>>
    %dma_start3A_77 = arith.constant 0 : i32
    %dma_start3A_78 = arith.constant 0 : i32
    %dma_start3A_79 = tpu.memref_slice %arg2[%dma_start3A_77, %dma_start3A_78] : memref<10240x128xf32, #tpu.memory_space<hbm>> -> memref<10240x128xf32, #tpu.memory_space<hbm>>
    %dma_start3A_80 = tpu.memref_slice %arg10[%dma_start3A_69] : memref<2x!tpu.dma_semaphore, #tpu.memory_space<semaphore_mem>> -> memref<1x!tpu.dma_semaphore, #tpu.memory_space<semaphore_mem>>
    %dma_start3A_81 = tpu.memref_squeeze %dma_start3A_80 : memref<1x!tpu.dma_semaphore, #tpu.memory_space<semaphore_mem>> -> memref<!tpu.dma_semaphore, #tpu.memory_space<semaphore_mem>>
    tpu.enqueue_indirect_dma source(%dma_start3A_79 : memref<10240x128xf32, #tpu.memory_space<hbm>>) target(%dma_start3A_73 : memref<128x128xf32, #tpu.memory_space<vmem>>) offsets(%dma_start3A_76 : memref<128xi32, #tpu.memory_space<vmem>>) semaphore(%dma_start3A_81 : memref<!tpu.dma_semaphore, #tpu.memory_space<semaphore_mem>>)
    %scan3A = arith.constant 0 : i32
    %scan3A_82 = arith.constant 0 : i32
    %scan3A_83 = arith.constant 10 : i32
    %scan3A_84 = arith.addi %scan3A_82, %scan3A_83 : i32
    %scan3A_85 = arith.constant 1 : i32
    scf.for %scan3A_119 = %scan3A_82 to %scan3A_84 step %scan3A_85  : i32 {
      %jit3A = arith.constant 2 : i32
      %eq3A_120 = arith.constant 0 : i32
      %eq3A_121 = arith.cmpi eq, %jit3A, %eq3A_120 : i32
      %jit3A_122 = arith.constant 1 : i32
      %select_n3A = arith.select %eq3A_121, %jit3A_122, %jit3A : i32
      %rem3A = arith.remsi %scan3A_119, %select_n3A : i32
      %ne3A_123 = arith.constant 0 : i32
      %ne3A_124 = arith.cmpi ne, %rem3A, %ne3A_123 : i32
      %lt3A = arith.constant 0 : i32
      %lt3A_125 = arith.cmpi slt, %rem3A, %lt3A : i32
      %lt3A_126 = arith.constant 0 : i32
      %lt3A_127 = arith.cmpi slt, %select_n3A, %lt3A_126 : i32
      %ne3A_128 = arith.xori %lt3A_125, %lt3A_127 : i1
      %and3A = arith.andi %ne3A_128, %ne3A_124 : i1
      %add3A_129 = arith.addi %rem3A, %select_n3A : i32
      %select_n3A_130 = arith.select %and3A, %add3A_129, %rem3A : i32
      %dma_wait3A_131 = arith.constant 1 : i32
      %dma_wait3A_132 = arith.constant 0 : i32
      %dma_wait3A_133 = arith.constant 0 : i32
      %dma_wait3A_134 = tpu.memref_slice %arg8[%select_n3A_130, %dma_wait3A_132, %dma_wait3A_133] : memref<2x8x128xi32, #tpu.memory_space<vmem>> -> memref<1x8x128xi32, #tpu.memory_space<vmem>>
      %dma_wait3A_135 = tpu.memref_squeeze %dma_wait3A_134 : memref<1x8x128xi32, #tpu.memory_space<vmem>> -> memref<8x128xi32, #tpu.memory_space<vmem>>
      %dma_wait3A_136 = arith.constant 0 : i32
      %dma_wait3A_137 = tpu.memref_slice %arg3[%dma_wait3A_131, %mul3A_4, %dma_wait3A_136] : memref<2x2560x128xi32, #tpu.memory_space<hbm>> -> memref<1x8x128xi32, #tpu.memory_space<hbm>>
      %dma_wait3A_138 = tpu.memref_squeeze %dma_wait3A_137 : memref<1x8x128xi32, #tpu.memory_space<hbm>> -> memref<8x128xi32, #tpu.memory_space<hbm>>
      %dma_wait3A_139 = tpu.memref_slice %arg12[%select_n3A_130] : memref<2x!tpu.dma_semaphore, #tpu.memory_space<semaphore_mem>> -> memref<1x!tpu.dma_semaphore, #tpu.memory_space<semaphore_mem>>
      %dma_wait3A_140 = tpu.memref_squeeze %dma_wait3A_139 : memref<1x!tpu.dma_semaphore, #tpu.memory_space<semaphore_mem>> -> memref<!tpu.dma_semaphore, #tpu.memory_space<semaphore_mem>>
      %dma_wait3A_141 = arith.constant 0 : i32
      %dma_wait3A_142 = arith.constant 0 : i32
      %dma_wait3A_143 = tpu.memref_slice %arg8[%select_n3A_130, %dma_wait3A_141, %dma_wait3A_142] : memref<2x8x128xi32, #tpu.memory_space<vmem>> -> memref<1x8x128xi32, #tpu.memory_space<vmem>>
      %dma_wait3A_144 = tpu.memref_squeeze %dma_wait3A_143 : memref<1x8x128xi32, #tpu.memory_space<vmem>> -> memref<8x128xi32, #tpu.memory_space<vmem>>
      %dma_wait3A_145 = arith.constant 0 : i32
      %dma_wait3A_146 = tpu.memref_slice %arg3[%dma_wait3A_131, %mul3A_4, %dma_wait3A_145] : memref<2x2560x128xi32, #tpu.memory_space<hbm>> -> memref<1x8x128xi32, #tpu.memory_space<hbm>>
      %dma_wait3A_147 = tpu.memref_squeeze %dma_wait3A_146 : memref<1x8x128xi32, #tpu.memory_space<hbm>> -> memref<8x128xi32, #tpu.memory_space<hbm>>
      tpu.wait_dma2 semaphore(%dma_wait3A_140 : memref<!tpu.dma_semaphore, #tpu.memory_space<semaphore_mem>>) src(%dma_wait3A_147 : memref<8x128xi32, #tpu.memory_space<hbm>>) dst(%dma_wait3A_144 : memref<8x128xi32, #tpu.memory_space<vmem>>)
      %mul3A_148 = arith.constant 8 : i32
      %mul3A_149 = arith.muli %scan3A_119, %mul3A_148 : i32
      %add3A_150 = arith.constant 0 : i32
      %add3A_151 = arith.addi %mul3A_149, %add3A_150 : i32
      %dma_wait3A_152 = arith.constant 0 : i32
      %dma_wait3A_153 = arith.constant 0 : i32
      %dma_wait3A_154 = arith.constant 0 : i32
      %dma_wait3A_155 = arith.constant 0 : i32
      %dma_wait3A_156 = tpu.memref_slice %arg9[%dma_wait3A_152, %dma_wait3A_154, %dma_wait3A_155] : memref<2x128x128xf32, #tpu.memory_space<vmem>> -> memref<1x128x128xf32, #tpu.memory_space<vmem>>
      %dma_wait3A_157 = tpu.memref_squeeze %dma_wait3A_156 : memref<1x128x128xf32, #tpu.memory_space<vmem>> -> memref<128x128xf32, #tpu.memory_space<vmem>>
      %dma_wait3A_158 = arith.constant 0 : i32
      %dma_wait3A_159 = tpu.memref_slice %arg7[%add3A_151, %dma_wait3A_158] : memref<80x128xi32, #tpu.memory_space<vmem>> -> memref<1x128xi32, #tpu.memory_space<vmem>>
      %dma_wait3A_160 = tpu.memref_squeeze %dma_wait3A_159 : memref<1x128xi32, #tpu.memory_space<vmem>> -> memref<128xi32, #tpu.memory_space<vmem>>
      %dma_wait3A_161 = arith.constant 0 : i32
      %dma_wait3A_162 = arith.constant 0 : i32
      %dma_wait3A_163 = tpu.memref_slice %arg2[%dma_wait3A_161, %dma_wait3A_162] : memref<10240x128xf32, #tpu.memory_space<hbm>> -> memref<10240x128xf32, #tpu.memory_space<hbm>>
      %dma_wait3A_164 = tpu.memref_slice %arg10[%dma_wait3A_153] : memref<2x!tpu.dma_semaphore, #tpu.memory_space<semaphore_mem>> -> memref<1x!tpu.dma_semaphore, #tpu.memory_space<semaphore_mem>>
      %dma_wait3A_165 = tpu.memref_squeeze %dma_wait3A_164 : memref<1x!tpu.dma_semaphore, #tpu.memory_space<semaphore_mem>> -> memref<!tpu.dma_semaphore, #tpu.memory_space<semaphore_mem>>
      tpu.wait_indirect_dma semaphore(%dma_wait3A_165 : memref<!tpu.dma_semaphore, #tpu.memory_space<semaphore_mem>>) src(%dma_wait3A_163 : memref<10240x128xf32, #tpu.memory_space<hbm>>) dst(%dma_wait3A_157 : memref<128x128xf32, #tpu.memory_space<vmem>>)
      %dma_start3A_166 = arith.constant 0 : i32
      %dma_start3A_167 = arith.constant 0 : i32
      %dma_start3A_168 = arith.constant 0 : i32
      %dma_start3A_169 = arith.constant 0 : i32
      %dma_start3A_170 = arith.constant 0 : i32
      %dma_start3A_171 = tpu.memref_slice %arg9[%dma_start3A_166, %dma_start3A_169, %dma_start3A_170] : memref<2x128x128xf32, #tpu.memory_space<vmem>> -> memref<1x128x128xf32, #tpu.memory_space<vmem>>
      %dma_start3A_172 = tpu.memref_squeeze %dma_start3A_171 : memref<1x128x128xf32, #tpu.memory_space<vmem>> -> memref<128x128xf32, #tpu.memory_space<vmem>>
      %dma_start3A_173 = arith.constant 0 : i32
      %dma_start3A_174 = tpu.memref_slice %arg8[%select_n3A_130, %dma_start3A_167, %dma_start3A_173] : memref<2x8x128xi32, #tpu.memory_space<vmem>> -> memref<1x1x128xi32, #tpu.memory_space<vmem>>
      %dma_start3A_175 = tpu.memref_squeeze %dma_start3A_174 : memref<1x1x128xi32, #tpu.memory_space<vmem>> -> memref<128xi32, #tpu.memory_space<vmem>>
      %dma_start3A_176 = arith.constant 0 : i32
      %dma_start3A_177 = arith.constant 0 : i32
      %dma_start3A_178 = tpu.memref_slice %arg6[%dma_start3A_176, %dma_start3A_177] : memref<10240x128xf32, #tpu.memory_space<vmem_shared>> -> memref<10240x128xf32, #tpu.memory_space<vmem_shared>>
      %dma_start3A_179 = tpu.memref_slice %arg11[%dma_start3A_168] : memref<2x!tpu.dma_semaphore, #tpu.memory_space<semaphore_mem>> -> memref<1x!tpu.dma_semaphore, #tpu.memory_space<semaphore_mem>>
      %dma_start3A_180 = tpu.memref_squeeze %dma_start3A_179 : memref<1x!tpu.dma_semaphore, #tpu.memory_space<semaphore_mem>> -> memref<!tpu.dma_semaphore, #tpu.memory_space<semaphore_mem>>
      tpu.enqueue_indirect_dma source(%dma_start3A_172 : memref<128x128xf32, #tpu.memory_space<vmem>>) target(%dma_start3A_178 : memref<10240x128xf32, #tpu.memory_space<vmem_shared>>) offsets(%dma_start3A_175 : memref<128xi32, #tpu.memory_space<vmem>>) semaphore(%dma_start3A_180 : memref<!tpu.dma_semaphore, #tpu.memory_space<semaphore_mem>>) {add = true}
      %add3A_181 = arith.constant 2 : i32
      %add3A_182 = arith.addi %add3A_151, %add3A_181 : i32
      %lt3A_183 = arith.constant 80 : i32
      %lt3A_184 = arith.cmpi slt, %add3A_182, %lt3A_183 : i32
      %convert_element_type3A_185 = arith.extui %lt3A_184 : i1 to i32
      %cond3A_186 = arith.constant 0 : i32
      %cond3A_187 = arith.cmpi ne, %convert_element_type3A_185, %cond3A_186 : i32
      scf.if %cond3A_187 {
        %dma_wait3A_475 = arith.constant 0 : i32
        %dma_wait3A_476 = arith.constant 0 : i32
        %dma_wait3A_477 = arith.constant 0 : i32
        %dma_wait3A_478 = arith.constant 0 : i32
        %dma_wait3A_479 = arith.constant 0 : i32
        %dma_wait3A_480 = tpu.memref_slice %arg9[%dma_wait3A_475, %dma_wait3A_478, %dma_wait3A_479] : memref<2x128x128xf32, #tpu.memory_space<vmem>> -> memref<1x128x128xf32, #tpu.memory_space<vmem>>
        %dma_wait3A_481 = tpu.memref_squeeze %dma_wait3A_480 : memref<1x128x128xf32, #tpu.memory_space<vmem>> -> memref<128x128xf32, #tpu.memory_space<vmem>>
        %dma_wait3A_482 = arith.constant 0 : i32
        %dma_wait3A_483 = tpu.memref_slice %arg8[%select_n3A_130, %dma_wait3A_476, %dma_wait3A_482] : memref<2x8x128xi32, #tpu.memory_space<vmem>> -> memref<1x1x128xi32, #tpu.memory_space<vmem>>
        %dma_wait3A_484 = tpu.memref_squeeze %dma_wait3A_483 : memref<1x1x128xi32, #tpu.memory_space<vmem>> -> memref<128xi32, #tpu.memory_space<vmem>>
        %dma_wait3A_485 = arith.constant 0 : i32
        %dma_wait3A_486 = arith.constant 0 : i32
        %dma_wait3A_487 = tpu.memref_slice %arg6[%dma_wait3A_485, %dma_wait3A_486] : memref<10240x128xf32, #tpu.memory_space<vmem_shared>> -> memref<10240x128xf32, #tpu.memory_space<vmem_shared>>
        %dma_wait3A_488 = tpu.memref_slice %arg11[%dma_wait3A_477] : memref<2x!tpu.dma_semaphore, #tpu.memory_space<semaphore_mem>> -> memref<1x!tpu.dma_semaphore, #tpu.memory_space<semaphore_mem>>
        %dma_wait3A_489 = tpu.memref_squeeze %dma_wait3A_488 : memref<1x!tpu.dma_semaphore, #tpu.memory_space<semaphore_mem>> -> memref<!tpu.dma_semaphore, #tpu.memory_space<semaphore_mem>>
        tpu.wait_indirect_dma semaphore(%dma_wait3A_489 : memref<!tpu.dma_semaphore, #tpu.memory_space<semaphore_mem>>) src(%dma_wait3A_481 : memref<128x128xf32, #tpu.memory_space<vmem>>) dst(%dma_wait3A_487 : memref<10240x128xf32, #tpu.memory_space<vmem_shared>>)
        %add3A_490 = arith.constant 2 : i32
        %add3A_491 = arith.addi %add3A_151, %add3A_490 : i32
        %dma_start3A_492 = arith.constant 0 : i32
        %dma_start3A_493 = arith.constant 0 : i32
        %dma_start3A_494 = arith.constant 0 : i32
        %dma_start3A_495 = arith.constant 0 : i32
        %dma_start3A_496 = tpu.memref_slice %arg9[%dma_start3A_492, %dma_start3A_494, %dma_start3A_495] : memref<2x128x128xf32, #tpu.memory_space<vmem>> -> memref<1x128x128xf32, #tpu.memory_space<vmem>>
        %dma_start3A_497 = tpu.memref_squeeze %dma_start3A_496 : memref<1x128x128xf32, #tpu.memory_space<vmem>> -> memref<128x128xf32, #tpu.memory_space<vmem>>
        %dma_start3A_498 = arith.constant 0 : i32
        %dma_start3A_499 = tpu.memref_slice %arg7[%add3A_491, %dma_start3A_498] : memref<80x128xi32, #tpu.memory_space<vmem>> -> memref<1x128xi32, #tpu.memory_space<vmem>>
        %dma_start3A_500 = tpu.memref_squeeze %dma_start3A_499 : memref<1x128xi32, #tpu.memory_space<vmem>> -> memref<128xi32, #tpu.memory_space<vmem>>
        %dma_start3A_501 = arith.constant 0 : i32
        %dma_start3A_502 = arith.constant 0 : i32
        %dma_start3A_503 = tpu.memref_slice %arg2[%dma_start3A_501, %dma_start3A_502] : memref<10240x128xf32, #tpu.memory_space<hbm>> -> memref<10240x128xf32, #tpu.memory_space<hbm>>
        %dma_start3A_504 = tpu.memref_slice %arg10[%dma_start3A_493] : memref<2x!tpu.dma_semaphore, #tpu.memory_space<semaphore_mem>> -> memref<1x!tpu.dma_semaphore, #tpu.memory_space<semaphore_mem>>
        %dma_start3A_505 = tpu.memref_squeeze %dma_start3A_504 : memref<1x!tpu.dma_semaphore, #tpu.memory_space<semaphore_mem>> -> memref<!tpu.dma_semaphore, #tpu.memory_space<semaphore_mem>>
        tpu.enqueue_indirect_dma source(%dma_start3A_503 : memref<10240x128xf32, #tpu.memory_space<hbm>>) target(%dma_start3A_497 : memref<128x128xf32, #tpu.memory_space<vmem>>) offsets(%dma_start3A_500 : memref<128xi32, #tpu.memory_space<vmem>>) semaphore(%dma_start3A_505 : memref<!tpu.dma_semaphore, #tpu.memory_space<semaphore_mem>>)
      } else {
      }
      %mul3A_188 = arith.constant 8 : i32
      %mul3A_189 = arith.muli %scan3A_119, %mul3A_188 : i32
      %add3A_190 = arith.constant 1 : i32
      %add3A_191 = arith.addi %mul3A_189, %add3A_190 : i32
      %dma_wait3A_192 = arith.constant 1 : i32
      %dma_wait3A_193 = arith.constant 1 : i32
      %dma_wait3A_194 = arith.constant 0 : i32
      %dma_wait3A_195 = arith.constant 0 : i32
      %dma_wait3A_196 = tpu.memref_slice %arg9[%dma_wait3A_192, %dma_wait3A_194, %dma_wait3A_195] : memref<2x128x128xf32, #tpu.memory_space<vmem>> -> memref<1x128x128xf32, #tpu.memory_space<vmem>>
      %dma_wait3A_197 = tpu.memref_squeeze %dma_wait3A_196 : memref<1x128x128xf32, #tpu.memory_space<vmem>> -> memref<128x128xf32, #tpu.memory_space<vmem>>
      %dma_wait3A_198 = arith.constant 0 : i32
      %dma_wait3A_199 = tpu.memref_slice %arg7[%add3A_191, %dma_wait3A_198] : memref<80x128xi32, #tpu.memory_space<vmem>> -> memref<1x128xi32, #tpu.memory_space<vmem>>
      %dma_wait3A_200 = tpu.memref_squeeze %dma_wait3A_199 : memref<1x128xi32, #tpu.memory_space<vmem>> -> memref<128xi32, #tpu.memory_space<vmem>>
      %dma_wait3A_201 = arith.constant 0 : i32
      %dma_wait3A_202 = arith.constant 0 : i32
      %dma_wait3A_203 = tpu.memref_slice %arg2[%dma_wait3A_201, %dma_wait3A_202] : memref<10240x128xf32, #tpu.memory_space<hbm>> -> memref<10240x128xf32, #tpu.memory_space<hbm>>
      %dma_wait3A_204 = tpu.memref_slice %arg10[%dma_wait3A_193] : memref<2x!tpu.dma_semaphore, #tpu.memory_space<semaphore_mem>> -> memref<1x!tpu.dma_semaphore, #tpu.memory_space<semaphore_mem>>
      %dma_wait3A_205 = tpu.memref_squeeze %dma_wait3A_204 : memref<1x!tpu.dma_semaphore, #tpu.memory_space<semaphore_mem>> -> memref<!tpu.dma_semaphore, #tpu.memory_space<semaphore_mem>>
      tpu.wait_indirect_dma semaphore(%dma_wait3A_205 : memref<!tpu.dma_semaphore, #tpu.memory_space<semaphore_mem>>) src(%dma_wait3A_203 : memref<10240x128xf32, #tpu.memory_space<hbm>>) dst(%dma_wait3A_197 : memref<128x128xf32, #tpu.memory_space<vmem>>)
      %dma_start3A_206 = arith.constant 1 : i32
      %dma_start3A_207 = arith.constant 1 : i32
      %dma_start3A_208 = arith.constant 1 : i32
      %dma_start3A_209 = arith.constant 0 : i32
      %dma_start3A_210 = arith.constant 0 : i32
      %dma_start3A_211 = tpu.memref_slice %arg9[%dma_start3A_206, %dma_start3A_209, %dma_start3A_210] : memref<2x128x128xf32, #tpu.memory_space<vmem>> -> memref<1x128x128xf32, #tpu.memory_space<vmem>>
      %dma_start3A_212 = tpu.memref_squeeze %dma_start3A_211 : memref<1x128x128xf32, #tpu.memory_space<vmem>> -> memref<128x128xf32, #tpu.memory_space<vmem>>
      %dma_start3A_213 = arith.constant 0 : i32
      %dma_start3A_214 = tpu.memref_slice %arg8[%select_n3A_130, %dma_start3A_207, %dma_start3A_213] : memref<2x8x128xi32, #tpu.memory_space<vmem>> -> memref<1x1x128xi32, #tpu.memory_space<vmem>>
      %dma_start3A_215 = tpu.memref_squeeze %dma_start3A_214 : memref<1x1x128xi32, #tpu.memory_space<vmem>> -> memref<128xi32, #tpu.memory_space<vmem>>
      %dma_start3A_216 = arith.constant 0 : i32
      %dma_start3A_217 = arith.constant 0 : i32
      %dma_start3A_218 = tpu.memref_slice %arg6[%dma_start3A_216, %dma_start3A_217] : memref<10240x128xf32, #tpu.memory_space<vmem_shared>> -> memref<10240x128xf32, #tpu.memory_space<vmem_shared>>
      %dma_start3A_219 = tpu.memref_slice %arg11[%dma_start3A_208] : memref<2x!tpu.dma_semaphore, #tpu.memory_space<semaphore_mem>> -> memref<1x!tpu.dma_semaphore, #tpu.memory_space<semaphore_mem>>
      %dma_start3A_220 = tpu.memref_squeeze %dma_start3A_219 : memref<1x!tpu.dma_semaphore, #tpu.memory_space<semaphore_mem>> -> memref<!tpu.dma_semaphore, #tpu.memory_space<semaphore_mem>>
      tpu.enqueue_indirect_dma source(%dma_start3A_212 : memref<128x128xf32, #tpu.memory_space<vmem>>) target(%dma_start3A_218 : memref<10240x128xf32, #tpu.memory_space<vmem_shared>>) offsets(%dma_start3A_215 : memref<128xi32, #tpu.memory_space<vmem>>) semaphore(%dma_start3A_220 : memref<!tpu.dma_semaphore, #tpu.memory_space<semaphore_mem>>) {add = true}
      %add3A_221 = arith.constant 2 : i32
      %add3A_222 = arith.addi %add3A_191, %add3A_221 : i32
      %lt3A_223 = arith.constant 80 : i32
      %lt3A_224 = arith.cmpi slt, %add3A_222, %lt3A_223 : i32
      %convert_element_type3A_225 = arith.extui %lt3A_224 : i1 to i32
      %cond3A_226 = arith.constant 0 : i32
      %cond3A_227 = arith.cmpi ne, %convert_element_type3A_225, %cond3A_226 : i32
      scf.if %cond3A_227 {
        %dma_wait3A_475 = arith.constant 1 : i32
        %dma_wait3A_476 = arith.constant 1 : i32
        %dma_wait3A_477 = arith.constant 1 : i32
        %dma_wait3A_478 = arith.constant 0 : i32
        %dma_wait3A_479 = arith.constant 0 : i32
        %dma_wait3A_480 = tpu.memref_slice %arg9[%dma_wait3A_475, %dma_wait3A_478, %dma_wait3A_479] : memref<2x128x128xf32, #tpu.memory_space<vmem>> -> memref<1x128x128xf32, #tpu.memory_space<vmem>>
        %dma_wait3A_481 = tpu.memref_squeeze %dma_wait3A_480 : memref<1x128x128xf32, #tpu.memory_space<vmem>> -> memref<128x128xf32, #tpu.memory_space<vmem>>
        %dma_wait3A_482 = arith.constant 0 : i32
        %dma_wait3A_483 = tpu.memref_slice %arg8[%select_n3A_130, %dma_wait3A_476, %dma_wait3A_482] : memref<2x8x128xi32, #tpu.memory_space<vmem>> -> memref<1x1x128xi32, #tpu.memory_space<vmem>>
        %dma_wait3A_484 = tpu.memref_squeeze %dma_wait3A_483 : memref<1x1x128xi32, #tpu.memory_space<vmem>> -> memref<128xi32, #tpu.memory_space<vmem>>
        %dma_wait3A_485 = arith.constant 0 : i32
        %dma_wait3A_486 = arith.constant 0 : i32
        %dma_wait3A_487 = tpu.memref_slice %arg6[%dma_wait3A_485, %dma_wait3A_486] : memref<10240x128xf32, #tpu.memory_space<vmem_shared>> -> memref<10240x128xf32, #tpu.memory_space<vmem_shared>>
        %dma_wait3A_488 = tpu.memref_slice %arg11[%dma_wait3A_477] : memref<2x!tpu.dma_semaphore, #tpu.memory_space<semaphore_mem>> -> memref<1x!tpu.dma_semaphore, #tpu.memory_space<semaphore_mem>>
        %dma_wait3A_489 = tpu.memref_squeeze %dma_wait3A_488 : memref<1x!tpu.dma_semaphore, #tpu.memory_space<semaphore_mem>> -> memref<!tpu.dma_semaphore, #tpu.memory_space<semaphore_mem>>
        tpu.wait_indirect_dma semaphore(%dma_wait3A_489 : memref<!tpu.dma_semaphore, #tpu.memory_space<semaphore_mem>>) src(%dma_wait3A_481 : memref<128x128xf32, #tpu.memory_space<vmem>>) dst(%dma_wait3A_487 : memref<10240x128xf32, #tpu.memory_space<vmem_shared>>)
        %add3A_490 = arith.constant 2 : i32
        %add3A_491 = arith.addi %add3A_191, %add3A_490 : i32
        %dma_start3A_492 = arith.constant 1 : i32
        %dma_start3A_493 = arith.constant 1 : i32
        %dma_start3A_494 = arith.constant 0 : i32
        %dma_start3A_495 = arith.constant 0 : i32
        %dma_start3A_496 = tpu.memref_slice %arg9[%dma_start3A_492, %dma_start3A_494, %dma_start3A_495] : memref<2x128x128xf32, #tpu.memory_space<vmem>> -> memref<1x128x128xf32, #tpu.memory_space<vmem>>
        %dma_start3A_497 = tpu.memref_squeeze %dma_start3A_496 : memref<1x128x128xf32, #tpu.memory_space<vmem>> -> memref<128x128xf32, #tpu.memory_space<vmem>>
        %dma_start3A_498 = arith.constant 0 : i32
        %dma_start3A_499 = tpu.memref_slice %arg7[%add3A_491, %dma_start3A_498] : memref<80x128xi32, #tpu.memory_space<vmem>> -> memref<1x128xi32, #tpu.memory_space<vmem>>
        %dma_start3A_500 = tpu.memref_squeeze %dma_start3A_499 : memref<1x128xi32, #tpu.memory_space<vmem>> -> memref<128xi32, #tpu.memory_space<vmem>>
        %dma_start3A_501 = arith.constant 0 : i32
        %dma_start3A_502 = arith.constant 0 : i32
        %dma_start3A_503 = tpu.memref_slice %arg2[%dma_start3A_501, %dma_start3A_502] : memref<10240x128xf32, #tpu.memory_space<hbm>> -> memref<10240x128xf32, #tpu.memory_space<hbm>>
        %dma_start3A_504 = tpu.memref_slice %arg10[%dma_start3A_493] : memref<2x!tpu.dma_semaphore, #tpu.memory_space<semaphore_mem>> -> memref<1x!tpu.dma_semaphore, #tpu.memory_space<semaphore_mem>>
        %dma_start3A_505 = tpu.memref_squeeze %dma_start3A_504 : memref<1x!tpu.dma_semaphore, #tpu.memory_space<semaphore_mem>> -> memref<!tpu.dma_semaphore, #tpu.memory_space<semaphore_mem>>
        tpu.enqueue_indirect_dma source(%dma_start3A_503 : memref<10240x128xf32, #tpu.memory_space<hbm>>) target(%dma_start3A_497 : memref<128x128xf32, #tpu.memory_space<vmem>>) offsets(%dma_start3A_500 : memref<128xi32, #tpu.memory_space<vmem>>) semaphore(%dma_start3A_505 : memref<!tpu.dma_semaphore, #tpu.memory_space<semaphore_mem>>)
      } else {
      }
      %mul3A_228 = arith.constant 8 : i32
      %mul3A_229 = arith.muli %scan3A_119, %mul3A_228 : i32
      %add3A_230 = arith.constant 2 : i32
      %add3A_231 = arith.addi %mul3A_229, %add3A_230 : i32
      %dma_wait3A_232 = arith.constant 0 : i32
      %dma_wait3A_233 = arith.constant 0 : i32
      %dma_wait3A_234 = arith.constant 0 : i32
      %dma_wait3A_235 = arith.constant 0 : i32
      %dma_wait3A_236 = tpu.memref_slice %arg9[%dma_wait3A_232, %dma_wait3A_234, %dma_wait3A_235] : memref<2x128x128xf32, #tpu.memory_space<vmem>> -> memref<1x128x128xf32, #tpu.memory_space<vmem>>
      %dma_wait3A_237 = tpu.memref_squeeze %dma_wait3A_236 : memref<1x128x128xf32, #tpu.memory_space<vmem>> -> memref<128x128xf32, #tpu.memory_space<vmem>>
      %dma_wait3A_238 = arith.constant 0 : i32
      %dma_wait3A_239 = tpu.memref_slice %arg7[%add3A_231, %dma_wait3A_238] : memref<80x128xi32, #tpu.memory_space<vmem>> -> memref<1x128xi32, #tpu.memory_space<vmem>>
      %dma_wait3A_240 = tpu.memref_squeeze %dma_wait3A_239 : memref<1x128xi32, #tpu.memory_space<vmem>> -> memref<128xi32, #tpu.memory_space<vmem>>
      %dma_wait3A_241 = arith.constant 0 : i32
      %dma_wait3A_242 = arith.constant 0 : i32
      %dma_wait3A_243 = tpu.memref_slice %arg2[%dma_wait3A_241, %dma_wait3A_242] : memref<10240x128xf32, #tpu.memory_space<hbm>> -> memref<10240x128xf32, #tpu.memory_space<hbm>>
      %dma_wait3A_244 = tpu.memref_slice %arg10[%dma_wait3A_233] : memref<2x!tpu.dma_semaphore, #tpu.memory_space<semaphore_mem>> -> memref<1x!tpu.dma_semaphore, #tpu.memory_space<semaphore_mem>>
      %dma_wait3A_245 = tpu.memref_squeeze %dma_wait3A_244 : memref<1x!tpu.dma_semaphore, #tpu.memory_space<semaphore_mem>> -> memref<!tpu.dma_semaphore, #tpu.memory_space<semaphore_mem>>
      tpu.wait_indirect_dma semaphore(%dma_wait3A_245 : memref<!tpu.dma_semaphore, #tpu.memory_space<semaphore_mem>>) src(%dma_wait3A_243 : memref<10240x128xf32, #tpu.memory_space<hbm>>) dst(%dma_wait3A_237 : memref<128x128xf32, #tpu.memory_space<vmem>>)
      %dma_start3A_246 = arith.constant 0 : i32
      %dma_start3A_247 = arith.constant 2 : i32
      %dma_start3A_248 = arith.constant 0 : i32
      %dma_start3A_249 = arith.constant 0 : i32
      %dma_start3A_250 = arith.constant 0 : i32
      %dma_start3A_251 = tpu.memref_slice %arg9[%dma_start3A_246, %dma_start3A_249, %dma_start3A_250] : memref<2x128x128xf32, #tpu.memory_space<vmem>> -> memref<1x128x128xf32, #tpu.memory_space<vmem>>
      %dma_start3A_252 = tpu.memref_squeeze %dma_start3A_251 : memref<1x128x128xf32, #tpu.memory_space<vmem>> -> memref<128x128xf32, #tpu.memory_space<vmem>>
      %dma_start3A_253 = arith.constant 0 : i32
      %dma_start3A_254 = tpu.memref_slice %arg8[%select_n3A_130, %dma_start3A_247, %dma_start3A_253] : memref<2x8x128xi32, #tpu.memory_space<vmem>> -> memref<1x1x128xi32, #tpu.memory_space<vmem>>
      %dma_start3A_255 = tpu.memref_squeeze %dma_start3A_254 : memref<1x1x128xi32, #tpu.memory_space<vmem>> -> memref<128xi32, #tpu.memory_space<vmem>>
      %dma_start3A_256 = arith.constant 0 : i32
      %dma_start3A_257 = arith.constant 0 : i32
      %dma_start3A_258 = tpu.memref_slice %arg6[%dma_start3A_256, %dma_start3A_257] : memref<10240x128xf32, #tpu.memory_space<vmem_shared>> -> memref<10240x128xf32, #tpu.memory_space<vmem_shared>>
      %dma_start3A_259 = tpu.memref_slice %arg11[%dma_start3A_248] : memref<2x!tpu.dma_semaphore, #tpu.memory_space<semaphore_mem>> -> memref<1x!tpu.dma_semaphore, #tpu.memory_space<semaphore_mem>>
      %dma_start3A_260 = tpu.memref_squeeze %dma_start3A_259 : memref<1x!tpu.dma_semaphore, #tpu.memory_space<semaphore_mem>> -> memref<!tpu.dma_semaphore, #tpu.memory_space<semaphore_mem>>
      tpu.enqueue_indirect_dma source(%dma_start3A_252 : memref<128x128xf32, #tpu.memory_space<vmem>>) target(%dma_start3A_258 : memref<10240x128xf32, #tpu.memory_space<vmem_shared>>) offsets(%dma_start3A_255 : memref<128xi32, #tpu.memory_space<vmem>>) semaphore(%dma_start3A_260 : memref<!tpu.dma_semaphore, #tpu.memory_space<semaphore_mem>>) {add = true}
      %add3A_261 = arith.constant 2 : i32
      %add3A_262 = arith.addi %add3A_231, %add3A_261 : i32
      %lt3A_263 = arith.constant 80 : i32
      %lt3A_264 = arith.cmpi slt, %add3A_262, %lt3A_263 : i32
      %convert_element_type3A_265 = arith.extui %lt3A_264 : i1 to i32
      %cond3A_266 = arith.constant 0 : i32
      %cond3A_267 = arith.cmpi ne, %convert_element_type3A_265, %cond3A_266 : i32
      scf.if %cond3A_267 {
        %dma_wait3A_475 = arith.constant 0 : i32
        %dma_wait3A_476 = arith.constant 2 : i32
        %dma_wait3A_477 = arith.constant 0 : i32
        %dma_wait3A_478 = arith.constant 0 : i32
        %dma_wait3A_479 = arith.constant 0 : i32
        %dma_wait3A_480 = tpu.memref_slice %arg9[%dma_wait3A_475, %dma_wait3A_478, %dma_wait3A_479] : memref<2x128x128xf32, #tpu.memory_space<vmem>> -> memref<1x128x128xf32, #tpu.memory_space<vmem>>
        %dma_wait3A_481 = tpu.memref_squeeze %dma_wait3A_480 : memref<1x128x128xf32, #tpu.memory_space<vmem>> -> memref<128x128xf32, #tpu.memory_space<vmem>>
        %dma_wait3A_482 = arith.constant 0 : i32
        %dma_wait3A_483 = tpu.memref_slice %arg8[%select_n3A_130, %dma_wait3A_476, %dma_wait3A_482] : memref<2x8x128xi32, #tpu.memory_space<vmem>> -> memref<1x1x128xi32, #tpu.memory_space<vmem>>
        %dma_wait3A_484 = tpu.memref_squeeze %dma_wait3A_483 : memref<1x1x128xi32, #tpu.memory_space<vmem>> -> memref<128xi32, #tpu.memory_space<vmem>>
        %dma_wait3A_485 = arith.constant 0 : i32
        %dma_wait3A_486 = arith.constant 0 : i32
        %dma_wait3A_487 = tpu.memref_slice %arg6[%dma_wait3A_485, %dma_wait3A_486] : memref<10240x128xf32, #tpu.memory_space<vmem_shared>> -> memref<10240x128xf32, #tpu.memory_space<vmem_shared>>
        %dma_wait3A_488 = tpu.memref_slice %arg11[%dma_wait3A_477] : memref<2x!tpu.dma_semaphore, #tpu.memory_space<semaphore_mem>> -> memref<1x!tpu.dma_semaphore, #tpu.memory_space<semaphore_mem>>
        %dma_wait3A_489 = tpu.memref_squeeze %dma_wait3A_488 : memref<1x!tpu.dma_semaphore, #tpu.memory_space<semaphore_mem>> -> memref<!tpu.dma_semaphore, #tpu.memory_space<semaphore_mem>>
        tpu.wait_indirect_dma semaphore(%dma_wait3A_489 : memref<!tpu.dma_semaphore, #tpu.memory_space<semaphore_mem>>) src(%dma_wait3A_481 : memref<128x128xf32, #tpu.memory_space<vmem>>) dst(%dma_wait3A_487 : memref<10240x128xf32, #tpu.memory_space<vmem_shared>>)
        %add3A_490 = arith.constant 2 : i32
        %add3A_491 = arith.addi %add3A_231, %add3A_490 : i32
        %dma_start3A_492 = arith.constant 0 : i32
        %dma_start3A_493 = arith.constant 0 : i32
        %dma_start3A_494 = arith.constant 0 : i32
        %dma_start3A_495 = arith.constant 0 : i32
        %dma_start3A_496 = tpu.memref_slice %arg9[%dma_start3A_492, %dma_start3A_494, %dma_start3A_495] : memref<2x128x128xf32, #tpu.memory_space<vmem>> -> memref<1x128x128xf32, #tpu.memory_space<vmem>>
        %dma_start3A_497 = tpu.memref_squeeze %dma_start3A_496 : memref<1x128x128xf32, #tpu.memory_space<vmem>> -> memref<128x128xf32, #tpu.memory_space<vmem>>
        %dma_start3A_498 = arith.constant 0 : i32
        %dma_start3A_499 = tpu.memref_slice %arg7[%add3A_491, %dma_start3A_498] : memref<80x128xi32, #tpu.memory_space<vmem>> -> memref<1x128xi32, #tpu.memory_space<vmem>>
        %dma_start3A_500 = tpu.memref_squeeze %dma_start3A_499 : memref<1x128xi32, #tpu.memory_space<vmem>> -> memref<128xi32, #tpu.memory_space<vmem>>
        %dma_start3A_501 = arith.constant 0 : i32
        %dma_start3A_502 = arith.constant 0 : i32
        %dma_start3A_503 = tpu.memref_slice %arg2[%dma_start3A_501, %dma_start3A_502] : memref<10240x128xf32, #tpu.memory_space<hbm>> -> memref<10240x128xf32, #tpu.memory_space<hbm>>
        %dma_start3A_504 = tpu.memref_slice %arg10[%dma_start3A_493] : memref<2x!tpu.dma_semaphore, #tpu.memory_space<semaphore_mem>> -> memref<1x!tpu.dma_semaphore, #tpu.memory_space<semaphore_mem>>
        %dma_start3A_505 = tpu.memref_squeeze %dma_start3A_504 : memref<1x!tpu.dma_semaphore, #tpu.memory_space<semaphore_mem>> -> memref<!tpu.dma_semaphore, #tpu.memory_space<semaphore_mem>>
        tpu.enqueue_indirect_dma source(%dma_start3A_503 : memref<10240x128xf32, #tpu.memory_space<hbm>>) target(%dma_start3A_497 : memref<128x128xf32, #tpu.memory_space<vmem>>) offsets(%dma_start3A_500 : memref<128xi32, #tpu.memory_space<vmem>>) semaphore(%dma_start3A_505 : memref<!tpu.dma_semaphore, #tpu.memory_space<semaphore_mem>>)
      } else {
      }
      %mul3A_268 = arith.constant 8 : i32
      %mul3A_269 = arith.muli %scan3A_119, %mul3A_268 : i32
      %add3A_270 = arith.constant 3 : i32
      %add3A_271 = arith.addi %mul3A_269, %add3A_270 : i32
      %dma_wait3A_272 = arith.constant 1 : i32
      %dma_wait3A_273 = arith.constant 1 : i32
      %dma_wait3A_274 = arith.constant 0 : i32
      %dma_wait3A_275 = arith.constant 0 : i32
      %dma_wait3A_276 = tpu.memref_slice %arg9[%dma_wait3A_272, %dma_wait3A_274, %dma_wait3A_275] : memref<2x128x128xf32, #tpu.memory_space<vmem>> -> memref<1x128x128xf32, #tpu.memory_space<vmem>>
      %dma_wait3A_277 = tpu.memref_squeeze %dma_wait3A_276 : memref<1x128x128xf32, #tpu.memory_space<vmem>> -> memref<128x128xf32, #tpu.memory_space<vmem>>
      %dma_wait3A_278 = arith.constant 0 : i32
      %dma_wait3A_279 = tpu.memref_slice %arg7[%add3A_271, %dma_wait3A_278] : memref<80x128xi32, #tpu.memory_space<vmem>> -> memref<1x128xi32, #tpu.memory_space<vmem>>
      %dma_wait3A_280 = tpu.memref_squeeze %dma_wait3A_279 : memref<1x128xi32, #tpu.memory_space<vmem>> -> memref<128xi32, #tpu.memory_space<vmem>>
      %dma_wait3A_281 = arith.constant 0 : i32
      %dma_wait3A_282 = arith.constant 0 : i32
      %dma_wait3A_283 = tpu.memref_slice %arg2[%dma_wait3A_281, %dma_wait3A_282] : memref<10240x128xf32, #tpu.memory_space<hbm>> -> memref<10240x128xf32, #tpu.memory_space<hbm>>
      %dma_wait3A_284 = tpu.memref_slice %arg10[%dma_wait3A_273] : memref<2x!tpu.dma_semaphore, #tpu.memory_space<semaphore_mem>> -> memref<1x!tpu.dma_semaphore, #tpu.memory_space<semaphore_mem>>
      %dma_wait3A_285 = tpu.memref_squeeze %dma_wait3A_284 : memref<1x!tpu.dma_semaphore, #tpu.memory_space<semaphore_mem>> -> memref<!tpu.dma_semaphore, #tpu.memory_space<semaphore_mem>>
      tpu.wait_indirect_dma semaphore(%dma_wait3A_285 : memref<!tpu.dma_semaphore, #tpu.memory_space<semaphore_mem>>) src(%dma_wait3A_283 : memref<10240x128xf32, #tpu.memory_space<hbm>>) dst(%dma_wait3A_277 : memref<128x128xf32, #tpu.memory_space<vmem>>)
      %dma_start3A_286 = arith.constant 1 : i32
      %dma_start3A_287 = arith.constant 3 : i32
      %dma_start3A_288 = arith.constant 1 : i32
      %dma_start3A_289 = arith.constant 0 : i32
      %dma_start3A_290 = arith.constant 0 : i32
      %dma_start3A_291 = tpu.memref_slice %arg9[%dma_start3A_286, %dma_start3A_289, %dma_start3A_290] : memref<2x128x128xf32, #tpu.memory_space<vmem>> -> memref<1x128x128xf32, #tpu.memory_space<vmem>>
      %dma_start3A_292 = tpu.memref_squeeze %dma_start3A_291 : memref<1x128x128xf32, #tpu.memory_space<vmem>> -> memref<128x128xf32, #tpu.memory_space<vmem>>
      %dma_start3A_293 = arith.constant 0 : i32
      %dma_start3A_294 = tpu.memref_slice %arg8[%select_n3A_130, %dma_start3A_287, %dma_start3A_293] : memref<2x8x128xi32, #tpu.memory_space<vmem>> -> memref<1x1x128xi32, #tpu.memory_space<vmem>>
      %dma_start3A_295 = tpu.memref_squeeze %dma_start3A_294 : memref<1x1x128xi32, #tpu.memory_space<vmem>> -> memref<128xi32, #tpu.memory_space<vmem>>
      %dma_start3A_296 = arith.constant 0 : i32
      %dma_start3A_297 = arith.constant 0 : i32
      %dma_start3A_298 = tpu.memref_slice %arg6[%dma_start3A_296, %dma_start3A_297] : memref<10240x128xf32, #tpu.memory_space<vmem_shared>> -> memref<10240x128xf32, #tpu.memory_space<vmem_shared>>
      %dma_start3A_299 = tpu.memref_slice %arg11[%dma_start3A_288] : memref<2x!tpu.dma_semaphore, #tpu.memory_space<semaphore_mem>> -> memref<1x!tpu.dma_semaphore, #tpu.memory_space<semaphore_mem>>
      %dma_start3A_300 = tpu.memref_squeeze %dma_start3A_299 : memref<1x!tpu.dma_semaphore, #tpu.memory_space<semaphore_mem>> -> memref<!tpu.dma_semaphore, #tpu.memory_space<semaphore_mem>>
      tpu.enqueue_indirect_dma source(%dma_start3A_292 : memref<128x128xf32, #tpu.memory_space<vmem>>) target(%dma_start3A_298 : memref<10240x128xf32, #tpu.memory_space<vmem_shared>>) offsets(%dma_start3A_295 : memref<128xi32, #tpu.memory_space<vmem>>) semaphore(%dma_start3A_300 : memref<!tpu.dma_semaphore, #tpu.memory_space<semaphore_mem>>) {add = true}
      %add3A_301 = arith.constant 2 : i32
      %add3A_302 = arith.addi %add3A_271, %add3A_301 : i32
      %lt3A_303 = arith.constant 80 : i32
      %lt3A_304 = arith.cmpi slt, %add3A_302, %lt3A_303 : i32
      %convert_element_type3A_305 = arith.extui %lt3A_304 : i1 to i32
      %cond3A_306 = arith.constant 0 : i32
      %cond3A_307 = arith.cmpi ne, %convert_element_type3A_305, %cond3A_306 : i32
      scf.if %cond3A_307 {
        %dma_wait3A_475 = arith.constant 1 : i32
        %dma_wait3A_476 = arith.constant 3 : i32
        %dma_wait3A_477 = arith.constant 1 : i32
        %dma_wait3A_478 = arith.constant 0 : i32
        %dma_wait3A_479 = arith.constant 0 : i32
        %dma_wait3A_480 = tpu.memref_slice %arg9[%dma_wait3A_475, %dma_wait3A_478, %dma_wait3A_479] : memref<2x128x128xf32, #tpu.memory_space<vmem>> -> memref<1x128x128xf32, #tpu.memory_space<vmem>>
        %dma_wait3A_481 = tpu.memref_squeeze %dma_wait3A_480 : memref<1x128x128xf32, #tpu.memory_space<vmem>> -> memref<128x128xf32, #tpu.memory_space<vmem>>
        %dma_wait3A_482 = arith.constant 0 : i32
        %dma_wait3A_483 = tpu.memref_slice %arg8[%select_n3A_130, %dma_wait3A_476, %dma_wait3A_482] : memref<2x8x128xi32, #tpu.memory_space<vmem>> -> memref<1x1x128xi32, #tpu.memory_space<vmem>>
        %dma_wait3A_484 = tpu.memref_squeeze %dma_wait3A_483 : memref<1x1x128xi32, #tpu.memory_space<vmem>> -> memref<128xi32, #tpu.memory_space<vmem>>
        %dma_wait3A_485 = arith.constant 0 : i32
        %dma_wait3A_486 = arith.constant 0 : i32
        %dma_wait3A_487 = tpu.memref_slice %arg6[%dma_wait3A_485, %dma_wait3A_486] : memref<10240x128xf32, #tpu.memory_space<vmem_shared>> -> memref<10240x128xf32, #tpu.memory_space<vmem_shared>>
        %dma_wait3A_488 = tpu.memref_slice %arg11[%dma_wait3A_477] : memref<2x!tpu.dma_semaphore, #tpu.memory_space<semaphore_mem>> -> memref<1x!tpu.dma_semaphore, #tpu.memory_space<semaphore_mem>>
        %dma_wait3A_489 = tpu.memref_squeeze %dma_wait3A_488 : memref<1x!tpu.dma_semaphore, #tpu.memory_space<semaphore_mem>> -> memref<!tpu.dma_semaphore, #tpu.memory_space<semaphore_mem>>
        tpu.wait_indirect_dma semaphore(%dma_wait3A_489 : memref<!tpu.dma_semaphore, #tpu.memory_space<semaphore_mem>>) src(%dma_wait3A_481 : memref<128x128xf32, #tpu.memory_space<vmem>>) dst(%dma_wait3A_487 : memref<10240x128xf32, #tpu.memory_space<vmem_shared>>)
        %add3A_490 = arith.constant 2 : i32
        %add3A_491 = arith.addi %add3A_271, %add3A_490 : i32
        %dma_start3A_492 = arith.constant 1 : i32
        %dma_start3A_493 = arith.constant 1 : i32
        %dma_start3A_494 = arith.constant 0 : i32
        %dma_start3A_495 = arith.constant 0 : i32
        %dma_start3A_496 = tpu.memref_slice %arg9[%dma_start3A_492, %dma_start3A_494, %dma_start3A_495] : memref<2x128x128xf32, #tpu.memory_space<vmem>> -> memref<1x128x128xf32, #tpu.memory_space<vmem>>
        %dma_start3A_497 = tpu.memref_squeeze %dma_start3A_496 : memref<1x128x128xf32, #tpu.memory_space<vmem>> -> memref<128x128xf32, #tpu.memory_space<vmem>>
        %dma_start3A_498 = arith.constant 0 : i32
        %dma_start3A_499 = tpu.memref_slice %arg7[%add3A_491, %dma_start3A_498] : memref<80x128xi32, #tpu.memory_space<vmem>> -> memref<1x128xi32, #tpu.memory_space<vmem>>
        %dma_start3A_500 = tpu.memref_squeeze %dma_start3A_499 : memref<1x128xi32, #tpu.memory_space<vmem>> -> memref<128xi32, #tpu.memory_space<vmem>>
        %dma_start3A_501 = arith.constant 0 : i32
        %dma_start3A_502 = arith.constant 0 : i32
        %dma_start3A_503 = tpu.memref_slice %arg2[%dma_start3A_501, %dma_start3A_502] : memref<10240x128xf32, #tpu.memory_space<hbm>> -> memref<10240x128xf32, #tpu.memory_space<hbm>>
        %dma_start3A_504 = tpu.memref_slice %arg10[%dma_start3A_493] : memref<2x!tpu.dma_semaphore, #tpu.memory_space<semaphore_mem>> -> memref<1x!tpu.dma_semaphore, #tpu.memory_space<semaphore_mem>>
        %dma_start3A_505 = tpu.memref_squeeze %dma_start3A_504 : memref<1x!tpu.dma_semaphore, #tpu.memory_space<semaphore_mem>> -> memref<!tpu.dma_semaphore, #tpu.memory_space<semaphore_mem>>
        tpu.enqueue_indirect_dma source(%dma_start3A_503 : memref<10240x128xf32, #tpu.memory_space<hbm>>) target(%dma_start3A_497 : memref<128x128xf32, #tpu.memory_space<vmem>>) offsets(%dma_start3A_500 : memref<128xi32, #tpu.memory_space<vmem>>) semaphore(%dma_start3A_505 : memref<!tpu.dma_semaphore, #tpu.memory_space<semaphore_mem>>)
      } else {
      }
      %mul3A_308 = arith.constant 8 : i32
      %mul3A_309 = arith.muli %scan3A_119, %mul3A_308 : i32
      %add3A_310 = arith.constant 4 : i32
      %add3A_311 = arith.addi %mul3A_309, %add3A_310 : i32
      %dma_wait3A_312 = arith.constant 0 : i32
      %dma_wait3A_313 = arith.constant 0 : i32
      %dma_wait3A_314 = arith.constant 0 : i32
      %dma_wait3A_315 = arith.constant 0 : i32
      %dma_wait3A_316 = tpu.memref_slice %arg9[%dma_wait3A_312, %dma_wait3A_314, %dma_wait3A_315] : memref<2x128x128xf32, #tpu.memory_space<vmem>> -> memref<1x128x128xf32, #tpu.memory_space<vmem>>
      %dma_wait3A_317 = tpu.memref_squeeze %dma_wait3A_316 : memref<1x128x128xf32, #tpu.memory_space<vmem>> -> memref<128x128xf32, #tpu.memory_space<vmem>>
      %dma_wait3A_318 = arith.constant 0 : i32
      %dma_wait3A_319 = tpu.memref_slice %arg7[%add3A_311, %dma_wait3A_318] : memref<80x128xi32, #tpu.memory_space<vmem>> -> memref<1x128xi32, #tpu.memory_space<vmem>>
      %dma_wait3A_320 = tpu.memref_squeeze %dma_wait3A_319 : memref<1x128xi32, #tpu.memory_space<vmem>> -> memref<128xi32, #tpu.memory_space<vmem>>
      %dma_wait3A_321 = arith.constant 0 : i32
      %dma_wait3A_322 = arith.constant 0 : i32
      %dma_wait3A_323 = tpu.memref_slice %arg2[%dma_wait3A_321, %dma_wait3A_322] : memref<10240x128xf32, #tpu.memory_space<hbm>> -> memref<10240x128xf32, #tpu.memory_space<hbm>>
      %dma_wait3A_324 = tpu.memref_slice %arg10[%dma_wait3A_313] : memref<2x!tpu.dma_semaphore, #tpu.memory_space<semaphore_mem>> -> memref<1x!tpu.dma_semaphore, #tpu.memory_space<semaphore_mem>>
      %dma_wait3A_325 = tpu.memref_squeeze %dma_wait3A_324 : memref<1x!tpu.dma_semaphore, #tpu.memory_space<semaphore_mem>> -> memref<!tpu.dma_semaphore, #tpu.memory_space<semaphore_mem>>
      tpu.wait_indirect_dma semaphore(%dma_wait3A_325 : memref<!tpu.dma_semaphore, #tpu.memory_space<semaphore_mem>>) src(%dma_wait3A_323 : memref<10240x128xf32, #tpu.memory_space<hbm>>) dst(%dma_wait3A_317 : memref<128x128xf32, #tpu.memory_space<vmem>>)
      %dma_start3A_326 = arith.constant 0 : i32
      %dma_start3A_327 = arith.constant 4 : i32
      %dma_start3A_328 = arith.constant 0 : i32
      %dma_start3A_329 = arith.constant 0 : i32
      %dma_start3A_330 = arith.constant 0 : i32
      %dma_start3A_331 = tpu.memref_slice %arg9[%dma_start3A_326, %dma_start3A_329, %dma_start3A_330] : memref<2x128x128xf32, #tpu.memory_space<vmem>> -> memref<1x128x128xf32, #tpu.memory_space<vmem>>
      %dma_start3A_332 = tpu.memref_squeeze %dma_start3A_331 : memref<1x128x128xf32, #tpu.memory_space<vmem>> -> memref<128x128xf32, #tpu.memory_space<vmem>>
      %dma_start3A_333 = arith.constant 0 : i32
      %dma_start3A_334 = tpu.memref_slice %arg8[%select_n3A_130, %dma_start3A_327, %dma_start3A_333] : memref<2x8x128xi32, #tpu.memory_space<vmem>> -> memref<1x1x128xi32, #tpu.memory_space<vmem>>
      %dma_start3A_335 = tpu.memref_squeeze %dma_start3A_334 : memref<1x1x128xi32, #tpu.memory_space<vmem>> -> memref<128xi32, #tpu.memory_space<vmem>>
      %dma_start3A_336 = arith.constant 0 : i32
      %dma_start3A_337 = arith.constant 0 : i32
      %dma_start3A_338 = tpu.memref_slice %arg6[%dma_start3A_336, %dma_start3A_337] : memref<10240x128xf32, #tpu.memory_space<vmem_shared>> -> memref<10240x128xf32, #tpu.memory_space<vmem_shared>>
      %dma_start3A_339 = tpu.memref_slice %arg11[%dma_start3A_328] : memref<2x!tpu.dma_semaphore, #tpu.memory_space<semaphore_mem>> -> memref<1x!tpu.dma_semaphore, #tpu.memory_space<semaphore_mem>>
      %dma_start3A_340 = tpu.memref_squeeze %dma_start3A_339 : memref<1x!tpu.dma_semaphore, #tpu.memory_space<semaphore_mem>> -> memref<!tpu.dma_semaphore, #tpu.memory_space<semaphore_mem>>
      tpu.enqueue_indirect_dma source(%dma_start3A_332 : memref<128x128xf32, #tpu.memory_space<vmem>>) target(%dma_start3A_338 : memref<10240x128xf32, #tpu.memory_space<vmem_shared>>) offsets(%dma_start3A_335 : memref<128xi32, #tpu.memory_space<vmem>>) semaphore(%dma_start3A_340 : memref<!tpu.dma_semaphore, #tpu.memory_space<semaphore_mem>>) {add = true}
      %add3A_341 = arith.constant 2 : i32
      %add3A_342 = arith.addi %add3A_311, %add3A_341 : i32
      %lt3A_343 = arith.constant 80 : i32
      %lt3A_344 = arith.cmpi slt, %add3A_342, %lt3A_343 : i32
      %convert_element_type3A_345 = arith.extui %lt3A_344 : i1 to i32
      %cond3A_346 = arith.constant 0 : i32
      %cond3A_347 = arith.cmpi ne, %convert_element_type3A_345, %cond3A_346 : i32
      scf.if %cond3A_347 {
        %dma_wait3A_475 = arith.constant 0 : i32
        %dma_wait3A_476 = arith.constant 4 : i32
        %dma_wait3A_477 = arith.constant 0 : i32
        %dma_wait3A_478 = arith.constant 0 : i32
        %dma_wait3A_479 = arith.constant 0 : i32
        %dma_wait3A_480 = tpu.memref_slice %arg9[%dma_wait3A_475, %dma_wait3A_478, %dma_wait3A_479] : memref<2x128x128xf32, #tpu.memory_space<vmem>> -> memref<1x128x128xf32, #tpu.memory_space<vmem>>
        %dma_wait3A_481 = tpu.memref_squeeze %dma_wait3A_480 : memref<1x128x128xf32, #tpu.memory_space<vmem>> -> memref<128x128xf32, #tpu.memory_space<vmem>>
        %dma_wait3A_482 = arith.constant 0 : i32
        %dma_wait3A_483 = tpu.memref_slice %arg8[%select_n3A_130, %dma_wait3A_476, %dma_wait3A_482] : memref<2x8x128xi32, #tpu.memory_space<vmem>> -> memref<1x1x128xi32, #tpu.memory_space<vmem>>
        %dma_wait3A_484 = tpu.memref_squeeze %dma_wait3A_483 : memref<1x1x128xi32, #tpu.memory_space<vmem>> -> memref<128xi32, #tpu.memory_space<vmem>>
        %dma_wait3A_485 = arith.constant 0 : i32
        %dma_wait3A_486 = arith.constant 0 : i32
        %dma_wait3A_487 = tpu.memref_slice %arg6[%dma_wait3A_485, %dma_wait3A_486] : memref<10240x128xf32, #tpu.memory_space<vmem_shared>> -> memref<10240x128xf32, #tpu.memory_space<vmem_shared>>
        %dma_wait3A_488 = tpu.memref_slice %arg11[%dma_wait3A_477] : memref<2x!tpu.dma_semaphore, #tpu.memory_space<semaphore_mem>> -> memref<1x!tpu.dma_semaphore, #tpu.memory_space<semaphore_mem>>
        %dma_wait3A_489 = tpu.memref_squeeze %dma_wait3A_488 : memref<1x!tpu.dma_semaphore, #tpu.memory_space<semaphore_mem>> -> memref<!tpu.dma_semaphore, #tpu.memory_space<semaphore_mem>>
        tpu.wait_indirect_dma semaphore(%dma_wait3A_489 : memref<!tpu.dma_semaphore, #tpu.memory_space<semaphore_mem>>) src(%dma_wait3A_481 : memref<128x128xf32, #tpu.memory_space<vmem>>) dst(%dma_wait3A_487 : memref<10240x128xf32, #tpu.memory_space<vmem_shared>>)
        %add3A_490 = arith.constant 2 : i32
        %add3A_491 = arith.addi %add3A_311, %add3A_490 : i32
        %dma_start3A_492 = arith.constant 0 : i32
        %dma_start3A_493 = arith.constant 0 : i32
        %dma_start3A_494 = arith.constant 0 : i32
        %dma_start3A_495 = arith.constant 0 : i32
        %dma_start3A_496 = tpu.memref_slice %arg9[%dma_start3A_492, %dma_start3A_494, %dma_start3A_495] : memref<2x128x128xf32, #tpu.memory_space<vmem>> -> memref<1x128x128xf32, #tpu.memory_space<vmem>>
        %dma_start3A_497 = tpu.memref_squeeze %dma_start3A_496 : memref<1x128x128xf32, #tpu.memory_space<vmem>> -> memref<128x128xf32, #tpu.memory_space<vmem>>
        %dma_start3A_498 = arith.constant 0 : i32
        %dma_start3A_499 = tpu.memref_slice %arg7[%add3A_491, %dma_start3A_498] : memref<80x128xi32, #tpu.memory_space<vmem>> -> memref<1x128xi32, #tpu.memory_space<vmem>>
        %dma_start3A_500 = tpu.memref_squeeze %dma_start3A_499 : memref<1x128xi32, #tpu.memory_space<vmem>> -> memref<128xi32, #tpu.memory_space<vmem>>
        %dma_start3A_501 = arith.constant 0 : i32
        %dma_start3A_502 = arith.constant 0 : i32
        %dma_start3A_503 = tpu.memref_slice %arg2[%dma_start3A_501, %dma_start3A_502] : memref<10240x128xf32, #tpu.memory_space<hbm>> -> memref<10240x128xf32, #tpu.memory_space<hbm>>
        %dma_start3A_504 = tpu.memref_slice %arg10[%dma_start3A_493] : memref<2x!tpu.dma_semaphore, #tpu.memory_space<semaphore_mem>> -> memref<1x!tpu.dma_semaphore, #tpu.memory_space<semaphore_mem>>
        %dma_start3A_505 = tpu.memref_squeeze %dma_start3A_504 : memref<1x!tpu.dma_semaphore, #tpu.memory_space<semaphore_mem>> -> memref<!tpu.dma_semaphore, #tpu.memory_space<semaphore_mem>>
        tpu.enqueue_indirect_dma source(%dma_start3A_503 : memref<10240x128xf32, #tpu.memory_space<hbm>>) target(%dma_start3A_497 : memref<128x128xf32, #tpu.memory_space<vmem>>) offsets(%dma_start3A_500 : memref<128xi32, #tpu.memory_space<vmem>>) semaphore(%dma_start3A_505 : memref<!tpu.dma_semaphore, #tpu.memory_space<semaphore_mem>>)
      } else {
      }
      %mul3A_348 = arith.constant 8 : i32
      %mul3A_349 = arith.muli %scan3A_119, %mul3A_348 : i32
      %add3A_350 = arith.constant 5 : i32
      %add3A_351 = arith.addi %mul3A_349, %add3A_350 : i32
      %dma_wait3A_352 = arith.constant 1 : i32
      %dma_wait3A_353 = arith.constant 1 : i32
      %dma_wait3A_354 = arith.constant 0 : i32
      %dma_wait3A_355 = arith.constant 0 : i32
      %dma_wait3A_356 = tpu.memref_slice %arg9[%dma_wait3A_352, %dma_wait3A_354, %dma_wait3A_355] : memref<2x128x128xf32, #tpu.memory_space<vmem>> -> memref<1x128x128xf32, #tpu.memory_space<vmem>>
      %dma_wait3A_357 = tpu.memref_squeeze %dma_wait3A_356 : memref<1x128x128xf32, #tpu.memory_space<vmem>> -> memref<128x128xf32, #tpu.memory_space<vmem>>
      %dma_wait3A_358 = arith.constant 0 : i32
      %dma_wait3A_359 = tpu.memref_slice %arg7[%add3A_351, %dma_wait3A_358] : memref<80x128xi32, #tpu.memory_space<vmem>> -> memref<1x128xi32, #tpu.memory_space<vmem>>
      %dma_wait3A_360 = tpu.memref_squeeze %dma_wait3A_359 : memref<1x128xi32, #tpu.memory_space<vmem>> -> memref<128xi32, #tpu.memory_space<vmem>>
      %dma_wait3A_361 = arith.constant 0 : i32
      %dma_wait3A_362 = arith.constant 0 : i32
      %dma_wait3A_363 = tpu.memref_slice %arg2[%dma_wait3A_361, %dma_wait3A_362] : memref<10240x128xf32, #tpu.memory_space<hbm>> -> memref<10240x128xf32, #tpu.memory_space<hbm>>
      %dma_wait3A_364 = tpu.memref_slice %arg10[%dma_wait3A_353] : memref<2x!tpu.dma_semaphore, #tpu.memory_space<semaphore_mem>> -> memref<1x!tpu.dma_semaphore, #tpu.memory_space<semaphore_mem>>
      %dma_wait3A_365 = tpu.memref_squeeze %dma_wait3A_364 : memref<1x!tpu.dma_semaphore, #tpu.memory_space<semaphore_mem>> -> memref<!tpu.dma_semaphore, #tpu.memory_space<semaphore_mem>>
      tpu.wait_indirect_dma semaphore(%dma_wait3A_365 : memref<!tpu.dma_semaphore, #tpu.memory_space<semaphore_mem>>) src(%dma_wait3A_363 : memref<10240x128xf32, #tpu.memory_space<hbm>>) dst(%dma_wait3A_357 : memref<128x128xf32, #tpu.memory_space<vmem>>)
      %dma_start3A_366 = arith.constant 1 : i32
      %dma_start3A_367 = arith.constant 5 : i32
      %dma_start3A_368 = arith.constant 1 : i32
      %dma_start3A_369 = arith.constant 0 : i32
      %dma_start3A_370 = arith.constant 0 : i32
      %dma_start3A_371 = tpu.memref_slice %arg9[%dma_start3A_366, %dma_start3A_369, %dma_start3A_370] : memref<2x128x128xf32, #tpu.memory_space<vmem>> -> memref<1x128x128xf32, #tpu.memory_space<vmem>>
      %dma_start3A_372 = tpu.memref_squeeze %dma_start3A_371 : memref<1x128x128xf32, #tpu.memory_space<vmem>> -> memref<128x128xf32, #tpu.memory_space<vmem>>
      %dma_start3A_373 = arith.constant 0 : i32
      %dma_start3A_374 = tpu.memref_slice %arg8[%select_n3A_130, %dma_start3A_367, %dma_start3A_373] : memref<2x8x128xi32, #tpu.memory_space<vmem>> -> memref<1x1x128xi32, #tpu.memory_space<vmem>>
      %dma_start3A_375 = tpu.memref_squeeze %dma_start3A_374 : memref<1x1x128xi32, #tpu.memory_space<vmem>> -> memref<128xi32, #tpu.memory_space<vmem>>
      %dma_start3A_376 = arith.constant 0 : i32
      %dma_start3A_377 = arith.constant 0 : i32
      %dma_start3A_378 = tpu.memref_slice %arg6[%dma_start3A_376, %dma_start3A_377] : memref<10240x128xf32, #tpu.memory_space<vmem_shared>> -> memref<10240x128xf32, #tpu.memory_space<vmem_shared>>
      %dma_start3A_379 = tpu.memref_slice %arg11[%dma_start3A_368] : memref<2x!tpu.dma_semaphore, #tpu.memory_space<semaphore_mem>> -> memref<1x!tpu.dma_semaphore, #tpu.memory_space<semaphore_mem>>
      %dma_start3A_380 = tpu.memref_squeeze %dma_start3A_379 : memref<1x!tpu.dma_semaphore, #tpu.memory_space<semaphore_mem>> -> memref<!tpu.dma_semaphore, #tpu.memory_space<semaphore_mem>>
      tpu.enqueue_indirect_dma source(%dma_start3A_372 : memref<128x128xf32, #tpu.memory_space<vmem>>) target(%dma_start3A_378 : memref<10240x128xf32, #tpu.memory_space<vmem_shared>>) offsets(%dma_start3A_375 : memref<128xi32, #tpu.memory_space<vmem>>) semaphore(%dma_start3A_380 : memref<!tpu.dma_semaphore, #tpu.memory_space<semaphore_mem>>) {add = true}
      %add3A_381 = arith.constant 2 : i32
      %add3A_382 = arith.addi %add3A_351, %add3A_381 : i32
      %lt3A_383 = arith.constant 80 : i32
      %lt3A_384 = arith.cmpi slt, %add3A_382, %lt3A_383 : i32
      %convert_element_type3A_385 = arith.extui %lt3A_384 : i1 to i32
      %cond3A_386 = arith.constant 0 : i32
      %cond3A_387 = arith.cmpi ne, %convert_element_type3A_385, %cond3A_386 : i32
      scf.if %cond3A_387 {
        %dma_wait3A_475 = arith.constant 1 : i32
        %dma_wait3A_476 = arith.constant 5 : i32
        %dma_wait3A_477 = arith.constant 1 : i32
        %dma_wait3A_478 = arith.constant 0 : i32
        %dma_wait3A_479 = arith.constant 0 : i32
        %dma_wait3A_480 = tpu.memref_slice %arg9[%dma_wait3A_475, %dma_wait3A_478, %dma_wait3A_479] : memref<2x128x128xf32, #tpu.memory_space<vmem>> -> memref<1x128x128xf32, #tpu.memory_space<vmem>>
        %dma_wait3A_481 = tpu.memref_squeeze %dma_wait3A_480 : memref<1x128x128xf32, #tpu.memory_space<vmem>> -> memref<128x128xf32, #tpu.memory_space<vmem>>
        %dma_wait3A_482 = arith.constant 0 : i32
        %dma_wait3A_483 = tpu.memref_slice %arg8[%select_n3A_130, %dma_wait3A_476, %dma_wait3A_482] : memref<2x8x128xi32, #tpu.memory_space<vmem>> -> memref<1x1x128xi32, #tpu.memory_space<vmem>>
        %dma_wait3A_484 = tpu.memref_squeeze %dma_wait3A_483 : memref<1x1x128xi32, #tpu.memory_space<vmem>> -> memref<128xi32, #tpu.memory_space<vmem>>
        %dma_wait3A_485 = arith.constant 0 : i32
        %dma_wait3A_486 = arith.constant 0 : i32
        %dma_wait3A_487 = tpu.memref_slice %arg6[%dma_wait3A_485, %dma_wait3A_486] : memref<10240x128xf32, #tpu.memory_space<vmem_shared>> -> memref<10240x128xf32, #tpu.memory_space<vmem_shared>>
        %dma_wait3A_488 = tpu.memref_slice %arg11[%dma_wait3A_477] : memref<2x!tpu.dma_semaphore, #tpu.memory_space<semaphore_mem>> -> memref<1x!tpu.dma_semaphore, #tpu.memory_space<semaphore_mem>>
        %dma_wait3A_489 = tpu.memref_squeeze %dma_wait3A_488 : memref<1x!tpu.dma_semaphore, #tpu.memory_space<semaphore_mem>> -> memref<!tpu.dma_semaphore, #tpu.memory_space<semaphore_mem>>
        tpu.wait_indirect_dma semaphore(%dma_wait3A_489 : memref<!tpu.dma_semaphore, #tpu.memory_space<semaphore_mem>>) src(%dma_wait3A_481 : memref<128x128xf32, #tpu.memory_space<vmem>>) dst(%dma_wait3A_487 : memref<10240x128xf32, #tpu.memory_space<vmem_shared>>)
        %add3A_490 = arith.constant 2 : i32
        %add3A_491 = arith.addi %add3A_351, %add3A_490 : i32
        %dma_start3A_492 = arith.constant 1 : i32
        %dma_start3A_493 = arith.constant 1 : i32
        %dma_start3A_494 = arith.constant 0 : i32
        %dma_start3A_495 = arith.constant 0 : i32
        %dma_start3A_496 = tpu.memref_slice %arg9[%dma_start3A_492, %dma_start3A_494, %dma_start3A_495] : memref<2x128x128xf32, #tpu.memory_space<vmem>> -> memref<1x128x128xf32, #tpu.memory_space<vmem>>
        %dma_start3A_497 = tpu.memref_squeeze %dma_start3A_496 : memref<1x128x128xf32, #tpu.memory_space<vmem>> -> memref<128x128xf32, #tpu.memory_space<vmem>>
        %dma_start3A_498 = arith.constant 0 : i32
        %dma_start3A_499 = tpu.memref_slice %arg7[%add3A_491, %dma_start3A_498] : memref<80x128xi32, #tpu.memory_space<vmem>> -> memref<1x128xi32, #tpu.memory_space<vmem>>
        %dma_start3A_500 = tpu.memref_squeeze %dma_start3A_499 : memref<1x128xi32, #tpu.memory_space<vmem>> -> memref<128xi32, #tpu.memory_space<vmem>>
        %dma_start3A_501 = arith.constant 0 : i32
        %dma_start3A_502 = arith.constant 0 : i32
        %dma_start3A_503 = tpu.memref_slice %arg2[%dma_start3A_501, %dma_start3A_502] : memref<10240x128xf32, #tpu.memory_space<hbm>> -> memref<10240x128xf32, #tpu.memory_space<hbm>>
        %dma_start3A_504 = tpu.memref_slice %arg10[%dma_start3A_493] : memref<2x!tpu.dma_semaphore, #tpu.memory_space<semaphore_mem>> -> memref<1x!tpu.dma_semaphore, #tpu.memory_space<semaphore_mem>>
        %dma_start3A_505 = tpu.memref_squeeze %dma_start3A_504 : memref<1x!tpu.dma_semaphore, #tpu.memory_space<semaphore_mem>> -> memref<!tpu.dma_semaphore, #tpu.memory_space<semaphore_mem>>
        tpu.enqueue_indirect_dma source(%dma_start3A_503 : memref<10240x128xf32, #tpu.memory_space<hbm>>) target(%dma_start3A_497 : memref<128x128xf32, #tpu.memory_space<vmem>>) offsets(%dma_start3A_500 : memref<128xi32, #tpu.memory_space<vmem>>) semaphore(%dma_start3A_505 : memref<!tpu.dma_semaphore, #tpu.memory_space<semaphore_mem>>)
      } else {
      }
      %mul3A_388 = arith.constant 8 : i32
      %mul3A_389 = arith.muli %scan3A_119, %mul3A_388 : i32
      %add3A_390 = arith.constant 6 : i32
      %add3A_391 = arith.addi %mul3A_389, %add3A_390 : i32
      %dma_wait3A_392 = arith.constant 0 : i32
      %dma_wait3A_393 = arith.constant 0 : i32
      %dma_wait3A_394 = arith.constant 0 : i32
      %dma_wait3A_395 = arith.constant 0 : i32
      %dma_wait3A_396 = tpu.memref_slice %arg9[%dma_wait3A_392, %dma_wait3A_394, %dma_wait3A_395] : memref<2x128x128xf32, #tpu.memory_space<vmem>> -> memref<1x128x128xf32, #tpu.memory_space<vmem>>
      %dma_wait3A_397 = tpu.memref_squeeze %dma_wait3A_396 : memref<1x128x128xf32, #tpu.memory_space<vmem>> -> memref<128x128xf32, #tpu.memory_space<vmem>>
      %dma_wait3A_398 = arith.constant 0 : i32
      %dma_wait3A_399 = tpu.memref_slice %arg7[%add3A_391, %dma_wait3A_398] : memref<80x128xi32, #tpu.memory_space<vmem>> -> memref<1x128xi32, #tpu.memory_space<vmem>>
      %dma_wait3A_400 = tpu.memref_squeeze %dma_wait3A_399 : memref<1x128xi32, #tpu.memory_space<vmem>> -> memref<128xi32, #tpu.memory_space<vmem>>
      %dma_wait3A_401 = arith.constant 0 : i32
      %dma_wait3A_402 = arith.constant 0 : i32
      %dma_wait3A_403 = tpu.memref_slice %arg2[%dma_wait3A_401, %dma_wait3A_402] : memref<10240x128xf32, #tpu.memory_space<hbm>> -> memref<10240x128xf32, #tpu.memory_space<hbm>>
      %dma_wait3A_404 = tpu.memref_slice %arg10[%dma_wait3A_393] : memref<2x!tpu.dma_semaphore, #tpu.memory_space<semaphore_mem>> -> memref<1x!tpu.dma_semaphore, #tpu.memory_space<semaphore_mem>>
      %dma_wait3A_405 = tpu.memref_squeeze %dma_wait3A_404 : memref<1x!tpu.dma_semaphore, #tpu.memory_space<semaphore_mem>> -> memref<!tpu.dma_semaphore, #tpu.memory_space<semaphore_mem>>
      tpu.wait_indirect_dma semaphore(%dma_wait3A_405 : memref<!tpu.dma_semaphore, #tpu.memory_space<semaphore_mem>>) src(%dma_wait3A_403 : memref<10240x128xf32, #tpu.memory_space<hbm>>) dst(%dma_wait3A_397 : memref<128x128xf32, #tpu.memory_space<vmem>>)
      %dma_start3A_406 = arith.constant 0 : i32
      %dma_start3A_407 = arith.constant 6 : i32
      %dma_start3A_408 = arith.constant 0 : i32
      %dma_start3A_409 = arith.constant 0 : i32
      %dma_start3A_410 = arith.constant 0 : i32
      %dma_start3A_411 = tpu.memref_slice %arg9[%dma_start3A_406, %dma_start3A_409, %dma_start3A_410] : memref<2x128x128xf32, #tpu.memory_space<vmem>> -> memref<1x128x128xf32, #tpu.memory_space<vmem>>
      %dma_start3A_412 = tpu.memref_squeeze %dma_start3A_411 : memref<1x128x128xf32, #tpu.memory_space<vmem>> -> memref<128x128xf32, #tpu.memory_space<vmem>>
      %dma_start3A_413 = arith.constant 0 : i32
      %dma_start3A_414 = tpu.memref_slice %arg8[%select_n3A_130, %dma_start3A_407, %dma_start3A_413] : memref<2x8x128xi32, #tpu.memory_space<vmem>> -> memref<1x1x128xi32, #tpu.memory_space<vmem>>
      %dma_start3A_415 = tpu.memref_squeeze %dma_start3A_414 : memref<1x1x128xi32, #tpu.memory_space<vmem>> -> memref<128xi32, #tpu.memory_space<vmem>>
      %dma_start3A_416 = arith.constant 0 : i32
      %dma_start3A_417 = arith.constant 0 : i32
      %dma_start3A_418 = tpu.memref_slice %arg6[%dma_start3A_416, %dma_start3A_417] : memref<10240x128xf32, #tpu.memory_space<vmem_shared>> -> memref<10240x128xf32, #tpu.memory_space<vmem_shared>>
      %dma_start3A_419 = tpu.memref_slice %arg11[%dma_start3A_408] : memref<2x!tpu.dma_semaphore, #tpu.memory_space<semaphore_mem>> -> memref<1x!tpu.dma_semaphore, #tpu.memory_space<semaphore_mem>>
      %dma_start3A_420 = tpu.memref_squeeze %dma_start3A_419 : memref<1x!tpu.dma_semaphore, #tpu.memory_space<semaphore_mem>> -> memref<!tpu.dma_semaphore, #tpu.memory_space<semaphore_mem>>
      tpu.enqueue_indirect_dma source(%dma_start3A_412 : memref<128x128xf32, #tpu.memory_space<vmem>>) target(%dma_start3A_418 : memref<10240x128xf32, #tpu.memory_space<vmem_shared>>) offsets(%dma_start3A_415 : memref<128xi32, #tpu.memory_space<vmem>>) semaphore(%dma_start3A_420 : memref<!tpu.dma_semaphore, #tpu.memory_space<semaphore_mem>>) {add = true}
      %add3A_421 = arith.constant 2 : i32
      %add3A_422 = arith.addi %add3A_391, %add3A_421 : i32
      %lt3A_423 = arith.constant 80 : i32
      %lt3A_424 = arith.cmpi slt, %add3A_422, %lt3A_423 : i32
      %convert_element_type3A_425 = arith.extui %lt3A_424 : i1 to i32
      %cond3A_426 = arith.constant 0 : i32
      %cond3A_427 = arith.cmpi ne, %convert_element_type3A_425, %cond3A_426 : i32
      scf.if %cond3A_427 {
        %dma_wait3A_475 = arith.constant 0 : i32
        %dma_wait3A_476 = arith.constant 6 : i32
        %dma_wait3A_477 = arith.constant 0 : i32
        %dma_wait3A_478 = arith.constant 0 : i32
        %dma_wait3A_479 = arith.constant 0 : i32
        %dma_wait3A_480 = tpu.memref_slice %arg9[%dma_wait3A_475, %dma_wait3A_478, %dma_wait3A_479] : memref<2x128x128xf32, #tpu.memory_space<vmem>> -> memref<1x128x128xf32, #tpu.memory_space<vmem>>
        %dma_wait3A_481 = tpu.memref_squeeze %dma_wait3A_480 : memref<1x128x128xf32, #tpu.memory_space<vmem>> -> memref<128x128xf32, #tpu.memory_space<vmem>>
        %dma_wait3A_482 = arith.constant 0 : i32
        %dma_wait3A_483 = tpu.memref_slice %arg8[%select_n3A_130, %dma_wait3A_476, %dma_wait3A_482] : memref<2x8x128xi32, #tpu.memory_space<vmem>> -> memref<1x1x128xi32, #tpu.memory_space<vmem>>
        %dma_wait3A_484 = tpu.memref_squeeze %dma_wait3A_483 : memref<1x1x128xi32, #tpu.memory_space<vmem>> -> memref<128xi32, #tpu.memory_space<vmem>>
        %dma_wait3A_485 = arith.constant 0 : i32
        %dma_wait3A_486 = arith.constant 0 : i32
        %dma_wait3A_487 = tpu.memref_slice %arg6[%dma_wait3A_485, %dma_wait3A_486] : memref<10240x128xf32, #tpu.memory_space<vmem_shared>> -> memref<10240x128xf32, #tpu.memory_space<vmem_shared>>
        %dma_wait3A_488 = tpu.memref_slice %arg11[%dma_wait3A_477] : memref<2x!tpu.dma_semaphore, #tpu.memory_space<semaphore_mem>> -> memref<1x!tpu.dma_semaphore, #tpu.memory_space<semaphore_mem>>
        %dma_wait3A_489 = tpu.memref_squeeze %dma_wait3A_488 : memref<1x!tpu.dma_semaphore, #tpu.memory_space<semaphore_mem>> -> memref<!tpu.dma_semaphore, #tpu.memory_space<semaphore_mem>>
        tpu.wait_indirect_dma semaphore(%dma_wait3A_489 : memref<!tpu.dma_semaphore, #tpu.memory_space<semaphore_mem>>) src(%dma_wait3A_481 : memref<128x128xf32, #tpu.memory_space<vmem>>) dst(%dma_wait3A_487 : memref<10240x128xf32, #tpu.memory_space<vmem_shared>>)
        %add3A_490 = arith.constant 2 : i32
        %add3A_491 = arith.addi %add3A_391, %add3A_490 : i32
        %dma_start3A_492 = arith.constant 0 : i32
        %dma_start3A_493 = arith.constant 0 : i32
        %dma_start3A_494 = arith.constant 0 : i32
        %dma_start3A_495 = arith.constant 0 : i32
        %dma_start3A_496 = tpu.memref_slice %arg9[%dma_start3A_492, %dma_start3A_494, %dma_start3A_495] : memref<2x128x128xf32, #tpu.memory_space<vmem>> -> memref<1x128x128xf32, #tpu.memory_space<vmem>>
        %dma_start3A_497 = tpu.memref_squeeze %dma_start3A_496 : memref<1x128x128xf32, #tpu.memory_space<vmem>> -> memref<128x128xf32, #tpu.memory_space<vmem>>
        %dma_start3A_498 = arith.constant 0 : i32
        %dma_start3A_499 = tpu.memref_slice %arg7[%add3A_491, %dma_start3A_498] : memref<80x128xi32, #tpu.memory_space<vmem>> -> memref<1x128xi32, #tpu.memory_space<vmem>>
        %dma_start3A_500 = tpu.memref_squeeze %dma_start3A_499 : memref<1x128xi32, #tpu.memory_space<vmem>> -> memref<128xi32, #tpu.memory_space<vmem>>
        %dma_start3A_501 = arith.constant 0 : i32
        %dma_start3A_502 = arith.constant 0 : i32
        %dma_start3A_503 = tpu.memref_slice %arg2[%dma_start3A_501, %dma_start3A_502] : memref<10240x128xf32, #tpu.memory_space<hbm>> -> memref<10240x128xf32, #tpu.memory_space<hbm>>
        %dma_start3A_504 = tpu.memref_slice %arg10[%dma_start3A_493] : memref<2x!tpu.dma_semaphore, #tpu.memory_space<semaphore_mem>> -> memref<1x!tpu.dma_semaphore, #tpu.memory_space<semaphore_mem>>
        %dma_start3A_505 = tpu.memref_squeeze %dma_start3A_504 : memref<1x!tpu.dma_semaphore, #tpu.memory_space<semaphore_mem>> -> memref<!tpu.dma_semaphore, #tpu.memory_space<semaphore_mem>>
        tpu.enqueue_indirect_dma source(%dma_start3A_503 : memref<10240x128xf32, #tpu.memory_space<hbm>>) target(%dma_start3A_497 : memref<128x128xf32, #tpu.memory_space<vmem>>) offsets(%dma_start3A_500 : memref<128xi32, #tpu.memory_space<vmem>>) semaphore(%dma_start3A_505 : memref<!tpu.dma_semaphore, #tpu.memory_space<semaphore_mem>>)
      } else {
      }
      %mul3A_428 = arith.constant 8 : i32
      %mul3A_429 = arith.muli %scan3A_119, %mul3A_428 : i32
      %add3A_430 = arith.constant 7 : i32
      %add3A_431 = arith.addi %mul3A_429, %add3A_430 : i32
      %dma_wait3A_432 = arith.constant 1 : i32
      %dma_wait3A_433 = arith.constant 1 : i32
      %dma_wait3A_434 = arith.constant 0 : i32
      %dma_wait3A_435 = arith.constant 0 : i32
      %dma_wait3A_436 = tpu.memref_slice %arg9[%dma_wait3A_432, %dma_wait3A_434, %dma_wait3A_435] : memref<2x128x128xf32, #tpu.memory_space<vmem>> -> memref<1x128x128xf32, #tpu.memory_space<vmem>>
      %dma_wait3A_437 = tpu.memref_squeeze %dma_wait3A_436 : memref<1x128x128xf32, #tpu.memory_space<vmem>> -> memref<128x128xf32, #tpu.memory_space<vmem>>
      %dma_wait3A_438 = arith.constant 0 : i32
      %dma_wait3A_439 = tpu.memref_slice %arg7[%add3A_431, %dma_wait3A_438] : memref<80x128xi32, #tpu.memory_space<vmem>> -> memref<1x128xi32, #tpu.memory_space<vmem>>
      %dma_wait3A_440 = tpu.memref_squeeze %dma_wait3A_439 : memref<1x128xi32, #tpu.memory_space<vmem>> -> memref<128xi32, #tpu.memory_space<vmem>>
      %dma_wait3A_441 = arith.constant 0 : i32
      %dma_wait3A_442 = arith.constant 0 : i32
      %dma_wait3A_443 = tpu.memref_slice %arg2[%dma_wait3A_441, %dma_wait3A_442] : memref<10240x128xf32, #tpu.memory_space<hbm>> -> memref<10240x128xf32, #tpu.memory_space<hbm>>
      %dma_wait3A_444 = tpu.memref_slice %arg10[%dma_wait3A_433] : memref<2x!tpu.dma_semaphore, #tpu.memory_space<semaphore_mem>> -> memref<1x!tpu.dma_semaphore, #tpu.memory_space<semaphore_mem>>
      %dma_wait3A_445 = tpu.memref_squeeze %dma_wait3A_444 : memref<1x!tpu.dma_semaphore, #tpu.memory_space<semaphore_mem>> -> memref<!tpu.dma_semaphore, #tpu.memory_space<semaphore_mem>>
      tpu.wait_indirect_dma semaphore(%dma_wait3A_445 : memref<!tpu.dma_semaphore, #tpu.memory_space<semaphore_mem>>) src(%dma_wait3A_443 : memref<10240x128xf32, #tpu.memory_space<hbm>>) dst(%dma_wait3A_437 : memref<128x128xf32, #tpu.memory_space<vmem>>)
      %dma_start3A_446 = arith.constant 1 : i32
      %dma_start3A_447 = arith.constant 7 : i32
      %dma_start3A_448 = arith.constant 1 : i32
      %dma_start3A_449 = arith.constant 0 : i32
      %dma_start3A_450 = arith.constant 0 : i32
      %dma_start3A_451 = tpu.memref_slice %arg9[%dma_start3A_446, %dma_start3A_449, %dma_start3A_450] : memref<2x128x128xf32, #tpu.memory_space<vmem>> -> memref<1x128x128xf32, #tpu.memory_space<vmem>>
      %dma_start3A_452 = tpu.memref_squeeze %dma_start3A_451 : memref<1x128x128xf32, #tpu.memory_space<vmem>> -> memref<128x128xf32, #tpu.memory_space<vmem>>
      %dma_start3A_453 = arith.constant 0 : i32
      %dma_start3A_454 = tpu.memref_slice %arg8[%select_n3A_130, %dma_start3A_447, %dma_start3A_453] : memref<2x8x128xi32, #tpu.memory_space<vmem>> -> memref<1x1x128xi32, #tpu.memory_space<vmem>>
      %dma_start3A_455 = tpu.memref_squeeze %dma_start3A_454 : memref<1x1x128xi32, #tpu.memory_space<vmem>> -> memref<128xi32, #tpu.memory_space<vmem>>
      %dma_start3A_456 = arith.constant 0 : i32
      %dma_start3A_457 = arith.constant 0 : i32
      %dma_start3A_458 = tpu.memref_slice %arg6[%dma_start3A_456, %dma_start3A_457] : memref<10240x128xf32, #tpu.memory_space<vmem_shared>> -> memref<10240x128xf32, #tpu.memory_space<vmem_shared>>
      %dma_start3A_459 = tpu.memref_slice %arg11[%dma_start3A_448] : memref<2x!tpu.dma_semaphore, #tpu.memory_space<semaphore_mem>> -> memref<1x!tpu.dma_semaphore, #tpu.memory_space<semaphore_mem>>
      %dma_start3A_460 = tpu.memref_squeeze %dma_start3A_459 : memref<1x!tpu.dma_semaphore, #tpu.memory_space<semaphore_mem>> -> memref<!tpu.dma_semaphore, #tpu.memory_space<semaphore_mem>>
      tpu.enqueue_indirect_dma source(%dma_start3A_452 : memref<128x128xf32, #tpu.memory_space<vmem>>) target(%dma_start3A_458 : memref<10240x128xf32, #tpu.memory_space<vmem_shared>>) offsets(%dma_start3A_455 : memref<128xi32, #tpu.memory_space<vmem>>) semaphore(%dma_start3A_460 : memref<!tpu.dma_semaphore, #tpu.memory_space<semaphore_mem>>) {add = true}
      %add3A_461 = arith.constant 2 : i32
      %add3A_462 = arith.addi %add3A_431, %add3A_461 : i32
      %lt3A_463 = arith.constant 80 : i32
      %lt3A_464 = arith.cmpi slt, %add3A_462, %lt3A_463 : i32
      %convert_element_type3A_465 = arith.extui %lt3A_464 : i1 to i32
      %cond3A_466 = arith.constant 0 : i32
      %cond3A_467 = arith.cmpi ne, %convert_element_type3A_465, %cond3A_466 : i32
      scf.if %cond3A_467 {
        %dma_wait3A_475 = arith.constant 1 : i32
        %dma_wait3A_476 = arith.constant 7 : i32
        %dma_wait3A_477 = arith.constant 1 : i32
        %dma_wait3A_478 = arith.constant 0 : i32
        %dma_wait3A_479 = arith.constant 0 : i32
        %dma_wait3A_480 = tpu.memref_slice %arg9[%dma_wait3A_475, %dma_wait3A_478, %dma_wait3A_479] : memref<2x128x128xf32, #tpu.memory_space<vmem>> -> memref<1x128x128xf32, #tpu.memory_space<vmem>>
        %dma_wait3A_481 = tpu.memref_squeeze %dma_wait3A_480 : memref<1x128x128xf32, #tpu.memory_space<vmem>> -> memref<128x128xf32, #tpu.memory_space<vmem>>
        %dma_wait3A_482 = arith.constant 0 : i32
        %dma_wait3A_483 = tpu.memref_slice %arg8[%select_n3A_130, %dma_wait3A_476, %dma_wait3A_482] : memref<2x8x128xi32, #tpu.memory_space<vmem>> -> memref<1x1x128xi32, #tpu.memory_space<vmem>>
        %dma_wait3A_484 = tpu.memref_squeeze %dma_wait3A_483 : memref<1x1x128xi32, #tpu.memory_space<vmem>> -> memref<128xi32, #tpu.memory_space<vmem>>
        %dma_wait3A_485 = arith.constant 0 : i32
        %dma_wait3A_486 = arith.constant 0 : i32
        %dma_wait3A_487 = tpu.memref_slice %arg6[%dma_wait3A_485, %dma_wait3A_486] : memref<10240x128xf32, #tpu.memory_space<vmem_shared>> -> memref<10240x128xf32, #tpu.memory_space<vmem_shared>>
        %dma_wait3A_488 = tpu.memref_slice %arg11[%dma_wait3A_477] : memref<2x!tpu.dma_semaphore, #tpu.memory_space<semaphore_mem>> -> memref<1x!tpu.dma_semaphore, #tpu.memory_space<semaphore_mem>>
        %dma_wait3A_489 = tpu.memref_squeeze %dma_wait3A_488 : memref<1x!tpu.dma_semaphore, #tpu.memory_space<semaphore_mem>> -> memref<!tpu.dma_semaphore, #tpu.memory_space<semaphore_mem>>
        tpu.wait_indirect_dma semaphore(%dma_wait3A_489 : memref<!tpu.dma_semaphore, #tpu.memory_space<semaphore_mem>>) src(%dma_wait3A_481 : memref<128x128xf32, #tpu.memory_space<vmem>>) dst(%dma_wait3A_487 : memref<10240x128xf32, #tpu.memory_space<vmem_shared>>)
        %add3A_490 = arith.constant 2 : i32
        %add3A_491 = arith.addi %add3A_431, %add3A_490 : i32
        %dma_start3A_492 = arith.constant 1 : i32
        %dma_start3A_493 = arith.constant 1 : i32
        %dma_start3A_494 = arith.constant 0 : i32
        %dma_start3A_495 = arith.constant 0 : i32
        %dma_start3A_496 = tpu.memref_slice %arg9[%dma_start3A_492, %dma_start3A_494, %dma_start3A_495] : memref<2x128x128xf32, #tpu.memory_space<vmem>> -> memref<1x128x128xf32, #tpu.memory_space<vmem>>
        %dma_start3A_497 = tpu.memref_squeeze %dma_start3A_496 : memref<1x128x128xf32, #tpu.memory_space<vmem>> -> memref<128x128xf32, #tpu.memory_space<vmem>>
        %dma_start3A_498 = arith.constant 0 : i32
        %dma_start3A_499 = tpu.memref_slice %arg7[%add3A_491, %dma_start3A_498] : memref<80x128xi32, #tpu.memory_space<vmem>> -> memref<1x128xi32, #tpu.memory_space<vmem>>
        %dma_start3A_500 = tpu.memref_squeeze %dma_start3A_499 : memref<1x128xi32, #tpu.memory_space<vmem>> -> memref<128xi32, #tpu.memory_space<vmem>>
        %dma_start3A_501 = arith.constant 0 : i32
        %dma_start3A_502 = arith.constant 0 : i32
        %dma_start3A_503 = tpu.memref_slice %arg2[%dma_start3A_501, %dma_start3A_502] : memref<10240x128xf32, #tpu.memory_space<hbm>> -> memref<10240x128xf32, #tpu.memory_space<hbm>>
        %dma_start3A_504 = tpu.memref_slice %arg10[%dma_start3A_493] : memref<2x!tpu.dma_semaphore, #tpu.memory_space<semaphore_mem>> -> memref<1x!tpu.dma_semaphore, #tpu.memory_space<semaphore_mem>>
        %dma_start3A_505 = tpu.memref_squeeze %dma_start3A_504 : memref<1x!tpu.dma_semaphore, #tpu.memory_space<semaphore_mem>> -> memref<!tpu.dma_semaphore, #tpu.memory_space<semaphore_mem>>
        tpu.enqueue_indirect_dma source(%dma_start3A_503 : memref<10240x128xf32, #tpu.memory_space<hbm>>) target(%dma_start3A_497 : memref<128x128xf32, #tpu.memory_space<vmem>>) offsets(%dma_start3A_500 : memref<128xi32, #tpu.memory_space<vmem>>) semaphore(%dma_start3A_505 : memref<!tpu.dma_semaphore, #tpu.memory_space<semaphore_mem>>)
      } else {
      }
      %add3A_468 = arith.constant 2 : i32
      %add3A_469 = arith.addi %scan3A_119, %add3A_468 : i32
      %lt3A_470 = arith.constant 10 : i32
      %lt3A_471 = arith.cmpi slt, %add3A_469, %lt3A_470 : i32
      %convert_element_type3A_472 = arith.extui %lt3A_471 : i1 to i32
      %cond3A_473 = arith.constant 0 : i32
      %cond3A_474 = arith.cmpi ne, %convert_element_type3A_472, %cond3A_473 : i32
      scf.if %cond3A_474 {
        %add3A_475 = arith.constant 2 : i32
        %add3A_476 = arith.addi %scan3A_119, %add3A_475 : i32
        %mul3A_477 = arith.constant 8 : i32
        %mul3A_478 = arith.muli %add3A_476, %mul3A_477 : i32
        %add3A_479 = arith.addi %mul3A_4, %mul3A_478 : i32
        %dma_start3A_480 = arith.constant 1 : i32
        %dma_start3A_481 = arith.constant 0 : i32
        %dma_start3A_482 = arith.constant 0 : i32
        %dma_start3A_483 = tpu.memref_slice %arg8[%select_n3A_130, %dma_start3A_481, %dma_start3A_482] : memref<2x8x128xi32, #tpu.memory_space<vmem>> -> memref<1x8x128xi32, #tpu.memory_space<vmem>>
        %dma_start3A_484 = tpu.memref_squeeze %dma_start3A_483 : memref<1x8x128xi32, #tpu.memory_space<vmem>> -> memref<8x128xi32, #tpu.memory_space<vmem>>
        %dma_start3A_485 = arith.constant 0 : i32
        %dma_start3A_486 = tpu.memref_slice %arg3[%dma_start3A_480, %add3A_479, %dma_start3A_485] : memref<2x2560x128xi32, #tpu.memory_space<hbm>> -> memref<1x8x128xi32, #tpu.memory_space<hbm>>
        %dma_start3A_487 = tpu.memref_squeeze %dma_start3A_486 : memref<1x8x128xi32, #tpu.memory_space<hbm>> -> memref<8x128xi32, #tpu.memory_space<hbm>>
        %dma_start3A_488 = tpu.memref_slice %arg12[%select_n3A_130] : memref<2x!tpu.dma_semaphore, #tpu.memory_space<semaphore_mem>> -> memref<1x!tpu.dma_semaphore, #tpu.memory_space<semaphore_mem>>
        %dma_start3A_489 = tpu.memref_squeeze %dma_start3A_488 : memref<1x!tpu.dma_semaphore, #tpu.memory_space<semaphore_mem>> -> memref<!tpu.dma_semaphore, #tpu.memory_space<semaphore_mem>>
        %dma_start3A_490 = arith.constant 0 : i32
        %dma_start3A_491 = arith.constant 0 : i32
        %dma_start3A_492 = tpu.memref_slice %arg8[%select_n3A_130, %dma_start3A_490, %dma_start3A_491] : memref<2x8x128xi32, #tpu.memory_space<vmem>> -> memref<1x8x128xi32, #tpu.memory_space<vmem>>
        %dma_start3A_493 = tpu.memref_squeeze %dma_start3A_492 : memref<1x8x128xi32, #tpu.memory_space<vmem>> -> memref<8x128xi32, #tpu.memory_space<vmem>>
        %dma_start3A_494 = arith.constant 0 : i32
        %dma_start3A_495 = tpu.memref_slice %arg3[%dma_start3A_480, %add3A_479, %dma_start3A_494] : memref<2x2560x128xi32, #tpu.memory_space<hbm>> -> memref<1x8x128xi32, #tpu.memory_space<hbm>>
        %dma_start3A_496 = tpu.memref_squeeze %dma_start3A_495 : memref<1x8x128xi32, #tpu.memory_space<hbm>> -> memref<8x128xi32, #tpu.memory_space<hbm>>
        tpu.enqueue_dma source(%dma_start3A_496 : memref<8x128xi32, #tpu.memory_space<hbm>>) target(%dma_start3A_493 : memref<8x128xi32, #tpu.memory_space<vmem>>) target_semaphore(%dma_start3A_489 : memref<!tpu.dma_semaphore, #tpu.memory_space<semaphore_mem>>)
      } else {
      }
    }
    %scan3A_86 = arith.constant 10 : i32
    %dma_wait3A = arith.constant 0 : i32
    %dma_wait3A_87 = arith.constant 0 : i32
    %dma_wait3A_88 = arith.constant 0 : i32
    %dma_wait3A_89 = arith.constant 0 : i32
    %dma_wait3A_90 = arith.constant 0 : i32
    %dma_wait3A_91 = arith.constant 0 : i32
    %dma_wait3A_92 = tpu.memref_slice %arg9[%dma_wait3A, %dma_wait3A_90, %dma_wait3A_91] : memref<2x128x128xf32, #tpu.memory_space<vmem>> -> memref<1x128x128xf32, #tpu.memory_space<vmem>>
    %dma_wait3A_93 = tpu.memref_squeeze %dma_wait3A_92 : memref<1x128x128xf32, #tpu.memory_space<vmem>> -> memref<128x128xf32, #tpu.memory_space<vmem>>
    %dma_wait3A_94 = arith.constant 0 : i32
    %dma_wait3A_95 = tpu.memref_slice %arg8[%dma_wait3A_87, %dma_wait3A_88, %dma_wait3A_94] : memref<2x8x128xi32, #tpu.memory_space<vmem>> -> memref<1x1x128xi32, #tpu.memory_space<vmem>>
    %dma_wait3A_96 = tpu.memref_squeeze %dma_wait3A_95 : memref<1x1x128xi32, #tpu.memory_space<vmem>> -> memref<128xi32, #tpu.memory_space<vmem>>
    %dma_wait3A_97 = arith.constant 0 : i32
    %dma_wait3A_98 = arith.constant 0 : i32
    %dma_wait3A_99 = tpu.memref_slice %arg6[%dma_wait3A_97, %dma_wait3A_98] : memref<10240x128xf32, #tpu.memory_space<vmem_shared>> -> memref<10240x128xf32, #tpu.memory_space<vmem_shared>>
    %dma_wait3A_100 = tpu.memref_slice %arg11[%dma_wait3A_89] : memref<2x!tpu.dma_semaphore, #tpu.memory_space<semaphore_mem>> -> memref<1x!tpu.dma_semaphore, #tpu.memory_space<semaphore_mem>>
    %dma_wait3A_101 = tpu.memref_squeeze %dma_wait3A_100 : memref<1x!tpu.dma_semaphore, #tpu.memory_space<semaphore_mem>> -> memref<!tpu.dma_semaphore, #tpu.memory_space<semaphore_mem>>
    tpu.wait_indirect_dma semaphore(%dma_wait3A_101 : memref<!tpu.dma_semaphore, #tpu.memory_space<semaphore_mem>>) src(%dma_wait3A_93 : memref<128x128xf32, #tpu.memory_space<vmem>>) dst(%dma_wait3A_99 : memref<10240x128xf32, #tpu.memory_space<vmem_shared>>)
    %dma_wait3A_102 = arith.constant 1 : i32
    %dma_wait3A_103 = arith.constant 0 : i32
    %dma_wait3A_104 = arith.constant 0 : i32
    %dma_wait3A_105 = arith.constant 1 : i32
    %dma_wait3A_106 = arith.constant 0 : i32
    %dma_wait3A_107 = arith.constant 0 : i32
    %dma_wait3A_108 = tpu.memref_slice %arg9[%dma_wait3A_102, %dma_wait3A_106, %dma_wait3A_107] : memref<2x128x128xf32, #tpu.memory_space<vmem>> -> memref<1x128x128xf32, #tpu.memory_space<vmem>>
    %dma_wait3A_109 = tpu.memref_squeeze %dma_wait3A_108 : memref<1x128x128xf32, #tpu.memory_space<vmem>> -> memref<128x128xf32, #tpu.memory_space<vmem>>
    %dma_wait3A_110 = arith.constant 0 : i32
    %dma_wait3A_111 = tpu.memref_slice %arg8[%dma_wait3A_103, %dma_wait3A_104, %dma_wait3A_110] : memref<2x8x128xi32, #tpu.memory_space<vmem>> -> memref<1x1x128xi32, #tpu.memory_space<vmem>>
    %dma_wait3A_112 = tpu.memref_squeeze %dma_wait3A_111 : memref<1x1x128xi32, #tpu.memory_space<vmem>> -> memref<128xi32, #tpu.memory_space<vmem>>
    %dma_wait3A_113 = arith.constant 0 : i32
    %dma_wait3A_114 = arith.constant 0 : i32
    %dma_wait3A_115 = tpu.memref_slice %arg6[%dma_wait3A_113, %dma_wait3A_114] : memref<10240x128xf32, #tpu.memory_space<vmem_shared>> -> memref<10240x128xf32, #tpu.memory_space<vmem_shared>>
    %dma_wait3A_116 = tpu.memref_slice %arg11[%dma_wait3A_105] : memref<2x!tpu.dma_semaphore, #tpu.memory_space<semaphore_mem>> -> memref<1x!tpu.dma_semaphore, #tpu.memory_space<semaphore_mem>>
    %dma_wait3A_117 = tpu.memref_squeeze %dma_wait3A_116 : memref<1x!tpu.dma_semaphore, #tpu.memory_space<semaphore_mem>> -> memref<!tpu.dma_semaphore, #tpu.memory_space<semaphore_mem>>
    tpu.wait_indirect_dma semaphore(%dma_wait3A_117 : memref<!tpu.dma_semaphore, #tpu.memory_space<semaphore_mem>>) src(%dma_wait3A_109 : memref<128x128xf32, #tpu.memory_space<vmem>>) dst(%dma_wait3A_115 : memref<10240x128xf32, #tpu.memory_space<vmem_shared>>)
    %barrier3A_118 = arith.constant 0 : index
    tpu.barrier barrier_id(%barrier3A_118)
    "tpu.region"() ({
      %run_scoped3A_119 = tpu.sem_alloc : memref<!tpu.dma_semaphore, #tpu.memory_space<semaphore_mem>>
      %dma_start3A_120 = arith.constant 0 : i32
      %dma_start3A_121 = tpu.memref_slice %arg5[%arg0, %mul3A_2, %dma_start3A_120] : memref<2x10240x128xf32, #tpu.memory_space<hbm>> -> memref<1x640x128xf32, #tpu.memory_space<hbm>>
      %dma_start3A_122 = tpu.memref_squeeze %dma_start3A_121 : memref<1x640x128xf32, #tpu.memory_space<hbm>> -> memref<640x128xf32, #tpu.memory_space<hbm>>
      %dma_start3A_123 = arith.constant 0 : i32
      %dma_start3A_124 = tpu.memref_slice %arg6[%mul3A_2, %dma_start3A_123] : memref<10240x128xf32, #tpu.memory_space<vmem_shared>> -> memref<640x128xf32, #tpu.memory_space<vmem_shared>>
      tpu.enqueue_dma source(%dma_start3A_124 : memref<640x128xf32, #tpu.memory_space<vmem_shared>>) target(%dma_start3A_122 : memref<640x128xf32, #tpu.memory_space<hbm>>) target_semaphore(%run_scoped3A_119 : memref<!tpu.dma_semaphore, #tpu.memory_space<semaphore_mem>>)
      %dma_wait3A_125 = arith.constant 0 : i32
      %dma_wait3A_126 = tpu.memref_slice %arg5[%arg0, %mul3A_2, %dma_wait3A_125] : memref<2x10240x128xf32, #tpu.memory_space<hbm>> -> memref<1x640x128xf32, #tpu.memory_space<hbm>>
      %dma_wait3A_127 = tpu.memref_squeeze %dma_wait3A_126 : memref<1x640x128xf32, #tpu.memory_space<hbm>> -> memref<640x128xf32, #tpu.memory_space<hbm>>
      %dma_wait3A_128 = arith.constant 0 : i32
      %dma_wait3A_129 = tpu.memref_slice %arg6[%mul3A_2, %dma_wait3A_128] : memref<10240x128xf32, #tpu.memory_space<vmem_shared>> -> memref<640x128xf32, #tpu.memory_space<vmem_shared>>
      tpu.wait_dma2 semaphore(%run_scoped3A_119 : memref<!tpu.dma_semaphore, #tpu.memory_space<semaphore_mem>>) src(%dma_wait3A_129 : memref<640x128xf32, #tpu.memory_space<vmem_shared>>) dst(%dma_wait3A_127 : memref<640x128xf32, #tpu.memory_space<hbm>>)
      tpu.yield
    }) : () -> ()
    return
  }
}

module attributes {stable_mosaic.version = 14 : i64} {
  func.func @_tc1_body(%arg0: i32, %arg1: memref<1024x128xf32, #tpu.memory_space<vmem>>, %arg2: memref<128x128xf32, #tpu.memory_space<vmem>>, %arg3: memref<2x1024x16xf32, #tpu.memory_space<vmem>>, %arg4: memref<1024x128xf32, #tpu.memory_space<vmem>>, %arg5: memref<1024x16xf32, #tpu.memory_space<vmem>>) attributes {dimension_semantics = [#tpu.dimension_semantics<arbitrary>], iteration_bounds = array<i64: 10>, scalar_prefetch = 0 : i64, scratch_operands = 0 : i64, tpu.core_type = #tpu.core_type<tc>, window_params = [{transform_indices = @transform_0, window_bounds = array<i64: 1024, 128>}, {pipeline_mode = #tpu.pipeline_mode<synchronous>, transform_indices = @transform_1, window_bounds = array<i64: 128, 128>}, {transform_indices = @transform_2, window_bounds = array<i64: 2, 1024, 16>}, {transform_indices = @transform_3, window_bounds = array<i64: 1024, 128>}, {transform_indices = @transform_4, window_bounds = array<i64: 1024, 16>}]} {
    %get3A = arith.constant 0 : index
    %get3A_0 = arith.constant 0 : index
    %get3A_1 = arith.constant 0 : index
    %get3A_2 = vector.load %arg3[%get3A, %get3A_0, %get3A_1] : memref<2x1024x16xf32, #tpu.memory_space<vmem>>, vector<1x1024x1xf32>
    %get3A_3 = vector.shape_cast %get3A_2 : vector<1x1024x1xf32> to vector<1024x1xf32>
    %get3A_4 = arith.constant 1 : index
    %get3A_5 = arith.constant 0 : index
    %get3A_6 = arith.constant 0 : index
    %get3A_7 = vector.load %arg3[%get3A_4, %get3A_5, %get3A_6] : memref<2x1024x16xf32, #tpu.memory_space<vmem>>, vector<1x1024x1xf32>
    %get3A_8 = vector.shape_cast %get3A_7 : vector<1x1024x1xf32> to vector<1024x1xf32>
    %add3A = arith.addf %get3A_3, %get3A_8 : vector<1024x1xf32>
    %rsqrt3A = math.rsqrt %add3A : vector<1024x1xf32>
    %get3A_9 = arith.constant 0 : index
    %get3A_10 = arith.constant 0 : index
    %get3A_11 = vector.load %arg1[%get3A_9, %get3A_10] : memref<1024x128xf32, #tpu.memory_space<vmem>>, vector<1024x128xf32>
    %get3A_12 = arith.constant 0 : index
    %get3A_13 = arith.constant 0 : index
    %get3A_14 = vector.load %arg2[%get3A_12, %get3A_13] : memref<128x128xf32, #tpu.memory_space<vmem>>, vector<128x128xf32>
    %dot_general3A = arith.constant dense<0.000000e+00> : vector<1024x128xf32>
    %dot_general3A_15 = tpu.matmul %get3A_11, %get3A_14, %dot_general3A {dimension_numbers = #tpu.dot_dimension_numbers<[1], [0], [0], [1], [0, 0, 1, 1], [], []>, transpose_lhs_hint = false} : vector<1024x128xf32>, vector<128x128xf32>, vector<1024x128xf32> -> vector<1024x128xf32>
    %mul3A = vector.broadcast %rsqrt3A : vector<1024x1xf32> to vector<1024x128xf32>
    %mul3A_16 = arith.mulf %dot_general3A_15, %mul3A : vector<1024x128xf32>
    %swap3A = arith.constant 0 : index
    %swap3A_17 = arith.constant 0 : index
    %swap3A_18 = vector.load %arg4[%swap3A, %swap3A_17] : memref<1024x128xf32, #tpu.memory_space<vmem>>, vector<1024x128xf32>
    tpu.vector_store %arg4[%swap3A, %swap3A_17], %mul3A_16 {strides = array<i32>} : memref<1024x128xf32, #tpu.memory_space<vmem>>, vector<1024x128xf32>,
    %broadcast_in_dim3A = vector.shape_cast %rsqrt3A : vector<1024x1xf32> to vector<1024x1xf32>
    %broadcast_in_dim3A_19 = vector.broadcast %broadcast_in_dim3A : vector<1024x1xf32> to vector<1024x16xf32>
    %swap3A_20 = arith.constant 0 : index
    %swap3A_21 = arith.constant 0 : index
    %swap3A_22 = vector.load %arg5[%swap3A_20, %swap3A_21] : memref<1024x16xf32, #tpu.memory_space<vmem>>, vector<1024x16xf32>
    tpu.vector_store %arg5[%swap3A_20, %swap3A_21], %broadcast_in_dim3A_19 {strides = array<i32>} : memref<1024x16xf32, #tpu.memory_space<vmem>>, vector<1024x16xf32>,
    return
  }
  func.func @transform_0(%arg0: i32) -> (i32, i32) {
    %c0_i32 = arith.constant 0 : i32
    %c0_i32_0 = arith.constant 0 : i32
    return %arg0, %c0_i32 : i32, i32
  }
  func.func @transform_1(%arg0: i32) -> (i32, i32) {
    %c0_i32 = arith.constant 0 : i32
    %c0_i32_0 = arith.constant 0 : i32
    %c0_i32_1 = arith.constant 0 : i32
    return %c0_i32, %c0_i32_0 : i32, i32
  }
  func.func @transform_2(%arg0: i32) -> (i32, i32, i32) {
    %c0_i32 = arith.constant 0 : i32
    %c0_i32_0 = arith.constant 0 : i32
    %c0_i32_1 = arith.constant 0 : i32
    return %c0_i32, %arg0, %c0_i32_0 : i32, i32, i32
  }
  func.func @transform_3(%arg0: i32) -> (i32, i32) {
    %c0_i32 = arith.constant 0 : i32
    %c0_i32_0 = arith.constant 0 : i32
    return %arg0, %c0_i32 : i32, i32
  }
  func.func @transform_4(%arg0: i32) -> (i32, i32) {
    %c0_i32 = arith.constant 0 : i32
    %c0_i32_0 = arith.constant 0 : i32
    return %arg0, %c0_i32 : i32, i32
  }
}

module attributes {stable_mosaic.version = 14 : i64} {
  func.func @_tc2_body(%arg0: i32, %arg1: memref<2x1024x128xf32, #tpu.memory_space<vmem>>, %arg2: memref<1024x16xf32, #tpu.memory_space<vmem>>, %arg3: memref<1x128xf32, #tpu.memory_space<vmem>>, %arg4: memref<128x16xf32, #tpu.memory_space<vmem>>, %arg5: memref<1024x16xf32, #tpu.memory_space<vmem>>) attributes {dimension_semantics = [#tpu.dimension_semantics<arbitrary>], iteration_bounds = array<i64: 10>, scalar_prefetch = 0 : i64, scratch_operands = 0 : i64, tpu.core_type = #tpu.core_type<tc>, window_params = [{transform_indices = @transform_0, window_bounds = array<i64: 2, 1024, 128>}, {transform_indices = @transform_1, window_bounds = array<i64: 1024, 16>}, {pipeline_mode = #tpu.pipeline_mode<synchronous>, transform_indices = @transform_2, window_bounds = array<i64: 1, 128>}, {pipeline_mode = #tpu.pipeline_mode<synchronous>, transform_indices = @transform_3, window_bounds = array<i64: 128, 16>}, {transform_indices = @transform_4, window_bounds = array<i64: 1024, 16>}]} {
    %get3A = arith.constant 0 : index
    %get3A_0 = arith.constant 0 : index
    %get3A_1 = vector.load %arg2[%get3A, %get3A_0] : memref<1024x16xf32, #tpu.memory_space<vmem>>, vector<1024x1xf32>
    %get3A_2 = arith.constant 0 : index
    %get3A_3 = arith.constant 0 : index
    %get3A_4 = arith.constant 0 : index
    %get3A_5 = vector.load %arg1[%get3A_2, %get3A_3, %get3A_4] : memref<2x1024x128xf32, #tpu.memory_space<vmem>>, vector<1x1024x128xf32>
    %get3A_6 = vector.shape_cast %get3A_5 : vector<1x1024x128xf32> to vector<1024x128xf32>
    %get3A_7 = arith.constant 1 : index
    %get3A_8 = arith.constant 0 : index
    %get3A_9 = arith.constant 0 : index
    %get3A_10 = vector.load %arg1[%get3A_7, %get3A_8, %get3A_9] : memref<2x1024x128xf32, #tpu.memory_space<vmem>>, vector<1x1024x128xf32>
    %get3A_11 = vector.shape_cast %get3A_10 : vector<1x1024x128xf32> to vector<1024x128xf32>
    %add3A = arith.addf %get3A_6, %get3A_11 : vector<1024x128xf32>
    %mul3A = vector.broadcast %get3A_1 : vector<1024x1xf32> to vector<1024x128xf32>
    %mul3A_12 = arith.mulf %add3A, %mul3A : vector<1024x128xf32>
    %get3A_13 = arith.constant 0 : index
    %get3A_14 = arith.constant 0 : index
    %get3A_15 = vector.load %arg3[%get3A_13, %get3A_14] : memref<1x128xf32, #tpu.memory_space<vmem>>, vector<1x128xf32>
    %add3A_16 = vector.broadcast %get3A_15 : vector<1x128xf32> to vector<1024x128xf32>
    %add3A_17 = arith.addf %mul3A_12, %add3A_16 : vector<1024x128xf32>
    %max3A = arith.constant 0.000000e+00 : f32
    %max3A_18 = vector.broadcast %max3A : f32 to vector<1024x128xf32>
    %max3A_19 = arith.maximumf %add3A_17, %max3A_18 : vector<1024x128xf32>
    %get3A_20 = arith.constant 0 : index
    %get3A_21 = arith.constant 0 : index
    %get3A_22 = vector.load %arg4[%get3A_20, %get3A_21] : memref<128x16xf32, #tpu.memory_space<vmem>>, vector<128x16xf32>
    %dot_general3A = arith.constant dense<0.000000e+00> : vector<1024x16xf32>
    %dot_general3A_23 = tpu.matmul %max3A_19, %get3A_22, %dot_general3A {dimension_numbers = #tpu.dot_dimension_numbers<[1], [0], [0], [1], [0, 0, 1, 1], [], []>, transpose_lhs_hint = false} : vector<1024x128xf32>, vector<128x16xf32>, vector<1024x16xf32> -> vector<1024x16xf32>
    %mul3A_24 = vector.broadcast %get3A_1 : vector<1024x1xf32> to vector<1024x16xf32>
    %mul3A_25 = arith.mulf %dot_general3A_23, %mul3A_24 : vector<1024x16xf32>
    %swap3A = arith.constant 0 : index
    %swap3A_26 = arith.constant 0 : index
    %swap3A_27 = vector.load %arg5[%swap3A, %swap3A_26] : memref<1024x16xf32, #tpu.memory_space<vmem>>, vector<1024x16xf32>
    tpu.vector_store %arg5[%swap3A, %swap3A_26], %mul3A_25 {strides = array<i32>} : memref<1024x16xf32, #tpu.memory_space<vmem>>, vector<1024x16xf32>,
    return
  }
  func.func @transform_0(%arg0: i32) -> (i32, i32, i32) {
    %c0_i32 = arith.constant 0 : i32
    %c0_i32_0 = arith.constant 0 : i32
    %c0_i32_1 = arith.constant 0 : i32
    return %c0_i32, %arg0, %c0_i32_0 : i32, i32, i32
  }
  func.func @transform_1(%arg0: i32) -> (i32, i32) {
    %c0_i32 = arith.constant 0 : i32
    %c0_i32_0 = arith.constant 0 : i32
    return %arg0, %c0_i32 : i32, i32
  }
  func.func @transform_2(%arg0: i32) -> (i32, i32) {
    %c0_i32 = arith.constant 0 : i32
    %c0_i32_0 = arith.constant 0 : i32
    %c0_i32_1 = arith.constant 0 : i32
    return %c0_i32, %c0_i32_0 : i32, i32
  }
  func.func @transform_3(%arg0: i32) -> (i32, i32) {
    %c0_i32 = arith.constant 0 : i32
    %c0_i32_0 = arith.constant 0 : i32
    %c0_i32_1 = arith.constant 0 : i32
    return %c0_i32, %c0_i32_0 : i32, i32
  }
  func.func @transform_4(%arg0: i32) -> (i32, i32) {
    %c0_i32 = arith.constant 0 : i32
    %c0_i32_0 = arith.constant 0 : i32
    return %arg0, %c0_i32 : i32, i32
  }
}

module attributes {stable_mosaic.version = 14 : i64} {
  func.func @_tc3_body(%arg0: memref<2x10240x16xf32, #tpu.memory_space<vmem>>, %arg1: memref<10240x16xf32, #tpu.memory_space<vmem>>, %arg2: memref<1x16xf32, #tpu.memory_space<vmem>>, %arg3: memref<1x10240xi32, #tpu.memory_space<vmem>>, %arg4: memref<128x16xf32, #tpu.memory_space<vmem>>) attributes {dimension_semantics = [], scalar_prefetch = 0 : i64, scratch_operands = 0 : i64, tpu.core_type = #tpu.core_type<tc>} {
    %get3A = arith.constant 0 : index
    %get3A_0 = arith.constant 0 : index
    %get3A_1 = vector.load %arg1[%get3A, %get3A_0] : memref<10240x16xf32, #tpu.memory_space<vmem>>, vector<10240x1xf32>
    %get3A_2 = arith.constant 0 : index
    %get3A_3 = arith.constant 0 : index
    %get3A_4 = arith.constant 0 : index
    %get3A_5 = vector.load %arg0[%get3A_2, %get3A_3, %get3A_4] : memref<2x10240x16xf32, #tpu.memory_space<vmem>>, vector<1x10240x16xf32>
    %get3A_6 = vector.shape_cast %get3A_5 : vector<1x10240x16xf32> to vector<10240x16xf32>
    %get3A_7 = arith.constant 1 : index
    %get3A_8 = arith.constant 0 : index
    %get3A_9 = arith.constant 0 : index
    %get3A_10 = vector.load %arg0[%get3A_7, %get3A_8, %get3A_9] : memref<2x10240x16xf32, #tpu.memory_space<vmem>>, vector<1x10240x16xf32>
    %get3A_11 = vector.shape_cast %get3A_10 : vector<1x10240x16xf32> to vector<10240x16xf32>
    %add3A = arith.addf %get3A_6, %get3A_11 : vector<10240x16xf32>
    %mul3A = vector.broadcast %get3A_1 : vector<10240x1xf32> to vector<10240x16xf32>
    %mul3A_12 = arith.mulf %add3A, %mul3A : vector<10240x16xf32>
    %get3A_13 = arith.constant 0 : index
    %get3A_14 = arith.constant 0 : index
    %get3A_15 = vector.load %arg2[%get3A_13, %get3A_14] : memref<1x16xf32, #tpu.memory_space<vmem>>, vector<1x16xf32>
    %add3A_16 = vector.broadcast %get3A_15 : vector<1x16xf32> to vector<10240x16xf32>
    %add3A_17 = arith.addf %mul3A_12, %add3A_16 : vector<10240x16xf32>
    %iota3A = tpu.iota {dimensions = array<i32: 0>} : vector<128x10240xi32>
    %get3A_18 = arith.constant 0 : index
    %get3A_19 = arith.constant 0 : index
    %get3A_20 = vector.load %arg3[%get3A_18, %get3A_19] : memref<1x10240xi32, #tpu.memory_space<vmem>>, vector<1x10240xi32>
    %eq3A = vector.broadcast %get3A_20 : vector<1x10240xi32> to vector<128x10240xi32>
    %eq3A_21 = arith.cmpi eq, %eq3A, %iota3A : vector<128x10240xi32>
    %convert_element_type3A = arith.extui %eq3A_21 : vector<128x10240xi1> to vector<128x10240xi32>
    %convert_element_type3A_22 = arith.sitofp %convert_element_type3A : vector<128x10240xi32> to vector<128x10240xf32>
    %dot_general3A = arith.constant dense<0.000000e+00> : vector<128x16xf32>
    %dot_general3A_23 = tpu.matmul %convert_element_type3A_22, %add3A_17, %dot_general3A {dimension_numbers = #tpu.dot_dimension_numbers<[1], [0], [0], [1], [0, 0, 1, 1], [], []>, transpose_lhs_hint = false} : vector<128x10240xf32>, vector<10240x16xf32>, vector<128x16xf32> -> vector<128x16xf32>
    %reduce_sum3A = arith.constant dense<0.000000e+00> : vector<128xf32>
    %reduce_sum3A_24 = vector.multi_reduction <add>, %convert_element_type3A_22, %reduce_sum3A [1] : vector<128x10240xf32> to vector<128xf32>
    %broadcast_in_dim3A = vector.shape_cast %reduce_sum3A_24 : vector<128xf32> to vector<128x1xf32>
    %max3A = arith.constant 1.000000e+00 : f32
    %max3A_25 = vector.broadcast %max3A : f32 to vector<128x1xf32>
    %max3A_26 = arith.maximumf %broadcast_in_dim3A, %max3A_25 : vector<128x1xf32>
    %div3A = vector.broadcast %max3A_26 : vector<128x1xf32> to vector<128x16xf32>
    %div3A_27 = arith.divf %dot_general3A_23, %div3A : vector<128x16xf32>
    %swap3A = arith.constant 0 : index
    %swap3A_28 = arith.constant 0 : index
    %swap3A_29 = vector.load %arg4[%swap3A, %swap3A_28] : memref<128x16xf32, #tpu.memory_space<vmem>>, vector<128x16xf32>
    tpu.vector_store %arg4[%swap3A, %swap3A_28], %div3A_27 {strides = array<i32>} : memref<128x16xf32, #tpu.memory_space<vmem>>, vector<128x16xf32>,
    return
  }
}

</mosaic_0001>

<sc_bundles>
// kernel: kernel.11.cloned.1.call-start
scs
__scs_entry_jumppad:
0x0: {  	(pc) =	sbr.rel $0x88, $3  }
0x1: {  	(tag) =	ssettag $0x0;
	lr =	simm.s32 $0x1  }
0x2: {  	[smem:$0x3F9A] =	sst lr;
	_ =	strace $0xD0000000  }
0x3: {  	_ = 	snop  }
0x4: {  	_ = 	snop  }
0x5: {  	_ = 	snop  }
0x6: {  	_ = 	snop  }
0x7: {  	_ = 	snop  }
__scs_overlays_trampoline_lowered:
0x8: {  	[smem:$0x3FA9] =	sst s0  }
0x9: {  	[smem:$0x3FAA] =	sst s1  }
0xa: {  	[smem:$0x3FAB] =	sst s2  }
0xb: {  	[smem:$0x3FAC] =	sst s3  }
0xc: {  	[smem:$0x3FAD] =	sst s4  }
0xd: {  	[smem:$0x3FAE] =	sst s5  }
0xe: {  	[smem:$0x3FAF] =	sst s6  }
0xf: {  	[smem:$0x3FB0] =	sst s7  }
0x10: {  	[smem:$0x3FB1] =	sst s8  }
0x11: {  	[smem:$0x3FB2] =	sst s9;
	s0 =	simm.s32 @!p0 $0x0  }
0x12: {  	s1 =	sld [smem:$0x3F98];
	s0 =	simm.s32 @p0 $0x1  }
0x13: {  	[smem:$0x3FB3] =	sst s0;
	s0 =	simm.s32 @!p1 $0x0  }
0x14: {  	s2 =	sld [smem:$0x3F97];
	s0 =	simm.s32 @p1 $0x1  }
0x15: {  	[smem:$0x3FB4] =	sst s0;
	s0 =	simm.s32 @!p2 $0x0  }
0x16: {  	s3 =	sld [smem:$0x3FDB];
	s0 =	simm.s32 @p2 $0x1  }
0x17: {  	s4 =	simm.s32 $0x1BF5;
	[smem:$0x3FB6] =	sst s0  }
0x18: {  	s0 =	sld [smem:$0x3F99];
	_ =	swait.ge [sflag:s4], $0x0  }
0x19: {  	s7 =	sld [smem:$0x3F9A]  }
0x1a: {  	s8 =	sadd.s32 $0xFFFFE003, lr  }
0x1b: {  	s9 =	sadd.s32 $0xFFFFFEF7, lr;
	s5 =	simm.s32 $0xFFFFFFFF;
	p2 =	slt.u32 s8, $0xFFFFF086  }
0x1c: {  	p1 =	slt.u32 s9, $0xF7A;
	s5 =	simm.s32 @!p2 $0x0  }
0x1d: {  	s5 =	simm.s32 @p1 $0x1;
	p0 =	seq.s32 s7, s2  }
0x1e: {  	s7 =	smul.u32 @!p0 $0xF7A, s2;
	p2 =	seq.s32 @!p0 s5, $0x0  }
0x1f: {  	s9 =	smul.u32 $0xF7A, s1;
	s8 =	simm.s32 @!p0 $0x1BF5;
	p2 =	por !p2, p0  }
0x20: {  	[sflag:s8] =	ssyncset.s32 @!p0 $0xFFFFF086;
	s6 =	sadd.s32 @!p0 s3, s7;
	s7 =	simm.s32 @!p0 $0x108  }
0x21: {  	s3 =	sadd.s32 s3, s9;
	s6 =	sadd.s32 @!p0 $0x88, s6;
	s7 =	simm.s32 @p2 $0x1082  }
0x22: {  	[simem:s7], [sflag:s8] =	dma.local @!p0 [hbm:s6], $0xF7A  }
0x23: {  	s9 =	sor.u32 $0xD0000000, s2;
	s6 =	simm.s32 $0x108;
	_ =	swait.ge @!p0 [sflag:s8], $0x0  }
0x24: {  	s3 =	sadd.s32 $0x88, s3;
	s6 =	simm.s32 @!p1 $0x1082;
	[sflag:s4] =	ssyncset.s32 $0xFFFFF086  }
0x25: {  	[simem:s6], [sflag:s4] =	dma.local [hbm:s3], $0xF7A  }
0x26: {  	[smem:$0x3F9A] =	sst s1;
	(tag) =	ssettag s2;
	_ =	strace s9  }
0x27: {  	s1 =	sld [smem:$0x3FAA]  }
0x28: {  	s2 =	sld [smem:$0x3FAB]  }
0x29: {  	s4 =	sld [smem:$0x3FAD]  }
0x2a: {  	p0 =	seq.s32 s5, $0x0;
	s5 =	sld [smem:$0x3FAE]  }
0x2b: {  	s6 =	sld [smem:$0x3FAF]  }
0x2c: {  	s7 =	sld [smem:$0x3FB0]  }
0x2d: {  	s3 =	simm.s32 $0x108;
	s8 =	sld [smem:$0x3FB1]  }
0x2e: {  	s3 =	simm.s32 @!p0 $0x1082;
	s9 =	sld [smem:$0x3FB2]  }
0x2f: {  	lr =	sadd.s32 s0, s3;
	s0 =	sld [smem:$0x3FA9]  }
0x30: {  	s3 =	sld [smem:$0x3FAC]  }
0x31: {  	[smem:$0x3FB5] =	sst s10  }
0x32: {  	s10 =	sld [smem:$0x3FB3];
	_ =	sdelay $0x3  }
0x33: {  	p0 =	seq.s32 s10, $0x1;
	s10 =	sld [smem:$0x3FB5];
	_ =	sdelay $0x3  }
0x34: {  	[smem:$0x3FB5] =	sst s10  }
0x35: {  	s10 =	sld [smem:$0x3FB4];
	_ =	sdelay $0x3  }
0x36: {  	p1 =	seq.s32 s10, $0x1;
	s10 =	sld [smem:$0x3FB5];
	_ =	sdelay $0x3  }
0x37: {  	[smem:$0x3FB5] =	sst s10  }
0x38: {  	s10 =	sld [smem:$0x3FB6]  }
0x39: {  	_ = 	snop;
	(pc) =	sbr.ind lr, $3  }
0x3a: {  	_ = 	snop  }
0x3b: {  	_ = 	snop  }
0x3c: {  	p2 =	seq.s32 s10, $0x1;
	s10 =	sld [smem:$0x3FB5]  }
0x3d: {  	_ =	shalt  }
0x3e: {  	_ =	shalt  }
0x3f: {  	_ =	shalt  }
0x40: {  	_ =	shalt  }
0x41: {  	_ =	shalt  }
0x42: {  	_ =	shalt  }
0x43: {  	_ =	shalt  }
0x44: {  	_ =	shalt  }
0x45: {  	_ =	shalt  }
0x46: {  	_ =	shalt  }
0x47: {  	_ =	shalt  }
0x48: {  	_ =	shalt  }
0x49: {  	_ =	shalt  }
0x4a: {  	_ =	shalt  }
0x4b: {  	_ =	shalt  }
0x4c: {  	_ =	shalt  }
0x4d: {  	_ =	shalt  }
0x4e: {  	_ =	shalt  }
0x4f: {  	_ =	shalt  }
0x50: {  	_ =	shalt  }
0x51: {  	_ =	shalt  }
0x52: {  	_ =	shalt  }
0x53: {  	_ =	shalt  }
0x54: {  	_ =	shalt  }
0x55: {  	_ =	shalt  }
0x56: {  	_ =	shalt  }
0x57: {  	_ =	shalt  }
0x58: {  	_ =	shalt  }
0x59: {  	_ =	shalt  }
0x5a: {  	_ =	shalt  }
0x5b: {  	_ =	shalt  }
0x5c: {  	_ =	shalt  }
0x5d: {  	_ =	shalt  }
0x5e: {  	_ =	shalt  }
0x5f: {  	_ =	shalt  }
0x60: {  	_ =	shalt  }
0x61: {  	_ =	shalt  }
0x62: {  	_ =	shalt  }
0x63: {  	_ =	shalt  }
0x64: {  	_ =	shalt  }
0x65: {  	_ =	shalt  }
0x66: {  	_ =	shalt  }
0x67: {  	_ =	shalt  }
0x68: {  	_ =	shalt  }
0x69: {  	_ =	shalt  }
0x6a: {  	_ =	shalt  }
0x6b: {  	_ =	shalt  }
0x6c: {  	_ =	shalt  }
0x6d: {  	_ =	shalt  }
0x6e: {  	_ =	shalt  }
0x6f: {  	_ =	shalt  }
0x70: {  	_ =	shalt  }
0x71: {  	_ =	shalt  }
0x72: {  	_ =	shalt  }
0x73: {  	_ =	shalt  }
0x74: {  	_ =	shalt  }
0x75: {  	_ =	shalt  }
0x76: {  	_ =	shalt  }
0x77: {  	_ =	shalt  }
0x78: {  	_ =	shalt  }
0x79: {  	_ =	shalt  }
0x7a: {  	_ =	shalt  }
0x7b: {  	_ =	shalt  }
0x7c: {  	_ =	shalt  }
0x7d: {  	_ =	shalt  }
0x7e: {  	_ =	shalt  }
0x7f: {  	_ =	shalt  }
0x80: {  	_ =	shalt  }
0x81: {  	_ =	shalt  }
0x82: {  	_ =	shalt  }
0x83: {  	_ =	shalt  }
0x84: {  	_ =	shalt  }
0x85: {  	_ =	shalt  }
0x86: {  	_ =	shalt  }
0x87: {  	_ =	shalt  }
.Lfunc_end0:
.L_simem_size_0:
called_computation.1_lowered:
.L_overlay_start_0:
0x88: {  	s2 =	sld [smem:$0x3FD9]  }
0x89: {  	s3 =	sld [smem:$0x3FFE];
	_ =	sdelay $0x1  }
0x8a: {  	s1 =	srdreg.scid  }
0x8b: {  	s0 =	sand.u32 $0x1, s1  }
0x8c: {  	s16 =	sshll.u32 s0, $0xA;
	s2 =	sadd.s32 s3, s2  }
0x8d: {  	s2 =	sadd.s32 s2, s16  }
0x8e: {  	[smem:$0x3FC1] =	sst s2  }
0x8f: {  	_ = 	snop  }
0x90: {  	(tm) =	ssettm $0x1  }
0x91: {  	s17 =	sld [smem:$0x3FFB];
	_ =	sdelay $0x3  }
0x92: {  	_ =	strace s17  }
0x93: {  	s2 =	sld [smem:$0x3FFC];
	_ =	sdelay $0x3  }
0x94: {  	_ =	strace s2  }
0x95: {  	s2 =	sld [smem:$0x3FFD];
	_ =	sdelay $0x3  }
0x96: {  	_ =	strace s2  }
0x97: {  	_ =	strace $0x8FFFFFFF  }
0x98: {  	s18 =	sld [smem:$0x3FDB];
	_ =	sdelay $0x1  }
0x99: {  	s19 =	simm.s32 $_scs_section_size  }
0x9a: {  	s4 =	simm.s32 $_size__tile_overlayer_lowered;
	s5 =	simm.s32 $_tile_overlayer_lowered  }
0x9b: {  	s22 =	simm.s32 $0x1BFF;
	s21 =	sshll.u32 s5, $0x1;
	s2 =	sadd.s32 s19, s18  }
0x9c: {  	s6 =	simm.s32 $0x0;
	s20 =	sshll.u32 s4, $0x1;
	s4 =	sadd.s32 s21, s2  }
0x9d: {  	[timem:s6], [sflag:s22] =	dma.local [hbm:s4], s20  }
0x9e: {  	_ =	swait.ge [sflag:s22], s20  }
0x9f: {  	s3 =	ssub.s32 $0x0, s20;
	[sflag:s22] =	ssyncset.done $0x0  }
0xa0: {  	[sflag:s22] =	ssyncadd.s32 s3;
	_ =	sdelay $0x1  }
0xa1: {  	s23 =	simm.s32 $0x1B8B  }
0xa2: {  	_ =	swait.ge [sflag:s23], $0x1  }
0xa3: {  	[sflag:s23] =	ssyncset.done $0x0  }
0xa4: {  	s25 =	simm.s32 $0x1B8E;
	s24 =	sld [smem:$0x3FFE];
	[sflag:s23] =	ssyncadd.s32 $0xFFFFFFFF  }
0xa5: {  	s26 =	simm.s32 $execute0_lowered;
	[smem:$0x3FD2] =	sst s25  }
0xa6: {  	s4 =	sshll.u32 s26, $0x1;
	_ =	strace $0x80000049;
	[dreg:$0x1] =	wrdreg $0xFFFFFFFF  }
0xa7: {  	s28 =	simm.s32 $_size_execute0_lowered;
	s2 =	sadd.s32 s2, s4;
	[dreg:$0x0] =	wrdreg $0x0  }
0xa8: {  	s4 =	sshll.u32 s28, $0x1;
	[dreg:$0x2] =	wrdreg s2  }
0xa9: {  	[dreg:$0x3] =	wrdreg s4  }
0xaa: {  	[dreg:$0x4] =	wrdreg $0xC0  }
0xab: {  	_ =	task [dreg:s6], $0x5FFFF  }
0xac: {  	[dreg:$0x1] =	wrdreg $0xFFFFFFFF  }
0xad: {  	[dreg:$0x0] =	wrdreg $0x60  }
0xae: {  	[dreg:$0x2] =	wrdreg s24  }
0xaf: {  	[dreg:$0x3] =	wrdreg $0x0  }
0xb0: {  	[dreg:$0x4] =	wrdreg $0x9  }
0xb1: {  	_ =	task.clear_ibuf [dreg:s6], $0x5FFFF;
	_ =	strace $0x90000049  }
0xb2: {  	s29 =	simm.s32 $0x9;
	_ =	strace $0x8000004B  }
0xb3: {  	_ =	swait.ge [sflag:s29], $0x1  }
0xb4: {  	[sflag:s29] =	ssyncadd.s32 $0xFFFFFFFF  }
0xb5: {  	_ =	strace $0x9000004B  }
0xb6: {  	_ =	sfence  }
0xb7: {  	s30 =	sld [smem:$0x0];
	_ =	sdelay $0x2  }
0xb8: {  	s31 =	sshll.u32 s1, $0xD;
	s1 =	sshrl.u32 s1, $0x2  }
0xb9: {  	s3 =	sand.u32 $0x4000, s31;
	s1 =	sadd.s32 s1, s30  }
0xba: {  	s0 =	sor.u32 s3, s0;
	s1 =	sshll.u32 s1, $0x11  }
0xbb: {  	s0 =	sor.u32 s1, s0  }
0xbc: {  	s0 =	sadd.s32 $0x8F2B, s0  }
0xbd: {  	[sflag:s0] =	ssyncadd.remote.s32 $0x1  }
0xbe: {  	_ =	sfence.sel $0xFFFF  }
0xbf: {  	[dreg:$0x0] =	wrdreg $0xFFFFFFFF;
	(pc) =	sbr.abs _section_cstart, $3  }
0xc0: {  	[dreg:$0x1] =	wrdreg $0xFFFFFFFF  }
0xc1: {  	_ =	task.clear_ibuf [dreg:s6], $0x2FFFF;
	_ =	strace $0x9FFFFFFF  }
0xc2: {  	(tm) =	ssettm $0x7FFFFFFF  }
0xc3: {  	_ =	shalt  }
tec
execute0_lowered:
.L_overlay_start_1:
0x0: {  	(tag) =	ssettag $0x1  }
0x1: {  	s0 =	rddreg [dreg:$0x0]  }
0x2: {  	s2 =	rddreg [dreg:$0x1]  }
0x3: {  	s1 =	srdreg.scid;
	s16 =	stileid.u32  }
0x4: {  	s3 =	simm.s32 $0x0;
	s18 =	simm.s32 $0x7;
	s19 =	simm.s32 $0x14000  }
0x5: {  	s28 =	simm.s32 $0x3;
	s29 =	simm.s32 $0x2;
	s30 =	simm.s32 $0x4  }
0x6: {  	s31 =	simm.s32 $0x0;
	s1 =	sand.u32 $0x1, s1;
	s5 =	smul.u32 $0x14000, s16  }
0x7: {  	[smem:$0x7FF] =	sst s3;
	s4 =	sadd.s32 $0x16A00, s0;
	s9 =	smul.u32 $0x50000, s16  }
0x8: {  	s7 =	sadd.s32 $0x2400, s0;
	s8 =	sadd.s32 $0x3EA00, s0;
	s23 =	smul.u32 $0x2800, s16  }
0x9: {  	s6 =	smul.u32 $0x140000, s1;
	_ =	strace $0x8000004A;
	[dreg:$0x3] =	wrdreg s8  }
0xa: {  	s21 =	sshll.u32 s1, $0x4;
	s22 =	ssub.s32 $0x2, s1;
	s11 =	smul.u32 $0x28000, s1  }
0xb: {  	p0 =	sne.s32 s1, $0x0;
	s8 =	sor.u32 s16, s21;
	s10 =	sshrl.u32 s22, $0x1  }
0xc: {  	s9 =	sshrl.u32 s9, $0x2;
	s6 =	sadd.s32 s5, s6;
	s8 =	smul.u32 $0x2800, s8  }
0xd: {  	s12 =	ssub.s32 s22, s10;
	s13 =	sadd.s32 s9, s2;
	s24 =	sadd.s32 s23, s11  }
0xe: {  	s22 =	simm.s32 $0x80;
	s23 =	simm.s32 $0x17000;
	s6 =	sshrl.u32 s6, $0x3  }
0xf: {  	s12 =	smax.u32 s12, $0x1;
	s15 =	sshrl.u32 @p0 s13, $0x3;
	s0 =	sadd.s32 s6, s0  }
0x10: {  	s6 =	sadd.s32 s5, s2;
	s5 =	sshrl.u32 s5, $0x3;
	s8 =	sshrl.u32 s8, $0x3  }
0x11: {  	s5 =	sadd.s32 s4, s5;
	s8 =	sadd.s32 s7, s8;
	s11 =	sadd.s32 $0x41200, s0  }
.Ltmp0:
0x12: {  	s0 =	sshll.u32 @p0 s16, $0x6;
	s17 =	sshrl.u32 @!p0 s6, $0x3;
	(pc) =	sbr.rel .LBB2_1-.Ltmp0, $4  }
0x13: {  	[dreg:$0x4] =	wrdreg s5;
	s25 =	sadd.s32 $0xA000, s8;
	s10 =	sadd.s32 $0xA080, s8  }
0x14: {  	s5 =	sadd.s32 $0x50800, s24;
	s14 =	sor.u32 @p0 $0x1C07, s0;
	s0 =	sshll.u32 @!p0 s16, $0x6  }
0x15: {  	[dreg:$0x5] =	wrdreg s25;
	s26 =	sshrl.u32 s5, $0x3;
	s16 =	sor.u32 @!p0 $0x1C07, s0  }
0x16: {  	s25 =	simm.s32 $0x1B000;
	s1 =	sadd.s32 s26, s7;
	s26 =	simm.s32 $0x1  }
.LBB2_6:
0x17: {  	_ =	swait.ge [sflag:s29], $0x4000  }
0x18: {  	[sflag:s29] =	ssyncset.done $0x0  }
0x19: {  	s0 =	sadd.s32 $0x16B80, s5;
	[sflag:s29] =	ssyncadd.s32 $0xFFFFC000  }
0x1a: {  	[spmem:s2] =	stream.indirect.scatter.add.f32 [tilespmem:s25], [sflag:$0x4], $0x80, s0, s22, $0xb8;
	[tilespmem:$0x1F000] =	vst v63  }
.LBB2_4:
0x1b: {  	_ =	swait.ge [sflag:s28], $0x4000  }
0x1c: {  	[sflag:s28] =	ssyncset.done $0x0  }
0x1d: {  	[sflag:s28] =	ssyncadd.s32 $0xFFFFC000  }
0x1e: {  	s0 =	stileid.u32;
	_ =	swait.ge [sflag:s30], $0x4000  }
0x1f: {  	s5 =	sshrl.u32 s6, $0x3;
	s31 =	sadd.s32 $0x1, s31;
	[sflag:s30] =	ssyncset.done $0x0  }
0x20: {  	s0 =	sshll.u32 s0, $0x6;
	p1 =	sne.s32 s31, s12;
	[sflag:s30] =	ssyncadd.s32 $0xFFFFC000  }
.Ltmp1:
0x21: {  	s0 =	sor.u32 $0x1C07, s0;
	[bflag:$0x0] =	sbarrier.arrive $0xFFFF;
	(pc) =	sbr.rel @!p1 .LBB2_5-.Ltmp1, $4  }
0x22: {  	[hbm:s11], [sflag:s0] =	dma.local [spmem:s5], $0x2800  }
0x23: {  	_ =	swait.ge [sflag:s18], $0x2800  }
0x24: {  	[sflag:s18] =	ssyncset.done $0x0  }
0x25: {  	[sflag:s18] =	ssyncadd.s32 $0xFFFFD800  }
.LBB2_1:
0x26: {  	s0 =	rddreg [dreg:$0x3]  }
0x27: {  	[spmem:s15], [sflag:s14] =	dma.local @p0 [hbm:s0], $0x2800  }
0x28: {  	s0 =	rddreg [dreg:$0x4]  }
0x29: {  	[spmem:s17], [sflag:s16] =	dma.local @!p0 [hbm:s0], $0x2800  }
0x2a: {  	_ =	swait.ge [sflag:s18], $0x2800  }
0x2b: {  	[sflag:s18] =	ssyncset.done $0x0  }
0x2c: {  	[sflag:s18] =	ssyncadd.s32 $0xFFFFD800  }
0x2d: {  	[tilespmem:s19], [sflag:$0x7] =	stream.linear.gather [hbm4b:s8+s3], $0x2800, $0x38;
	[tilespmem:$0x1F000] =	vst v63  }
0x2e: {  	_ =	swait.ge [sflag:s18], $0x2800  }
0x2f: {  	[sflag:s18] =	ssyncset.done $0x0  }
0x30: {  	[sflag:s18] =	ssyncadd.s32 $0xFFFFD800  }
0x31: {  	[bflag:$0x0] =	sbarrier.arrive $0xFFFF  }
0x32: {  	s5 =	simm.s32 $0x16800;
	s20 =	rddreg [dreg:$0x5]  }
0x33: {  	[tilespmem:s5], [sflag:$0x5] =	stream.linear.gather [hbm4b:s20+s3], $0x400, $0x38;
	[tilespmem:$0x1F000] =	vst v63  }
0x34: {  	s21 =	simm.s32 $0x16C00  }
0x35: {  	[tilespmem:s21], [sflag:$0x6] =	stream.linear.gather [hbm4b:s10+s3], $0x400, $0x38;
	[tilespmem:$0x1F000] =	vst v63  }
0x36: {  	s24 =	simm.s32 $0x14080  }
0x37: {  	[tilespmem:s23], [sflag:$0x1] =	stream.indirect.gather [hbm4b:s4+s22], $0x80, s19, s22, $0xb8;
	[tilespmem:$0x1F000] =	vst v63  }
0x38: {  	s13 =	smov.u32 s1;
	s0 =	simm.s32 $0x0;
	s20 =	simm.s32 $0x0  }
0x39: {  	[tilespmem:s25], [sflag:$0x2] =	stream.indirect.gather [hbm4b:s4+s22], $0x80, s24, s22, $0xb8;
	[tilespmem:$0x1F000] =	vst v63  }
.LBB2_2:
0x3a: {  	s5 =	sand.u32 $0x1, s20  }
0x3b: {  	s21 =	sadd.s32 $0x5, s5  }
0x3c: {  	_ =	swait.ge [sflag:s21], $0x400  }
0x3d: {  	[sflag:s21] =	ssyncset.done $0x0  }
0x3e: {  	[sflag:s21] =	ssyncadd.s32 $0xFFFFFC00  }
0x3f: {  	_ =	swait.ge [sflag:s26], $0x4000  }
0x40: {  	s5 =	sshll.u32 s5, $0xA;
	[sflag:s26] =	ssyncset.done $0x0  }
0x41: {  	s24 =	sor.u32 $0x16800, s5;
	[sflag:s26] =	ssyncadd.s32 $0xFFFFC000  }
0x42: {  	[spmem:s2] =	stream.indirect.scatter.add.f32 [tilespmem:s23], [sflag:$0x3], $0x80, s24, s22, $0xb8;
	[tilespmem:$0x1F000] =	vst v63  }
0x43: {  	_ =	swait.ge [sflag:s28], $0x4000  }
0x44: {  	s7 =	sshra.s32 s0, $0x2;
	[sflag:s28] =	ssyncset.done $0x0  }
0x45: {  	s9 =	sadd.s32 $0x14100, s7;
	[sflag:s28] =	ssyncadd.s32 $0xFFFFC000  }
0x46: {  	[tilespmem:s23], [sflag:$0x1] =	stream.indirect.gather [hbm4b:s4+s22], $0x80, s9, s22, $0xb8;
	[tilespmem:$0x1F000] =	vst v63  }
0x47: {  	_ =	swait.ge [sflag:s29], $0x4000  }
0x48: {  	[sflag:s29] =	ssyncset.done $0x0  }
0x49: {  	s9 =	sor.u32 $0x16880, s5;
	[sflag:s29] =	ssyncadd.s32 $0xFFFFC000  }
0x4a: {  	[spmem:s2] =	stream.indirect.scatter.add.f32 [tilespmem:s25], [sflag:$0x4], $0x80, s9, s22, $0xb8;
	[tilespmem:$0x1F000] =	vst v63  }
0x4b: {  	_ =	swait.ge [sflag:s30], $0x4000  }
0x4c: {  	[sflag:s30] =	ssyncset.done $0x0  }
0x4d: {  	s9 =	sadd.s32 $0x14180, s7;
	[sflag:s30] =	ssyncadd.s32 $0xFFFFC000  }
0x4e: {  	[tilespmem:s25], [sflag:$0x2] =	stream.indirect.gather [hbm4b:s4+s22], $0x80, s9, s22, $0xb8;
	[tilespmem:$0x1F000] =	vst v63  }
0x4f: {  	_ =	swait.ge [sflag:s26], $0x4000  }
0x50: {  	[sflag:s26] =	ssyncset.done $0x0  }
0x51: {  	s9 =	sor.u32 $0x16900, s5;
	[sflag:s26] =	ssyncadd.s32 $0xFFFFC000  }
0x52: {  	[spmem:s2] =	stream.indirect.scatter.add.f32 [tilespmem:s23], [sflag:$0x3], $0x80, s9, s22, $0xb8;
	[tilespmem:$0x1F000] =	vst v63  }
0x53: {  	_ =	swait.ge [sflag:s28], $0x4000  }
0x54: {  	[sflag:s28] =	ssyncset.done $0x0  }
0x55: {  	s9 =	sadd.s32 $0x14200, s7;
	[sflag:s28] =	ssyncadd.s32 $0xFFFFC000  }
0x56: {  	[tilespmem:s23], [sflag:$0x1] =	stream.indirect.gather [hbm4b:s4+s22], $0x80, s9, s22, $0xb8;
	[tilespmem:$0x1F000] =	vst v63  }
0x57: {  	_ =	swait.ge [sflag:s29], $0x4000  }
0x58: {  	[sflag:s29] =	ssyncset.done $0x0  }
0x59: {  	s9 =	sor.u32 $0x16980, s5;
	[sflag:s29] =	ssyncadd.s32 $0xFFFFC000  }
0x5a: {  	[spmem:s2] =	stream.indirect.scatter.add.f32 [tilespmem:s25], [sflag:$0x4], $0x80, s9, s22, $0xb8;
	[tilespmem:$0x1F000] =	vst v63  }
0x5b: {  	_ =	swait.ge [sflag:s30], $0x4000  }
0x5c: {  	[sflag:s30] =	ssyncset.done $0x0  }
0x5d: {  	s9 =	sadd.s32 $0x14280, s7;
	[sflag:s30] =	ssyncadd.s32 $0xFFFFC000  }
0x5e: {  	[tilespmem:s25], [sflag:$0x2] =	stream.indirect.gather [hbm4b:s4+s22], $0x80, s9, s22, $0xb8;
	[tilespmem:$0x1F000] =	vst v63  }
0x5f: {  	_ =	swait.ge [sflag:s26], $0x4000  }
0x60: {  	[sflag:s26] =	ssyncset.done $0x0  }
0x61: {  	s9 =	sor.u32 $0x16A00, s5;
	[sflag:s26] =	ssyncadd.s32 $0xFFFFC000  }
0x62: {  	[spmem:s2] =	stream.indirect.scatter.add.f32 [tilespmem:s23], [sflag:$0x3], $0x80, s9, s22, $0xb8;
	[tilespmem:$0x1F000] =	vst v63  }
0x63: {  	_ =	swait.ge [sflag:s28], $0x4000  }
0x64: {  	[sflag:s28] =	ssyncset.done $0x0  }
0x65: {  	s9 =	sadd.s32 $0x14300, s7;
	[sflag:s28] =	ssyncadd.s32 $0xFFFFC000  }
0x66: {  	[tilespmem:s23], [sflag:$0x1] =	stream.indirect.gather [hbm4b:s4+s22], $0x80, s9, s22, $0xb8;
	[tilespmem:$0x1F000] =	vst v63  }
0x67: {  	_ =	swait.ge [sflag:s29], $0x4000  }
0x68: {  	[sflag:s29] =	ssyncset.done $0x0  }
0x69: {  	s9 =	sor.u32 $0x16A80, s5;
	[sflag:s29] =	ssyncadd.s32 $0xFFFFC000  }
0x6a: {  	[spmem:s2] =	stream.indirect.scatter.add.f32 [tilespmem:s25], [sflag:$0x4], $0x80, s9, s22, $0xb8;
	[tilespmem:$0x1F000] =	vst v63  }
0x6b: {  	_ =	swait.ge [sflag:s30], $0x4000  }
0x6c: {  	[sflag:s30] =	ssyncset.done $0x0  }
0x6d: {  	p1 =	seq.s32 s0, $0x9000;
	s9 =	sadd.s32 $0x14380, s7;
	[sflag:s30] =	ssyncadd.s32 $0xFFFFC000  }
0x6e: {  	[tilespmem:s25], [sflag:$0x2] =	stream.indirect.gather [hbm4b:s4+s22], $0x80, s9, s22, $0xb8;
	[tilespmem:$0x1F000] =	vst v63  }
.Ltmp2:
0x6f: {  	_ = 	snop;
	(pc) =	sbr.rel @p1 .LBB2_6-.Ltmp2, $4  }
0x70: {  	_ =	swait.ge [sflag:s26], $0x4000  }
0x71: {  	[sflag:s26] =	ssyncset.done $0x0  }
0x72: {  	s9 =	sor.u32 $0x16B00, s5;
	[sflag:s26] =	ssyncadd.s32 $0xFFFFC000  }
0x73: {  	[spmem:s2] =	stream.indirect.scatter.add.f32 [tilespmem:s23], [sflag:$0x3], $0x80, s9, s22, $0xb8;
	[tilespmem:$0x1F000] =	vst v63  }
0x74: {  	_ =	swait.ge [sflag:s28], $0x4000  }
0x75: {  	[sflag:s28] =	ssyncset.done $0x0  }
0x76: {  	s9 =	sadd.s32 $0x14400, s7;
	[sflag:s28] =	ssyncadd.s32 $0xFFFFC000  }
0x77: {  	[tilespmem:s23], [sflag:$0x1] =	stream.indirect.gather [hbm4b:s4+s22], $0x80, s9, s22, $0xb8;
	[tilespmem:$0x1F000] =	vst v63  }
0x78: {  	_ =	swait.ge [sflag:s29], $0x4000  }
0x79: {  	[sflag:s29] =	ssyncset.done $0x0  }
0x7a: {  	s5 =	sadd.s32 $0x16B80, s5;
	[sflag:s29] =	ssyncadd.s32 $0xFFFFC000  }
0x7b: {  	[spmem:s2] =	stream.indirect.scatter.add.f32 [tilespmem:s25], [sflag:$0x4], $0x80, s5, s22, $0xb8;
	[tilespmem:$0x1F000] =	vst v63  }
0x7c: {  	_ =	swait.ge [sflag:s30], $0x4000  }
0x7d: {  	[sflag:s30] =	ssyncset.done $0x0  }
0x7e: {  	p1 =	sgt.u32 s20, $0x7;
	s9 =	sadd.s32 $0x14480, s7;
	[sflag:s30] =	ssyncadd.s32 $0xFFFFC000  }
0x7f: {  	[tilespmem:s25], [sflag:$0x2] =	stream.indirect.gather [hbm4b:s4+s22], $0x80, s9, s22, $0xb8;
	[tilespmem:$0x1F000] =	vst v63  }
0x80: {  	s0 =	sadd.s32 $0x1000, s0;
	s5 =	simm.s32 @!p1 $0x0  }
0x81: {  	[tilespmem:s24], [sflag:s21] =	stream.linear.gather @!p1 [hbm4b:s13+s5], $0x400, $0x38;
	[tilespmem:$0x1F000] =	vst v63  }
0x82: {  	p1 =	sne.s32 s0, $0xA000  }
.Ltmp3:
0x83: {  	_ = 	snop;
	(pc) =	sbr.rel @p1 .LBB2_2-.Ltmp3, $4  }
.Ltmp4:
0x84: {  	_ = 	snop;
	(pc) =	sbr.rel @!p1 .LBB2_4-.Ltmp4, $4  }
0x85: {  	_ = 	snop  }
0x86: {  	_ = 	snop  }
0x87: {  	s20 =	sadd.s32 $0x1, s20;
	s13 =	sadd.s32 $0x80, s13  }
0x88: {  	_ = 	snop  }
.LBB2_5:
0x89: {  	_ =	sfence.sel $0x180000  }
0x8a: {  	[bflag:$0x0] =	sbarrier.arrive $0xFFFF  }
0x8b: {  	_ =	strace $0x9000004A  }
0x8c: {  	s0 =	stileid.u32;
	[bflag:$0x2] =	sbarrier.arrive $0xFFFF  }
0x8d: {  	p0 =	sne.s32 s0, $0x0;
	s0 =	rddreg [dreg:$0x2]  }
0x8e: {  	s0 =	sadd.s32 @!p0 $0x100000, s0  }
0x8f: {  	[sflag:s0] =	ssyncadd.tile.s32 @!p0 $0x1;
	_ =	shalt  }
.Lfunc_end2:
_tile_overlayer_lowered:
.L_overlay_start_2:
0x90: {  	(tag) =	ssettag $0x2  }
0x91: {  	s0 =	rddreg [dreg:$0x0];
	s2 =	stileid.u32  }
0x92: {  	s1 =	rddreg [dreg:$0x1];
	p0 =	sne.s32 s2, $0x0  }
0x93: {  	s3 =	rddreg [dreg:$0x2];
	[bflag:$0x3] =	sbarrier.arrive $0xFFFF;
	s2 =	simm.s32 @!p0 $0x1C07  }
0x94: {  	[timem:s3], [sflag:s2] =	dma.local @!p0 [hbm:s0], s1  }
0x95: {  	s0 =	simm.s32 @!p0 $0x7  }
0x96: {  	_ =	swait.ge @!p0 [sflag:s0], s1  }
0x97: {  	s1 =	ssub.s32 @!p0 $0x0, s1;
	[sflag:s0] =	ssyncset.done @!p0 $0x0  }
0x98: {  	[sflag:s0] =	ssyncadd.s32 @!p0 s1  }
0x99: {  	[bflag:$0x3] =	sbarrier.arrive $0xFFFF  }
0x9a: {  	_ =	shalt  }

// kernel: kernel.14.cloned.1.call-start
scs
__scs_entry_jumppad:
0x0: {  	(pc) =	sbr.rel $0x88, $3  }
0x1: {  	(tag) =	ssettag $0x0;
	lr =	simm.s32 $0x1  }
0x2: {  	[smem:$0x3F9A] =	sst lr;
	_ =	strace $0xD0000000  }
0x3: {  	_ = 	snop  }
0x4: {  	_ = 	snop  }
0x5: {  	_ = 	snop  }
0x6: {  	_ = 	snop  }
0x7: {  	_ = 	snop  }
__scs_overlays_trampoline_lowered:
0x8: {  	[smem:$0x3FA9] =	sst s0  }
0x9: {  	[smem:$0x3FAA] =	sst s1  }
0xa: {  	[smem:$0x3FAB] =	sst s2  }
0xb: {  	[smem:$0x3FAC] =	sst s3  }
0xc: {  	[smem:$0x3FAD] =	sst s4  }
0xd: {  	[smem:$0x3FAE] =	sst s5  }
0xe: {  	[smem:$0x3FAF] =	sst s6  }
0xf: {  	[smem:$0x3FB0] =	sst s7  }
0x10: {  	[smem:$0x3FB1] =	sst s8  }
0x11: {  	[smem:$0x3FB2] =	sst s9;
	s0 =	simm.s32 @!p0 $0x0  }
0x12: {  	s1 =	sld [smem:$0x3F98];
	s0 =	simm.s32 @p0 $0x1  }
0x13: {  	[smem:$0x3FB3] =	sst s0;
	s0 =	simm.s32 @!p1 $0x0  }
0x14: {  	s2 =	sld [smem:$0x3F97];
	s0 =	simm.s32 @p1 $0x1  }
0x15: {  	[smem:$0x3FB4] =	sst s0;
	s0 =	simm.s32 @!p2 $0x0  }
0x16: {  	s3 =	sld [smem:$0x3FDB];
	s0 =	simm.s32 @p2 $0x1  }
0x17: {  	s4 =	simm.s32 $0x1BF5;
	[smem:$0x3FB6] =	sst s0  }
0x18: {  	s0 =	sld [smem:$0x3F99];
	_ =	swait.ge [sflag:s4], $0x0  }
0x19: {  	s7 =	sld [smem:$0x3F9A]  }
0x1a: {  	s8 =	sadd.s32 $0xFFFFE003, lr  }
0x1b: {  	s9 =	sadd.s32 $0xFFFFFEF7, lr;
	s5 =	simm.s32 $0xFFFFFFFF;
	p2 =	slt.u32 s8, $0xFFFFF086  }
0x1c: {  	p1 =	slt.u32 s9, $0xF7A;
	s5 =	simm.s32 @!p2 $0x0  }
0x1d: {  	s5 =	simm.s32 @p1 $0x1;
	p0 =	seq.s32 s7, s2  }
0x1e: {  	s7 =	smul.u32 @!p0 $0xF7A, s2;
	p2 =	seq.s32 @!p0 s5, $0x0  }
0x1f: {  	s9 =	smul.u32 $0xF7A, s1;
	s8 =	simm.s32 @!p0 $0x1BF5;
	p2 =	por !p2, p0  }
0x20: {  	[sflag:s8] =	ssyncset.s32 @!p0 $0xFFFFF086;
	s6 =	sadd.s32 @!p0 s3, s7;
	s7 =	simm.s32 @!p0 $0x108  }
0x21: {  	s3 =	sadd.s32 s3, s9;
	s6 =	sadd.s32 @!p0 $0x88, s6;
	s7 =	simm.s32 @p2 $0x1082  }
0x22: {  	[simem:s7], [sflag:s8] =	dma.local @!p0 [hbm:s6], $0xF7A  }
0x23: {  	s9 =	sor.u32 $0xD0000000, s2;
	s6 =	simm.s32 $0x108;
	_ =	swait.ge @!p0 [sflag:s8], $0x0  }
0x24: {  	s3 =	sadd.s32 $0x88, s3;
	s6 =	simm.s32 @!p1 $0x1082;
	[sflag:s4] =	ssyncset.s32 $0xFFFFF086  }
0x25: {  	[simem:s6], [sflag:s4] =	dma.local [hbm:s3], $0xF7A  }
0x26: {  	[smem:$0x3F9A] =	sst s1;
	(tag) =	ssettag s2;
	_ =	strace s9  }
0x27: {  	s1 =	sld [smem:$0x3FAA]  }
0x28: {  	s2 =	sld [smem:$0x3FAB]  }
0x29: {  	s4 =	sld [smem:$0x3FAD]  }
0x2a: {  	p0 =	seq.s32 s5, $0x0;
	s5 =	sld [smem:$0x3FAE]  }
0x2b: {  	s6 =	sld [smem:$0x3FAF]  }
0x2c: {  	s7 =	sld [smem:$0x3FB0]  }
0x2d: {  	s3 =	simm.s32 $0x108;
	s8 =	sld [smem:$0x3FB1]  }
0x2e: {  	s3 =	simm.s32 @!p0 $0x1082;
	s9 =	sld [smem:$0x3FB2]  }
0x2f: {  	lr =	sadd.s32 s0, s3;
	s0 =	sld [smem:$0x3FA9]  }
0x30: {  	s3 =	sld [smem:$0x3FAC]  }
0x31: {  	[smem:$0x3FB5] =	sst s10  }
0x32: {  	s10 =	sld [smem:$0x3FB3];
	_ =	sdelay $0x3  }
0x33: {  	p0 =	seq.s32 s10, $0x1;
	s10 =	sld [smem:$0x3FB5];
	_ =	sdelay $0x3  }
0x34: {  	[smem:$0x3FB5] =	sst s10  }
0x35: {  	s10 =	sld [smem:$0x3FB4];
	_ =	sdelay $0x3  }
0x36: {  	p1 =	seq.s32 s10, $0x1;
	s10 =	sld [smem:$0x3FB5];
	_ =	sdelay $0x3  }
0x37: {  	[smem:$0x3FB5] =	sst s10  }
0x38: {  	s10 =	sld [smem:$0x3FB6]  }
0x39: {  	_ = 	snop;
	(pc) =	sbr.ind lr, $3  }
0x3a: {  	_ = 	snop  }
0x3b: {  	_ = 	snop  }
0x3c: {  	p2 =	seq.s32 s10, $0x1;
	s10 =	sld [smem:$0x3FB5]  }
0x3d: {  	_ =	shalt  }
0x3e: {  	_ =	shalt  }
0x3f: {  	_ =	shalt  }
0x40: {  	_ =	shalt  }
0x41: {  	_ =	shalt  }
0x42: {  	_ =	shalt  }
0x43: {  	_ =	shalt  }
0x44: {  	_ =	shalt  }
0x45: {  	_ =	shalt  }
0x46: {  	_ =	shalt  }
0x47: {  	_ =	shalt  }
0x48: {  	_ =	shalt  }
0x49: {  	_ =	shalt  }
0x4a: {  	_ =	shalt  }
0x4b: {  	_ =	shalt  }
0x4c: {  	_ =	shalt  }
0x4d: {  	_ =	shalt  }
0x4e: {  	_ =	shalt  }
0x4f: {  	_ =	shalt  }
0x50: {  	_ =	shalt  }
0x51: {  	_ =	shalt  }
0x52: {  	_ =	shalt  }
0x53: {  	_ =	shalt  }
0x54: {  	_ =	shalt  }
0x55: {  	_ =	shalt  }
0x56: {  	_ =	shalt  }
0x57: {  	_ =	shalt  }
0x58: {  	_ =	shalt  }
0x59: {  	_ =	shalt  }
0x5a: {  	_ =	shalt  }
0x5b: {  	_ =	shalt  }
0x5c: {  	_ =	shalt  }
0x5d: {  	_ =	shalt  }
0x5e: {  	_ =	shalt  }
0x5f: {  	_ =	shalt  }
0x60: {  	_ =	shalt  }
0x61: {  	_ =	shalt  }
0x62: {  	_ =	shalt  }
0x63: {  	_ =	shalt  }
0x64: {  	_ =	shalt  }
0x65: {  	_ =	shalt  }
0x66: {  	_ =	shalt  }
0x67: {  	_ =	shalt  }
0x68: {  	_ =	shalt  }
0x69: {  	_ =	shalt  }
0x6a: {  	_ =	shalt  }
0x6b: {  	_ =	shalt  }
0x6c: {  	_ =	shalt  }
0x6d: {  	_ =	shalt  }
0x6e: {  	_ =	shalt  }
0x6f: {  	_ =	shalt  }
0x70: {  	_ =	shalt  }
0x71: {  	_ =	shalt  }
0x72: {  	_ =	shalt  }
0x73: {  	_ =	shalt  }
0x74: {  	_ =	shalt  }
0x75: {  	_ =	shalt  }
0x76: {  	_ =	shalt  }
0x77: {  	_ =	shalt  }
0x78: {  	_ =	shalt  }
0x79: {  	_ =	shalt  }
0x7a: {  	_ =	shalt  }
0x7b: {  	_ =	shalt  }
0x7c: {  	_ =	shalt  }
0x7d: {  	_ =	shalt  }
0x7e: {  	_ =	shalt  }
0x7f: {  	_ =	shalt  }
0x80: {  	_ =	shalt  }
0x81: {  	_ =	shalt  }
0x82: {  	_ =	shalt  }
0x83: {  	_ =	shalt  }
0x84: {  	_ =	shalt  }
0x85: {  	_ =	shalt  }
0x86: {  	_ =	shalt  }
0x87: {  	_ =	shalt  }
.Lfunc_end0:
.L_simem_size_0:
called_computation.2_lowered:
.L_overlay_start_0:
0x88: {  	s2 =	sld [smem:$0x3FD9]  }
0x89: {  	s3 =	sld [smem:$0x3FFE];
	_ =	sdelay $0x1  }
0x8a: {  	s1 =	srdreg.scid  }
0x8b: {  	s0 =	sand.u32 $0x1, s1  }
0x8c: {  	s16 =	sshll.u32 s0, $0xA;
	s2 =	sadd.s32 s3, s2  }
0x8d: {  	s2 =	sadd.s32 s2, s16  }
0x8e: {  	[smem:$0x3FC1] =	sst s2  }
0x8f: {  	_ = 	snop  }
0x90: {  	(tm) =	ssettm $0x1  }
0x91: {  	s17 =	sld [smem:$0x3FFB];
	_ =	sdelay $0x3  }
0x92: {  	_ =	strace s17  }
0x93: {  	s2 =	sld [smem:$0x3FFC];
	_ =	sdelay $0x3  }
0x94: {  	_ =	strace s2  }
0x95: {  	s2 =	sld [smem:$0x3FFD];
	_ =	sdelay $0x3  }
0x96: {  	_ =	strace s2  }
0x97: {  	_ =	strace $0x8FFFFFFF  }
0x98: {  	s18 =	sld [smem:$0x3FDB];
	_ =	sdelay $0x1  }
0x99: {  	s19 =	simm.s32 $_scs_section_size  }
0x9a: {  	s4 =	simm.s32 $_size__tile_overlayer_lowered;
	s5 =	simm.s32 $_tile_overlayer_lowered  }
0x9b: {  	s22 =	simm.s32 $0x1BFF;
	s21 =	sshll.u32 s5, $0x1;
	s2 =	sadd.s32 s19, s18  }
0x9c: {  	s6 =	simm.s32 $0x0;
	s20 =	sshll.u32 s4, $0x1;
	s4 =	sadd.s32 s21, s2  }
0x9d: {  	[timem:s6], [sflag:s22] =	dma.local [hbm:s4], s20  }
0x9e: {  	_ =	swait.ge [sflag:s22], s20  }
0x9f: {  	s3 =	ssub.s32 $0x0, s20;
	[sflag:s22] =	ssyncset.done $0x0  }
0xa0: {  	[sflag:s22] =	ssyncadd.s32 s3;
	_ =	sdelay $0x1  }
0xa1: {  	s23 =	simm.s32 $0x1B8B  }
0xa2: {  	_ =	swait.ge [sflag:s23], $0x1  }
0xa3: {  	[sflag:s23] =	ssyncset.done $0x0  }
0xa4: {  	s25 =	simm.s32 $0x1B8E;
	s24 =	sld [smem:$0x3FFE];
	[sflag:s23] =	ssyncadd.s32 $0xFFFFFFFF  }
0xa5: {  	s26 =	simm.s32 $execute0_lowered;
	[smem:$0x3FD2] =	sst s25  }
0xa6: {  	s4 =	sshll.u32 s26, $0x1;
	_ =	strace $0x8000004C;
	[dreg:$0x1] =	wrdreg $0xFFFFFFFF  }
0xa7: {  	s28 =	simm.s32 $_size_execute0_lowered;
	s2 =	sadd.s32 s2, s4;
	[dreg:$0x0] =	wrdreg $0x0  }
0xa8: {  	s4 =	sshll.u32 s28, $0x1;
	[dreg:$0x2] =	wrdreg s2  }
0xa9: {  	[dreg:$0x3] =	wrdreg s4  }
0xaa: {  	[dreg:$0x4] =	wrdreg $0xC0  }
0xab: {  	_ =	task [dreg:s6], $0x5FFFF  }
0xac: {  	[dreg:$0x1] =	wrdreg $0xFFFFFFFF  }
0xad: {  	[dreg:$0x0] =	wrdreg $0x60  }
0xae: {  	[dreg:$0x2] =	wrdreg s24  }
0xaf: {  	[dreg:$0x3] =	wrdreg $0x0  }
0xb0: {  	[dreg:$0x4] =	wrdreg $0x9  }
0xb1: {  	_ =	task.clear_ibuf [dreg:s6], $0x5FFFF;
	_ =	strace $0x9000004C  }
0xb2: {  	s29 =	simm.s32 $0x9;
	_ =	strace $0x8000004E  }
0xb3: {  	_ =	swait.ge [sflag:s29], $0x1  }
0xb4: {  	[sflag:s29] =	ssyncadd.s32 $0xFFFFFFFF  }
0xb5: {  	_ =	strace $0x9000004E  }
0xb6: {  	_ =	sfence  }
0xb7: {  	s30 =	sld [smem:$0x0];
	_ =	sdelay $0x2  }
0xb8: {  	s31 =	sshll.u32 s1, $0xD;
	s1 =	sshrl.u32 s1, $0x2  }
0xb9: {  	s3 =	sand.u32 $0x4000, s31;
	s1 =	sadd.s32 s1, s30  }
0xba: {  	s0 =	sor.u32 s3, s0;
	s1 =	sshll.u32 s1, $0x11  }
0xbb: {  	s0 =	sor.u32 s1, s0  }
0xbc: {  	s0 =	sadd.s32 $0x8F2B, s0  }
0xbd: {  	[sflag:s0] =	ssyncadd.remote.s32 $0x1  }
0xbe: {  	_ =	sfence.sel $0xFFFF  }
0xbf: {  	[dreg:$0x0] =	wrdreg $0xFFFFFFFF;
	(pc) =	sbr.abs _section_cstart, $3  }
0xc0: {  	[dreg:$0x1] =	wrdreg $0xFFFFFFFF  }
0xc1: {  	_ =	task.clear_ibuf [dreg:s6], $0x2FFFF;
	_ =	strace $0x9FFFFFFF  }
0xc2: {  	(tm) =	ssettm $0x7FFFFFFF  }
0xc3: {  	_ =	shalt  }
tec
execute0_lowered:
.L_overlay_start_1:
0x0: {  	(tag) =	ssettag $0x1  }
0x1: {  	s0 =	rddreg [dreg:$0x0]  }
0x2: {  	s2 =	rddreg [dreg:$0x1];
	s3 =	simm.s32 $0x0  }
0x3: {  	s1 =	srdreg.scid;
	s12 =	stileid.u32;
	s18 =	simm.s32 $0xB  }
0x4: {  	s28 =	simm.s32 $0x6800;
	s30 =	simm.s32 $0x7000;
	s31 =	simm.s32 $0x1  }
0x5: {  	s20 =	simm.s32 $0x6;
	s29 =	simm.s32 $0x8;
	[smem:$0x7FF] =	sst s3  }
0x6: {  	s1 =	sand.u32 $0x1, s1;
	s5 =	smul.u32 $0x2800, s12;
	s4 =	sadd.s32 $0x16A00, s0  }
0x7: {  	s8 =	sadd.s32 $0x2400, s0;
	s7 =	sadd.s32 $0x16400, s0;
	s9 =	smul.u32 $0xA000, s12  }
0x8: {  	_ =	strace $0x8000004D;
	s6 =	smul.u32 $0x28000, s1;
	[dreg:$0x3] =	wrdreg s7  }
0x9: {  	s21 =	sshll.u32 s1, $0x4;
	s11 =	ssub.s32 $0x2, s1;
	p0 =	sne.s32 s1, $0x0  }
0xa: {  	s7 =	sor.u32 s12, s21;
	s22 =	sshrl.u32 s11, $0x1;
	s9 =	sshrl.u32 s9, $0x2  }
0xb: {  	s1 =	sshll.u32 @p0 s12, $0x6;
	s21 =	simm.s32 $0x3;
	s6 =	sadd.s32 s5, s6  }
0xc: {  	s7 =	smul.u32 $0x2800, s7;
	s10 =	sshrl.u32 s6, $0x3;
	s25 =	sadd.s32 $0x50800, s6  }
0xd: {  	s0 =	sadd.s32 s10, s0;
	s10 =	ssub.s32 s11, s22;
	s11 =	sadd.s32 s9, s2  }
0xe: {  	s7 =	sshrl.u32 s7, $0x3;
	s9 =	sadd.s32 s5, s2;
	s5 =	sshrl.u32 s5, $0x3  }
0xf: {  	s22 =	simm.s32 $0x80;
	s7 =	sadd.s32 s8, s7;
	s5 =	sadd.s32 s4, s5  }
0x10: {  	s0 =	sadd.s32 $0x1BA00, s0;
	s26 =	smax.u32 s10, $0x1;
	[dreg:$0x5] =	wrdreg s5  }
0x11: {  	s16 =	smov.u32 s9;
	s17 =	sshrl.u32 @!p0 s9, $0x3;
	[dreg:$0x4] =	wrdreg s7  }
0x12: {  	s23 =	sadd.s32 $0xA000, s7;
	s24 =	sadd.s32 $0xA080, s7;
	[dreg:$0x8] =	wrdreg s0  }
0x13: {  	[dreg:$0x9] =	wrdreg s26;
	s0 =	sshrl.u32 s25, $0x3;
	s25 =	simm.s32 $0x6000  }
0x14: {  	s26 =	simm.s32 $0x4;
	s5 =	simm.s32 $0x0;
	[dreg:$0x6] =	wrdreg s23  }
.Ltmp0:
0x15: {  	[dreg:$0x7] =	wrdreg s24;
	s0 =	sadd.s32 s0, s8;
	(pc) =	sbr.rel .LBB2_1-.Ltmp0, $4  }
0x16: {  	s23 =	simm.s32 $0x5800;
	[dreg:$0xa] =	wrdreg s0;
	s0 =	sor.u32 @p0 $0x1C0B, s1  }
0x17: {  	s1 =	sshrl.u32 @p0 s11, $0x3;
	[dreg:$0xb] =	wrdreg s0;
	s0 =	sshll.u32 @!p0 s12, $0x6  }
0x18: {  	s24 =	simm.s32 $0x7;
	[dreg:$0xc] =	wrdreg s1;
	s0 =	sor.u32 @!p0 $0x1C0B, s0  }
0x19: {  	s1 =	simm.s32 $0x2;
	[dreg:$0xd] =	wrdreg s0;
	s0 =	simm.s32 $0x5  }
.LBB2_6:
0x1a: {  	_ =	swait.ge [sflag:s26], $0x800  }
0x1b: {  	[sflag:s26] =	ssyncset.done $0x0  }
0x1c: {  	s6 =	sadd.s32 $0x5380, s12;
	[sflag:s26] =	ssyncadd.s32 $0xFFFFF800  }
0x1d: {  	[spmem:s2] =	stream.indirect.scatter.add.f32 [tilespmem:s30], [sflag:$0x8], $0x10, s6, s22, $0xb8;
	[tilespmem:$0x7800] =	vst v63  }
.LBB2_4:
0x1e: {  	_ =	swait.ge [sflag:s0], $0x800  }
0x1f: {  	[sflag:s0] =	ssyncset.done $0x0  }
0x20: {  	[sflag:s0] =	ssyncadd.s32 $0xFFFFF800  }
0x21: {  	_ =	swait.ge [sflag:s20], $0x800  }
0x22: {  	[sflag:s20] =	ssyncset.done $0x0  }
0x23: {  	[sflag:s20] =	ssyncadd.s32 $0xFFFFF800  }
0x24: {  	_ =	swait.ge [sflag:s24], $0x800  }
0x25: {  	[sflag:s24] =	ssyncset.done $0x0  }
0x26: {  	[sflag:s24] =	ssyncadd.s32 $0xFFFFF800  }
0x27: {  	_ =	swait.ge [sflag:s29], $0x800  }
0x28: {  	[sflag:s29] =	ssyncset.done $0x0  }
0x29: {  	s6 =	stileid.u32;
	[sflag:s29] =	ssyncadd.s32 $0xFFFFF800  }
0x2a: {  	s6 =	sshll.u32 s6, $0x6;
	[bflag:$0x0] =	sbarrier.arrive $0xFFFF  }
0x2b: {  	s7 =	sshrl.u32 s16, $0x3;
	s6 =	sor.u32 $0x1C0B, s6;
	s8 =	rddreg [dreg:$0x8]  }
0x2c: {  	[hbm:s8], [sflag:s6] =	dma.local [spmem:s7], $0x500  }
0x2d: {  	_ =	swait.ge [sflag:s18], $0x500  }
0x2e: {  	s5 =	sadd.s32 $0x1, s5;
	s19 =	rddreg [dreg:$0x9]  }
0x2f: {  	p1 =	sne.s32 s5, s19  }
.Ltmp1:
0x30: {  	_ = 	snop;
	(pc) =	sbr.rel @!p1 .LBB2_5-.Ltmp1, $3  }
0x31: {  	_ =	sdelay $0x1  }
0x32: {  	[sflag:s18] =	ssyncset.done $0x0  }
0x33: {  	[sflag:s18] =	ssyncadd.s32 $0xFFFFFB00  }
.LBB2_1:
0x34: {  	s6 =	rddreg [dreg:$0x3]  }
0x35: {  	s7 =	rddreg [dreg:$0xb]  }
0x36: {  	s8 =	rddreg [dreg:$0xc]  }
0x37: {  	[spmem:s8], [sflag:s7] =	dma.local @p0 [hbm:s6], $0x500  }
0x38: {  	s6 =	rddreg [dreg:$0x5]  }
0x39: {  	s7 =	rddreg [dreg:$0xd]  }
0x3a: {  	[spmem:s17], [sflag:s7] =	dma.local @!p0 [hbm:s6], $0x500  }
0x3b: {  	_ =	swait.ge [sflag:s18], $0x500  }
0x3c: {  	[sflag:s18] =	ssyncset.done $0x0  }
0x3d: {  	s9 =	simm.s32 $0x2800;
	s8 =	rddreg [dreg:$0x4];
	[sflag:s18] =	ssyncadd.s32 $0xFFFFFB00  }
0x3e: {  	[tilespmem:s9], [sflag:$0xB] =	stream.linear.gather [hbm4b:s8+s3], $0x2800, $0x38;
	[tilespmem:$0x7800] =	vst v63  }
0x3f: {  	_ =	swait.ge [sflag:s18], $0x2800  }
0x40: {  	[sflag:s18] =	ssyncset.done $0x0  }
0x41: {  	[sflag:s18] =	ssyncadd.s32 $0xFFFFD800  }
0x42: {  	[bflag:$0x0] =	sbarrier.arrive $0xFFFF  }
0x43: {  	s11 =	simm.s32 $0x5000;
	s10 =	rddreg [dreg:$0x6]  }
0x44: {  	[tilespmem:s11], [sflag:$0x9] =	stream.linear.gather [hbm4b:s10+s3], $0x400, $0x38;
	[tilespmem:$0x7800] =	vst v63  }
0x45: {  	s13 =	simm.s32 $0x5400;
	s12 =	rddreg [dreg:$0x7]  }
0x46: {  	[tilespmem:s13], [sflag:$0xA] =	stream.linear.gather [hbm4b:s12+s3], $0x400, $0x38;
	[tilespmem:$0x7800] =	vst v63  }
0x47: {  	_ = 	snop  }
0x48: {  	[tilespmem:s23], [sflag:$0x1] =	stream.indirect.gather [hbm4b:s4+s22], $0x10, s9, s22, $0xb8;
	[tilespmem:$0x7800] =	vst v63  }
0x49: {  	s14 =	simm.s32 $0x2880  }
0x4a: {  	[tilespmem:s25], [sflag:$0x2] =	stream.indirect.gather [hbm4b:s4+s22], $0x10, s14, s22, $0xb8;
	[tilespmem:$0x7800] =	vst v63  }
0x4b: {  	s15 =	simm.s32 $0x2900;
	s19 =	simm.s32 $0x2980  }
0x4c: {  	[tilespmem:s28], [sflag:$0x3] =	stream.indirect.gather [hbm4b:s4+s22], $0x10, s15, s22, $0xb8;
	[tilespmem:$0x7800] =	vst v63  }
0x4d: {  	s8 =	simm.s32 $0x0;
	s10 =	simm.s32 $0x0;
	s13 =	rddreg [dreg:$0xa]  }
0x4e: {  	[tilespmem:s30], [sflag:$0x4] =	stream.indirect.gather [hbm4b:s4+s22], $0x10, s19, s22, $0xb8;
	[tilespmem:$0x7800] =	vst v63  }
.LBB2_2:
0x4f: {  	s6 =	sand.u32 $0x1, s10  }
0x50: {  	s11 =	sadd.s32 $0x9, s6  }
0x51: {  	_ =	swait.ge [sflag:s11], $0x400  }
0x52: {  	[sflag:s11] =	ssyncset.done $0x0  }
0x53: {  	[sflag:s11] =	ssyncadd.s32 $0xFFFFFC00  }
0x54: {  	_ =	swait.ge [sflag:s31], $0x800  }
0x55: {  	s12 =	sshll.u32 s6, $0xA;
	[sflag:s31] =	ssyncset.done $0x0  }
0x56: {  	s6 =	sor.u32 $0x5000, s12;
	[sflag:s31] =	ssyncadd.s32 $0xFFFFF800  }
0x57: {  	[spmem:s2] =	stream.indirect.scatter.add.f32 [tilespmem:s23], [sflag:$0x5], $0x10, s6, s22, $0xb8;
	[tilespmem:$0x7800] =	vst v63  }
0x58: {  	_ =	swait.ge [sflag:s0], $0x800  }
0x59: {  	s14 =	sshra.s32 s8, $0x2;
	[sflag:s0] =	ssyncset.done $0x0  }
0x5a: {  	s9 =	sadd.s32 $0x2A00, s14;
	[sflag:s0] =	ssyncadd.s32 $0xFFFFF800  }
0x5b: {  	[tilespmem:s23], [sflag:$0x1] =	stream.indirect.gather [hbm4b:s4+s22], $0x10, s9, s22, $0xb8;
	[tilespmem:$0x7800] =	vst v63  }
0x5c: {  	_ =	swait.ge [sflag:s1], $0x800  }
0x5d: {  	[sflag:s1] =	ssyncset.done $0x0  }
0x5e: {  	s15 =	sor.u32 $0x5080, s12;
	[sflag:s1] =	ssyncadd.s32 $0xFFFFF800  }
0x5f: {  	[spmem:s2] =	stream.indirect.scatter.add.f32 [tilespmem:s25], [sflag:$0x6], $0x10, s15, s22, $0xb8;
	[tilespmem:$0x7800] =	vst v63  }
0x60: {  	_ =	swait.ge [sflag:s20], $0x800  }
0x61: {  	[sflag:s20] =	ssyncset.done $0x0  }
0x62: {  	s19 =	sadd.s32 $0x2A80, s14;
	[sflag:s20] =	ssyncadd.s32 $0xFFFFF800  }
0x63: {  	[tilespmem:s25], [sflag:$0x2] =	stream.indirect.gather [hbm4b:s4+s22], $0x10, s19, s22, $0xb8;
	[tilespmem:$0x7800] =	vst v63  }
0x64: {  	_ =	swait.ge [sflag:s21], $0x800  }
0x65: {  	[sflag:s21] =	ssyncset.done $0x0  }
0x66: {  	s7 =	sor.u32 $0x5100, s12;
	[sflag:s21] =	ssyncadd.s32 $0xFFFFF800  }
0x67: {  	[spmem:s2] =	stream.indirect.scatter.add.f32 [tilespmem:s28], [sflag:$0x7], $0x10, s7, s22, $0xb8;
	[tilespmem:$0x7800] =	vst v63  }
0x68: {  	_ =	swait.ge [sflag:s24], $0x800  }
0x69: {  	[sflag:s24] =	ssyncset.done $0x0  }
0x6a: {  	s15 =	sadd.s32 $0x2B00, s14;
	[sflag:s24] =	ssyncadd.s32 $0xFFFFF800  }
0x6b: {  	[tilespmem:s28], [sflag:$0x3] =	stream.indirect.gather [hbm4b:s4+s22], $0x10, s15, s22, $0xb8;
	[tilespmem:$0x7800] =	vst v63  }
0x6c: {  	_ =	swait.ge [sflag:s26], $0x800  }
0x6d: {  	[sflag:s26] =	ssyncset.done $0x0  }
0x6e: {  	s19 =	sor.u32 $0x5180, s12;
	[sflag:s26] =	ssyncadd.s32 $0xFFFFF800  }
0x6f: {  	[spmem:s2] =	stream.indirect.scatter.add.f32 [tilespmem:s30], [sflag:$0x8], $0x10, s19, s22, $0xb8;
	[tilespmem:$0x7800] =	vst v63  }
0x70: {  	_ =	swait.ge [sflag:s29], $0x800  }
0x71: {  	[sflag:s29] =	ssyncset.done $0x0  }
0x72: {  	s7 =	sadd.s32 $0x2B80, s14;
	[sflag:s29] =	ssyncadd.s32 $0xFFFFF800  }
0x73: {  	[tilespmem:s30], [sflag:$0x4] =	stream.indirect.gather [hbm4b:s4+s22], $0x10, s7, s22, $0xb8;
	[tilespmem:$0x7800] =	vst v63  }
0x74: {  	_ =	swait.ge [sflag:s31], $0x800  }
0x75: {  	p1 =	seq.s32 s8, $0x9000;
	[sflag:s31] =	ssyncset.done $0x0  }
0x76: {  	s9 =	simm.s32 @p1 $0x2;
	s15 =	sor.u32 $0x5200, s12;
	[sflag:s31] =	ssyncadd.s32 $0xFFFFF800  }
0x77: {  	[spmem:s2] =	stream.indirect.scatter.add.f32 [tilespmem:s23], [sflag:$0x5], $0x10, s15, s22, $0xb8;
	[tilespmem:$0x7800] =	vst v63  }
0x78: {  	_ =	swait.ge @p1 [sflag:s9], $0x800  }
0x79: {  	s7 =	simm.s32 @p1 $0x6000;
	[sflag:s9] =	ssyncset.done @p1 $0x0  }
0x7a: {  	s15 =	simm.s32 @p1 $0x80;
	[sflag:s9] =	ssyncadd.s32 @p1 $0xFFFFF800;
	s9 =	sadd.s32 @p1 $0x5280, s12  }
0x7b: {  	[spmem:s2] =	stream.indirect.scatter.add.f32 @p1 [tilespmem:s7], [sflag:$0x6], $0x10, s9, s15, $0xb8;
	[tilespmem:$0x7800] =	vst v63  }
0x7c: {  	s7 =	simm.s32 @!p1 $0x5  }
0x7d: {  	_ =	swait.ge @!p1 [sflag:s7], $0x800  }
0x7e: {  	[sflag:s7] =	ssyncset.done @!p1 $0x0  }
0x7f: {  	[sflag:s7] =	ssyncadd.s32 @!p1 $0xFFFFF800;
	s7 =	sshra.s32 @!p1 s8, $0x2  }
0x80: {  	s19 =	simm.s32 @!p1 $0x5800;
	s15 =	simm.s32 @!p1 $0x80;
	s9 =	sadd.s32 @!p1 $0x2C00, s7  }
0x81: {  	[tilespmem:s19], [sflag:$0x1] =	stream.indirect.gather @!p1 [hbm4b:s4+s15], $0x10, s9, s15, $0xb8;
	[tilespmem:$0x7800] =	vst v63  }
0x82: {  	s9 =	simm.s32 @!p1 $0x2  }
0x83: {  	_ =	swait.ge @!p1 [sflag:s9], $0x800  }
0x84: {  	[sflag:s9] =	ssyncset.done @!p1 $0x0  }
0x85: {  	s19 =	simm.s32 @!p1 $0x6000;
	[sflag:s9] =	ssyncadd.s32 @!p1 $0xFFFFF800;
	s9 =	sadd.s32 @!p1 $0x5280, s12  }
0x86: {  	[spmem:s2] =	stream.indirect.scatter.add.f32 @!p1 [tilespmem:s19], [sflag:$0x6], $0x10, s9, s15, $0xb8;
	[tilespmem:$0x7800] =	vst v63  }
0x87: {  	s9 =	simm.s32 @!p1 $0x6  }
0x88: {  	_ =	swait.ge @!p1 [sflag:s9], $0x800  }
0x89: {  	[sflag:s9] =	ssyncset.done @!p1 $0x0  }
0x8a: {  	s7 =	sadd.s32 @!p1 $0x2C80, s7;
	[sflag:s9] =	ssyncadd.s32 @!p1 $0xFFFFF800  }
0x8b: {  	[tilespmem:s19], [sflag:$0x2] =	stream.indirect.gather @!p1 [hbm4b:s4+s15], $0x10, s7, s15, $0xb8;
	[tilespmem:$0x7800] =	vst v63  }
.Ltmp2:
0x8c: {  	_ = 	snop;
	(pc) =	sbr.rel @p1 .LBB2_6-.Ltmp2, $4  }
0x8d: {  	_ =	swait.ge [sflag:s21], $0x800  }
0x8e: {  	[sflag:s21] =	ssyncset.done $0x0  }
0x8f: {  	s19 =	sadd.s32 $0x5300, s12;
	[sflag:s21] =	ssyncadd.s32 $0xFFFFF800  }
0x90: {  	[spmem:s2] =	stream.indirect.scatter.add.f32 [tilespmem:s28], [sflag:$0x7], $0x10, s19, s22, $0xb8;
	[tilespmem:$0x7800] =	vst v63  }
0x91: {  	_ =	swait.ge [sflag:s24], $0x800  }
0x92: {  	[sflag:s24] =	ssyncset.done $0x0  }
0x93: {  	s7 =	sadd.s32 $0x2D00, s14;
	[sflag:s24] =	ssyncadd.s32 $0xFFFFF800  }
0x94: {  	[tilespmem:s28], [sflag:$0x3] =	stream.indirect.gather [hbm4b:s4+s22], $0x10, s7, s22, $0xb8;
	[tilespmem:$0x7800] =	vst v63  }
0x95: {  	_ =	swait.ge [sflag:s26], $0x800  }
0x96: {  	[sflag:s26] =	ssyncset.done $0x0  }
0x97: {  	s15 =	sadd.s32 $0x5380, s12;
	[sflag:s26] =	ssyncadd.s32 $0xFFFFF800  }
0x98: {  	[spmem:s2] =	stream.indirect.scatter.add.f32 [tilespmem:s30], [sflag:$0x8], $0x10, s15, s22, $0xb8;
	[tilespmem:$0x7800] =	vst v63  }
0x99: {  	_ =	swait.ge [sflag:s29], $0x800  }
0x9a: {  	[sflag:s29] =	ssyncset.done $0x0  }
0x9b: {  	s19 =	sadd.s32 $0x2D80, s14;
	p1 =	sgt.u32 s10, $0x7;
	[sflag:s29] =	ssyncadd.s32 $0xFFFFF800  }
0x9c: {  	[tilespmem:s30], [sflag:$0x4] =	stream.indirect.gather [hbm4b:s4+s22], $0x10, s19, s22, $0xb8;
	[tilespmem:$0x7800] =	vst v63  }
0x9d: {  	s8 =	sadd.s32 $0x1000, s8;
	s7 =	simm.s32 @!p1 $0x0  }
0x9e: {  	[tilespmem:s6], [sflag:s11] =	stream.linear.gather @!p1 [hbm4b:s13+s7], $0x400, $0x38;
	[tilespmem:$0x7800] =	vst v63  }
0x9f: {  	p1 =	sne.s32 s8, $0xA000  }
.Ltmp3:
0xa0: {  	_ = 	snop;
	(pc) =	sbr.rel @p1 .LBB2_2-.Ltmp3, $4  }
.Ltmp4:
0xa1: {  	_ = 	snop;
	(pc) =	sbr.rel @!p1 .LBB2_4-.Ltmp4, $4  }
0xa2: {  	_ = 	snop  }
0xa3: {  	_ = 	snop  }
0xa4: {  	s10 =	sadd.s32 $0x1, s10;
	s13 =	sadd.s32 $0x80, s13  }
0xa5: {  	_ = 	snop  }
.LBB2_5:
0xa6: {  	_ =	sfence.sel $0x180000  }
0xa7: {  	[bflag:$0x0] =	sbarrier.arrive $0xFFFF  }
0xa8: {  	_ =	strace $0x9000004D  }
0xa9: {  	s0 =	stileid.u32;
	[bflag:$0x2] =	sbarrier.arrive $0xFFFF  }
0xaa: {  	p0 =	sne.s32 s0, $0x0;
	s0 =	rddreg [dreg:$0x2]  }
0xab: {  	s0 =	sadd.s32 @!p0 $0x100000, s0  }
0xac: {  	[sflag:s0] =	ssyncadd.tile.s32 @!p0 $0x1;
	_ =	shalt  }
.Lfunc_end2:
_tile_overlayer_lowered:
.L_overlay_start_2:
0xad: {  	(tag) =	ssettag $0x2  }
0xae: {  	s0 =	rddreg [dreg:$0x0];
	s2 =	stileid.u32  }
0xaf: {  	s1 =	rddreg [dreg:$0x1];
	p0 =	sne.s32 s2, $0x0  }
0xb0: {  	s3 =	rddreg [dreg:$0x2];
	[bflag:$0x3] =	sbarrier.arrive $0xFFFF;
	s2 =	simm.s32 @!p0 $0x1C0B  }
0xb1: {  	[timem:s3], [sflag:s2] =	dma.local @!p0 [hbm:s0], s1  }
0xb2: {  	s0 =	simm.s32 @!p0 $0xB  }
0xb3: {  	_ =	swait.ge @!p0 [sflag:s0], s1  }
0xb4: {  	s1 =	ssub.s32 @!p0 $0x0, s1;
	[sflag:s0] =	ssyncset.done @!p0 $0x0  }
0xb5: {  	[sflag:s0] =	ssyncadd.s32 @!p0 s1  }
0xb6: {  	[bflag:$0x3] =	sbarrier.arrive $0xFFFF  }
0xb7: {  	_ =	shalt  }

// kernel: kernel.8.cloned.1.call-start
scs
__scs_entry_jumppad:
0x0: {  	(pc) =	sbr.rel $0x88, $3  }
0x1: {  	(tag) =	ssettag $0x0;
	lr =	simm.s32 $0x1  }
0x2: {  	[smem:$0x3F9A] =	sst lr;
	_ =	strace $0xD0000000  }
0x3: {  	_ = 	snop  }
0x4: {  	_ = 	snop  }
0x5: {  	_ = 	snop  }
0x6: {  	_ = 	snop  }
0x7: {  	_ = 	snop  }
__scs_overlays_trampoline_lowered:
0x8: {  	[smem:$0x3FA9] =	sst s0  }
0x9: {  	[smem:$0x3FAA] =	sst s1  }
0xa: {  	[smem:$0x3FAB] =	sst s2  }
0xb: {  	[smem:$0x3FAC] =	sst s3  }
0xc: {  	[smem:$0x3FAD] =	sst s4  }
0xd: {  	[smem:$0x3FAE] =	sst s5  }
0xe: {  	[smem:$0x3FAF] =	sst s6  }
0xf: {  	[smem:$0x3FB0] =	sst s7  }
0x10: {  	[smem:$0x3FB1] =	sst s8  }
0x11: {  	[smem:$0x3FB2] =	sst s9;
	s0 =	simm.s32 @!p0 $0x0  }
0x12: {  	s1 =	sld [smem:$0x3F98];
	s0 =	simm.s32 @p0 $0x1  }
0x13: {  	[smem:$0x3FB3] =	sst s0;
	s0 =	simm.s32 @!p1 $0x0  }
0x14: {  	s2 =	sld [smem:$0x3F97];
	s0 =	simm.s32 @p1 $0x1  }
0x15: {  	[smem:$0x3FB4] =	sst s0;
	s0 =	simm.s32 @!p2 $0x0  }
0x16: {  	s3 =	sld [smem:$0x3FDB];
	s0 =	simm.s32 @p2 $0x1  }
0x17: {  	s4 =	simm.s32 $0x1BF5;
	[smem:$0x3FB6] =	sst s0  }
0x18: {  	s0 =	sld [smem:$0x3F99];
	_ =	swait.ge [sflag:s4], $0x0  }
0x19: {  	s7 =	sld [smem:$0x3F9A]  }
0x1a: {  	s8 =	sadd.s32 $0xFFFFE003, lr  }
0x1b: {  	s9 =	sadd.s32 $0xFFFFFEF7, lr;
	s5 =	simm.s32 $0xFFFFFFFF;
	p2 =	slt.u32 s8, $0xFFFFF086  }
0x1c: {  	p1 =	slt.u32 s9, $0xF7A;
	s5 =	simm.s32 @!p2 $0x0  }
0x1d: {  	s5 =	simm.s32 @p1 $0x1;
	p0 =	seq.s32 s7, s2  }
0x1e: {  	s7 =	smul.u32 @!p0 $0xF7A, s2;
	p2 =	seq.s32 @!p0 s5, $0x0  }
0x1f: {  	s9 =	smul.u32 $0xF7A, s1;
	s8 =	simm.s32 @!p0 $0x1BF5;
	p2 =	por !p2, p0  }
0x20: {  	[sflag:s8] =	ssyncset.s32 @!p0 $0xFFFFF086;
	s6 =	sadd.s32 @!p0 s3, s7;
	s7 =	simm.s32 @!p0 $0x108  }
0x21: {  	s3 =	sadd.s32 s3, s9;
	s6 =	sadd.s32 @!p0 $0x88, s6;
	s7 =	simm.s32 @p2 $0x1082  }
0x22: {  	[simem:s7], [sflag:s8] =	dma.local @!p0 [hbm:s6], $0xF7A  }
0x23: {  	s9 =	sor.u32 $0xD0000000, s2;
	s6 =	simm.s32 $0x108;
	_ =	swait.ge @!p0 [sflag:s8], $0x0  }
0x24: {  	s3 =	sadd.s32 $0x88, s3;
	s6 =	simm.s32 @!p1 $0x1082;
	[sflag:s4] =	ssyncset.s32 $0xFFFFF086  }
0x25: {  	[simem:s6], [sflag:s4] =	dma.local [hbm:s3], $0xF7A  }
0x26: {  	[smem:$0x3F9A] =	sst s1;
	(tag) =	ssettag s2;
	_ =	strace s9  }
0x27: {  	s1 =	sld [smem:$0x3FAA]  }
0x28: {  	s2 =	sld [smem:$0x3FAB]  }
0x29: {  	s4 =	sld [smem:$0x3FAD]  }
0x2a: {  	p0 =	seq.s32 s5, $0x0;
	s5 =	sld [smem:$0x3FAE]  }
0x2b: {  	s6 =	sld [smem:$0x3FAF]  }
0x2c: {  	s7 =	sld [smem:$0x3FB0]  }
0x2d: {  	s3 =	simm.s32 $0x108;
	s8 =	sld [smem:$0x3FB1]  }
0x2e: {  	s3 =	simm.s32 @!p0 $0x1082;
	s9 =	sld [smem:$0x3FB2]  }
0x2f: {  	lr =	sadd.s32 s0, s3;
	s0 =	sld [smem:$0x3FA9]  }
0x30: {  	s3 =	sld [smem:$0x3FAC]  }
0x31: {  	[smem:$0x3FB5] =	sst s10  }
0x32: {  	s10 =	sld [smem:$0x3FB3];
	_ =	sdelay $0x3  }
0x33: {  	p0 =	seq.s32 s10, $0x1;
	s10 =	sld [smem:$0x3FB5];
	_ =	sdelay $0x3  }
0x34: {  	[smem:$0x3FB5] =	sst s10  }
0x35: {  	s10 =	sld [smem:$0x3FB4];
	_ =	sdelay $0x3  }
0x36: {  	p1 =	seq.s32 s10, $0x1;
	s10 =	sld [smem:$0x3FB5];
	_ =	sdelay $0x3  }
0x37: {  	[smem:$0x3FB5] =	sst s10  }
0x38: {  	s10 =	sld [smem:$0x3FB6]  }
0x39: {  	_ = 	snop;
	(pc) =	sbr.ind lr, $3  }
0x3a: {  	_ = 	snop  }
0x3b: {  	_ = 	snop  }
0x3c: {  	p2 =	seq.s32 s10, $0x1;
	s10 =	sld [smem:$0x3FB5]  }
0x3d: {  	_ =	shalt  }
0x3e: {  	_ =	shalt  }
0x3f: {  	_ =	shalt  }
0x40: {  	_ =	shalt  }
0x41: {  	_ =	shalt  }
0x42: {  	_ =	shalt  }
0x43: {  	_ =	shalt  }
0x44: {  	_ =	shalt  }
0x45: {  	_ =	shalt  }
0x46: {  	_ =	shalt  }
0x47: {  	_ =	shalt  }
0x48: {  	_ =	shalt  }
0x49: {  	_ =	shalt  }
0x4a: {  	_ =	shalt  }
0x4b: {  	_ =	shalt  }
0x4c: {  	_ =	shalt  }
0x4d: {  	_ =	shalt  }
0x4e: {  	_ =	shalt  }
0x4f: {  	_ =	shalt  }
0x50: {  	_ =	shalt  }
0x51: {  	_ =	shalt  }
0x52: {  	_ =	shalt  }
0x53: {  	_ =	shalt  }
0x54: {  	_ =	shalt  }
0x55: {  	_ =	shalt  }
0x56: {  	_ =	shalt  }
0x57: {  	_ =	shalt  }
0x58: {  	_ =	shalt  }
0x59: {  	_ =	shalt  }
0x5a: {  	_ =	shalt  }
0x5b: {  	_ =	shalt  }
0x5c: {  	_ =	shalt  }
0x5d: {  	_ =	shalt  }
0x5e: {  	_ =	shalt  }
0x5f: {  	_ =	shalt  }
0x60: {  	_ =	shalt  }
0x61: {  	_ =	shalt  }
0x62: {  	_ =	shalt  }
0x63: {  	_ =	shalt  }
0x64: {  	_ =	shalt  }
0x65: {  	_ =	shalt  }
0x66: {  	_ =	shalt  }
0x67: {  	_ =	shalt  }
0x68: {  	_ =	shalt  }
0x69: {  	_ =	shalt  }
0x6a: {  	_ =	shalt  }
0x6b: {  	_ =	shalt  }
0x6c: {  	_ =	shalt  }
0x6d: {  	_ =	shalt  }
0x6e: {  	_ =	shalt  }
0x6f: {  	_ =	shalt  }
0x70: {  	_ =	shalt  }
0x71: {  	_ =	shalt  }
0x72: {  	_ =	shalt  }
0x73: {  	_ =	shalt  }
0x74: {  	_ =	shalt  }
0x75: {  	_ =	shalt  }
0x76: {  	_ =	shalt  }
0x77: {  	_ =	shalt  }
0x78: {  	_ =	shalt  }
0x79: {  	_ =	shalt  }
0x7a: {  	_ =	shalt  }
0x7b: {  	_ =	shalt  }
0x7c: {  	_ =	shalt  }
0x7d: {  	_ =	shalt  }
0x7e: {  	_ =	shalt  }
0x7f: {  	_ =	shalt  }
0x80: {  	_ =	shalt  }
0x81: {  	_ =	shalt  }
0x82: {  	_ =	shalt  }
0x83: {  	_ =	shalt  }
0x84: {  	_ =	shalt  }
0x85: {  	_ =	shalt  }
0x86: {  	_ =	shalt  }
0x87: {  	_ =	shalt  }
.Lfunc_end0:
.L_simem_size_0:
called_computation_lowered:
.L_overlay_start_0:
0x88: {  	s2 =	sld [smem:$0x3FD9]  }
0x89: {  	s3 =	sld [smem:$0x3FFE];
	_ =	sdelay $0x1  }
0x8a: {  	s1 =	srdreg.scid  }
0x8b: {  	s0 =	sand.u32 $0x1, s1  }
0x8c: {  	s16 =	sshll.u32 s0, $0xA;
	s2 =	sadd.s32 s3, s2  }
0x8d: {  	s2 =	sadd.s32 s2, s16  }
0x8e: {  	[smem:$0x3FC1] =	sst s2  }
0x8f: {  	_ = 	snop  }
0x90: {  	(tm) =	ssettm $0x1  }
0x91: {  	s17 =	sld [smem:$0x3FFB];
	_ =	sdelay $0x3  }
0x92: {  	_ =	strace s17  }
0x93: {  	s2 =	sld [smem:$0x3FFC];
	_ =	sdelay $0x3  }
0x94: {  	_ =	strace s2  }
0x95: {  	s2 =	sld [smem:$0x3FFD];
	_ =	sdelay $0x3  }
0x96: {  	_ =	strace s2  }
0x97: {  	_ =	strace $0x8FFFFFFF  }
0x98: {  	s18 =	sld [smem:$0x3FDB];
	_ =	sdelay $0x1  }
0x99: {  	s19 =	simm.s32 $_scs_section_size  }
0x9a: {  	s4 =	simm.s32 $_size__tile_overlayer_lowered;
	s5 =	simm.s32 $_tile_overlayer_lowered  }
0x9b: {  	s22 =	simm.s32 $0x1BFF;
	s21 =	sshll.u32 s5, $0x1;
	s2 =	sadd.s32 s19, s18  }
0x9c: {  	s6 =	simm.s32 $0x0;
	s20 =	sshll.u32 s4, $0x1;
	s4 =	sadd.s32 s21, s2  }
0x9d: {  	[timem:s6], [sflag:s22] =	dma.local [hbm:s4], s20  }
0x9e: {  	_ =	swait.ge [sflag:s22], s20  }
0x9f: {  	s3 =	ssub.s32 $0x0, s20;
	[sflag:s22] =	ssyncset.done $0x0  }
0xa0: {  	[sflag:s22] =	ssyncadd.s32 s3;
	_ =	sdelay $0x1  }
0xa1: {  	s23 =	simm.s32 $0x1B8B  }
0xa2: {  	_ =	swait.ge [sflag:s23], $0x1  }
0xa3: {  	[sflag:s23] =	ssyncset.done $0x0  }
0xa4: {  	s25 =	simm.s32 $0x1B8E;
	s24 =	sld [smem:$0x3FFE];
	[sflag:s23] =	ssyncadd.s32 $0xFFFFFFFF  }
0xa5: {  	s26 =	simm.s32 $execute0_lowered;
	[smem:$0x3FD2] =	sst s25  }
0xa6: {  	s4 =	sshll.u32 s26, $0x1;
	_ =	strace $0x80000046;
	[dreg:$0x1] =	wrdreg $0xFFFFFFFF  }
0xa7: {  	s28 =	simm.s32 $_size_execute0_lowered;
	s2 =	sadd.s32 s2, s4;
	[dreg:$0x0] =	wrdreg $0x0  }
0xa8: {  	s4 =	sshll.u32 s28, $0x1;
	[dreg:$0x2] =	wrdreg s2  }
0xa9: {  	[dreg:$0x3] =	wrdreg s4  }
0xaa: {  	[dreg:$0x4] =	wrdreg $0xC0  }
0xab: {  	_ =	task [dreg:s6], $0x5FFFF  }
0xac: {  	[dreg:$0x1] =	wrdreg $0xFFFFFFFF  }
0xad: {  	[dreg:$0x0] =	wrdreg $0x60  }
0xae: {  	[dreg:$0x2] =	wrdreg s24  }
0xaf: {  	[dreg:$0x3] =	wrdreg $0x0  }
0xb0: {  	[dreg:$0x4] =	wrdreg $0x9  }
0xb1: {  	_ =	task.clear_ibuf [dreg:s6], $0x5FFFF;
	_ =	strace $0x90000046  }
0xb2: {  	s29 =	simm.s32 $0x9;
	_ =	strace $0x80000048  }
0xb3: {  	_ =	swait.ge [sflag:s29], $0x1  }
0xb4: {  	[sflag:s29] =	ssyncadd.s32 $0xFFFFFFFF  }
0xb5: {  	_ =	strace $0x90000048  }
0xb6: {  	_ =	sfence  }
0xb7: {  	s30 =	sld [smem:$0x0];
	_ =	sdelay $0x2  }
0xb8: {  	s31 =	sshll.u32 s1, $0xD;
	s1 =	sshrl.u32 s1, $0x2  }
0xb9: {  	s3 =	sand.u32 $0x4000, s31;
	s1 =	sadd.s32 s1, s30  }
0xba: {  	s0 =	sor.u32 s3, s0;
	s1 =	sshll.u32 s1, $0x11  }
0xbb: {  	s0 =	sor.u32 s1, s0  }
0xbc: {  	s0 =	sadd.s32 $0x8F2B, s0  }
0xbd: {  	[sflag:s0] =	ssyncadd.remote.s32 $0x1  }
0xbe: {  	_ =	sfence.sel $0xFFFF  }
0xbf: {  	[dreg:$0x0] =	wrdreg $0xFFFFFFFF;
	(pc) =	sbr.abs _section_cstart, $3  }
0xc0: {  	[dreg:$0x1] =	wrdreg $0xFFFFFFFF  }
0xc1: {  	_ =	task.clear_ibuf [dreg:s6], $0x2FFFF;
	_ =	strace $0x9FFFFFFF  }
0xc2: {  	(tm) =	ssettm $0x7FFFFFFF  }
0xc3: {  	_ =	shalt  }
tec
execute0_lowered:
.L_overlay_start_1:
0x0: {  	(tag) =	ssettag $0x1  }
0x1: {  	s6 =	rddreg [dreg:$0x0]  }
0x2: {  	s1 =	rddreg [dreg:$0x1]  }
0x3: {  	s2 =	srdreg.scid;
	s0 =	rddreg [dreg:$0x2]  }
0x4: {  	s3 =	simm.s32 $0x0;
	s14 =	simm.s32 $0x80;
	s15 =	simm.s32 $0x1  }
0x5: {  	s16 =	simm.s32 $0x2;
	s17 =	simm.s32 $0x3;
	s18 =	simm.s32 $0x4  }
0x6: {  	s20 =	simm.s32 $0x0;
	s7 =	sand.u32 $0x1, s2;
	s2 =	stileid.u32  }
0x7: {  	[smem:$0x7FF] =	sst s3;
	s4 =	sadd.s32 $0x16A00, s6;
	s5 =	smul.u32 $0x28000, s7  }
0x8: {  	s8 =	smul.u32 $0x2800, s2;
	_ =	strace $0x80000047;
	s9 =	sshll.u32 s7, $0x4  }
0x9: {  	s10 =	smul.u32 $0xA000, s2;
	s12 =	ssub.s32 $0x2, s7;
	p0 =	seq.s32 s7, $0x0  }
0xa: {  	s31 =	sshll.u32 s2, $0x6;
	s9 =	sor.u32 s2, s9;
	s13 =	sshrl.u32 s12, $0x1  }
0xb: {  	s5 =	sadd.s32 s8, s5;
	s9 =	smul.u32 $0x2800, s9;
	s12 =	ssub.s32 s12, s13  }
0xc: {  	s10 =	sshrl.u32 s10, $0x2;
	s19 =	sadd.s32 s8, s1;
	s13 =	simm.s32 $0x2800  }
0xd: {  	s11 =	sshrl.u32 s5, $0x3;
	s5 =	sadd.s32 $0x16400, s6;
	s10 =	sadd.s32 s10, s1  }
0xe: {  	s8 =	smax.u32 s12, $0x1;
	s12 =	simm.s32 $0x5000;
	s19 =	sshrl.u32 s19, $0x3  }
0xf: {  	s11 =	sadd.s32 s11, s6;
	s9 =	sshrl.u32 s9, $0x3;
	s5 =	smov.u32 @p0 s4  }
0x10: {  	s10 =	sshrl.u32 s10, $0x3;
	s6 =	sadd.s32 s6, s9;
	s7 =	sadd.s32 $0x17000, s11  }
0x11: {  	s9 =	sor.u32 $0x1C05, s31;
	s11 =	simm.s32 $0x5;
	s6 =	sadd.s32 $0xC400, s6  }
.LBB2_1:
0x12: {  	[spmem:s10], [sflag:s9] =	dma.local [hbm:s5], $0x500  }
0x13: {  	_ =	swait.ge [sflag:s11], $0x500  }
0x14: {  	[sflag:s11] =	ssyncset.done $0x0  }
0x15: {  	[sflag:s11] =	ssyncadd.s32 $0xFFFFFB00  }
0x16: {  	[tilespmem:s12], [sflag:$0x5] =	stream.linear.gather [hbm4b:s4+s3], $0x800, $0x38;
	[tilespmem:$0x5800] =	vst v63  }
0x17: {  	_ =	swait.ge [sflag:s11], $0x800  }
0x18: {  	[sflag:s11] =	ssyncset.done $0x0  }
0x19: {  	[sflag:s11] =	ssyncadd.s32 $0xFFFFF800  }
0x1a: {  	[tilespmem:s13], [sflag:$0x5] =	stream.linear.gather [hbm4b:s6+s3], $0x2800, $0x38;
	[tilespmem:$0x5800] =	vst v63  }
0x1b: {  	_ =	swait.ge [sflag:s11], $0x2800  }
0x1c: {  	[sflag:s11] =	ssyncset.done $0x0  }
0x1d: {  	[sflag:s11] =	ssyncadd.s32 $0xFFFFD800  }
0x1e: {  	s21 =	simm.s32 $0x2800;
	[bflag:$0x0] =	sbarrier.arrive $0xFFFF  }
0x1f: {  	[spmem:s1] =	stream.indirect.scatter.add.f32 [tilespmem:s12], [sflag:$0x1], $0x10, s21, s14, $0xb8;
	[tilespmem:$0x5800] =	vst v63  }
0x20: {  	s29 =	simm.s32 $0x2880  }
0x21: {  	[spmem:s1] =	stream.indirect.scatter.add.f32 [tilespmem:s12], [sflag:$0x2], $0x10, s29, s14, $0xb8;
	[tilespmem:$0x5800] =	vst v63  }
0x22: {  	s30 =	simm.s32 $0x2900  }
0x23: {  	[spmem:s1] =	stream.indirect.scatter.add.f32 [tilespmem:s12], [sflag:$0x3], $0x10, s30, s14, $0xb8;
	[tilespmem:$0x5800] =	vst v63  }
0x24: {  	s31 =	simm.s32 $0x2980  }
0x25: {  	[spmem:s1] =	stream.indirect.scatter.add.f32 [tilespmem:s12], [sflag:$0x4], $0x10, s31, s14, $0xb8;
	[tilespmem:$0x5800] =	vst v63  }
0x26: {  	_ =	swait.ge [sflag:s15], $0x800  }
0x27: {  	[sflag:s15] =	ssyncset.done $0x0  }
0x28: {  	[sflag:s15] =	ssyncadd.s32 $0xFFFFF800  }
0x29: {  	_ =	swait.ge [sflag:s16], $0x800  }
0x2a: {  	[sflag:s16] =	ssyncset.done $0x0  }
0x2b: {  	[sflag:s16] =	ssyncadd.s32 $0xFFFFF800  }
0x2c: {  	_ =	swait.ge [sflag:s17], $0x800  }
0x2d: {  	[sflag:s17] =	ssyncset.done $0x0  }
0x2e: {  	[sflag:s17] =	ssyncadd.s32 $0xFFFFF800  }
0x2f: {  	_ =	swait.ge [sflag:s18], $0x800  }
0x30: {  	s22 =	simm.s32 $0x1000;
	s21 =	simm.s32 $0x200;
	[sflag:s18] =	ssyncset.done $0x0  }
.LBB2_2:
0x31: {  	s23 =	sadd.s32 $0x2800, s21  }
0x32: {  	[sflag:s18] =	ssyncadd.s32 $0xFFFFF800;
	s24 =	smov.u32 s22;
	s25 =	sadd.s32 $0x800, s22  }
0x33: {  	[spmem:s1] =	stream.indirect.scatter.add.f32 [tilespmem:s12], [sflag:$0x1], $0x10, s23, s14, $0xb8;
	[tilespmem:$0x5800] =	vst v63  }
0x34: {  	p0 =	sne.s32 s22, $0x9800;
	s22 =	sadd.s32 $0x2880, s21  }
0x35: {  	[spmem:s1] =	stream.indirect.scatter.add.f32 [tilespmem:s12], [sflag:$0x2], $0x10, s22, s14, $0xb8;
	[tilespmem:$0x5800] =	vst v63  }
0x36: {  	s22 =	sadd.s32 $0x2900, s21  }
0x37: {  	[spmem:s1] =	stream.indirect.scatter.add.f32 [tilespmem:s12], [sflag:$0x3], $0x10, s22, s14, $0xb8;
	[tilespmem:$0x5800] =	vst v63  }
0x38: {  	s21 =	sadd.s32 $0x2980, s21  }
0x39: {  	[spmem:s1] =	stream.indirect.scatter.add.f32 [tilespmem:s12], [sflag:$0x4], $0x10, s21, s14, $0xb8;
	[tilespmem:$0x5800] =	vst v63  }
0x3a: {  	_ =	swait.ge [sflag:s15], $0x800  }
0x3b: {  	[sflag:s15] =	ssyncset.done $0x0  }
0x3c: {  	[sflag:s15] =	ssyncadd.s32 $0xFFFFF800  }
0x3d: {  	_ =	swait.ge [sflag:s16], $0x800  }
0x3e: {  	[sflag:s16] =	ssyncset.done $0x0  }
0x3f: {  	[sflag:s16] =	ssyncadd.s32 $0xFFFFF800  }
.Ltmp0:
0x40: {  	_ =	swait.ge [sflag:s17], $0x800;
	(pc) =	sbr.rel @p0 .LBB2_2-.Ltmp0, $4  }
0x41: {  	[sflag:s17] =	ssyncset.done $0x0  }
0x42: {  	[sflag:s17] =	ssyncadd.s32 $0xFFFFF800  }
0x43: {  	_ =	swait.ge [sflag:s18], $0x800  }
0x44: {  	s22 =	smov.u32 s25;
	s21 =	sshra.s32 s24, $0x2;
	[sflag:s18] =	ssyncset.done $0x0  }
0x45: {  	s22 =	sadd.s32 $0x2800, s21;
	[sflag:s18] =	ssyncadd.s32 $0xFFFFF800  }
0x46: {  	[spmem:s1] =	stream.indirect.scatter.add.f32 [tilespmem:s12], [sflag:$0x1], $0x10, s22, s14, $0xb8;
	[tilespmem:$0x5800] =	vst v63  }
0x47: {  	s29 =	sadd.s32 $0x2880, s21  }
0x48: {  	[spmem:s1] =	stream.indirect.scatter.add.f32 [tilespmem:s12], [sflag:$0x2], $0x10, s29, s14, $0xb8;
	[tilespmem:$0x5800] =	vst v63  }
0x49: {  	s30 =	sadd.s32 $0x2900, s21  }
0x4a: {  	[spmem:s1] =	stream.indirect.scatter.add.f32 [tilespmem:s12], [sflag:$0x3], $0x10, s30, s14, $0xb8;
	[tilespmem:$0x5800] =	vst v63  }
0x4b: {  	s31 =	sadd.s32 $0x2980, s21  }
0x4c: {  	[spmem:s1] =	stream.indirect.scatter.add.f32 [tilespmem:s12], [sflag:$0x4], $0x10, s31, s14, $0xb8;
	[tilespmem:$0x5800] =	vst v63  }
0x4d: {  	_ =	swait.ge [sflag:s15], $0x800  }
0x4e: {  	[sflag:s15] =	ssyncset.done $0x0  }
0x4f: {  	[sflag:s15] =	ssyncadd.s32 $0xFFFFF800  }
0x50: {  	_ =	swait.ge [sflag:s16], $0x800  }
0x51: {  	[sflag:s16] =	ssyncset.done $0x0  }
0x52: {  	[sflag:s16] =	ssyncadd.s32 $0xFFFFF800  }
0x53: {  	_ =	swait.ge [sflag:s17], $0x800  }
0x54: {  	[sflag:s17] =	ssyncset.done $0x0  }
0x55: {  	[sflag:s17] =	ssyncadd.s32 $0xFFFFF800  }
0x56: {  	_ =	swait.ge [sflag:s18], $0x800  }
0x57: {  	s20 =	sadd.s32 $0x1, s20;
	[sflag:s18] =	ssyncset.done $0x0  }
0x58: {  	p0 =	sne.s32 s20, s8;
	[sflag:s18] =	ssyncadd.s32 $0xFFFFF800  }
.Ltmp1:
0x59: {  	[bflag:$0x0] =	sbarrier.arrive $0xFFFF;
	(pc) =	sbr.rel @p0 .LBB2_1-.Ltmp1, $4  }
0x5a: {  	[hbm:s7], [sflag:s9] =	dma.local [spmem:s19], $0x500  }
0x5b: {  	_ =	swait.ge [sflag:s11], $0x500  }
0x5c: {  	[sflag:s11] =	ssyncset.done $0x0  }
0x5d: {  	[sflag:s11] =	ssyncadd.s32 $0xFFFFFB00  }
0x5e: {  	_ =	sfence.sel $0x180000  }
0x5f: {  	[bflag:$0x0] =	sbarrier.arrive $0xFFFF  }
0x60: {  	p0 =	sne.s32 s2, $0x0;
	_ =	strace $0x90000047  }
0x61: {  	s0 =	sadd.s32 @!p0 $0x100000, s0;
	[bflag:$0x2] =	sbarrier.arrive $0xFFFF  }
0x62: {  	[sflag:s0] =	ssyncadd.tile.s32 @!p0 $0x1;
	_ =	shalt  }
.Lfunc_end2:
_tile_overlayer_lowered:
.L_overlay_start_2:
0x63: {  	(tag) =	ssettag $0x2  }
0x64: {  	s0 =	rddreg [dreg:$0x0];
	s2 =	stileid.u32  }
0x65: {  	s1 =	rddreg [dreg:$0x1];
	p0 =	sne.s32 s2, $0x0  }
0x66: {  	s3 =	rddreg [dreg:$0x2];
	[bflag:$0x3] =	sbarrier.arrive $0xFFFF;
	s2 =	simm.s32 @!p0 $0x1C05  }
0x67: {  	[timem:s3], [sflag:s2] =	dma.local @!p0 [hbm:s0], s1  }
0x68: {  	s0 =	simm.s32 @!p0 $0x5  }
0x69: {  	_ =	swait.ge @!p0 [sflag:s0], s1  }
0x6a: {  	s1 =	ssub.s32 @!p0 $0x0, s1;
	[sflag:s0] =	ssyncset.done @!p0 $0x0  }
0x6b: {  	[sflag:s0] =	ssyncadd.s32 @!p0 s1  }
0x6c: {  	[bflag:$0x3] =	sbarrier.arrive $0xFFFF  }
0x6d: {  	_ =	shalt  }

</sc_bundles>
